<compile_context>
chip_gen: v7x
topology: tpu7x:2x2x1
jax: 0.10.2.dev20260603
libtpu: 0.0.44.dev20260713+nightly
codegen_flags: <defaults>
</compile_context>

<pallas_src>
import functools

import jax
import jax.numpy as jnp
from jax import lax
from jax.experimental import pallas as pl
from jax.experimental.pallas import tpu as pltpu
from jax.experimental.pallas import tpu_sc as plsc

NC = 2
NS = 16
NW = NC * NS
LANES = 16
CH = 128
NBUF = 2


def _sc_degree(col2d, ew2d, npad):
    nrows = col2d.shape[0]
    rpw = nrows // NW
    rpt = npad // NS

    mesh = plsc.VectorSubcoreMesh(core_axis_name="c", subcore_axis_name="s")

    @functools.partial(
        pl.kernel,
        out_type=jax.ShapeDtypeStruct((NC, npad), jnp.float32),
        mesh=mesh,
        scratch_types=[
            pltpu.VMEM((rpw, CH), jnp.int32),
            pltpu.VMEM((rpw, CH), jnp.float32),
            pltpu.VMEM((rpt,), jnp.float32),
            pltpu.VMEM_SHARED((npad,), jnp.float32),
        ],
    )
    def k(col_hbm, ew_hbm, degp_hbm, colblk, ewblk, zb, deg_sh):
        c = lax.axis_index("c")
        s = lax.axis_index("s")
        wid = s * NC + c

        def zero_body(i, _):
            zb[pl.ds(i * LANES, LANES)] = jnp.zeros((LANES,), jnp.float32)
            return 0

        lax.fori_loop(0, rpt // LANES, zero_body, 0)
        pltpu.sync_copy(zb, deg_sh.at[pl.ds(s * rpt, rpt)])
        plsc.subcore_barrier()

        rbase = wid * rpw
        pltpu.sync_copy(col_hbm.at[pl.ds(rbase, rpw)], colblk)
        pltpu.sync_copy(ew_hbm.at[pl.ds(rbase, rpw)], ewblk)

        def body(t, _):
            pltpu.sync_copy(ewblk.at[t], deg_sh.at[colblk.at[t]], add=True)
            return 0

        lax.fori_loop(0, rpw, body, 0)
        plsc.subcore_barrier()
        pltpu.sync_copy(deg_sh.at[pl.ds(s * rpt, rpt)],
                        degp_hbm.at[c, pl.ds(s * rpt, rpt)])

    return k(col2d, ew2d)


def _sc_aggregate(row2d, col2d, ew2d, hp, npad):
    nrows = row2d.shape[0]
    N, D = hp.shape
    rpw = nrows // NW
    rpt = npad // NS
    nfv = D // LANES
    SB = 16
    nsb = rpw // SB
    nsup = SB // NBUF

    mesh = plsc.VectorSubcoreMesh(core_axis_name="c", subcore_axis_name="s")

    @functools.partial(
        pl.kernel,
        out_type=jax.ShapeDtypeStruct((NC, npad, D), jnp.float32),
        mesh=mesh,
        scratch_types=[
            pltpu.VMEM((SB, CH), jnp.int32),
            pltpu.VMEM((SB, CH), jnp.int32),
            pltpu.VMEM((SB, CH), jnp.float32),
        ] + [pltpu.VMEM((CH, D), jnp.float32)] * NBUF
          + [pltpu.VMEM_SHARED((npad, D), jnp.float32)]
          + [pltpu.SemaphoreType.DMA] * (2 * NBUF),
    )
    def k(row_hbm, col_hbm, ew_hbm, hp_hbm, accp_hbm,
          rowblk, colblk, ewblk, *rest):
        bufs = rest[:NBUF]
        acc_sh = rest[NBUF]
        gsems = rest[NBUF + 1:NBUF + 1 + NBUF]
        ssems = rest[NBUF + 1 + NBUF:]

        c = lax.axis_index("c")
        s = lax.axis_index("s")
        wid = s * NC + c

        def zero_body(i, _):
            bufs[0][i // nfv, pl.ds((i % nfv) * LANES, LANES)] = (
                jnp.zeros((LANES,), jnp.float32))
            return 0

        lax.fori_loop(0, CH * nfv, zero_body, 0)
        zoff = 0
        while zoff < rpt:
            zrows = min(CH, rpt - zoff)
            pltpu.sync_copy(bufs[0].at[pl.ds(0, zrows)],
                            acc_sh.at[pl.ds(s * rpt + zoff, zrows)])
            zoff += zrows
        plsc.subcore_barrier()

        rbase = wid * rpw

        def scale_chunk(t, buf):
            def scale(g, _):
                ws16 = ewblk[t, pl.ds(g * LANES, LANES)]
                for l in range(LANES):
                    ws = jnp.full((LANES,), ws16[l], jnp.float32)
                    for j in range(nfv):
                        sl = pl.ds(j * LANES, LANES)
                        buf[g * LANES + l, sl] = buf[g * LANES + l, sl] * ws
                return 0
            lax.fori_loop(0, CH // LANES, scale, 0)

        def sb_body(sb, _):
            soff = rbase + sb * SB
            pltpu.sync_copy(row_hbm.at[pl.ds(soff, SB)], rowblk)
            pltpu.sync_copy(col_hbm.at[pl.ds(soff, SB)], colblk)
            pltpu.sync_copy(ew_hbm.at[pl.ds(soff, SB)], ewblk)

            def super_body(sp, _):
                for b in range(NBUF):
                    t = sp * NBUF + b

                    @pl.when(sp > 0)
                    def _():
                        pltpu.make_async_copy(
                            hp_hbm.at[pl.ds(0, CH)], bufs[b], ssems[b]).wait()

                    pltpu.async_copy(hp_hbm.at[rowblk.at[t]], bufs[b],
                                     gsems[b])
                for b in range(NBUF):
                    t = sp * NBUF + b
                    pltpu.make_async_copy(
                        hp_hbm.at[pl.ds(0, CH)], bufs[b], gsems[b]).wait()
                    scale_chunk(t, bufs[b])
                    pltpu.async_copy(bufs[b], acc_sh.at[colblk.at[t]],
                                     ssems[b], add=True)
                return 0

            lax.fori_loop(0, nsup, super_body, 0)
            for b in range(NBUF):
                pltpu.make_async_copy(
                    hp_hbm.at[pl.ds(0, CH)], bufs[b], ssems[b]).wait()
            return 0

        lax.fori_loop(0, nsb, sb_body, 0)
        plsc.subcore_barrier()
        pltpu.sync_copy(acc_sh.at[pl.ds(s * rpt, rpt)],
                        accp_hbm.at[c, pl.ds(s * rpt, rpt)])

    return k(row2d, col2d, ew2d, hp)


def _tc_prep(x, Wm, degp3):
    N, Din = x.shape
    Dout = Wm.shape[1]
    R = 1000
    grid = (N // R,)

    def body(x_ref, w_ref, dg_ref, h_ref, dinv_ref):
        h = jnp.dot(x_ref[...], w_ref[...], preferred_element_type=jnp.float32)
        deg = dg_ref[0] + dg_ref[1] + 2.0
        dinv = jnp.where(deg > 0.0,
                         lax.rsqrt(jnp.where(deg > 0.0, deg, 1.0)), 0.0)
        h_ref[...] = h * dinv
        dinv_ref[...] = dinv

    return pl.pallas_call(
        body,
        grid=grid,
        in_specs=[
            pl.BlockSpec((R, Din), lambda i: (i, 0)),
            pl.BlockSpec((Din, Dout), lambda i: (0, 0)),
            pl.BlockSpec((NC, R, 1), lambda i: (0, i, 0)),
        ],
        out_specs=[
            pl.BlockSpec((R, Dout), lambda i: (i, 0)),
            pl.BlockSpec((R, 1), lambda i: (i, 0)),
        ],
        out_shape=[
            jax.ShapeDtypeStruct((N, Dout), jnp.float32),
            jax.ShapeDtypeStruct((N, 1), jnp.float32),
        ],
    )(x, Wm, degp3)


def _tc_combine(accp, hp, dinv, b2):
    N, D = hp.shape
    R = 1000
    grid = (N // R,)

    def body(a_ref, h_ref, dinv_ref, b_ref, o_ref):
        acc = a_ref[0] + a_ref[1] + 2.0 * h_ref[...]
        o_ref[...] = acc * dinv_ref[...] + b_ref[...]

    return pl.pallas_call(
        body,
        grid=grid,
        in_specs=[
            pl.BlockSpec((NC, R, D), lambda i: (0, i, 0)),
            pl.BlockSpec((R, D), lambda i: (i, 0)),
            pl.BlockSpec((R, 1), lambda i: (i, 0)),
            pl.BlockSpec((1, D), lambda i: (0, 0)),
        ],
        out_specs=pl.BlockSpec((R, D), lambda i: (i, 0)),
        out_shape=jax.ShapeDtypeStruct((N, D), jnp.float32),
    )(accp, hp, dinv, b2)


def kernel(x, edge_index, edge_weight, W, b):
    N, D_in = x.shape
    E = edge_index.shape[1]

    grain = NW * CH * NBUF
    EP = ((E + grain - 1) // grain) * grain
    pad = EP - E
    row2d = jnp.pad(edge_index[0], (0, pad)).reshape(EP // CH, CH)
    col2d = jnp.pad(edge_index[1], (0, pad)).reshape(EP // CH, CH)
    ew2d = jnp.pad(edge_weight, (0, pad)).reshape(EP // CH, CH)

    npad = ((N + NS * CH - 1) // (NS * CH)) * (NS * CH)

    degp = _sc_degree(col2d, ew2d, npad)
    degp3 = degp.reshape(NC, npad, 1)
    hp, dinv = _tc_prep(x, W, degp3)
    accp = _sc_aggregate(row2d, col2d, ew2d, hp, npad)
    out = _tc_combine(accp, hp, dinv, b.reshape(1, -1))
    return out

# --- scband reference (transcript-rebuilt; emitter-appended) ---
"""Pipeline reference for scband-conv-layer-3332894621897 (READ-ONLY COPY).

The authoritative reference and input builder live on the scoring server;
editing this copy changes nothing except your own understanding.
"""

import jax, jax.numpy as jnp
import numpy as np

N = 10000
E = 320000
D_IN = 128
D_OUT = 128


def setup_inputs(seed: int = 0) -> dict:
    key = jax.random.key(seed)
    k1, k2, k3, k4 = jax.random.split(key, 4)
    x = jax.random.normal(k1, (N, D_IN), dtype=jnp.float32)
    edge_index = jax.random.randint(k2, (2, E), 0, N, dtype=jnp.int32)
    edge_weight = jax.random.uniform(k3, (E,), dtype=jnp.float32)
    # GCNConv linear weight (no bias in lin) + conv bias
    W = jax.random.normal(k4, (D_IN, D_OUT), dtype=jnp.float32) / np.sqrt(D_IN)
    b = jnp.zeros((D_OUT,), dtype=jnp.float32)
    return {"x": x, "edge_index": edge_index, "edge_weight": edge_weight, "W": W, "b": b}


def _gcn_norm(edge_index, edge_weight, num_nodes, fill_value):
    # PyG gcn_norm with add_self_loops=True, improved=True (fill_value=2.0)
    row, col = edge_index[0], edge_index[1]
    loop_idx = jnp.arange(num_nodes, dtype=edge_index.dtype)
    row = jnp.concatenate([row, loop_idx])
    col = jnp.concatenate([col, loop_idx])
    ew = jnp.concatenate(
        [edge_weight, jnp.full((num_nodes,), fill_value, dtype=edge_weight.dtype)]
    )
    deg = jnp.zeros((num_nodes,), dtype=ew.dtype).at[col].add(ew)
    deg_inv_sqrt = jnp.where(deg > 0.0, jax.lax.rsqrt(jnp.where(deg > 0.0, deg, 1.0)), 0.0)
    norm = deg_inv_sqrt[row] * ew * deg_inv_sqrt[col]
    return row, col, norm


def reference(x, edge_index, edge_weight, W, b):
    num_nodes = x.shape[0]
    row, col, norm = _gcn_norm(edge_index, edge_weight, num_nodes, 2.0)
    # GCNConv: x = lin(x); propagate (scatter-add of norm-weighted source feats at dst); + bias
    h = x @ W
    msg = h[row] * norm[:, None]
    out = jnp.zeros((num_nodes, h.shape[1]), dtype=h.dtype).at[col].add(msg)
    out = out + b
    # bn is nn.Identity()
    return out

if __name__ == "__main__":
    import jax
    _d = setup_inputs()
    print(jax.jit(kernel)(*tuple(_d.values())))

</pallas_src>

<mosaic_0001>
#map = affine_map<(d0, d1) -> (0, 0)>
module attributes {stable_mosaic.version = 14 : i64} {
  func.func @k(%arg0: i32, %arg1: i32, %arg2: memref<2560x128xi32, #tpu.memory_space<hbm>>, %arg3: memref<2560x128xf32, #tpu.memory_space<hbm>>, %arg4: memref<2x10240xf32, #tpu.memory_space<hbm>>, %arg5: memref<80x128xi32, #tpu.memory_space<vmem>>, %arg6: memref<80x128xf32, #tpu.memory_space<vmem>>, %arg7: memref<640xf32, #tpu.memory_space<vmem>>, %arg8: memref<10240xf32, #tpu.memory_space<vmem_shared>>) attributes {dimension_semantics = [#tpu.dimension_semantics<core_parallel>, #tpu.dimension_semantics<subcore_parallel>], iteration_bounds = array<i64: 2, 16>, scalar_prefetch = 0 : i64, scratch_operands = 4 : i64, tpu.core_type = #tpu.core_type<sc_vector_subcore>, window_params = [{transform_indices = #map}, {transform_indices = #map}, {transform_indices = #map}]} {
    %mul3A = arith.constant 2 : i32
    %mul3A_0 = arith.muli %arg1, %mul3A : i32
    %add3A = arith.addi %mul3A_0, %arg0 : i32
    %scan3A = arith.constant 0 : i32
    %scan3A_1 = arith.constant 0 : i32
    %scan3A_2 = arith.constant 40 : i32
    %scan3A_3 = arith.addi %scan3A_1, %scan3A_2 : i32
    %scan3A_4 = arith.constant 1 : i32
    %scan3A_5 = scf.for %scan3A_23 = %scan3A_1 to %scan3A_3 step %scan3A_4 iter_args(%scan3A_24 = %scan3A) -> (i32)  : i32 {
      %broadcast_in_dim3A = arith.constant 0.000000e+00 : f32
      %broadcast_in_dim3A_25 = vector.broadcast %broadcast_in_dim3A : f32 to vector<16xf32>
      %mul3A_26 = arith.constant 16 : i32
      %mul3A_27 = arith.muli %scan3A_23, %mul3A_26 : i32
      %swap3A = arith.index_cast %mul3A_27 : i32 to index
      %swap3A_28 = tpu.vector_load %arg7[%swap3A] {strides = array<i32>} : memref<640xf32, #tpu.memory_space<vmem>>, vector<16xf32>,
      %swap3A_29 = vector.shape_cast %swap3A_28 : vector<16xf32> to vector<16xf32>
      %swap3A_30 = vector.shape_cast %broadcast_in_dim3A_25 : vector<16xf32> to vector<16xf32>
      tpu.vector_store %arg7[%swap3A], %swap3A_30 {strides = array<i32>} : memref<640xf32, #tpu.memory_space<vmem>>, vector<16xf32>,
      %scan3A_31 = arith.constant 0 : i32
      scf.yield %scan3A_31 : i32
    }
    %scan3A_6 = arith.constant 40 : i32
    %mul3A_7 = arith.constant 640 : i32
    %mul3A_8 = arith.muli %arg1, %mul3A_7 : i32
    "tpu.region"() ({
      %run_scoped3A = tpu.sem_alloc : memref<!tpu.dma_semaphore, #tpu.memory_space<semaphore_mem>>
      %dma_start3A = tpu.memref_slice %arg8[%mul3A_8] : memref<10240xf32, #tpu.memory_space<vmem_shared>> -> memref<640xf32, #tpu.memory_space<vmem_shared>>
      %dma_start3A_23 = tpu.memref_slice %arg8[%mul3A_8] : memref<10240xf32, #tpu.memory_space<vmem_shared>> -> memref<640xf32, #tpu.memory_space<vmem_shared>>
      tpu.enqueue_dma source(%arg7 : memref<640xf32, #tpu.memory_space<vmem>>) target(%dma_start3A_23 : memref<640xf32, #tpu.memory_space<vmem_shared>>) target_semaphore(%run_scoped3A : memref<!tpu.dma_semaphore, #tpu.memory_space<semaphore_mem>>)
      %dma_wait3A = tpu.memref_slice %arg8[%mul3A_8] : memref<10240xf32, #tpu.memory_space<vmem_shared>> -> memref<640xf32, #tpu.memory_space<vmem_shared>>
      %dma_wait3A_24 = tpu.memref_slice %arg8[%mul3A_8] : memref<10240xf32, #tpu.memory_space<vmem_shared>> -> memref<640xf32, #tpu.memory_space<vmem_shared>>
      tpu.wait_dma2 semaphore(%run_scoped3A : memref<!tpu.dma_semaphore, #tpu.memory_space<semaphore_mem>>) src(%arg7 : memref<640xf32, #tpu.memory_space<vmem>>) dst(%dma_wait3A_24 : memref<640xf32, #tpu.memory_space<vmem_shared>>)
      tpu.yield
    }) : () -> ()
    %barrier3A = arith.constant 0 : index
    tpu.barrier barrier_id(%barrier3A)
    %mul3A_9 = arith.constant 80 : i32
    %mul3A_10 = arith.muli %add3A, %mul3A_9 : i32
    "tpu.region"() ({
      %run_scoped3A = tpu.sem_alloc : memref<!tpu.dma_semaphore, #tpu.memory_space<semaphore_mem>>
      %dma_start3A = arith.constant 0 : i32
      %dma_start3A_23 = tpu.memref_slice %arg2[%mul3A_10, %dma_start3A] : memref<2560x128xi32, #tpu.memory_space<hbm>> -> memref<80x128xi32, #tpu.memory_space<hbm>>
      %dma_start3A_24 = arith.constant 0 : i32
      %dma_start3A_25 = tpu.memref_slice %arg2[%mul3A_10, %dma_start3A_24] : memref<2560x128xi32, #tpu.memory_space<hbm>> -> memref<80x128xi32, #tpu.memory_space<hbm>>
      tpu.enqueue_dma source(%dma_start3A_25 : memref<80x128xi32, #tpu.memory_space<hbm>>) target(%arg5 : memref<80x128xi32, #tpu.memory_space<vmem>>) target_semaphore(%run_scoped3A : memref<!tpu.dma_semaphore, #tpu.memory_space<semaphore_mem>>)
      %dma_wait3A = arith.constant 0 : i32
      %dma_wait3A_26 = tpu.memref_slice %arg2[%mul3A_10, %dma_wait3A] : memref<2560x128xi32, #tpu.memory_space<hbm>> -> memref<80x128xi32, #tpu.memory_space<hbm>>
      %dma_wait3A_27 = arith.constant 0 : i32
      %dma_wait3A_28 = tpu.memref_slice %arg2[%mul3A_10, %dma_wait3A_27] : memref<2560x128xi32, #tpu.memory_space<hbm>> -> memref<80x128xi32, #tpu.memory_space<hbm>>
      tpu.wait_dma2 semaphore(%run_scoped3A : memref<!tpu.dma_semaphore, #tpu.memory_space<semaphore_mem>>) src(%dma_wait3A_28 : memref<80x128xi32, #tpu.memory_space<hbm>>) dst(%arg5 : memref<80x128xi32, #tpu.memory_space<vmem>>)
      tpu.yield
    }) : () -> ()
    "tpu.region"() ({
      %run_scoped3A = tpu.sem_alloc : memref<!tpu.dma_semaphore, #tpu.memory_space<semaphore_mem>>
      %dma_start3A = arith.constant 0 : i32
      %dma_start3A_23 = tpu.memref_slice %arg3[%mul3A_10, %dma_start3A] : memref<2560x128xf32, #tpu.memory_space<hbm>> -> memref<80x128xf32, #tpu.memory_space<hbm>>
      %dma_start3A_24 = arith.constant 0 : i32
      %dma_start3A_25 = tpu.memref_slice %arg3[%mul3A_10, %dma_start3A_24] : memref<2560x128xf32, #tpu.memory_space<hbm>> -> memref<80x128xf32, #tpu.memory_space<hbm>>
      tpu.enqueue_dma source(%dma_start3A_25 : memref<80x128xf32, #tpu.memory_space<hbm>>) target(%arg6 : memref<80x128xf32, #tpu.memory_space<vmem>>) target_semaphore(%run_scoped3A : memref<!tpu.dma_semaphore, #tpu.memory_space<semaphore_mem>>)
      %dma_wait3A = arith.constant 0 : i32
      %dma_wait3A_26 = tpu.memref_slice %arg3[%mul3A_10, %dma_wait3A] : memref<2560x128xf32, #tpu.memory_space<hbm>> -> memref<80x128xf32, #tpu.memory_space<hbm>>
      %dma_wait3A_27 = arith.constant 0 : i32
      %dma_wait3A_28 = tpu.memref_slice %arg3[%mul3A_10, %dma_wait3A_27] : memref<2560x128xf32, #tpu.memory_space<hbm>> -> memref<80x128xf32, #tpu.memory_space<hbm>>
      tpu.wait_dma2 semaphore(%run_scoped3A : memref<!tpu.dma_semaphore, #tpu.memory_space<semaphore_mem>>) src(%dma_wait3A_28 : memref<80x128xf32, #tpu.memory_space<hbm>>) dst(%arg6 : memref<80x128xf32, #tpu.memory_space<vmem>>)
      tpu.yield
    }) : () -> ()
    %scan3A_11 = arith.constant 0 : i32
    %scan3A_12 = arith.constant 0 : i32
    %scan3A_13 = arith.constant 80 : i32
    %scan3A_14 = arith.addi %scan3A_12, %scan3A_13 : i32
    %scan3A_15 = arith.constant 1 : i32
    %scan3A_16 = scf.for %scan3A_23 = %scan3A_12 to %scan3A_14 step %scan3A_15 iter_args(%scan3A_24 = %scan3A_11) -> (i32)  : i32 {
      "tpu.region"() ({
        %run_scoped3A = tpu.sem_alloc : memref<!tpu.dma_semaphore, #tpu.memory_space<semaphore_mem>>
        %dma_start3A = arith.constant 0 : i32
        %dma_start3A_26 = tpu.memref_slice %arg6[%scan3A_23, %dma_start3A] : memref<80x128xf32, #tpu.memory_space<vmem>> -> memref<1x128xf32, #tpu.memory_space<vmem>>
        %dma_start3A_27 = tpu.memref_squeeze %dma_start3A_26 : memref<1x128xf32, #tpu.memory_space<vmem>> -> memref<128xf32, #tpu.memory_space<vmem>>
        %dma_start3A_28 = arith.constant 0 : i32
        %dma_start3A_29 = tpu.memref_slice %arg5[%scan3A_23, %dma_start3A_28] : memref<80x128xi32, #tpu.memory_space<vmem>> -> memref<1x128xi32, #tpu.memory_space<vmem>>
        %dma_start3A_30 = tpu.memref_squeeze %dma_start3A_29 : memref<1x128xi32, #tpu.memory_space<vmem>> -> memref<128xi32, #tpu.memory_space<vmem>>
        %dma_start3A_31 = arith.constant 0 : i32
        %dma_start3A_32 = tpu.memref_slice %arg8[%dma_start3A_31] : memref<10240xf32, #tpu.memory_space<vmem_shared>> -> memref<10240xf32, #tpu.memory_space<vmem_shared>>
        tpu.enqueue_indirect_dma source(%dma_start3A_27 : memref<128xf32, #tpu.memory_space<vmem>>) target(%dma_start3A_32 : memref<10240xf32, #tpu.memory_space<vmem_shared>>) offsets(%dma_start3A_30 : memref<128xi32, #tpu.memory_space<vmem>>) semaphore(%run_scoped3A : memref<!tpu.dma_semaphore, #tpu.memory_space<semaphore_mem>>) {add = true}
        %dma_wait3A = arith.constant 0 : i32
        %dma_wait3A_33 = tpu.memref_slice %arg6[%scan3A_23, %dma_wait3A] : memref<80x128xf32, #tpu.memory_space<vmem>> -> memref<1x128xf32, #tpu.memory_space<vmem>>
        %dma_wait3A_34 = tpu.memref_squeeze %dma_wait3A_33 : memref<1x128xf32, #tpu.memory_space<vmem>> -> memref<128xf32, #tpu.memory_space<vmem>>
        %dma_wait3A_35 = arith.constant 0 : i32
        %dma_wait3A_36 = tpu.memref_slice %arg5[%scan3A_23, %dma_wait3A_35] : memref<80x128xi32, #tpu.memory_space<vmem>> -> memref<1x128xi32, #tpu.memory_space<vmem>>
        %dma_wait3A_37 = tpu.memref_squeeze %dma_wait3A_36 : memref<1x128xi32, #tpu.memory_space<vmem>> -> memref<128xi32, #tpu.memory_space<vmem>>
        %dma_wait3A_38 = arith.constant 0 : i32
        %dma_wait3A_39 = tpu.memref_slice %arg8[%dma_wait3A_38] : memref<10240xf32, #tpu.memory_space<vmem_shared>> -> memref<10240xf32, #tpu.memory_space<vmem_shared>>
        tpu.wait_indirect_dma semaphore(%run_scoped3A : memref<!tpu.dma_semaphore, #tpu.memory_space<semaphore_mem>>) src(%dma_wait3A_34 : memref<128xf32, #tpu.memory_space<vmem>>) dst(%dma_wait3A_39 : memref<10240xf32, #tpu.memory_space<vmem_shared>>)
        tpu.yield
      }) : () -> ()
      %scan3A_25 = arith.constant 0 : i32
      scf.yield %scan3A_25 : i32
    }
    %scan3A_17 = arith.constant 80 : i32
    %barrier3A_18 = arith.constant 0 : index
    tpu.barrier barrier_id(%barrier3A_18)
    %mul3A_19 = arith.constant 640 : i32
    %mul3A_20 = arith.muli %arg1, %mul3A_19 : i32
    %mul3A_21 = arith.constant 640 : i32
    %mul3A_22 = arith.muli %arg1, %mul3A_21 : i32
    "tpu.region"() ({
      %run_scoped3A = tpu.sem_alloc : memref<!tpu.dma_semaphore, #tpu.memory_space<semaphore_mem>>
      %dma_start3A = tpu.memref_slice %arg4[%arg0, %mul3A_22] : memref<2x10240xf32, #tpu.memory_space<hbm>> -> memref<1x640xf32, #tpu.memory_space<hbm>>
      %dma_start3A_23 = tpu.memref_squeeze %dma_start3A : memref<1x640xf32, #tpu.memory_space<hbm>> -> memref<640xf32, #tpu.memory_space<hbm>>
      %dma_start3A_24 = tpu.memref_slice %arg8[%mul3A_20] : memref<10240xf32, #tpu.memory_space<vmem_shared>> -> memref<640xf32, #tpu.memory_space<vmem_shared>>
      tpu.enqueue_dma source(%dma_start3A_24 : memref<640xf32, #tpu.memory_space<vmem_shared>>) target(%dma_start3A_23 : memref<640xf32, #tpu.memory_space<hbm>>) target_semaphore(%run_scoped3A : memref<!tpu.dma_semaphore, #tpu.memory_space<semaphore_mem>>)
      %dma_wait3A = tpu.memref_slice %arg4[%arg0, %mul3A_22] : memref<2x10240xf32, #tpu.memory_space<hbm>> -> memref<1x640xf32, #tpu.memory_space<hbm>>
      %dma_wait3A_25 = tpu.memref_squeeze %dma_wait3A : memref<1x640xf32, #tpu.memory_space<hbm>> -> memref<640xf32, #tpu.memory_space<hbm>>
      %dma_wait3A_26 = tpu.memref_slice %arg8[%mul3A_20] : memref<10240xf32, #tpu.memory_space<vmem_shared>> -> memref<640xf32, #tpu.memory_space<vmem_shared>>
      tpu.wait_dma2 semaphore(%run_scoped3A : memref<!tpu.dma_semaphore, #tpu.memory_space<semaphore_mem>>) src(%dma_wait3A_26 : memref<640xf32, #tpu.memory_space<vmem_shared>>) dst(%dma_wait3A_25 : memref<640xf32, #tpu.memory_space<hbm>>)
      tpu.yield
    }) : () -> ()
    return
  }
}

#map = affine_map<(d0, d1) -> (0, 0)>
#map1 = affine_map<(d0, d1) -> (0, 0, 0)>
module attributes {stable_mosaic.version = 14 : i64} {
  func.func @k(%arg0: i32, %arg1: i32, %arg2: memref<2560x128xi32, #tpu.memory_space<hbm>>, %arg3: memref<2560x128xi32, #tpu.memory_space<hbm>>, %arg4: memref<2560x128xf32, #tpu.memory_space<hbm>>, %arg5: memref<10000x128xf32, #tpu.memory_space<hbm>>, %arg6: memref<2x10240x128xf32, #tpu.memory_space<hbm>>, %arg7: memref<16x128xi32, #tpu.memory_space<vmem>>, %arg8: memref<16x128xi32, #tpu.memory_space<vmem>>, %arg9: memref<16x128xf32, #tpu.memory_space<vmem>>, %arg10: memref<128x128xf32, #tpu.memory_space<vmem>>, %arg11: memref<128x128xf32, #tpu.memory_space<vmem>>, %arg12: memref<10240x128xf32, #tpu.memory_space<vmem_shared>>, %arg13: memref<!tpu.dma_semaphore, #tpu.memory_space<semaphore_mem>>, %arg14: memref<!tpu.dma_semaphore, #tpu.memory_space<semaphore_mem>>, %arg15: memref<!tpu.dma_semaphore, #tpu.memory_space<semaphore_mem>>, %arg16: memref<!tpu.dma_semaphore, #tpu.memory_space<semaphore_mem>>) attributes {dimension_semantics = [#tpu.dimension_semantics<core_parallel>, #tpu.dimension_semantics<subcore_parallel>], iteration_bounds = array<i64: 2, 16>, scalar_prefetch = 0 : i64, scratch_operands = 10 : i64, tpu.core_type = #tpu.core_type<sc_vector_subcore>, window_params = [{transform_indices = #map}, {transform_indices = #map}, {transform_indices = #map}, {transform_indices = #map}, {transform_indices = #map1}]} {
    %mul3A = arith.constant 2 : i32
    %mul3A_0 = arith.muli %arg1, %mul3A : i32
    %add3A = arith.addi %mul3A_0, %arg0 : i32
    %scan3A = arith.constant 0 : i32
    %scan3A_1 = arith.constant 0 : i32
    %scan3A_2 = arith.constant 1024 : i32
    %scan3A_3 = arith.addi %scan3A_1, %scan3A_2 : i32
    %scan3A_4 = arith.constant 1 : i32
    %scan3A_5 = scf.for %scan3A_41 = %scan3A_1 to %scan3A_3 step %scan3A_4 iter_args(%scan3A_42 = %scan3A) -> (i32)  : i32 {
      %broadcast_in_dim3A = arith.constant 0.000000e+00 : f32
      %broadcast_in_dim3A_43 = vector.broadcast %broadcast_in_dim3A : f32 to vector<16xf32>
      %jit3A = arith.constant 8 : i32
      %div3A = arith.divsi %scan3A_41, %jit3A : i32
      %sign3A = arith.constant 0 : i32
      %sign3A_44 = arith.cmpi sgt, %scan3A_41, %sign3A : i32
      %sign3A_45 = arith.extui %sign3A_44 : i1 to i32
      %sign3A_46 = arith.constant 0 : i32
      %sign3A_47 = arith.cmpi slt, %scan3A_41, %sign3A_46 : i32
      %sign3A_48 = arith.extui %sign3A_47 : i1 to i32
      %sign3A_49 = arith.subi %sign3A_45, %sign3A_48 : i32
      %sign3A_50 = arith.constant 0 : i32
      %sign3A_51 = arith.cmpi sgt, %jit3A, %sign3A_50 : i32
      %sign3A_52 = arith.extui %sign3A_51 : i1 to i32
      %sign3A_53 = arith.constant 0 : i32
      %sign3A_54 = arith.cmpi slt, %jit3A, %sign3A_53 : i32
      %sign3A_55 = arith.extui %sign3A_54 : i1 to i32
      %sign3A_56 = arith.subi %sign3A_52, %sign3A_55 : i32
      %ne3A = arith.cmpi ne, %sign3A_49, %sign3A_56 : i32
      %rem3A = arith.remsi %scan3A_41, %jit3A : i32
      %ne3A_57 = arith.constant 0 : i32
      %ne3A_58 = arith.cmpi ne, %rem3A, %ne3A_57 : i32
      %and3A = arith.andi %ne3A, %ne3A_58 : i1
      %sub3A = arith.constant 1 : i32
      %sub3A_59 = arith.subi %div3A, %sub3A : i32
      %select_n3A = arith.select %and3A, %sub3A_59, %div3A : i32
      %jit3A_60 = arith.constant 8 : i32
      %eq3A = arith.constant 0 : i32
      %eq3A_61 = arith.cmpi eq, %jit3A_60, %eq3A : i32
      %jit3A_62 = arith.constant 1 : i32
      %select_n3A_63 = arith.select %eq3A_61, %jit3A_62, %jit3A_60 : i32
      %rem3A_64 = arith.remsi %scan3A_41, %select_n3A_63 : i32
      %ne3A_65 = arith.constant 0 : i32
      %ne3A_66 = arith.cmpi ne, %rem3A_64, %ne3A_65 : i32
      %lt3A = arith.constant 0 : i32
      %lt3A_67 = arith.cmpi slt, %rem3A_64, %lt3A : i32
      %lt3A_68 = arith.constant 0 : i32
      %lt3A_69 = arith.cmpi slt, %select_n3A_63, %lt3A_68 : i32
      %ne3A_70 = arith.xori %lt3A_67, %lt3A_69 : i1
      %and3A_71 = arith.andi %ne3A_70, %ne3A_66 : i1
      %add3A_72 = arith.addi %rem3A_64, %select_n3A_63 : i32
      %select_n3A_73 = arith.select %and3A_71, %add3A_72, %rem3A_64 : i32
      %mul3A_74 = arith.constant 16 : i32
      %mul3A_75 = arith.muli %select_n3A_73, %mul3A_74 : i32
      %swap3A = arith.index_cast %select_n3A : i32 to index
      %swap3A_76 = arith.index_cast %mul3A_75 : i32 to index
      %swap3A_77 = tpu.vector_load %arg10[%swap3A, %swap3A_76] {strides = array<i32>} : memref<128x128xf32, #tpu.memory_space<vmem>>, vector<1x16xf32>,
      %swap3A_78 = vector.shape_cast %swap3A_77 : vector<1x16xf32> to vector<16xf32>
      %swap3A_79 = vector.shape_cast %broadcast_in_dim3A_43 : vector<16xf32> to vector<1x16xf32>
      tpu.vector_store %arg10[%swap3A, %swap3A_76], %swap3A_79 {strides = array<i32>} : memref<128x128xf32, #tpu.memory_space<vmem>>, vector<1x16xf32>,
      %scan3A_80 = arith.constant 0 : i32
      scf.yield %scan3A_80 : i32
    }
    %scan3A_6 = arith.constant 1024 : i32
    %mul3A_7 = arith.constant 640 : i32
    %mul3A_8 = arith.muli %arg1, %mul3A_7 : i32
    %add3A_9 = arith.constant 0 : i32
    %add3A_10 = arith.addi %mul3A_8, %add3A_9 : i32
    "tpu.region"() ({
      %run_scoped3A = tpu.sem_alloc : memref<!tpu.dma_semaphore, #tpu.memory_space<semaphore_mem>>
      %dma_start3A = arith.constant 0 : i32
      %dma_start3A_41 = arith.constant 0 : i32
      %dma_start3A_42 = tpu.memref_slice %arg10[%dma_start3A, %dma_start3A_41] : memref<128x128xf32, #tpu.memory_space<vmem>> -> memref<128x128xf32, #tpu.memory_space<vmem>>
      %dma_start3A_43 = arith.constant 0 : i32
      %dma_start3A_44 = tpu.memref_slice %arg12[%add3A_10, %dma_start3A_43] : memref<10240x128xf32, #tpu.memory_space<vmem_shared>> -> memref<128x128xf32, #tpu.memory_space<vmem_shared>>
      %dma_start3A_45 = arith.constant 0 : i32
      %dma_start3A_46 = tpu.memref_slice %arg12[%add3A_10, %dma_start3A_45] : memref<10240x128xf32, #tpu.memory_space<vmem_shared>> -> memref<128x128xf32, #tpu.memory_space<vmem_shared>>
      %dma_start3A_47 = arith.constant 0 : i32
      %dma_start3A_48 = arith.constant 0 : i32
      %dma_start3A_49 = tpu.memref_slice %arg10[%dma_start3A_47, %dma_start3A_48] : memref<128x128xf32, #tpu.memory_space<vmem>> -> memref<128x128xf32, #tpu.memory_space<vmem>>
      tpu.enqueue_dma source(%dma_start3A_49 : memref<128x128xf32, #tpu.memory_space<vmem>>) target(%dma_start3A_46 : memref<128x128xf32, #tpu.memory_space<vmem_shared>>) target_semaphore(%run_scoped3A : memref<!tpu.dma_semaphore, #tpu.memory_space<semaphore_mem>>)
      %dma_wait3A = arith.constant 0 : i32
      %dma_wait3A_50 = arith.constant 0 : i32
      %dma_wait3A_51 = tpu.memref_slice %arg10[%dma_wait3A, %dma_wait3A_50] : memref<128x128xf32, #tpu.memory_space<vmem>> -> memref<128x128xf32, #tpu.memory_space<vmem>>
      %dma_wait3A_52 = arith.constant 0 : i32
      %dma_wait3A_53 = tpu.memref_slice %arg12[%add3A_10, %dma_wait3A_52] : memref<10240x128xf32, #tpu.memory_space<vmem_shared>> -> memref<128x128xf32, #tpu.memory_space<vmem_shared>>
      %dma_wait3A_54 = arith.constant 0 : i32
      %dma_wait3A_55 = tpu.memref_slice %arg12[%add3A_10, %dma_wait3A_54] : memref<10240x128xf32, #tpu.memory_space<vmem_shared>> -> memref<128x128xf32, #tpu.memory_space<vmem_shared>>
      %dma_wait3A_56 = arith.constant 0 : i32
      %dma_wait3A_57 = arith.constant 0 : i32
      %dma_wait3A_58 = tpu.memref_slice %arg10[%dma_wait3A_56, %dma_wait3A_57] : memref<128x128xf32, #tpu.memory_space<vmem>> -> memref<128x128xf32, #tpu.memory_space<vmem>>
      tpu.wait_dma2 semaphore(%run_scoped3A : memref<!tpu.dma_semaphore, #tpu.memory_space<semaphore_mem>>) src(%dma_wait3A_58 : memref<128x128xf32, #tpu.memory_space<vmem>>) dst(%dma_wait3A_55 : memref<128x128xf32, #tpu.memory_space<vmem_shared>>)
      tpu.yield
    }) : () -> ()
    %mul3A_11 = arith.constant 640 : i32
    %mul3A_12 = arith.muli %arg1, %mul3A_11 : i32
    %add3A_13 = arith.constant 128 : i32
    %add3A_14 = arith.addi %mul3A_12, %add3A_13 : i32
    "tpu.region"() ({
      %run_scoped3A = tpu.sem_alloc : memref<!tpu.dma_semaphore, #tpu.memory_space<semaphore_mem>>
      %dma_start3A = arith.constant 0 : i32
      %dma_start3A_41 = arith.constant 0 : i32
      %dma_start3A_42 = tpu.memref_slice %arg10[%dma_start3A, %dma_start3A_41] : memref<128x128xf32, #tpu.memory_space<vmem>> -> memref<128x128xf32, #tpu.memory_space<vmem>>
      %dma_start3A_43 = arith.constant 0 : i32
      %dma_start3A_44 = tpu.memref_slice %arg12[%add3A_14, %dma_start3A_43] : memref<10240x128xf32, #tpu.memory_space<vmem_shared>> -> memref<128x128xf32, #tpu.memory_space<vmem_shared>>
      %dma_start3A_45 = arith.constant 0 : i32
      %dma_start3A_46 = tpu.memref_slice %arg12[%add3A_14, %dma_start3A_45] : memref<10240x128xf32, #tpu.memory_space<vmem_shared>> -> memref<128x128xf32, #tpu.memory_space<vmem_shared>>
      %dma_start3A_47 = arith.constant 0 : i32
      %dma_start3A_48 = arith.constant 0 : i32
      %dma_start3A_49 = tpu.memref_slice %arg10[%dma_start3A_47, %dma_start3A_48] : memref<128x128xf32, #tpu.memory_space<vmem>> -> memref<128x128xf32, #tpu.memory_space<vmem>>
      tpu.enqueue_dma source(%dma_start3A_49 : memref<128x128xf32, #tpu.memory_space<vmem>>) target(%dma_start3A_46 : memref<128x128xf32, #tpu.memory_space<vmem_shared>>) target_semaphore(%run_scoped3A : memref<!tpu.dma_semaphore, #tpu.memory_space<semaphore_mem>>)
      %dma_wait3A = arith.constant 0 : i32
      %dma_wait3A_50 = arith.constant 0 : i32
      %dma_wait3A_51 = tpu.memref_slice %arg10[%dma_wait3A, %dma_wait3A_50] : memref<128x128xf32, #tpu.memory_space<vmem>> -> memref<128x128xf32, #tpu.memory_space<vmem>>
      %dma_wait3A_52 = arith.constant 0 : i32
      %dma_wait3A_53 = tpu.memref_slice %arg12[%add3A_14, %dma_wait3A_52] : memref<10240x128xf32, #tpu.memory_space<vmem_shared>> -> memref<128x128xf32, #tpu.memory_space<vmem_shared>>
      %dma_wait3A_54 = arith.constant 0 : i32
      %dma_wait3A_55 = tpu.memref_slice %arg12[%add3A_14, %dma_wait3A_54] : memref<10240x128xf32, #tpu.memory_space<vmem_shared>> -> memref<128x128xf32, #tpu.memory_space<vmem_shared>>
      %dma_wait3A_56 = arith.constant 0 : i32
      %dma_wait3A_57 = arith.constant 0 : i32
      %dma_wait3A_58 = tpu.memref_slice %arg10[%dma_wait3A_56, %dma_wait3A_57] : memref<128x128xf32, #tpu.memory_space<vmem>> -> memref<128x128xf32, #tpu.memory_space<vmem>>
      tpu.wait_dma2 semaphore(%run_scoped3A : memref<!tpu.dma_semaphore, #tpu.memory_space<semaphore_mem>>) src(%dma_wait3A_58 : memref<128x128xf32, #tpu.memory_space<vmem>>) dst(%dma_wait3A_55 : memref<128x128xf32, #tpu.memory_space<vmem_shared>>)
      tpu.yield
    }) : () -> ()
    %mul3A_15 = arith.constant 640 : i32
    %mul3A_16 = arith.muli %arg1, %mul3A_15 : i32
    %add3A_17 = arith.constant 256 : i32
    %add3A_18 = arith.addi %mul3A_16, %add3A_17 : i32
    "tpu.region"() ({
      %run_scoped3A = tpu.sem_alloc : memref<!tpu.dma_semaphore, #tpu.memory_space<semaphore_mem>>
      %dma_start3A = arith.constant 0 : i32
      %dma_start3A_41 = arith.constant 0 : i32
      %dma_start3A_42 = tpu.memref_slice %arg10[%dma_start3A, %dma_start3A_41] : memref<128x128xf32, #tpu.memory_space<vmem>> -> memref<128x128xf32, #tpu.memory_space<vmem>>
      %dma_start3A_43 = arith.constant 0 : i32
      %dma_start3A_44 = tpu.memref_slice %arg12[%add3A_18, %dma_start3A_43] : memref<10240x128xf32, #tpu.memory_space<vmem_shared>> -> memref<128x128xf32, #tpu.memory_space<vmem_shared>>
      %dma_start3A_45 = arith.constant 0 : i32
      %dma_start3A_46 = tpu.memref_slice %arg12[%add3A_18, %dma_start3A_45] : memref<10240x128xf32, #tpu.memory_space<vmem_shared>> -> memref<128x128xf32, #tpu.memory_space<vmem_shared>>
      %dma_start3A_47 = arith.constant 0 : i32
      %dma_start3A_48 = arith.constant 0 : i32
      %dma_start3A_49 = tpu.memref_slice %arg10[%dma_start3A_47, %dma_start3A_48] : memref<128x128xf32, #tpu.memory_space<vmem>> -> memref<128x128xf32, #tpu.memory_space<vmem>>
      tpu.enqueue_dma source(%dma_start3A_49 : memref<128x128xf32, #tpu.memory_space<vmem>>) target(%dma_start3A_46 : memref<128x128xf32, #tpu.memory_space<vmem_shared>>) target_semaphore(%run_scoped3A : memref<!tpu.dma_semaphore, #tpu.memory_space<semaphore_mem>>)
      %dma_wait3A = arith.constant 0 : i32
      %dma_wait3A_50 = arith.constant 0 : i32
      %dma_wait3A_51 = tpu.memref_slice %arg10[%dma_wait3A, %dma_wait3A_50] : memref<128x128xf32, #tpu.memory_space<vmem>> -> memref<128x128xf32, #tpu.memory_space<vmem>>
      %dma_wait3A_52 = arith.constant 0 : i32
      %dma_wait3A_53 = tpu.memref_slice %arg12[%add3A_18, %dma_wait3A_52] : memref<10240x128xf32, #tpu.memory_space<vmem_shared>> -> memref<128x128xf32, #tpu.memory_space<vmem_shared>>
      %dma_wait3A_54 = arith.constant 0 : i32
      %dma_wait3A_55 = tpu.memref_slice %arg12[%add3A_18, %dma_wait3A_54] : memref<10240x128xf32, #tpu.memory_space<vmem_shared>> -> memref<128x128xf32, #tpu.memory_space<vmem_shared>>
      %dma_wait3A_56 = arith.constant 0 : i32
      %dma_wait3A_57 = arith.constant 0 : i32
      %dma_wait3A_58 = tpu.memref_slice %arg10[%dma_wait3A_56, %dma_wait3A_57] : memref<128x128xf32, #tpu.memory_space<vmem>> -> memref<128x128xf32, #tpu.memory_space<vmem>>
      tpu.wait_dma2 semaphore(%run_scoped3A : memref<!tpu.dma_semaphore, #tpu.memory_space<semaphore_mem>>) src(%dma_wait3A_58 : memref<128x128xf32, #tpu.memory_space<vmem>>) dst(%dma_wait3A_55 : memref<128x128xf32, #tpu.memory_space<vmem_shared>>)
      tpu.yield
    }) : () -> ()
    %mul3A_19 = arith.constant 640 : i32
    %mul3A_20 = arith.muli %arg1, %mul3A_19 : i32
    %add3A_21 = arith.constant 384 : i32
    %add3A_22 = arith.addi %mul3A_20, %add3A_21 : i32
    "tpu.region"() ({
      %run_scoped3A = tpu.sem_alloc : memref<!tpu.dma_semaphore, #tpu.memory_space<semaphore_mem>>
      %dma_start3A = arith.constant 0 : i32
      %dma_start3A_41 = arith.constant 0 : i32
      %dma_start3A_42 = tpu.memref_slice %arg10[%dma_start3A, %dma_start3A_41] : memref<128x128xf32, #tpu.memory_space<vmem>> -> memref<128x128xf32, #tpu.memory_space<vmem>>
      %dma_start3A_43 = arith.constant 0 : i32
      %dma_start3A_44 = tpu.memref_slice %arg12[%add3A_22, %dma_start3A_43] : memref<10240x128xf32, #tpu.memory_space<vmem_shared>> -> memref<128x128xf32, #tpu.memory_space<vmem_shared>>
      %dma_start3A_45 = arith.constant 0 : i32
      %dma_start3A_46 = tpu.memref_slice %arg12[%add3A_22, %dma_start3A_45] : memref<10240x128xf32, #tpu.memory_space<vmem_shared>> -> memref<128x128xf32, #tpu.memory_space<vmem_shared>>
      %dma_start3A_47 = arith.constant 0 : i32
      %dma_start3A_48 = arith.constant 0 : i32
      %dma_start3A_49 = tpu.memref_slice %arg10[%dma_start3A_47, %dma_start3A_48] : memref<128x128xf32, #tpu.memory_space<vmem>> -> memref<128x128xf32, #tpu.memory_space<vmem>>
      tpu.enqueue_dma source(%dma_start3A_49 : memref<128x128xf32, #tpu.memory_space<vmem>>) target(%dma_start3A_46 : memref<128x128xf32, #tpu.memory_space<vmem_shared>>) target_semaphore(%run_scoped3A : memref<!tpu.dma_semaphore, #tpu.memory_space<semaphore_mem>>)
      %dma_wait3A = arith.constant 0 : i32
      %dma_wait3A_50 = arith.constant 0 : i32
      %dma_wait3A_51 = tpu.memref_slice %arg10[%dma_wait3A, %dma_wait3A_50] : memref<128x128xf32, #tpu.memory_space<vmem>> -> memref<128x128xf32, #tpu.memory_space<vmem>>
      %dma_wait3A_52 = arith.constant 0 : i32
      %dma_wait3A_53 = tpu.memref_slice %arg12[%add3A_22, %dma_wait3A_52] : memref<10240x128xf32, #tpu.memory_space<vmem_shared>> -> memref<128x128xf32, #tpu.memory_space<vmem_shared>>
      %dma_wait3A_54 = arith.constant 0 : i32
      %dma_wait3A_55 = tpu.memref_slice %arg12[%add3A_22, %dma_wait3A_54] : memref<10240x128xf32, #tpu.memory_space<vmem_shared>> -> memref<128x128xf32, #tpu.memory_space<vmem_shared>>
      %dma_wait3A_56 = arith.constant 0 : i32
      %dma_wait3A_57 = arith.constant 0 : i32
      %dma_wait3A_58 = tpu.memref_slice %arg10[%dma_wait3A_56, %dma_wait3A_57] : memref<128x128xf32, #tpu.memory_space<vmem>> -> memref<128x128xf32, #tpu.memory_space<vmem>>
      tpu.wait_dma2 semaphore(%run_scoped3A : memref<!tpu.dma_semaphore, #tpu.memory_space<semaphore_mem>>) src(%dma_wait3A_58 : memref<128x128xf32, #tpu.memory_space<vmem>>) dst(%dma_wait3A_55 : memref<128x128xf32, #tpu.memory_space<vmem_shared>>)
      tpu.yield
    }) : () -> ()
    %mul3A_23 = arith.constant 640 : i32
    %mul3A_24 = arith.muli %arg1, %mul3A_23 : i32
    %add3A_25 = arith.constant 512 : i32
    %add3A_26 = arith.addi %mul3A_24, %add3A_25 : i32
    "tpu.region"() ({
      %run_scoped3A = tpu.sem_alloc : memref<!tpu.dma_semaphore, #tpu.memory_space<semaphore_mem>>
      %dma_start3A = arith.constant 0 : i32
      %dma_start3A_41 = arith.constant 0 : i32
      %dma_start3A_42 = tpu.memref_slice %arg10[%dma_start3A, %dma_start3A_41] : memref<128x128xf32, #tpu.memory_space<vmem>> -> memref<128x128xf32, #tpu.memory_space<vmem>>
      %dma_start3A_43 = arith.constant 0 : i32
      %dma_start3A_44 = tpu.memref_slice %arg12[%add3A_26, %dma_start3A_43] : memref<10240x128xf32, #tpu.memory_space<vmem_shared>> -> memref<128x128xf32, #tpu.memory_space<vmem_shared>>
      %dma_start3A_45 = arith.constant 0 : i32
      %dma_start3A_46 = tpu.memref_slice %arg12[%add3A_26, %dma_start3A_45] : memref<10240x128xf32, #tpu.memory_space<vmem_shared>> -> memref<128x128xf32, #tpu.memory_space<vmem_shared>>
      %dma_start3A_47 = arith.constant 0 : i32
      %dma_start3A_48 = arith.constant 0 : i32
      %dma_start3A_49 = tpu.memref_slice %arg10[%dma_start3A_47, %dma_start3A_48] : memref<128x128xf32, #tpu.memory_space<vmem>> -> memref<128x128xf32, #tpu.memory_space<vmem>>
      tpu.enqueue_dma source(%dma_start3A_49 : memref<128x128xf32, #tpu.memory_space<vmem>>) target(%dma_start3A_46 : memref<128x128xf32, #tpu.memory_space<vmem_shared>>) target_semaphore(%run_scoped3A : memref<!tpu.dma_semaphore, #tpu.memory_space<semaphore_mem>>)
      %dma_wait3A = arith.constant 0 : i32
      %dma_wait3A_50 = arith.constant 0 : i32
      %dma_wait3A_51 = tpu.memref_slice %arg10[%dma_wait3A, %dma_wait3A_50] : memref<128x128xf32, #tpu.memory_space<vmem>> -> memref<128x128xf32, #tpu.memory_space<vmem>>
      %dma_wait3A_52 = arith.constant 0 : i32
      %dma_wait3A_53 = tpu.memref_slice %arg12[%add3A_26, %dma_wait3A_52] : memref<10240x128xf32, #tpu.memory_space<vmem_shared>> -> memref<128x128xf32, #tpu.memory_space<vmem_shared>>
      %dma_wait3A_54 = arith.constant 0 : i32
      %dma_wait3A_55 = tpu.memref_slice %arg12[%add3A_26, %dma_wait3A_54] : memref<10240x128xf32, #tpu.memory_space<vmem_shared>> -> memref<128x128xf32, #tpu.memory_space<vmem_shared>>
      %dma_wait3A_56 = arith.constant 0 : i32
      %dma_wait3A_57 = arith.constant 0 : i32
      %dma_wait3A_58 = tpu.memref_slice %arg10[%dma_wait3A_56, %dma_wait3A_57] : memref<128x128xf32, #tpu.memory_space<vmem>> -> memref<128x128xf32, #tpu.memory_space<vmem>>
      tpu.wait_dma2 semaphore(%run_scoped3A : memref<!tpu.dma_semaphore, #tpu.memory_space<semaphore_mem>>) src(%dma_wait3A_58 : memref<128x128xf32, #tpu.memory_space<vmem>>) dst(%dma_wait3A_55 : memref<128x128xf32, #tpu.memory_space<vmem_shared>>)
      tpu.yield
    }) : () -> ()
    %barrier3A = arith.constant 0 : index
    tpu.barrier barrier_id(%barrier3A)
    %mul3A_27 = arith.constant 80 : i32
    %mul3A_28 = arith.muli %add3A, %mul3A_27 : i32
    %scan3A_29 = arith.constant 0 : i32
    %scan3A_30 = arith.constant 0 : i32
    %scan3A_31 = arith.constant 5 : i32
    %scan3A_32 = arith.addi %scan3A_30, %scan3A_31 : i32
    %scan3A_33 = arith.constant 1 : i32
    %scan3A_34 = scf.for %scan3A_41 = %scan3A_30 to %scan3A_32 step %scan3A_33 iter_args(%scan3A_42 = %scan3A_29) -> (i32)  : i32 {
      %mul3A_43 = arith.constant 16 : i32
      %mul3A_44 = arith.muli %scan3A_41, %mul3A_43 : i32
      %add3A_45 = arith.addi %mul3A_28, %mul3A_44 : i32
      "tpu.region"() ({
        %run_scoped3A = tpu.sem_alloc : memref<!tpu.dma_semaphore, #tpu.memory_space<semaphore_mem>>
        %dma_start3A = arith.constant 0 : i32
        %dma_start3A_65 = tpu.memref_slice %arg2[%add3A_45, %dma_start3A] : memref<2560x128xi32, #tpu.memory_space<hbm>> -> memref<16x128xi32, #tpu.memory_space<hbm>>
        %dma_start3A_66 = arith.constant 0 : i32
        %dma_start3A_67 = tpu.memref_slice %arg2[%add3A_45, %dma_start3A_66] : memref<2560x128xi32, #tpu.memory_space<hbm>> -> memref<16x128xi32, #tpu.memory_space<hbm>>
        tpu.enqueue_dma source(%dma_start3A_67 : memref<16x128xi32, #tpu.memory_space<hbm>>) target(%arg7 : memref<16x128xi32, #tpu.memory_space<vmem>>) target_semaphore(%run_scoped3A : memref<!tpu.dma_semaphore, #tpu.memory_space<semaphore_mem>>)
        %dma_wait3A_68 = arith.constant 0 : i32
        %dma_wait3A_69 = tpu.memref_slice %arg2[%add3A_45, %dma_wait3A_68] : memref<2560x128xi32, #tpu.memory_space<hbm>> -> memref<16x128xi32, #tpu.memory_space<hbm>>
        %dma_wait3A_70 = arith.constant 0 : i32
        %dma_wait3A_71 = tpu.memref_slice %arg2[%add3A_45, %dma_wait3A_70] : memref<2560x128xi32, #tpu.memory_space<hbm>> -> memref<16x128xi32, #tpu.memory_space<hbm>>
        tpu.wait_dma2 semaphore(%run_scoped3A : memref<!tpu.dma_semaphore, #tpu.memory_space<semaphore_mem>>) src(%dma_wait3A_71 : memref<16x128xi32, #tpu.memory_space<hbm>>) dst(%arg7 : memref<16x128xi32, #tpu.memory_space<vmem>>)
        tpu.yield
      }) : () -> ()
      "tpu.region"() ({
        %run_scoped3A = tpu.sem_alloc : memref<!tpu.dma_semaphore, #tpu.memory_space<semaphore_mem>>
        %dma_start3A = arith.constant 0 : i32
        %dma_start3A_65 = tpu.memref_slice %arg3[%add3A_45, %dma_start3A] : memref<2560x128xi32, #tpu.memory_space<hbm>> -> memref<16x128xi32, #tpu.memory_space<hbm>>
        %dma_start3A_66 = arith.constant 0 : i32
        %dma_start3A_67 = tpu.memref_slice %arg3[%add3A_45, %dma_start3A_66] : memref<2560x128xi32, #tpu.memory_space<hbm>> -> memref<16x128xi32, #tpu.memory_space<hbm>>
        tpu.enqueue_dma source(%dma_start3A_67 : memref<16x128xi32, #tpu.memory_space<hbm>>) target(%arg8 : memref<16x128xi32, #tpu.memory_space<vmem>>) target_semaphore(%run_scoped3A : memref<!tpu.dma_semaphore, #tpu.memory_space<semaphore_mem>>)
        %dma_wait3A_68 = arith.constant 0 : i32
        %dma_wait3A_69 = tpu.memref_slice %arg3[%add3A_45, %dma_wait3A_68] : memref<2560x128xi32, #tpu.memory_space<hbm>> -> memref<16x128xi32, #tpu.memory_space<hbm>>
        %dma_wait3A_70 = arith.constant 0 : i32
        %dma_wait3A_71 = tpu.memref_slice %arg3[%add3A_45, %dma_wait3A_70] : memref<2560x128xi32, #tpu.memory_space<hbm>> -> memref<16x128xi32, #tpu.memory_space<hbm>>
        tpu.wait_dma2 semaphore(%run_scoped3A : memref<!tpu.dma_semaphore, #tpu.memory_space<semaphore_mem>>) src(%dma_wait3A_71 : memref<16x128xi32, #tpu.memory_space<hbm>>) dst(%arg8 : memref<16x128xi32, #tpu.memory_space<vmem>>)
        tpu.yield
      }) : () -> ()
      "tpu.region"() ({
        %run_scoped3A = tpu.sem_alloc : memref<!tpu.dma_semaphore, #tpu.memory_space<semaphore_mem>>
        %dma_start3A = arith.constant 0 : i32
        %dma_start3A_65 = tpu.memref_slice %arg4[%add3A_45, %dma_start3A] : memref<2560x128xf32, #tpu.memory_space<hbm>> -> memref<16x128xf32, #tpu.memory_space<hbm>>
        %dma_start3A_66 = arith.constant 0 : i32
        %dma_start3A_67 = tpu.memref_slice %arg4[%add3A_45, %dma_start3A_66] : memref<2560x128xf32, #tpu.memory_space<hbm>> -> memref<16x128xf32, #tpu.memory_space<hbm>>
        tpu.enqueue_dma source(%dma_start3A_67 : memref<16x128xf32, #tpu.memory_space<hbm>>) target(%arg9 : memref<16x128xf32, #tpu.memory_space<vmem>>) target_semaphore(%run_scoped3A : memref<!tpu.dma_semaphore, #tpu.memory_space<semaphore_mem>>)
        %dma_wait3A_68 = arith.constant 0 : i32
        %dma_wait3A_69 = tpu.memref_slice %arg4[%add3A_45, %dma_wait3A_68] : memref<2560x128xf32, #tpu.memory_space<hbm>> -> memref<16x128xf32, #tpu.memory_space<hbm>>
        %dma_wait3A_70 = arith.constant 0 : i32
        %dma_wait3A_71 = tpu.memref_slice %arg4[%add3A_45, %dma_wait3A_70] : memref<2560x128xf32, #tpu.memory_space<hbm>> -> memref<16x128xf32, #tpu.memory_space<hbm>>
        tpu.wait_dma2 semaphore(%run_scoped3A : memref<!tpu.dma_semaphore, #tpu.memory_space<semaphore_mem>>) src(%dma_wait3A_71 : memref<16x128xf32, #tpu.memory_space<hbm>>) dst(%arg9 : memref<16x128xf32, #tpu.memory_space<vmem>>)
        tpu.yield
      }) : () -> ()
      %scan3A_46 = arith.constant 0 : i32
      %scan3A_47 = arith.constant 0 : i32
      %scan3A_48 = arith.constant 8 : i32
      %scan3A_49 = arith.addi %scan3A_47, %scan3A_48 : i32
      %scan3A_50 = arith.constant 1 : i32
      %scan3A_51 = scf.for %scan3A_65 = %scan3A_47 to %scan3A_49 step %scan3A_50 iter_args(%scan3A_66 = %scan3A_46) -> (i32)  : i32 {
        %mul3A_67 = arith.constant 2 : i32
        %mul3A_68 = arith.muli %scan3A_65, %mul3A_67 : i32
        %add3A_69 = arith.constant 0 : i32
        %add3A_70 = arith.addi %mul3A_68, %add3A_69 : i32
        %gt3A = arith.constant 0 : i32
        %gt3A_71 = arith.cmpi sgt, %scan3A_65, %gt3A : i32
        %convert_element_type3A = arith.extui %gt3A_71 : i1 to i32
        %cond3A = arith.constant 0 : i32
        %cond3A_72 = arith.cmpi ne, %convert_element_type3A, %cond3A : i32
        scf.if %cond3A_72 {
          %dma_wait3A_140 = arith.constant 0 : i32
          %dma_wait3A_141 = arith.constant 0 : i32
          %dma_wait3A_142 = tpu.memref_slice %arg5[%dma_wait3A_140, %dma_wait3A_141] : memref<10000x128xf32, #tpu.memory_space<hbm>> -> memref<128x128xf32, #tpu.memory_space<hbm>>
          %dma_wait3A_143 = arith.constant 0 : i32
          %dma_wait3A_144 = arith.constant 0 : i32
          %dma_wait3A_145 = tpu.memref_slice %arg5[%dma_wait3A_143, %dma_wait3A_144] : memref<10000x128xf32, #tpu.memory_space<hbm>> -> memref<128x128xf32, #tpu.memory_space<hbm>>
          tpu.wait_dma2 semaphore(%arg15 : memref<!tpu.dma_semaphore, #tpu.memory_space<semaphore_mem>>) src(%dma_wait3A_145 : memref<128x128xf32, #tpu.memory_space<hbm>>) dst(%arg10 : memref<128x128xf32, #tpu.memory_space<vmem>>)
        } else {
        }
        %dma_start3A = arith.constant 0 : i32
        %dma_start3A_73 = tpu.memref_slice %arg7[%add3A_70, %dma_start3A] : memref<16x128xi32, #tpu.memory_space<vmem>> -> memref<1x128xi32, #tpu.memory_space<vmem>>
        %dma_start3A_74 = tpu.memref_squeeze %dma_start3A_73 : memref<1x128xi32, #tpu.memory_space<vmem>> -> memref<128xi32, #tpu.memory_space<vmem>>
        %dma_start3A_75 = arith.constant 0 : i32
        %dma_start3A_76 = arith.constant 0 : i32
        %dma_start3A_77 = tpu.memref_slice %arg5[%dma_start3A_75, %dma_start3A_76] : memref<10000x128xf32, #tpu.memory_space<hbm>> -> memref<10000x128xf32, #tpu.memory_space<hbm>>
        tpu.enqueue_indirect_dma source(%dma_start3A_77 : memref<10000x128xf32, #tpu.memory_space<hbm>>) target(%arg10 : memref<128x128xf32, #tpu.memory_space<vmem>>) offsets(%dma_start3A_74 : memref<128xi32, #tpu.memory_space<vmem>>) semaphore(%arg13 : memref<!tpu.dma_semaphore, #tpu.memory_space<semaphore_mem>>)
        %mul3A_78 = arith.constant 2 : i32
        %mul3A_79 = arith.muli %scan3A_65, %mul3A_78 : i32
        %add3A_80 = arith.constant 1 : i32
        %add3A_81 = arith.addi %mul3A_79, %add3A_80 : i32
        %gt3A_82 = arith.constant 0 : i32
        %gt3A_83 = arith.cmpi sgt, %scan3A_65, %gt3A_82 : i32
        %convert_element_type3A_84 = arith.extui %gt3A_83 : i1 to i32
        %cond3A_85 = arith.constant 0 : i32
        %cond3A_86 = arith.cmpi ne, %convert_element_type3A_84, %cond3A_85 : i32
        scf.if %cond3A_86 {
          %dma_wait3A_140 = arith.constant 0 : i32
          %dma_wait3A_141 = arith.constant 0 : i32
          %dma_wait3A_142 = tpu.memref_slice %arg5[%dma_wait3A_140, %dma_wait3A_141] : memref<10000x128xf32, #tpu.memory_space<hbm>> -> memref<128x128xf32, #tpu.memory_space<hbm>>
          %dma_wait3A_143 = arith.constant 0 : i32
          %dma_wait3A_144 = arith.constant 0 : i32
          %dma_wait3A_145 = tpu.memref_slice %arg5[%dma_wait3A_143, %dma_wait3A_144] : memref<10000x128xf32, #tpu.memory_space<hbm>> -> memref<128x128xf32, #tpu.memory_space<hbm>>
          tpu.wait_dma2 semaphore(%arg16 : memref<!tpu.dma_semaphore, #tpu.memory_space<semaphore_mem>>) src(%dma_wait3A_145 : memref<128x128xf32, #tpu.memory_space<hbm>>) dst(%arg11 : memref<128x128xf32, #tpu.memory_space<vmem>>)
        } else {
        }
        %dma_start3A_87 = arith.constant 0 : i32
        %dma_start3A_88 = tpu.memref_slice %arg7[%add3A_81, %dma_start3A_87] : memref<16x128xi32, #tpu.memory_space<vmem>> -> memref<1x128xi32, #tpu.memory_space<vmem>>
        %dma_start3A_89 = tpu.memref_squeeze %dma_start3A_88 : memref<1x128xi32, #tpu.memory_space<vmem>> -> memref<128xi32, #tpu.memory_space<vmem>>
        %dma_start3A_90 = arith.constant 0 : i32
        %dma_start3A_91 = arith.constant 0 : i32
        %dma_start3A_92 = tpu.memref_slice %arg5[%dma_start3A_90, %dma_start3A_91] : memref<10000x128xf32, #tpu.memory_space<hbm>> -> memref<10000x128xf32, #tpu.memory_space<hbm>>
        tpu.enqueue_indirect_dma source(%dma_start3A_92 : memref<10000x128xf32, #tpu.memory_space<hbm>>) target(%arg11 : memref<128x128xf32, #tpu.memory_space<vmem>>) offsets(%dma_start3A_89 : memref<128xi32, #tpu.memory_space<vmem>>) semaphore(%arg14 : memref<!tpu.dma_semaphore, #tpu.memory_space<semaphore_mem>>)
        %mul3A_93 = arith.constant 2 : i32
        %mul3A_94 = arith.muli %scan3A_65, %mul3A_93 : i32
        %add3A_95 = arith.constant 0 : i32
        %add3A_96 = arith.addi %mul3A_94, %add3A_95 : i32
        %dma_wait3A_97 = arith.constant 0 : i32
        %dma_wait3A_98 = arith.constant 0 : i32
        %dma_wait3A_99 = tpu.memref_slice %arg5[%dma_wait3A_97, %dma_wait3A_98] : memref<10000x128xf32, #tpu.memory_space<hbm>> -> memref<128x128xf32, #tpu.memory_space<hbm>>
        %dma_wait3A_100 = arith.constant 0 : i32
        %dma_wait3A_101 = arith.constant 0 : i32
        %dma_wait3A_102 = tpu.memref_slice %arg5[%dma_wait3A_100, %dma_wait3A_101] : memref<10000x128xf32, #tpu.memory_space<hbm>> -> memref<128x128xf32, #tpu.memory_space<hbm>>
        tpu.wait_dma2 semaphore(%arg13 : memref<!tpu.dma_semaphore, #tpu.memory_space<semaphore_mem>>) src(%dma_wait3A_102 : memref<128x128xf32, #tpu.memory_space<hbm>>) dst(%arg10 : memref<128x128xf32, #tpu.memory_space<vmem>>)
        %scan3A_103 = arith.constant 0 : i32
        %scan3A_104 = arith.constant 0 : i32
        %scan3A_105 = arith.constant 8 : i32
        %scan3A_106 = arith.addi %scan3A_104, %scan3A_105 : i32
        %scan3A_107 = arith.constant 1 : i32
        %scan3A_108 = scf.for %scan3A_140 = %scan3A_104 to %scan3A_106 step %scan3A_107 iter_args(%scan3A_141 = %scan3A_103) -> (i32)  : i32 {
          %mul3A_142 = arith.constant 16 : i32
          %mul3A_143 = arith.muli %scan3A_140, %mul3A_142 : i32
          %get3A = arith.index_cast %add3A_96 : i32 to index
          %get3A_144 = arith.index_cast %mul3A_143 : i32 to index
          %get3A_145 = tpu.vector_load %arg9[%get3A, %get3A_144] {strides = array<i32>} : memref<16x128xf32, #tpu.memory_space<vmem>>, vector<1x16xf32>,
          %get3A_146 = vector.shape_cast %get3A_145 : vector<1x16xf32> to vector<16xf32>
          %slice3A = vector.extract_strided_slice %get3A_146 {offsets = [0], sizes = [1], strides = [1]} : vector<16xf32> to vector<1xf32>
          %squeeze3A = vector.extract %slice3A[0] : f32 from vector<1xf32>
          %broadcast_in_dim3A = vector.broadcast %squeeze3A : f32 to vector<16xf32>
          %mul3A_147 = arith.constant 16 : i32
          %mul3A_148 = arith.muli %scan3A_140, %mul3A_147 : i32
          %add3A_149 = arith.constant 0 : i32
          %add3A_150 = arith.addi %mul3A_148, %add3A_149 : i32
          %get3A_151 = arith.index_cast %add3A_150 : i32 to index
          %get3A_152 = arith.constant 0 : index
          %get3A_153 = tpu.vector_load %arg10[%get3A_151, %get3A_152] {strides = array<i32>} : memref<128x128xf32, #tpu.memory_space<vmem>>, vector<1x16xf32>,
          %get3A_154 = vector.shape_cast %get3A_153 : vector<1x16xf32> to vector<16xf32>
          %mul3A_155 = arith.mulf %get3A_154, %broadcast_in_dim3A : vector<16xf32>
          %mul3A_156 = arith.constant 16 : i32
          %mul3A_157 = arith.muli %scan3A_140, %mul3A_156 : i32
          %add3A_158 = arith.constant 0 : i32
          %add3A_159 = arith.addi %mul3A_157, %add3A_158 : i32
          %swap3A = arith.index_cast %add3A_159 : i32 to index
          %swap3A_160 = arith.constant 0 : index
          %swap3A_161 = tpu.vector_load %arg10[%swap3A, %swap3A_160] {strides = array<i32>} : memref<128x128xf32, #tpu.memory_space<vmem>>, vector<1x16xf32>,
          %swap3A_162 = vector.shape_cast %swap3A_161 : vector<1x16xf32> to vector<16xf32>
          %swap3A_163 = vector.shape_cast %mul3A_155 : vector<16xf32> to vector<1x16xf32>
          tpu.vector_store %arg10[%swap3A, %swap3A_160], %swap3A_163 {strides = array<i32>} : memref<128x128xf32, #tpu.memory_space<vmem>>, vector<1x16xf32>,
          %mul3A_164 = arith.constant 16 : i32
          %mul3A_165 = arith.muli %scan3A_140, %mul3A_164 : i32
          %add3A_166 = arith.constant 0 : i32
          %add3A_167 = arith.addi %mul3A_165, %add3A_166 : i32
          %get3A_168 = arith.index_cast %add3A_167 : i32 to index
          %get3A_169 = arith.constant 16 : index
          %get3A_170 = tpu.vector_load %arg10[%get3A_168, %get3A_169] {strides = array<i32>} : memref<128x128xf32, #tpu.memory_space<vmem>>, vector<1x16xf32>,
          %get3A_171 = vector.shape_cast %get3A_170 : vector<1x16xf32> to vector<16xf32>
          %mul3A_172 = arith.mulf %get3A_171, %broadcast_in_dim3A : vector<16xf32>
          %mul3A_173 = arith.constant 16 : i32
          %mul3A_174 = arith.muli %scan3A_140, %mul3A_173 : i32
          %add3A_175 = arith.constant 0 : i32
          %add3A_176 = arith.addi %mul3A_174, %add3A_175 : i32
          %swap3A_177 = arith.index_cast %add3A_176 : i32 to index
          %swap3A_178 = arith.constant 16 : index
          %swap3A_179 = tpu.vector_load %arg10[%swap3A_177, %swap3A_178] {strides = array<i32>} : memref<128x128xf32, #tpu.memory_space<vmem>>, vector<1x16xf32>,
          %swap3A_180 = vector.shape_cast %swap3A_179 : vector<1x16xf32> to vector<16xf32>
          %swap3A_181 = vector.shape_cast %mul3A_172 : vector<16xf32> to vector<1x16xf32>
          tpu.vector_store %arg10[%swap3A_177, %swap3A_178], %swap3A_181 {strides = array<i32>} : memref<128x128xf32, #tpu.memory_space<vmem>>, vector<1x16xf32>,
          %mul3A_182 = arith.constant 16 : i32
          %mul3A_183 = arith.muli %scan3A_140, %mul3A_182 : i32
          %add3A_184 = arith.constant 0 : i32
          %add3A_185 = arith.addi %mul3A_183, %add3A_184 : i32
          %get3A_186 = arith.index_cast %add3A_185 : i32 to index
          %get3A_187 = arith.constant 32 : index
          %get3A_188 = tpu.vector_load %arg10[%get3A_186, %get3A_187] {strides = array<i32>} : memref<128x128xf32, #tpu.memory_space<vmem>>, vector<1x16xf32>,
          %get3A_189 = vector.shape_cast %get3A_188 : vector<1x16xf32> to vector<16xf32>
          %mul3A_190 = arith.mulf %get3A_189, %broadcast_in_dim3A : vector<16xf32>
          %mul3A_191 = arith.constant 16 : i32
          %mul3A_192 = arith.muli %scan3A_140, %mul3A_191 : i32
          %add3A_193 = arith.constant 0 : i32
          %add3A_194 = arith.addi %mul3A_192, %add3A_193 : i32
          %swap3A_195 = arith.index_cast %add3A_194 : i32 to index
          %swap3A_196 = arith.constant 32 : index
          %swap3A_197 = tpu.vector_load %arg10[%swap3A_195, %swap3A_196] {strides = array<i32>} : memref<128x128xf32, #tpu.memory_space<vmem>>, vector<1x16xf32>,
          %swap3A_198 = vector.shape_cast %swap3A_197 : vector<1x16xf32> to vector<16xf32>
          %swap3A_199 = vector.shape_cast %mul3A_190 : vector<16xf32> to vector<1x16xf32>
          tpu.vector_store %arg10[%swap3A_195, %swap3A_196], %swap3A_199 {strides = array<i32>} : memref<128x128xf32, #tpu.memory_space<vmem>>, vector<1x16xf32>,
          %mul3A_200 = arith.constant 16 : i32
          %mul3A_201 = arith.muli %scan3A_140, %mul3A_200 : i32
          %add3A_202 = arith.constant 0 : i32
          %add3A_203 = arith.addi %mul3A_201, %add3A_202 : i32
          %get3A_204 = arith.index_cast %add3A_203 : i32 to index
          %get3A_205 = arith.constant 48 : index
          %get3A_206 = tpu.vector_load %arg10[%get3A_204, %get3A_205] {strides = array<i32>} : memref<128x128xf32, #tpu.memory_space<vmem>>, vector<1x16xf32>,
          %get3A_207 = vector.shape_cast %get3A_206 : vector<1x16xf32> to vector<16xf32>
          %mul3A_208 = arith.mulf %get3A_207, %broadcast_in_dim3A : vector<16xf32>
          %mul3A_209 = arith.constant 16 : i32
          %mul3A_210 = arith.muli %scan3A_140, %mul3A_209 : i32
          %add3A_211 = arith.constant 0 : i32
          %add3A_212 = arith.addi %mul3A_210, %add3A_211 : i32
          %swap3A_213 = arith.index_cast %add3A_212 : i32 to index
          %swap3A_214 = arith.constant 48 : index
          %swap3A_215 = tpu.vector_load %arg10[%swap3A_213, %swap3A_214] {strides = array<i32>} : memref<128x128xf32, #tpu.memory_space<vmem>>, vector<1x16xf32>,
          %swap3A_216 = vector.shape_cast %swap3A_215 : vector<1x16xf32> to vector<16xf32>
          %swap3A_217 = vector.shape_cast %mul3A_208 : vector<16xf32> to vector<1x16xf32>
          tpu.vector_store %arg10[%swap3A_213, %swap3A_214], %swap3A_217 {strides = array<i32>} : memref<128x128xf32, #tpu.memory_space<vmem>>, vector<1x16xf32>,
          %mul3A_218 = arith.constant 16 : i32
          %mul3A_219 = arith.muli %scan3A_140, %mul3A_218 : i32
          %add3A_220 = arith.constant 0 : i32
          %add3A_221 = arith.addi %mul3A_219, %add3A_220 : i32
          %get3A_222 = arith.index_cast %add3A_221 : i32 to index
          %get3A_223 = arith.constant 64 : index
          %get3A_224 = tpu.vector_load %arg10[%get3A_222, %get3A_223] {strides = array<i32>} : memref<128x128xf32, #tpu.memory_space<vmem>>, vector<1x16xf32>,
          %get3A_225 = vector.shape_cast %get3A_224 : vector<1x16xf32> to vector<16xf32>
          %mul3A_226 = arith.mulf %get3A_225, %broadcast_in_dim3A : vector<16xf32>
          %mul3A_227 = arith.constant 16 : i32
          %mul3A_228 = arith.muli %scan3A_140, %mul3A_227 : i32
          %add3A_229 = arith.constant 0 : i32
          %add3A_230 = arith.addi %mul3A_228, %add3A_229 : i32
          %swap3A_231 = arith.index_cast %add3A_230 : i32 to index
          %swap3A_232 = arith.constant 64 : index
          %swap3A_233 = tpu.vector_load %arg10[%swap3A_231, %swap3A_232] {strides = array<i32>} : memref<128x128xf32, #tpu.memory_space<vmem>>, vector<1x16xf32>,
          %swap3A_234 = vector.shape_cast %swap3A_233 : vector<1x16xf32> to vector<16xf32>
          %swap3A_235 = vector.shape_cast %mul3A_226 : vector<16xf32> to vector<1x16xf32>
          tpu.vector_store %arg10[%swap3A_231, %swap3A_232], %swap3A_235 {strides = array<i32>} : memref<128x128xf32, #tpu.memory_space<vmem>>, vector<1x16xf32>,
          %mul3A_236 = arith.constant 16 : i32
          %mul3A_237 = arith.muli %scan3A_140, %mul3A_236 : i32
          %add3A_238 = arith.constant 0 : i32
          %add3A_239 = arith.addi %mul3A_237, %add3A_238 : i32
          %get3A_240 = arith.index_cast %add3A_239 : i32 to index
          %get3A_241 = arith.constant 80 : index
          %get3A_242 = tpu.vector_load %arg10[%get3A_240, %get3A_241] {strides = array<i32>} : memref<128x128xf32, #tpu.memory_space<vmem>>, vector<1x16xf32>,
          %get3A_243 = vector.shape_cast %get3A_242 : vector<1x16xf32> to vector<16xf32>
          %mul3A_244 = arith.mulf %get3A_243, %broadcast_in_dim3A : vector<16xf32>
          %mul3A_245 = arith.constant 16 : i32
          %mul3A_246 = arith.muli %scan3A_140, %mul3A_245 : i32
          %add3A_247 = arith.constant 0 : i32
          %add3A_248 = arith.addi %mul3A_246, %add3A_247 : i32
          %swap3A_249 = arith.index_cast %add3A_248 : i32 to index
          %swap3A_250 = arith.constant 80 : index
          %swap3A_251 = tpu.vector_load %arg10[%swap3A_249, %swap3A_250] {strides = array<i32>} : memref<128x128xf32, #tpu.memory_space<vmem>>, vector<1x16xf32>,
          %swap3A_252 = vector.shape_cast %swap3A_251 : vector<1x16xf32> to vector<16xf32>
          %swap3A_253 = vector.shape_cast %mul3A_244 : vector<16xf32> to vector<1x16xf32>
          tpu.vector_store %arg10[%swap3A_249, %swap3A_250], %swap3A_253 {strides = array<i32>} : memref<128x128xf32, #tpu.memory_space<vmem>>, vector<1x16xf32>,
          %mul3A_254 = arith.constant 16 : i32
          %mul3A_255 = arith.muli %scan3A_140, %mul3A_254 : i32
          %add3A_256 = arith.constant 0 : i32
          %add3A_257 = arith.addi %mul3A_255, %add3A_256 : i32
          %get3A_258 = arith.index_cast %add3A_257 : i32 to index
          %get3A_259 = arith.constant 96 : index
          %get3A_260 = tpu.vector_load %arg10[%get3A_258, %get3A_259] {strides = array<i32>} : memref<128x128xf32, #tpu.memory_space<vmem>>, vector<1x16xf32>,
          %get3A_261 = vector.shape_cast %get3A_260 : vector<1x16xf32> to vector<16xf32>
          %mul3A_262 = arith.mulf %get3A_261, %broadcast_in_dim3A : vector<16xf32>
          %mul3A_263 = arith.constant 16 : i32
          %mul3A_264 = arith.muli %scan3A_140, %mul3A_263 : i32
          %add3A_265 = arith.constant 0 : i32
          %add3A_266 = arith.addi %mul3A_264, %add3A_265 : i32
          %swap3A_267 = arith.index_cast %add3A_266 : i32 to index
          %swap3A_268 = arith.constant 96 : index
          %swap3A_269 = tpu.vector_load %arg10[%swap3A_267, %swap3A_268] {strides = array<i32>} : memref<128x128xf32, #tpu.memory_space<vmem>>, vector<1x16xf32>,
          %swap3A_270 = vector.shape_cast %swap3A_269 : vector<1x16xf32> to vector<16xf32>
          %swap3A_271 = vector.shape_cast %mul3A_262 : vector<16xf32> to vector<1x16xf32>
          tpu.vector_store %arg10[%swap3A_267, %swap3A_268], %swap3A_271 {strides = array<i32>} : memref<128x128xf32, #tpu.memory_space<vmem>>, vector<1x16xf32>,
          %mul3A_272 = arith.constant 16 : i32
          %mul3A_273 = arith.muli %scan3A_140, %mul3A_272 : i32
          %add3A_274 = arith.constant 0 : i32
          %add3A_275 = arith.addi %mul3A_273, %add3A_274 : i32
          %get3A_276 = arith.index_cast %add3A_275 : i32 to index
          %get3A_277 = arith.constant 112 : index
          %get3A_278 = tpu.vector_load %arg10[%get3A_276, %get3A_277] {strides = array<i32>} : memref<128x128xf32, #tpu.memory_space<vmem>>, vector<1x16xf32>,
          %get3A_279 = vector.shape_cast %get3A_278 : vector<1x16xf32> to vector<16xf32>
          %mul3A_280 = arith.mulf %get3A_279, %broadcast_in_dim3A : vector<16xf32>
          %mul3A_281 = arith.constant 16 : i32
          %mul3A_282 = arith.muli %scan3A_140, %mul3A_281 : i32
          %add3A_283 = arith.constant 0 : i32
          %add3A_284 = arith.addi %mul3A_282, %add3A_283 : i32
          %swap3A_285 = arith.index_cast %add3A_284 : i32 to index
          %swap3A_286 = arith.constant 112 : index
          %swap3A_287 = tpu.vector_load %arg10[%swap3A_285, %swap3A_286] {strides = array<i32>} : memref<128x128xf32, #tpu.memory_space<vmem>>, vector<1x16xf32>,
          %swap3A_288 = vector.shape_cast %swap3A_287 : vector<1x16xf32> to vector<16xf32>
          %swap3A_289 = vector.shape_cast %mul3A_280 : vector<16xf32> to vector<1x16xf32>
          tpu.vector_store %arg10[%swap3A_285, %swap3A_286], %swap3A_289 {strides = array<i32>} : memref<128x128xf32, #tpu.memory_space<vmem>>, vector<1x16xf32>,
          %slice3A_290 = vector.extract_strided_slice %get3A_146 {offsets = [1], sizes = [1], strides = [1]} : vector<16xf32> to vector<1xf32>
          %squeeze3A_291 = vector.extract %slice3A_290[0] : f32 from vector<1xf32>
          %broadcast_in_dim3A_292 = vector.broadcast %squeeze3A_291 : f32 to vector<16xf32>
          %mul3A_293 = arith.constant 16 : i32
          %mul3A_294 = arith.muli %scan3A_140, %mul3A_293 : i32
          %add3A_295 = arith.constant 1 : i32
          %add3A_296 = arith.addi %mul3A_294, %add3A_295 : i32
          %get3A_297 = arith.index_cast %add3A_296 : i32 to index
          %get3A_298 = arith.constant 0 : index
          %get3A_299 = tpu.vector_load %arg10[%get3A_297, %get3A_298] {strides = array<i32>} : memref<128x128xf32, #tpu.memory_space<vmem>>, vector<1x16xf32>,
          %get3A_300 = vector.shape_cast %get3A_299 : vector<1x16xf32> to vector<16xf32>
          %mul3A_301 = arith.mulf %get3A_300, %broadcast_in_dim3A_292 : vector<16xf32>
          %mul3A_302 = arith.constant 16 : i32
          %mul3A_303 = arith.muli %scan3A_140, %mul3A_302 : i32
          %add3A_304 = arith.constant 1 : i32
          %add3A_305 = arith.addi %mul3A_303, %add3A_304 : i32
          %swap3A_306 = arith.index_cast %add3A_305 : i32 to index
          %swap3A_307 = arith.constant 0 : index
          %swap3A_308 = tpu.vector_load %arg10[%swap3A_306, %swap3A_307] {strides = array<i32>} : memref<128x128xf32, #tpu.memory_space<vmem>>, vector<1x16xf32>,
          %swap3A_309 = vector.shape_cast %swap3A_308 : vector<1x16xf32> to vector<16xf32>
          %swap3A_310 = vector.shape_cast %mul3A_301 : vector<16xf32> to vector<1x16xf32>
          tpu.vector_store %arg10[%swap3A_306, %swap3A_307], %swap3A_310 {strides = array<i32>} : memref<128x128xf32, #tpu.memory_space<vmem>>, vector<1x16xf32>,
          %mul3A_311 = arith.constant 16 : i32
          %mul3A_312 = arith.muli %scan3A_140, %mul3A_311 : i32
          %add3A_313 = arith.constant 1 : i32
          %add3A_314 = arith.addi %mul3A_312, %add3A_313 : i32
          %get3A_315 = arith.index_cast %add3A_314 : i32 to index
          %get3A_316 = arith.constant 16 : index
          %get3A_317 = tpu.vector_load %arg10[%get3A_315, %get3A_316] {strides = array<i32>} : memref<128x128xf32, #tpu.memory_space<vmem>>, vector<1x16xf32>,
          %get3A_318 = vector.shape_cast %get3A_317 : vector<1x16xf32> to vector<16xf32>
          %mul3A_319 = arith.mulf %get3A_318, %broadcast_in_dim3A_292 : vector<16xf32>
          %mul3A_320 = arith.constant 16 : i32
          %mul3A_321 = arith.muli %scan3A_140, %mul3A_320 : i32
          %add3A_322 = arith.constant 1 : i32
          %add3A_323 = arith.addi %mul3A_321, %add3A_322 : i32
          %swap3A_324 = arith.index_cast %add3A_323 : i32 to index
          %swap3A_325 = arith.constant 16 : index
          %swap3A_326 = tpu.vector_load %arg10[%swap3A_324, %swap3A_325] {strides = array<i32>} : memref<128x128xf32, #tpu.memory_space<vmem>>, vector<1x16xf32>,
          %swap3A_327 = vector.shape_cast %swap3A_326 : vector<1x16xf32> to vector<16xf32>
          %swap3A_328 = vector.shape_cast %mul3A_319 : vector<16xf32> to vector<1x16xf32>
          tpu.vector_store %arg10[%swap3A_324, %swap3A_325], %swap3A_328 {strides = array<i32>} : memref<128x128xf32, #tpu.memory_space<vmem>>, vector<1x16xf32>,
          %mul3A_329 = arith.constant 16 : i32
          %mul3A_330 = arith.muli %scan3A_140, %mul3A_329 : i32
          %add3A_331 = arith.constant 1 : i32
          %add3A_332 = arith.addi %mul3A_330, %add3A_331 : i32
          %get3A_333 = arith.index_cast %add3A_332 : i32 to index
          %get3A_334 = arith.constant 32 : index
          %get3A_335 = tpu.vector_load %arg10[%get3A_333, %get3A_334] {strides = array<i32>} : memref<128x128xf32, #tpu.memory_space<vmem>>, vector<1x16xf32>,
          %get3A_336 = vector.shape_cast %get3A_335 : vector<1x16xf32> to vector<16xf32>
          %mul3A_337 = arith.mulf %get3A_336, %broadcast_in_dim3A_292 : vector<16xf32>
          %mul3A_338 = arith.constant 16 : i32
          %mul3A_339 = arith.muli %scan3A_140, %mul3A_338 : i32
          %add3A_340 = arith.constant 1 : i32
          %add3A_341 = arith.addi %mul3A_339, %add3A_340 : i32
          %swap3A_342 = arith.index_cast %add3A_341 : i32 to index
          %swap3A_343 = arith.constant 32 : index
          %swap3A_344 = tpu.vector_load %arg10[%swap3A_342, %swap3A_343] {strides = array<i32>} : memref<128x128xf32, #tpu.memory_space<vmem>>, vector<1x16xf32>,
          %swap3A_345 = vector.shape_cast %swap3A_344 : vector<1x16xf32> to vector<16xf32>
          %swap3A_346 = vector.shape_cast %mul3A_337 : vector<16xf32> to vector<1x16xf32>
          tpu.vector_store %arg10[%swap3A_342, %swap3A_343], %swap3A_346 {strides = array<i32>} : memref<128x128xf32, #tpu.memory_space<vmem>>, vector<1x16xf32>,
          %mul3A_347 = arith.constant 16 : i32
          %mul3A_348 = arith.muli %scan3A_140, %mul3A_347 : i32
          %add3A_349 = arith.constant 1 : i32
          %add3A_350 = arith.addi %mul3A_348, %add3A_349 : i32
          %get3A_351 = arith.index_cast %add3A_350 : i32 to index
          %get3A_352 = arith.constant 48 : index
          %get3A_353 = tpu.vector_load %arg10[%get3A_351, %get3A_352] {strides = array<i32>} : memref<128x128xf32, #tpu.memory_space<vmem>>, vector<1x16xf32>,
          %get3A_354 = vector.shape_cast %get3A_353 : vector<1x16xf32> to vector<16xf32>
          %mul3A_355 = arith.mulf %get3A_354, %broadcast_in_dim3A_292 : vector<16xf32>
          %mul3A_356 = arith.constant 16 : i32
          %mul3A_357 = arith.muli %scan3A_140, %mul3A_356 : i32
          %add3A_358 = arith.constant 1 : i32
          %add3A_359 = arith.addi %mul3A_357, %add3A_358 : i32
          %swap3A_360 = arith.index_cast %add3A_359 : i32 to index
          %swap3A_361 = arith.constant 48 : index
          %swap3A_362 = tpu.vector_load %arg10[%swap3A_360, %swap3A_361] {strides = array<i32>} : memref<128x128xf32, #tpu.memory_space<vmem>>, vector<1x16xf32>,
          %swap3A_363 = vector.shape_cast %swap3A_362 : vector<1x16xf32> to vector<16xf32>
          %swap3A_364 = vector.shape_cast %mul3A_355 : vector<16xf32> to vector<1x16xf32>
          tpu.vector_store %arg10[%swap3A_360, %swap3A_361], %swap3A_364 {strides = array<i32>} : memref<128x128xf32, #tpu.memory_space<vmem>>, vector<1x16xf32>,
          %mul3A_365 = arith.constant 16 : i32
          %mul3A_366 = arith.muli %scan3A_140, %mul3A_365 : i32
          %add3A_367 = arith.constant 1 : i32
          %add3A_368 = arith.addi %mul3A_366, %add3A_367 : i32
          %get3A_369 = arith.index_cast %add3A_368 : i32 to index
          %get3A_370 = arith.constant 64 : index
          %get3A_371 = tpu.vector_load %arg10[%get3A_369, %get3A_370] {strides = array<i32>} : memref<128x128xf32, #tpu.memory_space<vmem>>, vector<1x16xf32>,
          %get3A_372 = vector.shape_cast %get3A_371 : vector<1x16xf32> to vector<16xf32>
          %mul3A_373 = arith.mulf %get3A_372, %broadcast_in_dim3A_292 : vector<16xf32>
          %mul3A_374 = arith.constant 16 : i32
          %mul3A_375 = arith.muli %scan3A_140, %mul3A_374 : i32
          %add3A_376 = arith.constant 1 : i32
          %add3A_377 = arith.addi %mul3A_375, %add3A_376 : i32
          %swap3A_378 = arith.index_cast %add3A_377 : i32 to index
          %swap3A_379 = arith.constant 64 : index
          %swap3A_380 = tpu.vector_load %arg10[%swap3A_378, %swap3A_379] {strides = array<i32>} : memref<128x128xf32, #tpu.memory_space<vmem>>, vector<1x16xf32>,
          %swap3A_381 = vector.shape_cast %swap3A_380 : vector<1x16xf32> to vector<16xf32>
          %swap3A_382 = vector.shape_cast %mul3A_373 : vector<16xf32> to vector<1x16xf32>
          tpu.vector_store %arg10[%swap3A_378, %swap3A_379], %swap3A_382 {strides = array<i32>} : memref<128x128xf32, #tpu.memory_space<vmem>>, vector<1x16xf32>,
          %mul3A_383 = arith.constant 16 : i32
          %mul3A_384 = arith.muli %scan3A_140, %mul3A_383 : i32
          %add3A_385 = arith.constant 1 : i32
          %add3A_386 = arith.addi %mul3A_384, %add3A_385 : i32
          %get3A_387 = arith.index_cast %add3A_386 : i32 to index
          %get3A_388 = arith.constant 80 : index
          %get3A_389 = tpu.vector_load %arg10[%get3A_387, %get3A_388] {strides = array<i32>} : memref<128x128xf32, #tpu.memory_space<vmem>>, vector<1x16xf32>,
          %get3A_390 = vector.shape_cast %get3A_389 : vector<1x16xf32> to vector<16xf32>
          %mul3A_391 = arith.mulf %get3A_390, %broadcast_in_dim3A_292 : vector<16xf32>
          %mul3A_392 = arith.constant 16 : i32
          %mul3A_393 = arith.muli %scan3A_140, %mul3A_392 : i32
          %add3A_394 = arith.constant 1 : i32
          %add3A_395 = arith.addi %mul3A_393, %add3A_394 : i32
          %swap3A_396 = arith.index_cast %add3A_395 : i32 to index
          %swap3A_397 = arith.constant 80 : index
          %swap3A_398 = tpu.vector_load %arg10[%swap3A_396, %swap3A_397] {strides = array<i32>} : memref<128x128xf32, #tpu.memory_space<vmem>>, vector<1x16xf32>,
          %swap3A_399 = vector.shape_cast %swap3A_398 : vector<1x16xf32> to vector<16xf32>
          %swap3A_400 = vector.shape_cast %mul3A_391 : vector<16xf32> to vector<1x16xf32>
          tpu.vector_store %arg10[%swap3A_396, %swap3A_397], %swap3A_400 {strides = array<i32>} : memref<128x128xf32, #tpu.memory_space<vmem>>, vector<1x16xf32>,
          %mul3A_401 = arith.constant 16 : i32
          %mul3A_402 = arith.muli %scan3A_140, %mul3A_401 : i32
          %add3A_403 = arith.constant 1 : i32
          %add3A_404 = arith.addi %mul3A_402, %add3A_403 : i32
          %get3A_405 = arith.index_cast %add3A_404 : i32 to index
          %get3A_406 = arith.constant 96 : index
          %get3A_407 = tpu.vector_load %arg10[%get3A_405, %get3A_406] {strides = array<i32>} : memref<128x128xf32, #tpu.memory_space<vmem>>, vector<1x16xf32>,
          %get3A_408 = vector.shape_cast %get3A_407 : vector<1x16xf32> to vector<16xf32>
          %mul3A_409 = arith.mulf %get3A_408, %broadcast_in_dim3A_292 : vector<16xf32>
          %mul3A_410 = arith.constant 16 : i32
          %mul3A_411 = arith.muli %scan3A_140, %mul3A_410 : i32
          %add3A_412 = arith.constant 1 : i32
          %add3A_413 = arith.addi %mul3A_411, %add3A_412 : i32
          %swap3A_414 = arith.index_cast %add3A_413 : i32 to index
          %swap3A_415 = arith.constant 96 : index
          %swap3A_416 = tpu.vector_load %arg10[%swap3A_414, %swap3A_415] {strides = array<i32>} : memref<128x128xf32, #tpu.memory_space<vmem>>, vector<1x16xf32>,
          %swap3A_417 = vector.shape_cast %swap3A_416 : vector<1x16xf32> to vector<16xf32>
          %swap3A_418 = vector.shape_cast %mul3A_409 : vector<16xf32> to vector<1x16xf32>
          tpu.vector_store %arg10[%swap3A_414, %swap3A_415], %swap3A_418 {strides = array<i32>} : memref<128x128xf32, #tpu.memory_space<vmem>>, vector<1x16xf32>,
          %mul3A_419 = arith.constant 16 : i32
          %mul3A_420 = arith.muli %scan3A_140, %mul3A_419 : i32
          %add3A_421 = arith.constant 1 : i32
          %add3A_422 = arith.addi %mul3A_420, %add3A_421 : i32
          %get3A_423 = arith.index_cast %add3A_422 : i32 to index
          %get3A_424 = arith.constant 112 : index
          %get3A_425 = tpu.vector_load %arg10[%get3A_423, %get3A_424] {strides = array<i32>} : memref<128x128xf32, #tpu.memory_space<vmem>>, vector<1x16xf32>,
          %get3A_426 = vector.shape_cast %get3A_425 : vector<1x16xf32> to vector<16xf32>
          %mul3A_427 = arith.mulf %get3A_426, %broadcast_in_dim3A_292 : vector<16xf32>
          %mul3A_428 = arith.constant 16 : i32
          %mul3A_429 = arith.muli %scan3A_140, %mul3A_428 : i32
          %add3A_430 = arith.constant 1 : i32
          %add3A_431 = arith.addi %mul3A_429, %add3A_430 : i32
          %swap3A_432 = arith.index_cast %add3A_431 : i32 to index
          %swap3A_433 = arith.constant 112 : index
          %swap3A_434 = tpu.vector_load %arg10[%swap3A_432, %swap3A_433] {strides = array<i32>} : memref<128x128xf32, #tpu.memory_space<vmem>>, vector<1x16xf32>,
          %swap3A_435 = vector.shape_cast %swap3A_434 : vector<1x16xf32> to vector<16xf32>
          %swap3A_436 = vector.shape_cast %mul3A_427 : vector<16xf32> to vector<1x16xf32>
          tpu.vector_store %arg10[%swap3A_432, %swap3A_433], %swap3A_436 {strides = array<i32>} : memref<128x128xf32, #tpu.memory_space<vmem>>, vector<1x16xf32>,
          %slice3A_437 = vector.extract_strided_slice %get3A_146 {offsets = [2], sizes = [1], strides = [1]} : vector<16xf32> to vector<1xf32>
          %squeeze3A_438 = vector.extract %slice3A_437[0] : f32 from vector<1xf32>
          %broadcast_in_dim3A_439 = vector.broadcast %squeeze3A_438 : f32 to vector<16xf32>
          %mul3A_440 = arith.constant 16 : i32
          %mul3A_441 = arith.muli %scan3A_140, %mul3A_440 : i32
          %add3A_442 = arith.constant 2 : i32
          %add3A_443 = arith.addi %mul3A_441, %add3A_442 : i32
          %get3A_444 = arith.index_cast %add3A_443 : i32 to index
          %get3A_445 = arith.constant 0 : index
          %get3A_446 = tpu.vector_load %arg10[%get3A_444, %get3A_445] {strides = array<i32>} : memref<128x128xf32, #tpu.memory_space<vmem>>, vector<1x16xf32>,
          %get3A_447 = vector.shape_cast %get3A_446 : vector<1x16xf32> to vector<16xf32>
          %mul3A_448 = arith.mulf %get3A_447, %broadcast_in_dim3A_439 : vector<16xf32>
          %mul3A_449 = arith.constant 16 : i32
          %mul3A_450 = arith.muli %scan3A_140, %mul3A_449 : i32
          %add3A_451 = arith.constant 2 : i32
          %add3A_452 = arith.addi %mul3A_450, %add3A_451 : i32
          %swap3A_453 = arith.index_cast %add3A_452 : i32 to index
          %swap3A_454 = arith.constant 0 : index
          %swap3A_455 = tpu.vector_load %arg10[%swap3A_453, %swap3A_454] {strides = array<i32>} : memref<128x128xf32, #tpu.memory_space<vmem>>, vector<1x16xf32>,
          %swap3A_456 = vector.shape_cast %swap3A_455 : vector<1x16xf32> to vector<16xf32>
          %swap3A_457 = vector.shape_cast %mul3A_448 : vector<16xf32> to vector<1x16xf32>
          tpu.vector_store %arg10[%swap3A_453, %swap3A_454], %swap3A_457 {strides = array<i32>} : memref<128x128xf32, #tpu.memory_space<vmem>>, vector<1x16xf32>,
          %mul3A_458 = arith.constant 16 : i32
          %mul3A_459 = arith.muli %scan3A_140, %mul3A_458 : i32
          %add3A_460 = arith.constant 2 : i32
          %add3A_461 = arith.addi %mul3A_459, %add3A_460 : i32
          %get3A_462 = arith.index_cast %add3A_461 : i32 to index
          %get3A_463 = arith.constant 16 : index
          %get3A_464 = tpu.vector_load %arg10[%get3A_462, %get3A_463] {strides = array<i32>} : memref<128x128xf32, #tpu.memory_space<vmem>>, vector<1x16xf32>,
          %get3A_465 = vector.shape_cast %get3A_464 : vector<1x16xf32> to vector<16xf32>
          %mul3A_466 = arith.mulf %get3A_465, %broadcast_in_dim3A_439 : vector<16xf32>
          %mul3A_467 = arith.constant 16 : i32
          %mul3A_468 = arith.muli %scan3A_140, %mul3A_467 : i32
          %add3A_469 = arith.constant 2 : i32
          %add3A_470 = arith.addi %mul3A_468, %add3A_469 : i32
          %swap3A_471 = arith.index_cast %add3A_470 : i32 to index
          %swap3A_472 = arith.constant 16 : index
          %swap3A_473 = tpu.vector_load %arg10[%swap3A_471, %swap3A_472] {strides = array<i32>} : memref<128x128xf32, #tpu.memory_space<vmem>>, vector<1x16xf32>,
          %swap3A_474 = vector.shape_cast %swap3A_473 : vector<1x16xf32> to vector<16xf32>
          %swap3A_475 = vector.shape_cast %mul3A_466 : vector<16xf32> to vector<1x16xf32>
          tpu.vector_store %arg10[%swap3A_471, %swap3A_472], %swap3A_475 {strides = array<i32>} : memref<128x128xf32, #tpu.memory_space<vmem>>, vector<1x16xf32>,
          %mul3A_476 = arith.constant 16 : i32
          %mul3A_477 = arith.muli %scan3A_140, %mul3A_476 : i32
          %add3A_478 = arith.constant 2 : i32
          %add3A_479 = arith.addi %mul3A_477, %add3A_478 : i32
          %get3A_480 = arith.index_cast %add3A_479 : i32 to index
          %get3A_481 = arith.constant 32 : index
          %get3A_482 = tpu.vector_load %arg10[%get3A_480, %get3A_481] {strides = array<i32>} : memref<128x128xf32, #tpu.memory_space<vmem>>, vector<1x16xf32>,
          %get3A_483 = vector.shape_cast %get3A_482 : vector<1x16xf32> to vector<16xf32>
          %mul3A_484 = arith.mulf %get3A_483, %broadcast_in_dim3A_439 : vector<16xf32>
          %mul3A_485 = arith.constant 16 : i32
          %mul3A_486 = arith.muli %scan3A_140, %mul3A_485 : i32
          %add3A_487 = arith.constant 2 : i32
          %add3A_488 = arith.addi %mul3A_486, %add3A_487 : i32
          %swap3A_489 = arith.index_cast %add3A_488 : i32 to index
          %swap3A_490 = arith.constant 32 : index
          %swap3A_491 = tpu.vector_load %arg10[%swap3A_489, %swap3A_490] {strides = array<i32>} : memref<128x128xf32, #tpu.memory_space<vmem>>, vector<1x16xf32>,
          %swap3A_492 = vector.shape_cast %swap3A_491 : vector<1x16xf32> to vector<16xf32>
          %swap3A_493 = vector.shape_cast %mul3A_484 : vector<16xf32> to vector<1x16xf32>
          tpu.vector_store %arg10[%swap3A_489, %swap3A_490], %swap3A_493 {strides = array<i32>} : memref<128x128xf32, #tpu.memory_space<vmem>>, vector<1x16xf32>,
          %mul3A_494 = arith.constant 16 : i32
          %mul3A_495 = arith.muli %scan3A_140, %mul3A_494 : i32
          %add3A_496 = arith.constant 2 : i32
          %add3A_497 = arith.addi %mul3A_495, %add3A_496 : i32
          %get3A_498 = arith.index_cast %add3A_497 : i32 to index
          %get3A_499 = arith.constant 48 : index
          %get3A_500 = tpu.vector_load %arg10[%get3A_498, %get3A_499] {strides = array<i32>} : memref<128x128xf32, #tpu.memory_space<vmem>>, vector<1x16xf32>,
          %get3A_501 = vector.shape_cast %get3A_500 : vector<1x16xf32> to vector<16xf32>
          %mul3A_502 = arith.mulf %get3A_501, %broadcast_in_dim3A_439 : vector<16xf32>
          %mul3A_503 = arith.constant 16 : i32
          %mul3A_504 = arith.muli %scan3A_140, %mul3A_503 : i32
          %add3A_505 = arith.constant 2 : i32
          %add3A_506 = arith.addi %mul3A_504, %add3A_505 : i32
          %swap3A_507 = arith.index_cast %add3A_506 : i32 to index
          %swap3A_508 = arith.constant 48 : index
          %swap3A_509 = tpu.vector_load %arg10[%swap3A_507, %swap3A_508] {strides = array<i32>} : memref<128x128xf32, #tpu.memory_space<vmem>>, vector<1x16xf32>,
          %swap3A_510 = vector.shape_cast %swap3A_509 : vector<1x16xf32> to vector<16xf32>
          %swap3A_511 = vector.shape_cast %mul3A_502 : vector<16xf32> to vector<1x16xf32>
          tpu.vector_store %arg10[%swap3A_507, %swap3A_508], %swap3A_511 {strides = array<i32>} : memref<128x128xf32, #tpu.memory_space<vmem>>, vector<1x16xf32>,
          %mul3A_512 = arith.constant 16 : i32
          %mul3A_513 = arith.muli %scan3A_140, %mul3A_512 : i32
          %add3A_514 = arith.constant 2 : i32
          %add3A_515 = arith.addi %mul3A_513, %add3A_514 : i32
          %get3A_516 = arith.index_cast %add3A_515 : i32 to index
          %get3A_517 = arith.constant 64 : index
          %get3A_518 = tpu.vector_load %arg10[%get3A_516, %get3A_517] {strides = array<i32>} : memref<128x128xf32, #tpu.memory_space<vmem>>, vector<1x16xf32>,
          %get3A_519 = vector.shape_cast %get3A_518 : vector<1x16xf32> to vector<16xf32>
          %mul3A_520 = arith.mulf %get3A_519, %broadcast_in_dim3A_439 : vector<16xf32>
          %mul3A_521 = arith.constant 16 : i32
          %mul3A_522 = arith.muli %scan3A_140, %mul3A_521 : i32
          %add3A_523 = arith.constant 2 : i32
          %add3A_524 = arith.addi %mul3A_522, %add3A_523 : i32
          %swap3A_525 = arith.index_cast %add3A_524 : i32 to index
          %swap3A_526 = arith.constant 64 : index
          %swap3A_527 = tpu.vector_load %arg10[%swap3A_525, %swap3A_526] {strides = array<i32>} : memref<128x128xf32, #tpu.memory_space<vmem>>, vector<1x16xf32>,
          %swap3A_528 = vector.shape_cast %swap3A_527 : vector<1x16xf32> to vector<16xf32>
          %swap3A_529 = vector.shape_cast %mul3A_520 : vector<16xf32> to vector<1x16xf32>
          tpu.vector_store %arg10[%swap3A_525, %swap3A_526], %swap3A_529 {strides = array<i32>} : memref<128x128xf32, #tpu.memory_space<vmem>>, vector<1x16xf32>,
          %mul3A_530 = arith.constant 16 : i32
          %mul3A_531 = arith.muli %scan3A_140, %mul3A_530 : i32
          %add3A_532 = arith.constant 2 : i32
          %add3A_533 = arith.addi %mul3A_531, %add3A_532 : i32
          %get3A_534 = arith.index_cast %add3A_533 : i32 to index
          %get3A_535 = arith.constant 80 : index
          %get3A_536 = tpu.vector_load %arg10[%get3A_534, %get3A_535] {strides = array<i32>} : memref<128x128xf32, #tpu.memory_space<vmem>>, vector<1x16xf32>,
          %get3A_537 = vector.shape_cast %get3A_536 : vector<1x16xf32> to vector<16xf32>
          %mul3A_538 = arith.mulf %get3A_537, %broadcast_in_dim3A_439 : vector<16xf32>
          %mul3A_539 = arith.constant 16 : i32
          %mul3A_540 = arith.muli %scan3A_140, %mul3A_539 : i32
          %add3A_541 = arith.constant 2 : i32
          %add3A_542 = arith.addi %mul3A_540, %add3A_541 : i32
          %swap3A_543 = arith.index_cast %add3A_542 : i32 to index
          %swap3A_544 = arith.constant 80 : index
          %swap3A_545 = tpu.vector_load %arg10[%swap3A_543, %swap3A_544] {strides = array<i32>} : memref<128x128xf32, #tpu.memory_space<vmem>>, vector<1x16xf32>,
          %swap3A_546 = vector.shape_cast %swap3A_545 : vector<1x16xf32> to vector<16xf32>
          %swap3A_547 = vector.shape_cast %mul3A_538 : vector<16xf32> to vector<1x16xf32>
          tpu.vector_store %arg10[%swap3A_543, %swap3A_544], %swap3A_547 {strides = array<i32>} : memref<128x128xf32, #tpu.memory_space<vmem>>, vector<1x16xf32>,
          %mul3A_548 = arith.constant 16 : i32
          %mul3A_549 = arith.muli %scan3A_140, %mul3A_548 : i32
          %add3A_550 = arith.constant 2 : i32
          %add3A_551 = arith.addi %mul3A_549, %add3A_550 : i32
          %get3A_552 = arith.index_cast %add3A_551 : i32 to index
          %get3A_553 = arith.constant 96 : index
          %get3A_554 = tpu.vector_load %arg10[%get3A_552, %get3A_553] {strides = array<i32>} : memref<128x128xf32, #tpu.memory_space<vmem>>, vector<1x16xf32>,
          %get3A_555 = vector.shape_cast %get3A_554 : vector<1x16xf32> to vector<16xf32>
          %mul3A_556 = arith.mulf %get3A_555, %broadcast_in_dim3A_439 : vector<16xf32>
          %mul3A_557 = arith.constant 16 : i32
          %mul3A_558 = arith.muli %scan3A_140, %mul3A_557 : i32
          %add3A_559 = arith.constant 2 : i32
          %add3A_560 = arith.addi %mul3A_558, %add3A_559 : i32
          %swap3A_561 = arith.index_cast %add3A_560 : i32 to index
          %swap3A_562 = arith.constant 96 : index
          %swap3A_563 = tpu.vector_load %arg10[%swap3A_561, %swap3A_562] {strides = array<i32>} : memref<128x128xf32, #tpu.memory_space<vmem>>, vector<1x16xf32>,
          %swap3A_564 = vector.shape_cast %swap3A_563 : vector<1x16xf32> to vector<16xf32>
          %swap3A_565 = vector.shape_cast %mul3A_556 : vector<16xf32> to vector<1x16xf32>
          tpu.vector_store %arg10[%swap3A_561, %swap3A_562], %swap3A_565 {strides = array<i32>} : memref<128x128xf32, #tpu.memory_space<vmem>>, vector<1x16xf32>,
          %mul3A_566 = arith.constant 16 : i32
          %mul3A_567 = arith.muli %scan3A_140, %mul3A_566 : i32
          %add3A_568 = arith.constant 2 : i32
          %add3A_569 = arith.addi %mul3A_567, %add3A_568 : i32
          %get3A_570 = arith.index_cast %add3A_569 : i32 to index
          %get3A_571 = arith.constant 112 : index
          %get3A_572 = tpu.vector_load %arg10[%get3A_570, %get3A_571] {strides = array<i32>} : memref<128x128xf32, #tpu.memory_space<vmem>>, vector<1x16xf32>,
          %get3A_573 = vector.shape_cast %get3A_572 : vector<1x16xf32> to vector<16xf32>
          %mul3A_574 = arith.mulf %get3A_573, %broadcast_in_dim3A_439 : vector<16xf32>
          %mul3A_575 = arith.constant 16 : i32
          %mul3A_576 = arith.muli %scan3A_140, %mul3A_575 : i32
          %add3A_577 = arith.constant 2 : i32
          %add3A_578 = arith.addi %mul3A_576, %add3A_577 : i32
          %swap3A_579 = arith.index_cast %add3A_578 : i32 to index
          %swap3A_580 = arith.constant 112 : index
          %swap3A_581 = tpu.vector_load %arg10[%swap3A_579, %swap3A_580] {strides = array<i32>} : memref<128x128xf32, #tpu.memory_space<vmem>>, vector<1x16xf32>,
          %swap3A_582 = vector.shape_cast %swap3A_581 : vector<1x16xf32> to vector<16xf32>
          %swap3A_583 = vector.shape_cast %mul3A_574 : vector<16xf32> to vector<1x16xf32>
          tpu.vector_store %arg10[%swap3A_579, %swap3A_580], %swap3A_583 {strides = array<i32>} : memref<128x128xf32, #tpu.memory_space<vmem>>, vector<1x16xf32>,
          %slice3A_584 = vector.extract_strided_slice %get3A_146 {offsets = [3], sizes = [1], strides = [1]} : vector<16xf32> to vector<1xf32>
          %squeeze3A_585 = vector.extract %slice3A_584[0] : f32 from vector<1xf32>
          %broadcast_in_dim3A_586 = vector.broadcast %squeeze3A_585 : f32 to vector<16xf32>
          %mul3A_587 = arith.constant 16 : i32
          %mul3A_588 = arith.muli %scan3A_140, %mul3A_587 : i32
          %add3A_589 = arith.constant 3 : i32
          %add3A_590 = arith.addi %mul3A_588, %add3A_589 : i32
          %get3A_591 = arith.index_cast %add3A_590 : i32 to index
          %get3A_592 = arith.constant 0 : index
          %get3A_593 = tpu.vector_load %arg10[%get3A_591, %get3A_592] {strides = array<i32>} : memref<128x128xf32, #tpu.memory_space<vmem>>, vector<1x16xf32>,
          %get3A_594 = vector.shape_cast %get3A_593 : vector<1x16xf32> to vector<16xf32>
          %mul3A_595 = arith.mulf %get3A_594, %broadcast_in_dim3A_586 : vector<16xf32>
          %mul3A_596 = arith.constant 16 : i32
          %mul3A_597 = arith.muli %scan3A_140, %mul3A_596 : i32
          %add3A_598 = arith.constant 3 : i32
          %add3A_599 = arith.addi %mul3A_597, %add3A_598 : i32
          %swap3A_600 = arith.index_cast %add3A_599 : i32 to index
          %swap3A_601 = arith.constant 0 : index
          %swap3A_602 = tpu.vector_load %arg10[%swap3A_600, %swap3A_601] {strides = array<i32>} : memref<128x128xf32, #tpu.memory_space<vmem>>, vector<1x16xf32>,
          %swap3A_603 = vector.shape_cast %swap3A_602 : vector<1x16xf32> to vector<16xf32>
          %swap3A_604 = vector.shape_cast %mul3A_595 : vector<16xf32> to vector<1x16xf32>
          tpu.vector_store %arg10[%swap3A_600, %swap3A_601], %swap3A_604 {strides = array<i32>} : memref<128x128xf32, #tpu.memory_space<vmem>>, vector<1x16xf32>,
          %mul3A_605 = arith.constant 16 : i32
          %mul3A_606 = arith.muli %scan3A_140, %mul3A_605 : i32
          %add3A_607 = arith.constant 3 : i32
          %add3A_608 = arith.addi %mul3A_606, %add3A_607 : i32
          %get3A_609 = arith.index_cast %add3A_608 : i32 to index
          %get3A_610 = arith.constant 16 : index
          %get3A_611 = tpu.vector_load %arg10[%get3A_609, %get3A_610] {strides = array<i32>} : memref<128x128xf32, #tpu.memory_space<vmem>>, vector<1x16xf32>,
          %get3A_612 = vector.shape_cast %get3A_611 : vector<1x16xf32> to vector<16xf32>
          %mul3A_613 = arith.mulf %get3A_612, %broadcast_in_dim3A_586 : vector<16xf32>
          %mul3A_614 = arith.constant 16 : i32
          %mul3A_615 = arith.muli %scan3A_140, %mul3A_614 : i32
          %add3A_616 = arith.constant 3 : i32
          %add3A_617 = arith.addi %mul3A_615, %add3A_616 : i32
          %swap3A_618 = arith.index_cast %add3A_617 : i32 to index
          %swap3A_619 = arith.constant 16 : index
          %swap3A_620 = tpu.vector_load %arg10[%swap3A_618, %swap3A_619] {strides = array<i32>} : memref<128x128xf32, #tpu.memory_space<vmem>>, vector<1x16xf32>,
          %swap3A_621 = vector.shape_cast %swap3A_620 : vector<1x16xf32> to vector<16xf32>
          %swap3A_622 = vector.shape_cast %mul3A_613 : vector<16xf32> to vector<1x16xf32>
          tpu.vector_store %arg10[%swap3A_618, %swap3A_619], %swap3A_622 {strides = array<i32>} : memref<128x128xf32, #tpu.memory_space<vmem>>, vector<1x16xf32>,
          %mul3A_623 = arith.constant 16 : i32
          %mul3A_624 = arith.muli %scan3A_140, %mul3A_623 : i32
          %add3A_625 = arith.constant 3 : i32
          %add3A_626 = arith.addi %mul3A_624, %add3A_625 : i32
          %get3A_627 = arith.index_cast %add3A_626 : i32 to index
          %get3A_628 = arith.constant 32 : index
          %get3A_629 = tpu.vector_load %arg10[%get3A_627, %get3A_628] {strides = array<i32>} : memref<128x128xf32, #tpu.memory_space<vmem>>, vector<1x16xf32>,
          %get3A_630 = vector.shape_cast %get3A_629 : vector<1x16xf32> to vector<16xf32>
          %mul3A_631 = arith.mulf %get3A_630, %broadcast_in_dim3A_586 : vector<16xf32>
          %mul3A_632 = arith.constant 16 : i32
          %mul3A_633 = arith.muli %scan3A_140, %mul3A_632 : i32
          %add3A_634 = arith.constant 3 : i32
          %add3A_635 = arith.addi %mul3A_633, %add3A_634 : i32
          %swap3A_636 = arith.index_cast %add3A_635 : i32 to index
          %swap3A_637 = arith.constant 32 : index
          %swap3A_638 = tpu.vector_load %arg10[%swap3A_636, %swap3A_637] {strides = array<i32>} : memref<128x128xf32, #tpu.memory_space<vmem>>, vector<1x16xf32>,
          %swap3A_639 = vector.shape_cast %swap3A_638 : vector<1x16xf32> to vector<16xf32>
          %swap3A_640 = vector.shape_cast %mul3A_631 : vector<16xf32> to vector<1x16xf32>
          tpu.vector_store %arg10[%swap3A_636, %swap3A_637], %swap3A_640 {strides = array<i32>} : memref<128x128xf32, #tpu.memory_space<vmem>>, vector<1x16xf32>,
          %mul3A_641 = arith.constant 16 : i32
          %mul3A_642 = arith.muli %scan3A_140, %mul3A_641 : i32
          %add3A_643 = arith.constant 3 : i32
          %add3A_644 = arith.addi %mul3A_642, %add3A_643 : i32
          %get3A_645 = arith.index_cast %add3A_644 : i32 to index
          %get3A_646 = arith.constant 48 : index
          %get3A_647 = tpu.vector_load %arg10[%get3A_645, %get3A_646] {strides = array<i32>} : memref<128x128xf32, #tpu.memory_space<vmem>>, vector<1x16xf32>,
          %get3A_648 = vector.shape_cast %get3A_647 : vector<1x16xf32> to vector<16xf32>
          %mul3A_649 = arith.mulf %get3A_648, %broadcast_in_dim3A_586 : vector<16xf32>
          %mul3A_650 = arith.constant 16 : i32
          %mul3A_651 = arith.muli %scan3A_140, %mul3A_650 : i32
          %add3A_652 = arith.constant 3 : i32
          %add3A_653 = arith.addi %mul3A_651, %add3A_652 : i32
          %swap3A_654 = arith.index_cast %add3A_653 : i32 to index
          %swap3A_655 = arith.constant 48 : index
          %swap3A_656 = tpu.vector_load %arg10[%swap3A_654, %swap3A_655] {strides = array<i32>} : memref<128x128xf32, #tpu.memory_space<vmem>>, vector<1x16xf32>,
          %swap3A_657 = vector.shape_cast %swap3A_656 : vector<1x16xf32> to vector<16xf32>
          %swap3A_658 = vector.shape_cast %mul3A_649 : vector<16xf32> to vector<1x16xf32>
          tpu.vector_store %arg10[%swap3A_654, %swap3A_655], %swap3A_658 {strides = array<i32>} : memref<128x128xf32, #tpu.memory_space<vmem>>, vector<1x16xf32>,
          %mul3A_659 = arith.constant 16 : i32
          %mul3A_660 = arith.muli %scan3A_140, %mul3A_659 : i32
          %add3A_661 = arith.constant 3 : i32
          %add3A_662 = arith.addi %mul3A_660, %add3A_661 : i32
          %get3A_663 = arith.index_cast %add3A_662 : i32 to index
          %get3A_664 = arith.constant 64 : index
          %get3A_665 = tpu.vector_load %arg10[%get3A_663, %get3A_664] {strides = array<i32>} : memref<128x128xf32, #tpu.memory_space<vmem>>, vector<1x16xf32>,
          %get3A_666 = vector.shape_cast %get3A_665 : vector<1x16xf32> to vector<16xf32>
          %mul3A_667 = arith.mulf %get3A_666, %broadcast_in_dim3A_586 : vector<16xf32>
          %mul3A_668 = arith.constant 16 : i32
          %mul3A_669 = arith.muli %scan3A_140, %mul3A_668 : i32
          %add3A_670 = arith.constant 3 : i32
          %add3A_671 = arith.addi %mul3A_669, %add3A_670 : i32
          %swap3A_672 = arith.index_cast %add3A_671 : i32 to index
          %swap3A_673 = arith.constant 64 : index
          %swap3A_674 = tpu.vector_load %arg10[%swap3A_672, %swap3A_673] {strides = array<i32>} : memref<128x128xf32, #tpu.memory_space<vmem>>, vector<1x16xf32>,
          %swap3A_675 = vector.shape_cast %swap3A_674 : vector<1x16xf32> to vector<16xf32>
          %swap3A_676 = vector.shape_cast %mul3A_667 : vector<16xf32> to vector<1x16xf32>
          tpu.vector_store %arg10[%swap3A_672, %swap3A_673], %swap3A_676 {strides = array<i32>} : memref<128x128xf32, #tpu.memory_space<vmem>>, vector<1x16xf32>,
          %mul3A_677 = arith.constant 16 : i32
          %mul3A_678 = arith.muli %scan3A_140, %mul3A_677 : i32
          %add3A_679 = arith.constant 3 : i32
          %add3A_680 = arith.addi %mul3A_678, %add3A_679 : i32
          %get3A_681 = arith.index_cast %add3A_680 : i32 to index
          %get3A_682 = arith.constant 80 : index
          %get3A_683 = tpu.vector_load %arg10[%get3A_681, %get3A_682] {strides = array<i32>} : memref<128x128xf32, #tpu.memory_space<vmem>>, vector<1x16xf32>,
          %get3A_684 = vector.shape_cast %get3A_683 : vector<1x16xf32> to vector<16xf32>
          %mul3A_685 = arith.mulf %get3A_684, %broadcast_in_dim3A_586 : vector<16xf32>
          %mul3A_686 = arith.constant 16 : i32
          %mul3A_687 = arith.muli %scan3A_140, %mul3A_686 : i32
          %add3A_688 = arith.constant 3 : i32
          %add3A_689 = arith.addi %mul3A_687, %add3A_688 : i32
          %swap3A_690 = arith.index_cast %add3A_689 : i32 to index
          %swap3A_691 = arith.constant 80 : index
          %swap3A_692 = tpu.vector_load %arg10[%swap3A_690, %swap3A_691] {strides = array<i32>} : memref<128x128xf32, #tpu.memory_space<vmem>>, vector<1x16xf32>,
          %swap3A_693 = vector.shape_cast %swap3A_692 : vector<1x16xf32> to vector<16xf32>
          %swap3A_694 = vector.shape_cast %mul3A_685 : vector<16xf32> to vector<1x16xf32>
          tpu.vector_store %arg10[%swap3A_690, %swap3A_691], %swap3A_694 {strides = array<i32>} : memref<128x128xf32, #tpu.memory_space<vmem>>, vector<1x16xf32>,
          %mul3A_695 = arith.constant 16 : i32
          %mul3A_696 = arith.muli %scan3A_140, %mul3A_695 : i32
          %add3A_697 = arith.constant 3 : i32
          %add3A_698 = arith.addi %mul3A_696, %add3A_697 : i32
          %get3A_699 = arith.index_cast %add3A_698 : i32 to index
          %get3A_700 = arith.constant 96 : index
          %get3A_701 = tpu.vector_load %arg10[%get3A_699, %get3A_700] {strides = array<i32>} : memref<128x128xf32, #tpu.memory_space<vmem>>, vector<1x16xf32>,
          %get3A_702 = vector.shape_cast %get3A_701 : vector<1x16xf32> to vector<16xf32>
          %mul3A_703 = arith.mulf %get3A_702, %broadcast_in_dim3A_586 : vector<16xf32>
          %mul3A_704 = arith.constant 16 : i32
          %mul3A_705 = arith.muli %scan3A_140, %mul3A_704 : i32
          %add3A_706 = arith.constant 3 : i32
          %add3A_707 = arith.addi %mul3A_705, %add3A_706 : i32
          %swap3A_708 = arith.index_cast %add3A_707 : i32 to index
          %swap3A_709 = arith.constant 96 : index
          %swap3A_710 = tpu.vector_load %arg10[%swap3A_708, %swap3A_709] {strides = array<i32>} : memref<128x128xf32, #tpu.memory_space<vmem>>, vector<1x16xf32>,
          %swap3A_711 = vector.shape_cast %swap3A_710 : vector<1x16xf32> to vector<16xf32>
          %swap3A_712 = vector.shape_cast %mul3A_703 : vector<16xf32> to vector<1x16xf32>
          tpu.vector_store %arg10[%swap3A_708, %swap3A_709], %swap3A_712 {strides = array<i32>} : memref<128x128xf32, #tpu.memory_space<vmem>>, vector<1x16xf32>,
          %mul3A_713 = arith.constant 16 : i32
          %mul3A_714 = arith.muli %scan3A_140, %mul3A_713 : i32
          %add3A_715 = arith.constant 3 : i32
          %add3A_716 = arith.addi %mul3A_714, %add3A_715 : i32
          %get3A_717 = arith.index_cast %add3A_716 : i32 to index
          %get3A_718 = arith.constant 112 : index
          %get3A_719 = tpu.vector_load %arg10[%get3A_717, %get3A_718] {strides = array<i32>} : memref<128x128xf32, #tpu.memory_space<vmem>>, vector<1x16xf32>,
          %get3A_720 = vector.shape_cast %get3A_719 : vector<1x16xf32> to vector<16xf32>
          %mul3A_721 = arith.mulf %get3A_720, %broadcast_in_dim3A_586 : vector<16xf32>
          %mul3A_722 = arith.constant 16 : i32
          %mul3A_723 = arith.muli %scan3A_140, %mul3A_722 : i32
          %add3A_724 = arith.constant 3 : i32
          %add3A_725 = arith.addi %mul3A_723, %add3A_724 : i32
          %swap3A_726 = arith.index_cast %add3A_725 : i32 to index
          %swap3A_727 = arith.constant 112 : index
          %swap3A_728 = tpu.vector_load %arg10[%swap3A_726, %swap3A_727] {strides = array<i32>} : memref<128x128xf32, #tpu.memory_space<vmem>>, vector<1x16xf32>,
          %swap3A_729 = vector.shape_cast %swap3A_728 : vector<1x16xf32> to vector<16xf32>
          %swap3A_730 = vector.shape_cast %mul3A_721 : vector<16xf32> to vector<1x16xf32>
          tpu.vector_store %arg10[%swap3A_726, %swap3A_727], %swap3A_730 {strides = array<i32>} : memref<128x128xf32, #tpu.memory_space<vmem>>, vector<1x16xf32>,
          %slice3A_731 = vector.extract_strided_slice %get3A_146 {offsets = [4], sizes = [1], strides = [1]} : vector<16xf32> to vector<1xf32>
          %squeeze3A_732 = vector.extract %slice3A_731[0] : f32 from vector<1xf32>
          %broadcast_in_dim3A_733 = vector.broadcast %squeeze3A_732 : f32 to vector<16xf32>
          %mul3A_734 = arith.constant 16 : i32
          %mul3A_735 = arith.muli %scan3A_140, %mul3A_734 : i32
          %add3A_736 = arith.constant 4 : i32
          %add3A_737 = arith.addi %mul3A_735, %add3A_736 : i32
          %get3A_738 = arith.index_cast %add3A_737 : i32 to index
          %get3A_739 = arith.constant 0 : index
          %get3A_740 = tpu.vector_load %arg10[%get3A_738, %get3A_739] {strides = array<i32>} : memref<128x128xf32, #tpu.memory_space<vmem>>, vector<1x16xf32>,
          %get3A_741 = vector.shape_cast %get3A_740 : vector<1x16xf32> to vector<16xf32>
          %mul3A_742 = arith.mulf %get3A_741, %broadcast_in_dim3A_733 : vector<16xf32>
          %mul3A_743 = arith.constant 16 : i32
          %mul3A_744 = arith.muli %scan3A_140, %mul3A_743 : i32
          %add3A_745 = arith.constant 4 : i32
          %add3A_746 = arith.addi %mul3A_744, %add3A_745 : i32
          %swap3A_747 = arith.index_cast %add3A_746 : i32 to index
          %swap3A_748 = arith.constant 0 : index
          %swap3A_749 = tpu.vector_load %arg10[%swap3A_747, %swap3A_748] {strides = array<i32>} : memref<128x128xf32, #tpu.memory_space<vmem>>, vector<1x16xf32>,
          %swap3A_750 = vector.shape_cast %swap3A_749 : vector<1x16xf32> to vector<16xf32>
          %swap3A_751 = vector.shape_cast %mul3A_742 : vector<16xf32> to vector<1x16xf32>
          tpu.vector_store %arg10[%swap3A_747, %swap3A_748], %swap3A_751 {strides = array<i32>} : memref<128x128xf32, #tpu.memory_space<vmem>>, vector<1x16xf32>,
          %mul3A_752 = arith.constant 16 : i32
          %mul3A_753 = arith.muli %scan3A_140, %mul3A_752 : i32
          %add3A_754 = arith.constant 4 : i32
          %add3A_755 = arith.addi %mul3A_753, %add3A_754 : i32
          %get3A_756 = arith.index_cast %add3A_755 : i32 to index
          %get3A_757 = arith.constant 16 : index
          %get3A_758 = tpu.vector_load %arg10[%get3A_756, %get3A_757] {strides = array<i32>} : memref<128x128xf32, #tpu.memory_space<vmem>>, vector<1x16xf32>,
          %get3A_759 = vector.shape_cast %get3A_758 : vector<1x16xf32> to vector<16xf32>
          %mul3A_760 = arith.mulf %get3A_759, %broadcast_in_dim3A_733 : vector<16xf32>
          %mul3A_761 = arith.constant 16 : i32
          %mul3A_762 = arith.muli %scan3A_140, %mul3A_761 : i32
          %add3A_763 = arith.constant 4 : i32
          %add3A_764 = arith.addi %mul3A_762, %add3A_763 : i32
          %swap3A_765 = arith.index_cast %add3A_764 : i32 to index
          %swap3A_766 = arith.constant 16 : index
          %swap3A_767 = tpu.vector_load %arg10[%swap3A_765, %swap3A_766] {strides = array<i32>} : memref<128x128xf32, #tpu.memory_space<vmem>>, vector<1x16xf32>,
          %swap3A_768 = vector.shape_cast %swap3A_767 : vector<1x16xf32> to vector<16xf32>
          %swap3A_769 = vector.shape_cast %mul3A_760 : vector<16xf32> to vector<1x16xf32>
          tpu.vector_store %arg10[%swap3A_765, %swap3A_766], %swap3A_769 {strides = array<i32>} : memref<128x128xf32, #tpu.memory_space<vmem>>, vector<1x16xf32>,
          %mul3A_770 = arith.constant 16 : i32
          %mul3A_771 = arith.muli %scan3A_140, %mul3A_770 : i32
          %add3A_772 = arith.constant 4 : i32
          %add3A_773 = arith.addi %mul3A_771, %add3A_772 : i32
          %get3A_774 = arith.index_cast %add3A_773 : i32 to index
          %get3A_775 = arith.constant 32 : index
          %get3A_776 = tpu.vector_load %arg10[%get3A_774, %get3A_775] {strides = array<i32>} : memref<128x128xf32, #tpu.memory_space<vmem>>, vector<1x16xf32>,
          %get3A_777 = vector.shape_cast %get3A_776 : vector<1x16xf32> to vector<16xf32>
          %mul3A_778 = arith.mulf %get3A_777, %broadcast_in_dim3A_733 : vector<16xf32>
          %mul3A_779 = arith.constant 16 : i32
          %mul3A_780 = arith.muli %scan3A_140, %mul3A_779 : i32
          %add3A_781 = arith.constant 4 : i32
          %add3A_782 = arith.addi %mul3A_780, %add3A_781 : i32
          %swap3A_783 = arith.index_cast %add3A_782 : i32 to index
          %swap3A_784 = arith.constant 32 : index
          %swap3A_785 = tpu.vector_load %arg10[%swap3A_783, %swap3A_784] {strides = array<i32>} : memref<128x128xf32, #tpu.memory_space<vmem>>, vector<1x16xf32>,
          %swap3A_786 = vector.shape_cast %swap3A_785 : vector<1x16xf32> to vector<16xf32>
          %swap3A_787 = vector.shape_cast %mul3A_778 : vector<16xf32> to vector<1x16xf32>
          tpu.vector_store %arg10[%swap3A_783, %swap3A_784], %swap3A_787 {strides = array<i32>} : memref<128x128xf32, #tpu.memory_space<vmem>>, vector<1x16xf32>,
          %mul3A_788 = arith.constant 16 : i32
          %mul3A_789 = arith.muli %scan3A_140, %mul3A_788 : i32
          %add3A_790 = arith.constant 4 : i32
          %add3A_791 = arith.addi %mul3A_789, %add3A_790 : i32
          %get3A_792 = arith.index_cast %add3A_791 : i32 to index
          %get3A_793 = arith.constant 48 : index
          %get3A_794 = tpu.vector_load %arg10[%get3A_792, %get3A_793] {strides = array<i32>} : memref<128x128xf32, #tpu.memory_space<vmem>>, vector<1x16xf32>,
          %get3A_795 = vector.shape_cast %get3A_794 : vector<1x16xf32> to vector<16xf32>
          %mul3A_796 = arith.mulf %get3A_795, %broadcast_in_dim3A_733 : vector<16xf32>
          %mul3A_797 = arith.constant 16 : i32
          %mul3A_798 = arith.muli %scan3A_140, %mul3A_797 : i32
          %add3A_799 = arith.constant 4 : i32
          %add3A_800 = arith.addi %mul3A_798, %add3A_799 : i32
          %swap3A_801 = arith.index_cast %add3A_800 : i32 to index
          %swap3A_802 = arith.constant 48 : index
          %swap3A_803 = tpu.vector_load %arg10[%swap3A_801, %swap3A_802] {strides = array<i32>} : memref<128x128xf32, #tpu.memory_space<vmem>>, vector<1x16xf32>,
          %swap3A_804 = vector.shape_cast %swap3A_803 : vector<1x16xf32> to vector<16xf32>
          %swap3A_805 = vector.shape_cast %mul3A_796 : vector<16xf32> to vector<1x16xf32>
          tpu.vector_store %arg10[%swap3A_801, %swap3A_802], %swap3A_805 {strides = array<i32>} : memref<128x128xf32, #tpu.memory_space<vmem>>, vector<1x16xf32>,
          %mul3A_806 = arith.constant 16 : i32
          %mul3A_807 = arith.muli %scan3A_140, %mul3A_806 : i32
          %add3A_808 = arith.constant 4 : i32
          %add3A_809 = arith.addi %mul3A_807, %add3A_808 : i32
          %get3A_810 = arith.index_cast %add3A_809 : i32 to index
          %get3A_811 = arith.constant 64 : index
          %get3A_812 = tpu.vector_load %arg10[%get3A_810, %get3A_811] {strides = array<i32>} : memref<128x128xf32, #tpu.memory_space<vmem>>, vector<1x16xf32>,
          %get3A_813 = vector.shape_cast %get3A_812 : vector<1x16xf32> to vector<16xf32>
          %mul3A_814 = arith.mulf %get3A_813, %broadcast_in_dim3A_733 : vector<16xf32>
          %mul3A_815 = arith.constant 16 : i32
          %mul3A_816 = arith.muli %scan3A_140, %mul3A_815 : i32
          %add3A_817 = arith.constant 4 : i32
          %add3A_818 = arith.addi %mul3A_816, %add3A_817 : i32
          %swap3A_819 = arith.index_cast %add3A_818 : i32 to index
          %swap3A_820 = arith.constant 64 : index
          %swap3A_821 = tpu.vector_load %arg10[%swap3A_819, %swap3A_820] {strides = array<i32>} : memref<128x128xf32, #tpu.memory_space<vmem>>, vector<1x16xf32>,
          %swap3A_822 = vector.shape_cast %swap3A_821 : vector<1x16xf32> to vector<16xf32>
          %swap3A_823 = vector.shape_cast %mul3A_814 : vector<16xf32> to vector<1x16xf32>
          tpu.vector_store %arg10[%swap3A_819, %swap3A_820], %swap3A_823 {strides = array<i32>} : memref<128x128xf32, #tpu.memory_space<vmem>>, vector<1x16xf32>,
          %mul3A_824 = arith.constant 16 : i32
          %mul3A_825 = arith.muli %scan3A_140, %mul3A_824 : i32
          %add3A_826 = arith.constant 4 : i32
          %add3A_827 = arith.addi %mul3A_825, %add3A_826 : i32
          %get3A_828 = arith.index_cast %add3A_827 : i32 to index
          %get3A_829 = arith.constant 80 : index
          %get3A_830 = tpu.vector_load %arg10[%get3A_828, %get3A_829] {strides = array<i32>} : memref<128x128xf32, #tpu.memory_space<vmem>>, vector<1x16xf32>,
          %get3A_831 = vector.shape_cast %get3A_830 : vector<1x16xf32> to vector<16xf32>
          %mul3A_832 = arith.mulf %get3A_831, %broadcast_in_dim3A_733 : vector<16xf32>
          %mul3A_833 = arith.constant 16 : i32
          %mul3A_834 = arith.muli %scan3A_140, %mul3A_833 : i32
          %add3A_835 = arith.constant 4 : i32
          %add3A_836 = arith.addi %mul3A_834, %add3A_835 : i32
          %swap3A_837 = arith.index_cast %add3A_836 : i32 to index
          %swap3A_838 = arith.constant 80 : index
          %swap3A_839 = tpu.vector_load %arg10[%swap3A_837, %swap3A_838] {strides = array<i32>} : memref<128x128xf32, #tpu.memory_space<vmem>>, vector<1x16xf32>,
          %swap3A_840 = vector.shape_cast %swap3A_839 : vector<1x16xf32> to vector<16xf32>
          %swap3A_841 = vector.shape_cast %mul3A_832 : vector<16xf32> to vector<1x16xf32>
          tpu.vector_store %arg10[%swap3A_837, %swap3A_838], %swap3A_841 {strides = array<i32>} : memref<128x128xf32, #tpu.memory_space<vmem>>, vector<1x16xf32>,
          %mul3A_842 = arith.constant 16 : i32
          %mul3A_843 = arith.muli %scan3A_140, %mul3A_842 : i32
          %add3A_844 = arith.constant 4 : i32
          %add3A_845 = arith.addi %mul3A_843, %add3A_844 : i32
          %get3A_846 = arith.index_cast %add3A_845 : i32 to index
          %get3A_847 = arith.constant 96 : index
          %get3A_848 = tpu.vector_load %arg10[%get3A_846, %get3A_847] {strides = array<i32>} : memref<128x128xf32, #tpu.memory_space<vmem>>, vector<1x16xf32>,
          %get3A_849 = vector.shape_cast %get3A_848 : vector<1x16xf32> to vector<16xf32>
          %mul3A_850 = arith.mulf %get3A_849, %broadcast_in_dim3A_733 : vector<16xf32>
          %mul3A_851 = arith.constant 16 : i32
          %mul3A_852 = arith.muli %scan3A_140, %mul3A_851 : i32
          %add3A_853 = arith.constant 4 : i32
          %add3A_854 = arith.addi %mul3A_852, %add3A_853 : i32
          %swap3A_855 = arith.index_cast %add3A_854 : i32 to index
          %swap3A_856 = arith.constant 96 : index
          %swap3A_857 = tpu.vector_load %arg10[%swap3A_855, %swap3A_856] {strides = array<i32>} : memref<128x128xf32, #tpu.memory_space<vmem>>, vector<1x16xf32>,
          %swap3A_858 = vector.shape_cast %swap3A_857 : vector<1x16xf32> to vector<16xf32>
          %swap3A_859 = vector.shape_cast %mul3A_850 : vector<16xf32> to vector<1x16xf32>
          tpu.vector_store %arg10[%swap3A_855, %swap3A_856], %swap3A_859 {strides = array<i32>} : memref<128x128xf32, #tpu.memory_space<vmem>>, vector<1x16xf32>,
          %mul3A_860 = arith.constant 16 : i32
          %mul3A_861 = arith.muli %scan3A_140, %mul3A_860 : i32
          %add3A_862 = arith.constant 4 : i32
          %add3A_863 = arith.addi %mul3A_861, %add3A_862 : i32
          %get3A_864 = arith.index_cast %add3A_863 : i32 to index
          %get3A_865 = arith.constant 112 : index
          %get3A_866 = tpu.vector_load %arg10[%get3A_864, %get3A_865] {strides = array<i32>} : memref<128x128xf32, #tpu.memory_space<vmem>>, vector<1x16xf32>,
          %get3A_867 = vector.shape_cast %get3A_866 : vector<1x16xf32> to vector<16xf32>
          %mul3A_868 = arith.mulf %get3A_867, %broadcast_in_dim3A_733 : vector<16xf32>
          %mul3A_869 = arith.constant 16 : i32
          %mul3A_870 = arith.muli %scan3A_140, %mul3A_869 : i32
          %add3A_871 = arith.constant 4 : i32
          %add3A_872 = arith.addi %mul3A_870, %add3A_871 : i32
          %swap3A_873 = arith.index_cast %add3A_872 : i32 to index
          %swap3A_874 = arith.constant 112 : index
          %swap3A_875 = tpu.vector_load %arg10[%swap3A_873, %swap3A_874] {strides = array<i32>} : memref<128x128xf32, #tpu.memory_space<vmem>>, vector<1x16xf32>,
          %swap3A_876 = vector.shape_cast %swap3A_875 : vector<1x16xf32> to vector<16xf32>
          %swap3A_877 = vector.shape_cast %mul3A_868 : vector<16xf32> to vector<1x16xf32>
          tpu.vector_store %arg10[%swap3A_873, %swap3A_874], %swap3A_877 {strides = array<i32>} : memref<128x128xf32, #tpu.memory_space<vmem>>, vector<1x16xf32>,
          %slice3A_878 = vector.extract_strided_slice %get3A_146 {offsets = [5], sizes = [1], strides = [1]} : vector<16xf32> to vector<1xf32>
          %squeeze3A_879 = vector.extract %slice3A_878[0] : f32 from vector<1xf32>
          %broadcast_in_dim3A_880 = vector.broadcast %squeeze3A_879 : f32 to vector<16xf32>
          %mul3A_881 = arith.constant 16 : i32
          %mul3A_882 = arith.muli %scan3A_140, %mul3A_881 : i32
          %add3A_883 = arith.constant 5 : i32
          %add3A_884 = arith.addi %mul3A_882, %add3A_883 : i32
          %get3A_885 = arith.index_cast %add3A_884 : i32 to index
          %get3A_886 = arith.constant 0 : index
          %get3A_887 = tpu.vector_load %arg10[%get3A_885, %get3A_886] {strides = array<i32>} : memref<128x128xf32, #tpu.memory_space<vmem>>, vector<1x16xf32>,
          %get3A_888 = vector.shape_cast %get3A_887 : vector<1x16xf32> to vector<16xf32>
          %mul3A_889 = arith.mulf %get3A_888, %broadcast_in_dim3A_880 : vector<16xf32>
          %mul3A_890 = arith.constant 16 : i32
          %mul3A_891 = arith.muli %scan3A_140, %mul3A_890 : i32
          %add3A_892 = arith.constant 5 : i32
          %add3A_893 = arith.addi %mul3A_891, %add3A_892 : i32
          %swap3A_894 = arith.index_cast %add3A_893 : i32 to index
          %swap3A_895 = arith.constant 0 : index
          %swap3A_896 = tpu.vector_load %arg10[%swap3A_894, %swap3A_895] {strides = array<i32>} : memref<128x128xf32, #tpu.memory_space<vmem>>, vector<1x16xf32>,
          %swap3A_897 = vector.shape_cast %swap3A_896 : vector<1x16xf32> to vector<16xf32>
          %swap3A_898 = vector.shape_cast %mul3A_889 : vector<16xf32> to vector<1x16xf32>
          tpu.vector_store %arg10[%swap3A_894, %swap3A_895], %swap3A_898 {strides = array<i32>} : memref<128x128xf32, #tpu.memory_space<vmem>>, vector<1x16xf32>,
          %mul3A_899 = arith.constant 16 : i32
          %mul3A_900 = arith.muli %scan3A_140, %mul3A_899 : i32
          %add3A_901 = arith.constant 5 : i32
          %add3A_902 = arith.addi %mul3A_900, %add3A_901 : i32
          %get3A_903 = arith.index_cast %add3A_902 : i32 to index
          %get3A_904 = arith.constant 16 : index
          %get3A_905 = tpu.vector_load %arg10[%get3A_903, %get3A_904] {strides = array<i32>} : memref<128x128xf32, #tpu.memory_space<vmem>>, vector<1x16xf32>,
          %get3A_906 = vector.shape_cast %get3A_905 : vector<1x16xf32> to vector<16xf32>
          %mul3A_907 = arith.mulf %get3A_906, %broadcast_in_dim3A_880 : vector<16xf32>
          %mul3A_908 = arith.constant 16 : i32
          %mul3A_909 = arith.muli %scan3A_140, %mul3A_908 : i32
          %add3A_910 = arith.constant 5 : i32
          %add3A_911 = arith.addi %mul3A_909, %add3A_910 : i32
          %swap3A_912 = arith.index_cast %add3A_911 : i32 to index
          %swap3A_913 = arith.constant 16 : index
          %swap3A_914 = tpu.vector_load %arg10[%swap3A_912, %swap3A_913] {strides = array<i32>} : memref<128x128xf32, #tpu.memory_space<vmem>>, vector<1x16xf32>,
          %swap3A_915 = vector.shape_cast %swap3A_914 : vector<1x16xf32> to vector<16xf32>
          %swap3A_916 = vector.shape_cast %mul3A_907 : vector<16xf32> to vector<1x16xf32>
          tpu.vector_store %arg10[%swap3A_912, %swap3A_913], %swap3A_916 {strides = array<i32>} : memref<128x128xf32, #tpu.memory_space<vmem>>, vector<1x16xf32>,
          %mul3A_917 = arith.constant 16 : i32
          %mul3A_918 = arith.muli %scan3A_140, %mul3A_917 : i32
          %add3A_919 = arith.constant 5 : i32
          %add3A_920 = arith.addi %mul3A_918, %add3A_919 : i32
          %get3A_921 = arith.index_cast %add3A_920 : i32 to index
          %get3A_922 = arith.constant 32 : index
          %get3A_923 = tpu.vector_load %arg10[%get3A_921, %get3A_922] {strides = array<i32>} : memref<128x128xf32, #tpu.memory_space<vmem>>, vector<1x16xf32>,
          %get3A_924 = vector.shape_cast %get3A_923 : vector<1x16xf32> to vector<16xf32>
          %mul3A_925 = arith.mulf %get3A_924, %broadcast_in_dim3A_880 : vector<16xf32>
          %mul3A_926 = arith.constant 16 : i32
          %mul3A_927 = arith.muli %scan3A_140, %mul3A_926 : i32
          %add3A_928 = arith.constant 5 : i32
          %add3A_929 = arith.addi %mul3A_927, %add3A_928 : i32
          %swap3A_930 = arith.index_cast %add3A_929 : i32 to index
          %swap3A_931 = arith.constant 32 : index
          %swap3A_932 = tpu.vector_load %arg10[%swap3A_930, %swap3A_931] {strides = array<i32>} : memref<128x128xf32, #tpu.memory_space<vmem>>, vector<1x16xf32>,
          %swap3A_933 = vector.shape_cast %swap3A_932 : vector<1x16xf32> to vector<16xf32>
          %swap3A_934 = vector.shape_cast %mul3A_925 : vector<16xf32> to vector<1x16xf32>
          tpu.vector_store %arg10[%swap3A_930, %swap3A_931], %swap3A_934 {strides = array<i32>} : memref<128x128xf32, #tpu.memory_space<vmem>>, vector<1x16xf32>,
          %mul3A_935 = arith.constant 16 : i32
          %mul3A_936 = arith.muli %scan3A_140, %mul3A_935 : i32
          %add3A_937 = arith.constant 5 : i32
          %add3A_938 = arith.addi %mul3A_936, %add3A_937 : i32
          %get3A_939 = arith.index_cast %add3A_938 : i32 to index
          %get3A_940 = arith.constant 48 : index
          %get3A_941 = tpu.vector_load %arg10[%get3A_939, %get3A_940] {strides = array<i32>} : memref<128x128xf32, #tpu.memory_space<vmem>>, vector<1x16xf32>,
          %get3A_942 = vector.shape_cast %get3A_941 : vector<1x16xf32> to vector<16xf32>
          %mul3A_943 = arith.mulf %get3A_942, %broadcast_in_dim3A_880 : vector<16xf32>
          %mul3A_944 = arith.constant 16 : i32
          %mul3A_945 = arith.muli %scan3A_140, %mul3A_944 : i32
          %add3A_946 = arith.constant 5 : i32
          %add3A_947 = arith.addi %mul3A_945, %add3A_946 : i32
          %swap3A_948 = arith.index_cast %add3A_947 : i32 to index
          %swap3A_949 = arith.constant 48 : index
          %swap3A_950 = tpu.vector_load %arg10[%swap3A_948, %swap3A_949] {strides = array<i32>} : memref<128x128xf32, #tpu.memory_space<vmem>>, vector<1x16xf32>,
          %swap3A_951 = vector.shape_cast %swap3A_950 : vector<1x16xf32> to vector<16xf32>
          %swap3A_952 = vector.shape_cast %mul3A_943 : vector<16xf32> to vector<1x16xf32>
          tpu.vector_store %arg10[%swap3A_948, %swap3A_949], %swap3A_952 {strides = array<i32>} : memref<128x128xf32, #tpu.memory_space<vmem>>, vector<1x16xf32>,
          %mul3A_953 = arith.constant 16 : i32
          %mul3A_954 = arith.muli %scan3A_140, %mul3A_953 : i32
          %add3A_955 = arith.constant 5 : i32
          %add3A_956 = arith.addi %mul3A_954, %add3A_955 : i32
          %get3A_957 = arith.index_cast %add3A_956 : i32 to index
          %get3A_958 = arith.constant 64 : index
          %get3A_959 = tpu.vector_load %arg10[%get3A_957, %get3A_958] {strides = array<i32>} : memref<128x128xf32, #tpu.memory_space<vmem>>, vector<1x16xf32>,
          %get3A_960 = vector.shape_cast %get3A_959 : vector<1x16xf32> to vector<16xf32>
          %mul3A_961 = arith.mulf %get3A_960, %broadcast_in_dim3A_880 : vector<16xf32>
          %mul3A_962 = arith.constant 16 : i32
          %mul3A_963 = arith.muli %scan3A_140, %mul3A_962 : i32
          %add3A_964 = arith.constant 5 : i32
          %add3A_965 = arith.addi %mul3A_963, %add3A_964 : i32
          %swap3A_966 = arith.index_cast %add3A_965 : i32 to index
          %swap3A_967 = arith.constant 64 : index
          %swap3A_968 = tpu.vector_load %arg10[%swap3A_966, %swap3A_967] {strides = array<i32>} : memref<128x128xf32, #tpu.memory_space<vmem>>, vector<1x16xf32>,
          %swap3A_969 = vector.shape_cast %swap3A_968 : vector<1x16xf32> to vector<16xf32>
          %swap3A_970 = vector.shape_cast %mul3A_961 : vector<16xf32> to vector<1x16xf32>
          tpu.vector_store %arg10[%swap3A_966, %swap3A_967], %swap3A_970 {strides = array<i32>} : memref<128x128xf32, #tpu.memory_space<vmem>>, vector<1x16xf32>,
          %mul3A_971 = arith.constant 16 : i32
          %mul3A_972 = arith.muli %scan3A_140, %mul3A_971 : i32
          %add3A_973 = arith.constant 5 : i32
          %add3A_974 = arith.addi %mul3A_972, %add3A_973 : i32
          %get3A_975 = arith.index_cast %add3A_974 : i32 to index
          %get3A_976 = arith.constant 80 : index
          %get3A_977 = tpu.vector_load %arg10[%get3A_975, %get3A_976] {strides = array<i32>} : memref<128x128xf32, #tpu.memory_space<vmem>>, vector<1x16xf32>,
          %get3A_978 = vector.shape_cast %get3A_977 : vector<1x16xf32> to vector<16xf32>
          %mul3A_979 = arith.mulf %get3A_978, %broadcast_in_dim3A_880 : vector<16xf32>
          %mul3A_980 = arith.constant 16 : i32
          %mul3A_981 = arith.muli %scan3A_140, %mul3A_980 : i32
          %add3A_982 = arith.constant 5 : i32
          %add3A_983 = arith.addi %mul3A_981, %add3A_982 : i32
          %swap3A_984 = arith.index_cast %add3A_983 : i32 to index
          %swap3A_985 = arith.constant 80 : index
          %swap3A_986 = tpu.vector_load %arg10[%swap3A_984, %swap3A_985] {strides = array<i32>} : memref<128x128xf32, #tpu.memory_space<vmem>>, vector<1x16xf32>,
          %swap3A_987 = vector.shape_cast %swap3A_986 : vector<1x16xf32> to vector<16xf32>
          %swap3A_988 = vector.shape_cast %mul3A_979 : vector<16xf32> to vector<1x16xf32>
          tpu.vector_store %arg10[%swap3A_984, %swap3A_985], %swap3A_988 {strides = array<i32>} : memref<128x128xf32, #tpu.memory_space<vmem>>, vector<1x16xf32>,
          %mul3A_989 = arith.constant 16 : i32
          %mul3A_990 = arith.muli %scan3A_140, %mul3A_989 : i32
          %add3A_991 = arith.constant 5 : i32
          %add3A_992 = arith.addi %mul3A_990, %add3A_991 : i32
          %get3A_993 = arith.index_cast %add3A_992 : i32 to index
          %get3A_994 = arith.constant 96 : index
          %get3A_995 = tpu.vector_load %arg10[%get3A_993, %get3A_994] {strides = array<i32>} : memref<128x128xf32, #tpu.memory_space<vmem>>, vector<1x16xf32>,
          %get3A_996 = vector.shape_cast %get3A_995 : vector<1x16xf32> to vector<16xf32>
          %mul3A_997 = arith.mulf %get3A_996, %broadcast_in_dim3A_880 : vector<16xf32>
          %mul3A_998 = arith.constant 16 : i32
          %mul3A_999 = arith.muli %scan3A_140, %mul3A_998 : i32
          %add3A_1000 = arith.constant 5 : i32
          %add3A_1001 = arith.addi %mul3A_999, %add3A_1000 : i32
          %swap3A_1002 = arith.index_cast %add3A_1001 : i32 to index
          %swap3A_1003 = arith.constant 96 : index
          %swap3A_1004 = tpu.vector_load %arg10[%swap3A_1002, %swap3A_1003] {strides = array<i32>} : memref<128x128xf32, #tpu.memory_space<vmem>>, vector<1x16xf32>,
          %swap3A_1005 = vector.shape_cast %swap3A_1004 : vector<1x16xf32> to vector<16xf32>
          %swap3A_1006 = vector.shape_cast %mul3A_997 : vector<16xf32> to vector<1x16xf32>
          tpu.vector_store %arg10[%swap3A_1002, %swap3A_1003], %swap3A_1006 {strides = array<i32>} : memref<128x128xf32, #tpu.memory_space<vmem>>, vector<1x16xf32>,
          %mul3A_1007 = arith.constant 16 : i32
          %mul3A_1008 = arith.muli %scan3A_140, %mul3A_1007 : i32
          %add3A_1009 = arith.constant 5 : i32
          %add3A_1010 = arith.addi %mul3A_1008, %add3A_1009 : i32
          %get3A_1011 = arith.index_cast %add3A_1010 : i32 to index
          %get3A_1012 = arith.constant 112 : index
          %get3A_1013 = tpu.vector_load %arg10[%get3A_1011, %get3A_1012] {strides = array<i32>} : memref<128x128xf32, #tpu.memory_space<vmem>>, vector<1x16xf32>,
          %get3A_1014 = vector.shape_cast %get3A_1013 : vector<1x16xf32> to vector<16xf32>
          %mul3A_1015 = arith.mulf %get3A_1014, %broadcast_in_dim3A_880 : vector<16xf32>
          %mul3A_1016 = arith.constant 16 : i32
          %mul3A_1017 = arith.muli %scan3A_140, %mul3A_1016 : i32
          %add3A_1018 = arith.constant 5 : i32
          %add3A_1019 = arith.addi %mul3A_1017, %add3A_1018 : i32
          %swap3A_1020 = arith.index_cast %add3A_1019 : i32 to index
          %swap3A_1021 = arith.constant 112 : index
          %swap3A_1022 = tpu.vector_load %arg10[%swap3A_1020, %swap3A_1021] {strides = array<i32>} : memref<128x128xf32, #tpu.memory_space<vmem>>, vector<1x16xf32>,
          %swap3A_1023 = vector.shape_cast %swap3A_1022 : vector<1x16xf32> to vector<16xf32>
          %swap3A_1024 = vector.shape_cast %mul3A_1015 : vector<16xf32> to vector<1x16xf32>
          tpu.vector_store %arg10[%swap3A_1020, %swap3A_1021], %swap3A_1024 {strides = array<i32>} : memref<128x128xf32, #tpu.memory_space<vmem>>, vector<1x16xf32>,
          %slice3A_1025 = vector.extract_strided_slice %get3A_146 {offsets = [6], sizes = [1], strides = [1]} : vector<16xf32> to vector<1xf32>
          %squeeze3A_1026 = vector.extract %slice3A_1025[0] : f32 from vector<1xf32>
          %broadcast_in_dim3A_1027 = vector.broadcast %squeeze3A_1026 : f32 to vector<16xf32>
          %mul3A_1028 = arith.constant 16 : i32
          %mul3A_1029 = arith.muli %scan3A_140, %mul3A_1028 : i32
          %add3A_1030 = arith.constant 6 : i32
          %add3A_1031 = arith.addi %mul3A_1029, %add3A_1030 : i32
          %get3A_1032 = arith.index_cast %add3A_1031 : i32 to index
          %get3A_1033 = arith.constant 0 : index
          %get3A_1034 = tpu.vector_load %arg10[%get3A_1032, %get3A_1033] {strides = array<i32>} : memref<128x128xf32, #tpu.memory_space<vmem>>, vector<1x16xf32>,
          %get3A_1035 = vector.shape_cast %get3A_1034 : vector<1x16xf32> to vector<16xf32>
          %mul3A_1036 = arith.mulf %get3A_1035, %broadcast_in_dim3A_1027 : vector<16xf32>
          %mul3A_1037 = arith.constant 16 : i32
          %mul3A_1038 = arith.muli %scan3A_140, %mul3A_1037 : i32
          %add3A_1039 = arith.constant 6 : i32
          %add3A_1040 = arith.addi %mul3A_1038, %add3A_1039 : i32
          %swap3A_1041 = arith.index_cast %add3A_1040 : i32 to index
          %swap3A_1042 = arith.constant 0 : index
          %swap3A_1043 = tpu.vector_load %arg10[%swap3A_1041, %swap3A_1042] {strides = array<i32>} : memref<128x128xf32, #tpu.memory_space<vmem>>, vector<1x16xf32>,
          %swap3A_1044 = vector.shape_cast %swap3A_1043 : vector<1x16xf32> to vector<16xf32>
          %swap3A_1045 = vector.shape_cast %mul3A_1036 : vector<16xf32> to vector<1x16xf32>
          tpu.vector_store %arg10[%swap3A_1041, %swap3A_1042], %swap3A_1045 {strides = array<i32>} : memref<128x128xf32, #tpu.memory_space<vmem>>, vector<1x16xf32>,
          %mul3A_1046 = arith.constant 16 : i32
          %mul3A_1047 = arith.muli %scan3A_140, %mul3A_1046 : i32
          %add3A_1048 = arith.constant 6 : i32
          %add3A_1049 = arith.addi %mul3A_1047, %add3A_1048 : i32
          %get3A_1050 = arith.index_cast %add3A_1049 : i32 to index
          %get3A_1051 = arith.constant 16 : index
          %get3A_1052 = tpu.vector_load %arg10[%get3A_1050, %get3A_1051] {strides = array<i32>} : memref<128x128xf32, #tpu.memory_space<vmem>>, vector<1x16xf32>,
          %get3A_1053 = vector.shape_cast %get3A_1052 : vector<1x16xf32> to vector<16xf32>
          %mul3A_1054 = arith.mulf %get3A_1053, %broadcast_in_dim3A_1027 : vector<16xf32>
          %mul3A_1055 = arith.constant 16 : i32
          %mul3A_1056 = arith.muli %scan3A_140, %mul3A_1055 : i32
          %add3A_1057 = arith.constant 6 : i32
          %add3A_1058 = arith.addi %mul3A_1056, %add3A_1057 : i32
          %swap3A_1059 = arith.index_cast %add3A_1058 : i32 to index
          %swap3A_1060 = arith.constant 16 : index
          %swap3A_1061 = tpu.vector_load %arg10[%swap3A_1059, %swap3A_1060] {strides = array<i32>} : memref<128x128xf32, #tpu.memory_space<vmem>>, vector<1x16xf32>,
          %swap3A_1062 = vector.shape_cast %swap3A_1061 : vector<1x16xf32> to vector<16xf32>
          %swap3A_1063 = vector.shape_cast %mul3A_1054 : vector<16xf32> to vector<1x16xf32>
          tpu.vector_store %arg10[%swap3A_1059, %swap3A_1060], %swap3A_1063 {strides = array<i32>} : memref<128x128xf32, #tpu.memory_space<vmem>>, vector<1x16xf32>,
          %mul3A_1064 = arith.constant 16 : i32
          %mul3A_1065 = arith.muli %scan3A_140, %mul3A_1064 : i32
          %add3A_1066 = arith.constant 6 : i32
          %add3A_1067 = arith.addi %mul3A_1065, %add3A_1066 : i32
          %get3A_1068 = arith.index_cast %add3A_1067 : i32 to index
          %get3A_1069 = arith.constant 32 : index
          %get3A_1070 = tpu.vector_load %arg10[%get3A_1068, %get3A_1069] {strides = array<i32>} : memref<128x128xf32, #tpu.memory_space<vmem>>, vector<1x16xf32>,
          %get3A_1071 = vector.shape_cast %get3A_1070 : vector<1x16xf32> to vector<16xf32>
          %mul3A_1072 = arith.mulf %get3A_1071, %broadcast_in_dim3A_1027 : vector<16xf32>
          %mul3A_1073 = arith.constant 16 : i32
          %mul3A_1074 = arith.muli %scan3A_140, %mul3A_1073 : i32
          %add3A_1075 = arith.constant 6 : i32
          %add3A_1076 = arith.addi %mul3A_1074, %add3A_1075 : i32
          %swap3A_1077 = arith.index_cast %add3A_1076 : i32 to index
          %swap3A_1078 = arith.constant 32 : index
          %swap3A_1079 = tpu.vector_load %arg10[%swap3A_1077, %swap3A_1078] {strides = array<i32>} : memref<128x128xf32, #tpu.memory_space<vmem>>, vector<1x16xf32>,
          %swap3A_1080 = vector.shape_cast %swap3A_1079 : vector<1x16xf32> to vector<16xf32>
          %swap3A_1081 = vector.shape_cast %mul3A_1072 : vector<16xf32> to vector<1x16xf32>
          tpu.vector_store %arg10[%swap3A_1077, %swap3A_1078], %swap3A_1081 {strides = array<i32>} : memref<128x128xf32, #tpu.memory_space<vmem>>, vector<1x16xf32>,
          %mul3A_1082 = arith.constant 16 : i32
          %mul3A_1083 = arith.muli %scan3A_140, %mul3A_1082 : i32
          %add3A_1084 = arith.constant 6 : i32
          %add3A_1085 = arith.addi %mul3A_1083, %add3A_1084 : i32
          %get3A_1086 = arith.index_cast %add3A_1085 : i32 to index
          %get3A_1087 = arith.constant 48 : index
          %get3A_1088 = tpu.vector_load %arg10[%get3A_1086, %get3A_1087] {strides = array<i32>} : memref<128x128xf32, #tpu.memory_space<vmem>>, vector<1x16xf32>,
          %get3A_1089 = vector.shape_cast %get3A_1088 : vector<1x16xf32> to vector<16xf32>
          %mul3A_1090 = arith.mulf %get3A_1089, %broadcast_in_dim3A_1027 : vector<16xf32>
          %mul3A_1091 = arith.constant 16 : i32
          %mul3A_1092 = arith.muli %scan3A_140, %mul3A_1091 : i32
          %add3A_1093 = arith.constant 6 : i32
          %add3A_1094 = arith.addi %mul3A_1092, %add3A_1093 : i32
          %swap3A_1095 = arith.index_cast %add3A_1094 : i32 to index
          %swap3A_1096 = arith.constant 48 : index
          %swap3A_1097 = tpu.vector_load %arg10[%swap3A_1095, %swap3A_1096] {strides = array<i32>} : memref<128x128xf32, #tpu.memory_space<vmem>>, vector<1x16xf32>,
          %swap3A_1098 = vector.shape_cast %swap3A_1097 : vector<1x16xf32> to vector<16xf32>
          %swap3A_1099 = vector.shape_cast %mul3A_1090 : vector<16xf32> to vector<1x16xf32>
          tpu.vector_store %arg10[%swap3A_1095, %swap3A_1096], %swap3A_1099 {strides = array<i32>} : memref<128x128xf32, #tpu.memory_space<vmem>>, vector<1x16xf32>,
          %mul3A_1100 = arith.constant 16 : i32
          %mul3A_1101 = arith.muli %scan3A_140, %mul3A_1100 : i32
          %add3A_1102 = arith.constant 6 : i32
          %add3A_1103 = arith.addi %mul3A_1101, %add3A_1102 : i32
          %get3A_1104 = arith.index_cast %add3A_1103 : i32 to index
          %get3A_1105 = arith.constant 64 : index
          %get3A_1106 = tpu.vector_load %arg10[%get3A_1104, %get3A_1105] {strides = array<i32>} : memref<128x128xf32, #tpu.memory_space<vmem>>, vector<1x16xf32>,
          %get3A_1107 = vector.shape_cast %get3A_1106 : vector<1x16xf32> to vector<16xf32>
          %mul3A_1108 = arith.mulf %get3A_1107, %broadcast_in_dim3A_1027 : vector<16xf32>
          %mul3A_1109 = arith.constant 16 : i32
          %mul3A_1110 = arith.muli %scan3A_140, %mul3A_1109 : i32
          %add3A_1111 = arith.constant 6 : i32
          %add3A_1112 = arith.addi %mul3A_1110, %add3A_1111 : i32
          %swap3A_1113 = arith.index_cast %add3A_1112 : i32 to index
          %swap3A_1114 = arith.constant 64 : index
          %swap3A_1115 = tpu.vector_load %arg10[%swap3A_1113, %swap3A_1114] {strides = array<i32>} : memref<128x128xf32, #tpu.memory_space<vmem>>, vector<1x16xf32>,
          %swap3A_1116 = vector.shape_cast %swap3A_1115 : vector<1x16xf32> to vector<16xf32>
          %swap3A_1117 = vector.shape_cast %mul3A_1108 : vector<16xf32> to vector<1x16xf32>
          tpu.vector_store %arg10[%swap3A_1113, %swap3A_1114], %swap3A_1117 {strides = array<i32>} : memref<128x128xf32, #tpu.memory_space<vmem>>, vector<1x16xf32>,
          %mul3A_1118 = arith.constant 16 : i32
          %mul3A_1119 = arith.muli %scan3A_140, %mul3A_1118 : i32
          %add3A_1120 = arith.constant 6 : i32
          %add3A_1121 = arith.addi %mul3A_1119, %add3A_1120 : i32
          %get3A_1122 = arith.index_cast %add3A_1121 : i32 to index
          %get3A_1123 = arith.constant 80 : index
          %get3A_1124 = tpu.vector_load %arg10[%get3A_1122, %get3A_1123] {strides = array<i32>} : memref<128x128xf32, #tpu.memory_space<vmem>>, vector<1x16xf32>,
          %get3A_1125 = vector.shape_cast %get3A_1124 : vector<1x16xf32> to vector<16xf32>
          %mul3A_1126 = arith.mulf %get3A_1125, %broadcast_in_dim3A_1027 : vector<16xf32>
          %mul3A_1127 = arith.constant 16 : i32
          %mul3A_1128 = arith.muli %scan3A_140, %mul3A_1127 : i32
          %add3A_1129 = arith.constant 6 : i32
          %add3A_1130 = arith.addi %mul3A_1128, %add3A_1129 : i32
          %swap3A_1131 = arith.index_cast %add3A_1130 : i32 to index
          %swap3A_1132 = arith.constant 80 : index
          %swap3A_1133 = tpu.vector_load %arg10[%swap3A_1131, %swap3A_1132] {strides = array<i32>} : memref<128x128xf32, #tpu.memory_space<vmem>>, vector<1x16xf32>,
          %swap3A_1134 = vector.shape_cast %swap3A_1133 : vector<1x16xf32> to vector<16xf32>
          %swap3A_1135 = vector.shape_cast %mul3A_1126 : vector<16xf32> to vector<1x16xf32>
          tpu.vector_store %arg10[%swap3A_1131, %swap3A_1132], %swap3A_1135 {strides = array<i32>} : memref<128x128xf32, #tpu.memory_space<vmem>>, vector<1x16xf32>,
          %mul3A_1136 = arith.constant 16 : i32
          %mul3A_1137 = arith.muli %scan3A_140, %mul3A_1136 : i32
          %add3A_1138 = arith.constant 6 : i32
          %add3A_1139 = arith.addi %mul3A_1137, %add3A_1138 : i32
          %get3A_1140 = arith.index_cast %add3A_1139 : i32 to index
          %get3A_1141 = arith.constant 96 : index
          %get3A_1142 = tpu.vector_load %arg10[%get3A_1140, %get3A_1141] {strides = array<i32>} : memref<128x128xf32, #tpu.memory_space<vmem>>, vector<1x16xf32>,
          %get3A_1143 = vector.shape_cast %get3A_1142 : vector<1x16xf32> to vector<16xf32>
          %mul3A_1144 = arith.mulf %get3A_1143, %broadcast_in_dim3A_1027 : vector<16xf32>
          %mul3A_1145 = arith.constant 16 : i32
          %mul3A_1146 = arith.muli %scan3A_140, %mul3A_1145 : i32
          %add3A_1147 = arith.constant 6 : i32
          %add3A_1148 = arith.addi %mul3A_1146, %add3A_1147 : i32
          %swap3A_1149 = arith.index_cast %add3A_1148 : i32 to index
          %swap3A_1150 = arith.constant 96 : index
          %swap3A_1151 = tpu.vector_load %arg10[%swap3A_1149, %swap3A_1150] {strides = array<i32>} : memref<128x128xf32, #tpu.memory_space<vmem>>, vector<1x16xf32>,
          %swap3A_1152 = vector.shape_cast %swap3A_1151 : vector<1x16xf32> to vector<16xf32>
          %swap3A_1153 = vector.shape_cast %mul3A_1144 : vector<16xf32> to vector<1x16xf32>
          tpu.vector_store %arg10[%swap3A_1149, %swap3A_1150], %swap3A_1153 {strides = array<i32>} : memref<128x128xf32, #tpu.memory_space<vmem>>, vector<1x16xf32>,
          %mul3A_1154 = arith.constant 16 : i32
          %mul3A_1155 = arith.muli %scan3A_140, %mul3A_1154 : i32
          %add3A_1156 = arith.constant 6 : i32
          %add3A_1157 = arith.addi %mul3A_1155, %add3A_1156 : i32
          %get3A_1158 = arith.index_cast %add3A_1157 : i32 to index
          %get3A_1159 = arith.constant 112 : index
          %get3A_1160 = tpu.vector_load %arg10[%get3A_1158, %get3A_1159] {strides = array<i32>} : memref<128x128xf32, #tpu.memory_space<vmem>>, vector<1x16xf32>,
          %get3A_1161 = vector.shape_cast %get3A_1160 : vector<1x16xf32> to vector<16xf32>
          %mul3A_1162 = arith.mulf %get3A_1161, %broadcast_in_dim3A_1027 : vector<16xf32>
          %mul3A_1163 = arith.constant 16 : i32
          %mul3A_1164 = arith.muli %scan3A_140, %mul3A_1163 : i32
          %add3A_1165 = arith.constant 6 : i32
          %add3A_1166 = arith.addi %mul3A_1164, %add3A_1165 : i32
          %swap3A_1167 = arith.index_cast %add3A_1166 : i32 to index
          %swap3A_1168 = arith.constant 112 : index
          %swap3A_1169 = tpu.vector_load %arg10[%swap3A_1167, %swap3A_1168] {strides = array<i32>} : memref<128x128xf32, #tpu.memory_space<vmem>>, vector<1x16xf32>,
          %swap3A_1170 = vector.shape_cast %swap3A_1169 : vector<1x16xf32> to vector<16xf32>
          %swap3A_1171 = vector.shape_cast %mul3A_1162 : vector<16xf32> to vector<1x16xf32>
          tpu.vector_store %arg10[%swap3A_1167, %swap3A_1168], %swap3A_1171 {strides = array<i32>} : memref<128x128xf32, #tpu.memory_space<vmem>>, vector<1x16xf32>,
          %slice3A_1172 = vector.extract_strided_slice %get3A_146 {offsets = [7], sizes = [1], strides = [1]} : vector<16xf32> to vector<1xf32>
          %squeeze3A_1173 = vector.extract %slice3A_1172[0] : f32 from vector<1xf32>
          %broadcast_in_dim3A_1174 = vector.broadcast %squeeze3A_1173 : f32 to vector<16xf32>
          %mul3A_1175 = arith.constant 16 : i32
          %mul3A_1176 = arith.muli %scan3A_140, %mul3A_1175 : i32
          %add3A_1177 = arith.constant 7 : i32
          %add3A_1178 = arith.addi %mul3A_1176, %add3A_1177 : i32
          %get3A_1179 = arith.index_cast %add3A_1178 : i32 to index
          %get3A_1180 = arith.constant 0 : index
          %get3A_1181 = tpu.vector_load %arg10[%get3A_1179, %get3A_1180] {strides = array<i32>} : memref<128x128xf32, #tpu.memory_space<vmem>>, vector<1x16xf32>,
          %get3A_1182 = vector.shape_cast %get3A_1181 : vector<1x16xf32> to vector<16xf32>
          %mul3A_1183 = arith.mulf %get3A_1182, %broadcast_in_dim3A_1174 : vector<16xf32>
          %mul3A_1184 = arith.constant 16 : i32
          %mul3A_1185 = arith.muli %scan3A_140, %mul3A_1184 : i32
          %add3A_1186 = arith.constant 7 : i32
          %add3A_1187 = arith.addi %mul3A_1185, %add3A_1186 : i32
          %swap3A_1188 = arith.index_cast %add3A_1187 : i32 to index
          %swap3A_1189 = arith.constant 0 : index
          %swap3A_1190 = tpu.vector_load %arg10[%swap3A_1188, %swap3A_1189] {strides = array<i32>} : memref<128x128xf32, #tpu.memory_space<vmem>>, vector<1x16xf32>,
          %swap3A_1191 = vector.shape_cast %swap3A_1190 : vector<1x16xf32> to vector<16xf32>
          %swap3A_1192 = vector.shape_cast %mul3A_1183 : vector<16xf32> to vector<1x16xf32>
          tpu.vector_store %arg10[%swap3A_1188, %swap3A_1189], %swap3A_1192 {strides = array<i32>} : memref<128x128xf32, #tpu.memory_space<vmem>>, vector<1x16xf32>,
          %mul3A_1193 = arith.constant 16 : i32
          %mul3A_1194 = arith.muli %scan3A_140, %mul3A_1193 : i32
          %add3A_1195 = arith.constant 7 : i32
          %add3A_1196 = arith.addi %mul3A_1194, %add3A_1195 : i32
          %get3A_1197 = arith.index_cast %add3A_1196 : i32 to index
          %get3A_1198 = arith.constant 16 : index
          %get3A_1199 = tpu.vector_load %arg10[%get3A_1197, %get3A_1198] {strides = array<i32>} : memref<128x128xf32, #tpu.memory_space<vmem>>, vector<1x16xf32>,
          %get3A_1200 = vector.shape_cast %get3A_1199 : vector<1x16xf32> to vector<16xf32>
          %mul3A_1201 = arith.mulf %get3A_1200, %broadcast_in_dim3A_1174 : vector<16xf32>
          %mul3A_1202 = arith.constant 16 : i32
          %mul3A_1203 = arith.muli %scan3A_140, %mul3A_1202 : i32
          %add3A_1204 = arith.constant 7 : i32
          %add3A_1205 = arith.addi %mul3A_1203, %add3A_1204 : i32
          %swap3A_1206 = arith.index_cast %add3A_1205 : i32 to index
          %swap3A_1207 = arith.constant 16 : index
          %swap3A_1208 = tpu.vector_load %arg10[%swap3A_1206, %swap3A_1207] {strides = array<i32>} : memref<128x128xf32, #tpu.memory_space<vmem>>, vector<1x16xf32>,
          %swap3A_1209 = vector.shape_cast %swap3A_1208 : vector<1x16xf32> to vector<16xf32>
          %swap3A_1210 = vector.shape_cast %mul3A_1201 : vector<16xf32> to vector<1x16xf32>
          tpu.vector_store %arg10[%swap3A_1206, %swap3A_1207], %swap3A_1210 {strides = array<i32>} : memref<128x128xf32, #tpu.memory_space<vmem>>, vector<1x16xf32>,
          %mul3A_1211 = arith.constant 16 : i32
          %mul3A_1212 = arith.muli %scan3A_140, %mul3A_1211 : i32
          %add3A_1213 = arith.constant 7 : i32
          %add3A_1214 = arith.addi %mul3A_1212, %add3A_1213 : i32
          %get3A_1215 = arith.index_cast %add3A_1214 : i32 to index
          %get3A_1216 = arith.constant 32 : index
          %get3A_1217 = tpu.vector_load %arg10[%get3A_1215, %get3A_1216] {strides = array<i32>} : memref<128x128xf32, #tpu.memory_space<vmem>>, vector<1x16xf32>,
          %get3A_1218 = vector.shape_cast %get3A_1217 : vector<1x16xf32> to vector<16xf32>
          %mul3A_1219 = arith.mulf %get3A_1218, %broadcast_in_dim3A_1174 : vector<16xf32>
          %mul3A_1220 = arith.constant 16 : i32
          %mul3A_1221 = arith.muli %scan3A_140, %mul3A_1220 : i32
          %add3A_1222 = arith.constant 7 : i32
          %add3A_1223 = arith.addi %mul3A_1221, %add3A_1222 : i32
          %swap3A_1224 = arith.index_cast %add3A_1223 : i32 to index
          %swap3A_1225 = arith.constant 32 : index
          %swap3A_1226 = tpu.vector_load %arg10[%swap3A_1224, %swap3A_1225] {strides = array<i32>} : memref<128x128xf32, #tpu.memory_space<vmem>>, vector<1x16xf32>,
          %swap3A_1227 = vector.shape_cast %swap3A_1226 : vector<1x16xf32> to vector<16xf32>
          %swap3A_1228 = vector.shape_cast %mul3A_1219 : vector<16xf32> to vector<1x16xf32>
          tpu.vector_store %arg10[%swap3A_1224, %swap3A_1225], %swap3A_1228 {strides = array<i32>} : memref<128x128xf32, #tpu.memory_space<vmem>>, vector<1x16xf32>,
          %mul3A_1229 = arith.constant 16 : i32
          %mul3A_1230 = arith.muli %scan3A_140, %mul3A_1229 : i32
          %add3A_1231 = arith.constant 7 : i32
          %add3A_1232 = arith.addi %mul3A_1230, %add3A_1231 : i32
          %get3A_1233 = arith.index_cast %add3A_1232 : i32 to index
          %get3A_1234 = arith.constant 48 : index
          %get3A_1235 = tpu.vector_load %arg10[%get3A_1233, %get3A_1234] {strides = array<i32>} : memref<128x128xf32, #tpu.memory_space<vmem>>, vector<1x16xf32>,
          %get3A_1236 = vector.shape_cast %get3A_1235 : vector<1x16xf32> to vector<16xf32>
          %mul3A_1237 = arith.mulf %get3A_1236, %broadcast_in_dim3A_1174 : vector<16xf32>
          %mul3A_1238 = arith.constant 16 : i32
          %mul3A_1239 = arith.muli %scan3A_140, %mul3A_1238 : i32
          %add3A_1240 = arith.constant 7 : i32
          %add3A_1241 = arith.addi %mul3A_1239, %add3A_1240 : i32
          %swap3A_1242 = arith.index_cast %add3A_1241 : i32 to index
          %swap3A_1243 = arith.constant 48 : index
          %swap3A_1244 = tpu.vector_load %arg10[%swap3A_1242, %swap3A_1243] {strides = array<i32>} : memref<128x128xf32, #tpu.memory_space<vmem>>, vector<1x16xf32>,
          %swap3A_1245 = vector.shape_cast %swap3A_1244 : vector<1x16xf32> to vector<16xf32>
          %swap3A_1246 = vector.shape_cast %mul3A_1237 : vector<16xf32> to vector<1x16xf32>
          tpu.vector_store %arg10[%swap3A_1242, %swap3A_1243], %swap3A_1246 {strides = array<i32>} : memref<128x128xf32, #tpu.memory_space<vmem>>, vector<1x16xf32>,
          %mul3A_1247 = arith.constant 16 : i32
          %mul3A_1248 = arith.muli %scan3A_140, %mul3A_1247 : i32
          %add3A_1249 = arith.constant 7 : i32
          %add3A_1250 = arith.addi %mul3A_1248, %add3A_1249 : i32
          %get3A_1251 = arith.index_cast %add3A_1250 : i32 to index
          %get3A_1252 = arith.constant 64 : index
          %get3A_1253 = tpu.vector_load %arg10[%get3A_1251, %get3A_1252] {strides = array<i32>} : memref<128x128xf32, #tpu.memory_space<vmem>>, vector<1x16xf32>,
          %get3A_1254 = vector.shape_cast %get3A_1253 : vector<1x16xf32> to vector<16xf32>
          %mul3A_1255 = arith.mulf %get3A_1254, %broadcast_in_dim3A_1174 : vector<16xf32>
          %mul3A_1256 = arith.constant 16 : i32
          %mul3A_1257 = arith.muli %scan3A_140, %mul3A_1256 : i32
          %add3A_1258 = arith.constant 7 : i32
          %add3A_1259 = arith.addi %mul3A_1257, %add3A_1258 : i32
          %swap3A_1260 = arith.index_cast %add3A_1259 : i32 to index
          %swap3A_1261 = arith.constant 64 : index
          %swap3A_1262 = tpu.vector_load %arg10[%swap3A_1260, %swap3A_1261] {strides = array<i32>} : memref<128x128xf32, #tpu.memory_space<vmem>>, vector<1x16xf32>,
          %swap3A_1263 = vector.shape_cast %swap3A_1262 : vector<1x16xf32> to vector<16xf32>
          %swap3A_1264 = vector.shape_cast %mul3A_1255 : vector<16xf32> to vector<1x16xf32>
          tpu.vector_store %arg10[%swap3A_1260, %swap3A_1261], %swap3A_1264 {strides = array<i32>} : memref<128x128xf32, #tpu.memory_space<vmem>>, vector<1x16xf32>,
          %mul3A_1265 = arith.constant 16 : i32
          %mul3A_1266 = arith.muli %scan3A_140, %mul3A_1265 : i32
          %add3A_1267 = arith.constant 7 : i32
          %add3A_1268 = arith.addi %mul3A_1266, %add3A_1267 : i32
          %get3A_1269 = arith.index_cast %add3A_1268 : i32 to index
          %get3A_1270 = arith.constant 80 : index
          %get3A_1271 = tpu.vector_load %arg10[%get3A_1269, %get3A_1270] {strides = array<i32>} : memref<128x128xf32, #tpu.memory_space<vmem>>, vector<1x16xf32>,
          %get3A_1272 = vector.shape_cast %get3A_1271 : vector<1x16xf32> to vector<16xf32>
          %mul3A_1273 = arith.mulf %get3A_1272, %broadcast_in_dim3A_1174 : vector<16xf32>
          %mul3A_1274 = arith.constant 16 : i32
          %mul3A_1275 = arith.muli %scan3A_140, %mul3A_1274 : i32
          %add3A_1276 = arith.constant 7 : i32
          %add3A_1277 = arith.addi %mul3A_1275, %add3A_1276 : i32
          %swap3A_1278 = arith.index_cast %add3A_1277 : i32 to index
          %swap3A_1279 = arith.constant 80 : index
          %swap3A_1280 = tpu.vector_load %arg10[%swap3A_1278, %swap3A_1279] {strides = array<i32>} : memref<128x128xf32, #tpu.memory_space<vmem>>, vector<1x16xf32>,
          %swap3A_1281 = vector.shape_cast %swap3A_1280 : vector<1x16xf32> to vector<16xf32>
          %swap3A_1282 = vector.shape_cast %mul3A_1273 : vector<16xf32> to vector<1x16xf32>
          tpu.vector_store %arg10[%swap3A_1278, %swap3A_1279], %swap3A_1282 {strides = array<i32>} : memref<128x128xf32, #tpu.memory_space<vmem>>, vector<1x16xf32>,
          %mul3A_1283 = arith.constant 16 : i32
          %mul3A_1284 = arith.muli %scan3A_140, %mul3A_1283 : i32
          %add3A_1285 = arith.constant 7 : i32
          %add3A_1286 = arith.addi %mul3A_1284, %add3A_1285 : i32
          %get3A_1287 = arith.index_cast %add3A_1286 : i32 to index
          %get3A_1288 = arith.constant 96 : index
          %get3A_1289 = tpu.vector_load %arg10[%get3A_1287, %get3A_1288] {strides = array<i32>} : memref<128x128xf32, #tpu.memory_space<vmem>>, vector<1x16xf32>,
          %get3A_1290 = vector.shape_cast %get3A_1289 : vector<1x16xf32> to vector<16xf32>
          %mul3A_1291 = arith.mulf %get3A_1290, %broadcast_in_dim3A_1174 : vector<16xf32>
          %mul3A_1292 = arith.constant 16 : i32
          %mul3A_1293 = arith.muli %scan3A_140, %mul3A_1292 : i32
          %add3A_1294 = arith.constant 7 : i32
          %add3A_1295 = arith.addi %mul3A_1293, %add3A_1294 : i32
          %swap3A_1296 = arith.index_cast %add3A_1295 : i32 to index
          %swap3A_1297 = arith.constant 96 : index
          %swap3A_1298 = tpu.vector_load %arg10[%swap3A_1296, %swap3A_1297] {strides = array<i32>} : memref<128x128xf32, #tpu.memory_space<vmem>>, vector<1x16xf32>,
          %swap3A_1299 = vector.shape_cast %swap3A_1298 : vector<1x16xf32> to vector<16xf32>
          %swap3A_1300 = vector.shape_cast %mul3A_1291 : vector<16xf32> to vector<1x16xf32>
          tpu.vector_store %arg10[%swap3A_1296, %swap3A_1297], %swap3A_1300 {strides = array<i32>} : memref<128x128xf32, #tpu.memory_space<vmem>>, vector<1x16xf32>,
          %mul3A_1301 = arith.constant 16 : i32
          %mul3A_1302 = arith.muli %scan3A_140, %mul3A_1301 : i32
          %add3A_1303 = arith.constant 7 : i32
          %add3A_1304 = arith.addi %mul3A_1302, %add3A_1303 : i32
          %get3A_1305 = arith.index_cast %add3A_1304 : i32 to index
          %get3A_1306 = arith.constant 112 : index
          %get3A_1307 = tpu.vector_load %arg10[%get3A_1305, %get3A_1306] {strides = array<i32>} : memref<128x128xf32, #tpu.memory_space<vmem>>, vector<1x16xf32>,
          %get3A_1308 = vector.shape_cast %get3A_1307 : vector<1x16xf32> to vector<16xf32>
          %mul3A_1309 = arith.mulf %get3A_1308, %broadcast_in_dim3A_1174 : vector<16xf32>
          %mul3A_1310 = arith.constant 16 : i32
          %mul3A_1311 = arith.muli %scan3A_140, %mul3A_1310 : i32
          %add3A_1312 = arith.constant 7 : i32
          %add3A_1313 = arith.addi %mul3A_1311, %add3A_1312 : i32
          %swap3A_1314 = arith.index_cast %add3A_1313 : i32 to index
          %swap3A_1315 = arith.constant 112 : index
          %swap3A_1316 = tpu.vector_load %arg10[%swap3A_1314, %swap3A_1315] {strides = array<i32>} : memref<128x128xf32, #tpu.memory_space<vmem>>, vector<1x16xf32>,
          %swap3A_1317 = vector.shape_cast %swap3A_1316 : vector<1x16xf32> to vector<16xf32>
          %swap3A_1318 = vector.shape_cast %mul3A_1309 : vector<16xf32> to vector<1x16xf32>
          tpu.vector_store %arg10[%swap3A_1314, %swap3A_1315], %swap3A_1318 {strides = array<i32>} : memref<128x128xf32, #tpu.memory_space<vmem>>, vector<1x16xf32>,
          %slice3A_1319 = vector.extract_strided_slice %get3A_146 {offsets = [8], sizes = [1], strides = [1]} : vector<16xf32> to vector<1xf32>
          %squeeze3A_1320 = vector.extract %slice3A_1319[0] : f32 from vector<1xf32>
          %broadcast_in_dim3A_1321 = vector.broadcast %squeeze3A_1320 : f32 to vector<16xf32>
          %mul3A_1322 = arith.constant 16 : i32
          %mul3A_1323 = arith.muli %scan3A_140, %mul3A_1322 : i32
          %add3A_1324 = arith.constant 8 : i32
          %add3A_1325 = arith.addi %mul3A_1323, %add3A_1324 : i32
          %get3A_1326 = arith.index_cast %add3A_1325 : i32 to index
          %get3A_1327 = arith.constant 0 : index
          %get3A_1328 = tpu.vector_load %arg10[%get3A_1326, %get3A_1327] {strides = array<i32>} : memref<128x128xf32, #tpu.memory_space<vmem>>, vector<1x16xf32>,
          %get3A_1329 = vector.shape_cast %get3A_1328 : vector<1x16xf32> to vector<16xf32>
          %mul3A_1330 = arith.mulf %get3A_1329, %broadcast_in_dim3A_1321 : vector<16xf32>
          %mul3A_1331 = arith.constant 16 : i32
          %mul3A_1332 = arith.muli %scan3A_140, %mul3A_1331 : i32
          %add3A_1333 = arith.constant 8 : i32
          %add3A_1334 = arith.addi %mul3A_1332, %add3A_1333 : i32
          %swap3A_1335 = arith.index_cast %add3A_1334 : i32 to index
          %swap3A_1336 = arith.constant 0 : index
          %swap3A_1337 = tpu.vector_load %arg10[%swap3A_1335, %swap3A_1336] {strides = array<i32>} : memref<128x128xf32, #tpu.memory_space<vmem>>, vector<1x16xf32>,
          %swap3A_1338 = vector.shape_cast %swap3A_1337 : vector<1x16xf32> to vector<16xf32>
          %swap3A_1339 = vector.shape_cast %mul3A_1330 : vector<16xf32> to vector<1x16xf32>
          tpu.vector_store %arg10[%swap3A_1335, %swap3A_1336], %swap3A_1339 {strides = array<i32>} : memref<128x128xf32, #tpu.memory_space<vmem>>, vector<1x16xf32>,
          %mul3A_1340 = arith.constant 16 : i32
          %mul3A_1341 = arith.muli %scan3A_140, %mul3A_1340 : i32
          %add3A_1342 = arith.constant 8 : i32
          %add3A_1343 = arith.addi %mul3A_1341, %add3A_1342 : i32
          %get3A_1344 = arith.index_cast %add3A_1343 : i32 to index
          %get3A_1345 = arith.constant 16 : index
          %get3A_1346 = tpu.vector_load %arg10[%get3A_1344, %get3A_1345] {strides = array<i32>} : memref<128x128xf32, #tpu.memory_space<vmem>>, vector<1x16xf32>,
          %get3A_1347 = vector.shape_cast %get3A_1346 : vector<1x16xf32> to vector<16xf32>
          %mul3A_1348 = arith.mulf %get3A_1347, %broadcast_in_dim3A_1321 : vector<16xf32>
          %mul3A_1349 = arith.constant 16 : i32
          %mul3A_1350 = arith.muli %scan3A_140, %mul3A_1349 : i32
          %add3A_1351 = arith.constant 8 : i32
          %add3A_1352 = arith.addi %mul3A_1350, %add3A_1351 : i32
          %swap3A_1353 = arith.index_cast %add3A_1352 : i32 to index
          %swap3A_1354 = arith.constant 16 : index
          %swap3A_1355 = tpu.vector_load %arg10[%swap3A_1353, %swap3A_1354] {strides = array<i32>} : memref<128x128xf32, #tpu.memory_space<vmem>>, vector<1x16xf32>,
          %swap3A_1356 = vector.shape_cast %swap3A_1355 : vector<1x16xf32> to vector<16xf32>
          %swap3A_1357 = vector.shape_cast %mul3A_1348 : vector<16xf32> to vector<1x16xf32>
          tpu.vector_store %arg10[%swap3A_1353, %swap3A_1354], %swap3A_1357 {strides = array<i32>} : memref<128x128xf32, #tpu.memory_space<vmem>>, vector<1x16xf32>,
          %mul3A_1358 = arith.constant 16 : i32
          %mul3A_1359 = arith.muli %scan3A_140, %mul3A_1358 : i32
          %add3A_1360 = arith.constant 8 : i32
          %add3A_1361 = arith.addi %mul3A_1359, %add3A_1360 : i32
          %get3A_1362 = arith.index_cast %add3A_1361 : i32 to index
          %get3A_1363 = arith.constant 32 : index
          %get3A_1364 = tpu.vector_load %arg10[%get3A_1362, %get3A_1363] {strides = array<i32>} : memref<128x128xf32, #tpu.memory_space<vmem>>, vector<1x16xf32>,
          %get3A_1365 = vector.shape_cast %get3A_1364 : vector<1x16xf32> to vector<16xf32>
          %mul3A_1366 = arith.mulf %get3A_1365, %broadcast_in_dim3A_1321 : vector<16xf32>
          %mul3A_1367 = arith.constant 16 : i32
          %mul3A_1368 = arith.muli %scan3A_140, %mul3A_1367 : i32
          %add3A_1369 = arith.constant 8 : i32
          %add3A_1370 = arith.addi %mul3A_1368, %add3A_1369 : i32
          %swap3A_1371 = arith.index_cast %add3A_1370 : i32 to index
          %swap3A_1372 = arith.constant 32 : index
          %swap3A_1373 = tpu.vector_load %arg10[%swap3A_1371, %swap3A_1372] {strides = array<i32>} : memref<128x128xf32, #tpu.memory_space<vmem>>, vector<1x16xf32>,
          %swap3A_1374 = vector.shape_cast %swap3A_1373 : vector<1x16xf32> to vector<16xf32>
          %swap3A_1375 = vector.shape_cast %mul3A_1366 : vector<16xf32> to vector<1x16xf32>
          tpu.vector_store %arg10[%swap3A_1371, %swap3A_1372], %swap3A_1375 {strides = array<i32>} : memref<128x128xf32, #tpu.memory_space<vmem>>, vector<1x16xf32>,
          %mul3A_1376 = arith.constant 16 : i32
          %mul3A_1377 = arith.muli %scan3A_140, %mul3A_1376 : i32
          %add3A_1378 = arith.constant 8 : i32
          %add3A_1379 = arith.addi %mul3A_1377, %add3A_1378 : i32
          %get3A_1380 = arith.index_cast %add3A_1379 : i32 to index
          %get3A_1381 = arith.constant 48 : index
          %get3A_1382 = tpu.vector_load %arg10[%get3A_1380, %get3A_1381] {strides = array<i32>} : memref<128x128xf32, #tpu.memory_space<vmem>>, vector<1x16xf32>,
          %get3A_1383 = vector.shape_cast %get3A_1382 : vector<1x16xf32> to vector<16xf32>
          %mul3A_1384 = arith.mulf %get3A_1383, %broadcast_in_dim3A_1321 : vector<16xf32>
          %mul3A_1385 = arith.constant 16 : i32
          %mul3A_1386 = arith.muli %scan3A_140, %mul3A_1385 : i32
          %add3A_1387 = arith.constant 8 : i32
          %add3A_1388 = arith.addi %mul3A_1386, %add3A_1387 : i32
          %swap3A_1389 = arith.index_cast %add3A_1388 : i32 to index
          %swap3A_1390 = arith.constant 48 : index
          %swap3A_1391 = tpu.vector_load %arg10[%swap3A_1389, %swap3A_1390] {strides = array<i32>} : memref<128x128xf32, #tpu.memory_space<vmem>>, vector<1x16xf32>,
          %swap3A_1392 = vector.shape_cast %swap3A_1391 : vector<1x16xf32> to vector<16xf32>
          %swap3A_1393 = vector.shape_cast %mul3A_1384 : vector<16xf32> to vector<1x16xf32>
          tpu.vector_store %arg10[%swap3A_1389, %swap3A_1390], %swap3A_1393 {strides = array<i32>} : memref<128x128xf32, #tpu.memory_space<vmem>>, vector<1x16xf32>,
          %mul3A_1394 = arith.constant 16 : i32
          %mul3A_1395 = arith.muli %scan3A_140, %mul3A_1394 : i32
          %add3A_1396 = arith.constant 8 : i32
          %add3A_1397 = arith.addi %mul3A_1395, %add3A_1396 : i32
          %get3A_1398 = arith.index_cast %add3A_1397 : i32 to index
          %get3A_1399 = arith.constant 64 : index
          %get3A_1400 = tpu.vector_load %arg10[%get3A_1398, %get3A_1399] {strides = array<i32>} : memref<128x128xf32, #tpu.memory_space<vmem>>, vector<1x16xf32>,
          %get3A_1401 = vector.shape_cast %get3A_1400 : vector<1x16xf32> to vector<16xf32>
          %mul3A_1402 = arith.mulf %get3A_1401, %broadcast_in_dim3A_1321 : vector<16xf32>
          %mul3A_1403 = arith.constant 16 : i32
          %mul3A_1404 = arith.muli %scan3A_140, %mul3A_1403 : i32
          %add3A_1405 = arith.constant 8 : i32
          %add3A_1406 = arith.addi %mul3A_1404, %add3A_1405 : i32
          %swap3A_1407 = arith.index_cast %add3A_1406 : i32 to index
          %swap3A_1408 = arith.constant 64 : index
          %swap3A_1409 = tpu.vector_load %arg10[%swap3A_1407, %swap3A_1408] {strides = array<i32>} : memref<128x128xf32, #tpu.memory_space<vmem>>, vector<1x16xf32>,
          %swap3A_1410 = vector.shape_cast %swap3A_1409 : vector<1x16xf32> to vector<16xf32>
          %swap3A_1411 = vector.shape_cast %mul3A_1402 : vector<16xf32> to vector<1x16xf32>
          tpu.vector_store %arg10[%swap3A_1407, %swap3A_1408], %swap3A_1411 {strides = array<i32>} : memref<128x128xf32, #tpu.memory_space<vmem>>, vector<1x16xf32>,
          %mul3A_1412 = arith.constant 16 : i32
          %mul3A_1413 = arith.muli %scan3A_140, %mul3A_1412 : i32
          %add3A_1414 = arith.constant 8 : i32
          %add3A_1415 = arith.addi %mul3A_1413, %add3A_1414 : i32
          %get3A_1416 = arith.index_cast %add3A_1415 : i32 to index
          %get3A_1417 = arith.constant 80 : index
          %get3A_1418 = tpu.vector_load %arg10[%get3A_1416, %get3A_1417] {strides = array<i32>} : memref<128x128xf32, #tpu.memory_space<vmem>>, vector<1x16xf32>,
          %get3A_1419 = vector.shape_cast %get3A_1418 : vector<1x16xf32> to vector<16xf32>
          %mul3A_1420 = arith.mulf %get3A_1419, %broadcast_in_dim3A_1321 : vector<16xf32>
          %mul3A_1421 = arith.constant 16 : i32
          %mul3A_1422 = arith.muli %scan3A_140, %mul3A_1421 : i32
          %add3A_1423 = arith.constant 8 : i32
          %add3A_1424 = arith.addi %mul3A_1422, %add3A_1423 : i32
          %swap3A_1425 = arith.index_cast %add3A_1424 : i32 to index
          %swap3A_1426 = arith.constant 80 : index
          %swap3A_1427 = tpu.vector_load %arg10[%swap3A_1425, %swap3A_1426] {strides = array<i32>} : memref<128x128xf32, #tpu.memory_space<vmem>>, vector<1x16xf32>,
          %swap3A_1428 = vector.shape_cast %swap3A_1427 : vector<1x16xf32> to vector<16xf32>
          %swap3A_1429 = vector.shape_cast %mul3A_1420 : vector<16xf32> to vector<1x16xf32>
          tpu.vector_store %arg10[%swap3A_1425, %swap3A_1426], %swap3A_1429 {strides = array<i32>} : memref<128x128xf32, #tpu.memory_space<vmem>>, vector<1x16xf32>,
          %mul3A_1430 = arith.constant 16 : i32
          %mul3A_1431 = arith.muli %scan3A_140, %mul3A_1430 : i32
          %add3A_1432 = arith.constant 8 : i32
          %add3A_1433 = arith.addi %mul3A_1431, %add3A_1432 : i32
          %get3A_1434 = arith.index_cast %add3A_1433 : i32 to index
          %get3A_1435 = arith.constant 96 : index
          %get3A_1436 = tpu.vector_load %arg10[%get3A_1434, %get3A_1435] {strides = array<i32>} : memref<128x128xf32, #tpu.memory_space<vmem>>, vector<1x16xf32>,
          %get3A_1437 = vector.shape_cast %get3A_1436 : vector<1x16xf32> to vector<16xf32>
          %mul3A_1438 = arith.mulf %get3A_1437, %broadcast_in_dim3A_1321 : vector<16xf32>
          %mul3A_1439 = arith.constant 16 : i32
          %mul3A_1440 = arith.muli %scan3A_140, %mul3A_1439 : i32
          %add3A_1441 = arith.constant 8 : i32
          %add3A_1442 = arith.addi %mul3A_1440, %add3A_1441 : i32
          %swap3A_1443 = arith.index_cast %add3A_1442 : i32 to index
          %swap3A_1444 = arith.constant 96 : index
          %swap3A_1445 = tpu.vector_load %arg10[%swap3A_1443, %swap3A_1444] {strides = array<i32>} : memref<128x128xf32, #tpu.memory_space<vmem>>, vector<1x16xf32>,
          %swap3A_1446 = vector.shape_cast %swap3A_1445 : vector<1x16xf32> to vector<16xf32>
          %swap3A_1447 = vector.shape_cast %mul3A_1438 : vector<16xf32> to vector<1x16xf32>
          tpu.vector_store %arg10[%swap3A_1443, %swap3A_1444], %swap3A_1447 {strides = array<i32>} : memref<128x128xf32, #tpu.memory_space<vmem>>, vector<1x16xf32>,
          %mul3A_1448 = arith.constant 16 : i32
          %mul3A_1449 = arith.muli %scan3A_140, %mul3A_1448 : i32
          %add3A_1450 = arith.constant 8 : i32
          %add3A_1451 = arith.addi %mul3A_1449, %add3A_1450 : i32
          %get3A_1452 = arith.index_cast %add3A_1451 : i32 to index
          %get3A_1453 = arith.constant 112 : index
          %get3A_1454 = tpu.vector_load %arg10[%get3A_1452, %get3A_1453] {strides = array<i32>} : memref<128x128xf32, #tpu.memory_space<vmem>>, vector<1x16xf32>,
          %get3A_1455 = vector.shape_cast %get3A_1454 : vector<1x16xf32> to vector<16xf32>
          %mul3A_1456 = arith.mulf %get3A_1455, %broadcast_in_dim3A_1321 : vector<16xf32>
          %mul3A_1457 = arith.constant 16 : i32
          %mul3A_1458 = arith.muli %scan3A_140, %mul3A_1457 : i32
          %add3A_1459 = arith.constant 8 : i32
          %add3A_1460 = arith.addi %mul3A_1458, %add3A_1459 : i32
          %swap3A_1461 = arith.index_cast %add3A_1460 : i32 to index
          %swap3A_1462 = arith.constant 112 : index
          %swap3A_1463 = tpu.vector_load %arg10[%swap3A_1461, %swap3A_1462] {strides = array<i32>} : memref<128x128xf32, #tpu.memory_space<vmem>>, vector<1x16xf32>,
          %swap3A_1464 = vector.shape_cast %swap3A_1463 : vector<1x16xf32> to vector<16xf32>
          %swap3A_1465 = vector.shape_cast %mul3A_1456 : vector<16xf32> to vector<1x16xf32>
          tpu.vector_store %arg10[%swap3A_1461, %swap3A_1462], %swap3A_1465 {strides = array<i32>} : memref<128x128xf32, #tpu.memory_space<vmem>>, vector<1x16xf32>,
          %slice3A_1466 = vector.extract_strided_slice %get3A_146 {offsets = [9], sizes = [1], strides = [1]} : vector<16xf32> to vector<1xf32>
          %squeeze3A_1467 = vector.extract %slice3A_1466[0] : f32 from vector<1xf32>
          %broadcast_in_dim3A_1468 = vector.broadcast %squeeze3A_1467 : f32 to vector<16xf32>
          %mul3A_1469 = arith.constant 16 : i32
          %mul3A_1470 = arith.muli %scan3A_140, %mul3A_1469 : i32
          %add3A_1471 = arith.constant 9 : i32
          %add3A_1472 = arith.addi %mul3A_1470, %add3A_1471 : i32
          %get3A_1473 = arith.index_cast %add3A_1472 : i32 to index
          %get3A_1474 = arith.constant 0 : index
          %get3A_1475 = tpu.vector_load %arg10[%get3A_1473, %get3A_1474] {strides = array<i32>} : memref<128x128xf32, #tpu.memory_space<vmem>>, vector<1x16xf32>,
          %get3A_1476 = vector.shape_cast %get3A_1475 : vector<1x16xf32> to vector<16xf32>
          %mul3A_1477 = arith.mulf %get3A_1476, %broadcast_in_dim3A_1468 : vector<16xf32>
          %mul3A_1478 = arith.constant 16 : i32
          %mul3A_1479 = arith.muli %scan3A_140, %mul3A_1478 : i32
          %add3A_1480 = arith.constant 9 : i32
          %add3A_1481 = arith.addi %mul3A_1479, %add3A_1480 : i32
          %swap3A_1482 = arith.index_cast %add3A_1481 : i32 to index
          %swap3A_1483 = arith.constant 0 : index
          %swap3A_1484 = tpu.vector_load %arg10[%swap3A_1482, %swap3A_1483] {strides = array<i32>} : memref<128x128xf32, #tpu.memory_space<vmem>>, vector<1x16xf32>,
          %swap3A_1485 = vector.shape_cast %swap3A_1484 : vector<1x16xf32> to vector<16xf32>
          %swap3A_1486 = vector.shape_cast %mul3A_1477 : vector<16xf32> to vector<1x16xf32>
          tpu.vector_store %arg10[%swap3A_1482, %swap3A_1483], %swap3A_1486 {strides = array<i32>} : memref<128x128xf32, #tpu.memory_space<vmem>>, vector<1x16xf32>,
          %mul3A_1487 = arith.constant 16 : i32
          %mul3A_1488 = arith.muli %scan3A_140, %mul3A_1487 : i32
          %add3A_1489 = arith.constant 9 : i32
          %add3A_1490 = arith.addi %mul3A_1488, %add3A_1489 : i32
          %get3A_1491 = arith.index_cast %add3A_1490 : i32 to index
          %get3A_1492 = arith.constant 16 : index
          %get3A_1493 = tpu.vector_load %arg10[%get3A_1491, %get3A_1492] {strides = array<i32>} : memref<128x128xf32, #tpu.memory_space<vmem>>, vector<1x16xf32>,
          %get3A_1494 = vector.shape_cast %get3A_1493 : vector<1x16xf32> to vector<16xf32>
          %mul3A_1495 = arith.mulf %get3A_1494, %broadcast_in_dim3A_1468 : vector<16xf32>
          %mul3A_1496 = arith.constant 16 : i32
          %mul3A_1497 = arith.muli %scan3A_140, %mul3A_1496 : i32
          %add3A_1498 = arith.constant 9 : i32
          %add3A_1499 = arith.addi %mul3A_1497, %add3A_1498 : i32
          %swap3A_1500 = arith.index_cast %add3A_1499 : i32 to index
          %swap3A_1501 = arith.constant 16 : index
          %swap3A_1502 = tpu.vector_load %arg10[%swap3A_1500, %swap3A_1501] {strides = array<i32>} : memref<128x128xf32, #tpu.memory_space<vmem>>, vector<1x16xf32>,
          %swap3A_1503 = vector.shape_cast %swap3A_1502 : vector<1x16xf32> to vector<16xf32>
          %swap3A_1504 = vector.shape_cast %mul3A_1495 : vector<16xf32> to vector<1x16xf32>
          tpu.vector_store %arg10[%swap3A_1500, %swap3A_1501], %swap3A_1504 {strides = array<i32>} : memref<128x128xf32, #tpu.memory_space<vmem>>, vector<1x16xf32>,
          %mul3A_1505 = arith.constant 16 : i32
          %mul3A_1506 = arith.muli %scan3A_140, %mul3A_1505 : i32
          %add3A_1507 = arith.constant 9 : i32
          %add3A_1508 = arith.addi %mul3A_1506, %add3A_1507 : i32
          %get3A_1509 = arith.index_cast %add3A_1508 : i32 to index
          %get3A_1510 = arith.constant 32 : index
          %get3A_1511 = tpu.vector_load %arg10[%get3A_1509, %get3A_1510] {strides = array<i32>} : memref<128x128xf32, #tpu.memory_space<vmem>>, vector<1x16xf32>,
          %get3A_1512 = vector.shape_cast %get3A_1511 : vector<1x16xf32> to vector<16xf32>
          %mul3A_1513 = arith.mulf %get3A_1512, %broadcast_in_dim3A_1468 : vector<16xf32>
          %mul3A_1514 = arith.constant 16 : i32
          %mul3A_1515 = arith.muli %scan3A_140, %mul3A_1514 : i32
          %add3A_1516 = arith.constant 9 : i32
          %add3A_1517 = arith.addi %mul3A_1515, %add3A_1516 : i32
          %swap3A_1518 = arith.index_cast %add3A_1517 : i32 to index
          %swap3A_1519 = arith.constant 32 : index
          %swap3A_1520 = tpu.vector_load %arg10[%swap3A_1518, %swap3A_1519] {strides = array<i32>} : memref<128x128xf32, #tpu.memory_space<vmem>>, vector<1x16xf32>,
          %swap3A_1521 = vector.shape_cast %swap3A_1520 : vector<1x16xf32> to vector<16xf32>
          %swap3A_1522 = vector.shape_cast %mul3A_1513 : vector<16xf32> to vector<1x16xf32>
          tpu.vector_store %arg10[%swap3A_1518, %swap3A_1519], %swap3A_1522 {strides = array<i32>} : memref<128x128xf32, #tpu.memory_space<vmem>>, vector<1x16xf32>,
          %mul3A_1523 = arith.constant 16 : i32
          %mul3A_1524 = arith.muli %scan3A_140, %mul3A_1523 : i32
          %add3A_1525 = arith.constant 9 : i32
          %add3A_1526 = arith.addi %mul3A_1524, %add3A_1525 : i32
          %get3A_1527 = arith.index_cast %add3A_1526 : i32 to index
          %get3A_1528 = arith.constant 48 : index
          %get3A_1529 = tpu.vector_load %arg10[%get3A_1527, %get3A_1528] {strides = array<i32>} : memref<128x128xf32, #tpu.memory_space<vmem>>, vector<1x16xf32>,
          %get3A_1530 = vector.shape_cast %get3A_1529 : vector<1x16xf32> to vector<16xf32>
          %mul3A_1531 = arith.mulf %get3A_1530, %broadcast_in_dim3A_1468 : vector<16xf32>
          %mul3A_1532 = arith.constant 16 : i32
          %mul3A_1533 = arith.muli %scan3A_140, %mul3A_1532 : i32
          %add3A_1534 = arith.constant 9 : i32
          %add3A_1535 = arith.addi %mul3A_1533, %add3A_1534 : i32
          %swap3A_1536 = arith.index_cast %add3A_1535 : i32 to index
          %swap3A_1537 = arith.constant 48 : index
          %swap3A_1538 = tpu.vector_load %arg10[%swap3A_1536, %swap3A_1537] {strides = array<i32>} : memref<128x128xf32, #tpu.memory_space<vmem>>, vector<1x16xf32>,
          %swap3A_1539 = vector.shape_cast %swap3A_1538 : vector<1x16xf32> to vector<16xf32>
          %swap3A_1540 = vector.shape_cast %mul3A_1531 : vector<16xf32> to vector<1x16xf32>
          tpu.vector_store %arg10[%swap3A_1536, %swap3A_1537], %swap3A_1540 {strides = array<i32>} : memref<128x128xf32, #tpu.memory_space<vmem>>, vector<1x16xf32>,
          %mul3A_1541 = arith.constant 16 : i32
          %mul3A_1542 = arith.muli %scan3A_140, %mul3A_1541 : i32
          %add3A_1543 = arith.constant 9 : i32
          %add3A_1544 = arith.addi %mul3A_1542, %add3A_1543 : i32
          %get3A_1545 = arith.index_cast %add3A_1544 : i32 to index
          %get3A_1546 = arith.constant 64 : index
          %get3A_1547 = tpu.vector_load %arg10[%get3A_1545, %get3A_1546] {strides = array<i32>} : memref<128x128xf32, #tpu.memory_space<vmem>>, vector<1x16xf32>,
          %get3A_1548 = vector.shape_cast %get3A_1547 : vector<1x16xf32> to vector<16xf32>
          %mul3A_1549 = arith.mulf %get3A_1548, %broadcast_in_dim3A_1468 : vector<16xf32>
          %mul3A_1550 = arith.constant 16 : i32
          %mul3A_1551 = arith.muli %scan3A_140, %mul3A_1550 : i32
          %add3A_1552 = arith.constant 9 : i32
          %add3A_1553 = arith.addi %mul3A_1551, %add3A_1552 : i32
          %swap3A_1554 = arith.index_cast %add3A_1553 : i32 to index
          %swap3A_1555 = arith.constant 64 : index
          %swap3A_1556 = tpu.vector_load %arg10[%swap3A_1554, %swap3A_1555] {strides = array<i32>} : memref<128x128xf32, #tpu.memory_space<vmem>>, vector<1x16xf32>,
          %swap3A_1557 = vector.shape_cast %swap3A_1556 : vector<1x16xf32> to vector<16xf32>
          %swap3A_1558 = vector.shape_cast %mul3A_1549 : vector<16xf32> to vector<1x16xf32>
          tpu.vector_store %arg10[%swap3A_1554, %swap3A_1555], %swap3A_1558 {strides = array<i32>} : memref<128x128xf32, #tpu.memory_space<vmem>>, vector<1x16xf32>,
          %mul3A_1559 = arith.constant 16 : i32
          %mul3A_1560 = arith.muli %scan3A_140, %mul3A_1559 : i32
          %add3A_1561 = arith.constant 9 : i32
          %add3A_1562 = arith.addi %mul3A_1560, %add3A_1561 : i32
          %get3A_1563 = arith.index_cast %add3A_1562 : i32 to index
          %get3A_1564 = arith.constant 80 : index
          %get3A_1565 = tpu.vector_load %arg10[%get3A_1563, %get3A_1564] {strides = array<i32>} : memref<128x128xf32, #tpu.memory_space<vmem>>, vector<1x16xf32>,
          %get3A_1566 = vector.shape_cast %get3A_1565 : vector<1x16xf32> to vector<16xf32>
          %mul3A_1567 = arith.mulf %get3A_1566, %broadcast_in_dim3A_1468 : vector<16xf32>
          %mul3A_1568 = arith.constant 16 : i32
          %mul3A_1569 = arith.muli %scan3A_140, %mul3A_1568 : i32
          %add3A_1570 = arith.constant 9 : i32
          %add3A_1571 = arith.addi %mul3A_1569, %add3A_1570 : i32
          %swap3A_1572 = arith.index_cast %add3A_1571 : i32 to index
          %swap3A_1573 = arith.constant 80 : index
          %swap3A_1574 = tpu.vector_load %arg10[%swap3A_1572, %swap3A_1573] {strides = array<i32>} : memref<128x128xf32, #tpu.memory_space<vmem>>, vector<1x16xf32>,
          %swap3A_1575 = vector.shape_cast %swap3A_1574 : vector<1x16xf32> to vector<16xf32>
          %swap3A_1576 = vector.shape_cast %mul3A_1567 : vector<16xf32> to vector<1x16xf32>
          tpu.vector_store %arg10[%swap3A_1572, %swap3A_1573], %swap3A_1576 {strides = array<i32>} : memref<128x128xf32, #tpu.memory_space<vmem>>, vector<1x16xf32>,
          %mul3A_1577 = arith.constant 16 : i32
          %mul3A_1578 = arith.muli %scan3A_140, %mul3A_1577 : i32
          %add3A_1579 = arith.constant 9 : i32
          %add3A_1580 = arith.addi %mul3A_1578, %add3A_1579 : i32
          %get3A_1581 = arith.index_cast %add3A_1580 : i32 to index
          %get3A_1582 = arith.constant 96 : index
          %get3A_1583 = tpu.vector_load %arg10[%get3A_1581, %get3A_1582] {strides = array<i32>} : memref<128x128xf32, #tpu.memory_space<vmem>>, vector<1x16xf32>,
          %get3A_1584 = vector.shape_cast %get3A_1583 : vector<1x16xf32> to vector<16xf32>
          %mul3A_1585 = arith.mulf %get3A_1584, %broadcast_in_dim3A_1468 : vector<16xf32>
          %mul3A_1586 = arith.constant 16 : i32
          %mul3A_1587 = arith.muli %scan3A_140, %mul3A_1586 : i32
          %add3A_1588 = arith.constant 9 : i32
          %add3A_1589 = arith.addi %mul3A_1587, %add3A_1588 : i32
          %swap3A_1590 = arith.index_cast %add3A_1589 : i32 to index
          %swap3A_1591 = arith.constant 96 : index
          %swap3A_1592 = tpu.vector_load %arg10[%swap3A_1590, %swap3A_1591] {strides = array<i32>} : memref<128x128xf32, #tpu.memory_space<vmem>>, vector<1x16xf32>,
          %swap3A_1593 = vector.shape_cast %swap3A_1592 : vector<1x16xf32> to vector<16xf32>
          %swap3A_1594 = vector.shape_cast %mul3A_1585 : vector<16xf32> to vector<1x16xf32>
          tpu.vector_store %arg10[%swap3A_1590, %swap3A_1591], %swap3A_1594 {strides = array<i32>} : memref<128x128xf32, #tpu.memory_space<vmem>>, vector<1x16xf32>,
          %mul3A_1595 = arith.constant 16 : i32
          %mul3A_1596 = arith.muli %scan3A_140, %mul3A_1595 : i32
          %add3A_1597 = arith.constant 9 : i32
          %add3A_1598 = arith.addi %mul3A_1596, %add3A_1597 : i32
          %get3A_1599 = arith.index_cast %add3A_1598 : i32 to index
          %get3A_1600 = arith.constant 112 : index
          %get3A_1601 = tpu.vector_load %arg10[%get3A_1599, %get3A_1600] {strides = array<i32>} : memref<128x128xf32, #tpu.memory_space<vmem>>, vector<1x16xf32>,
          %get3A_1602 = vector.shape_cast %get3A_1601 : vector<1x16xf32> to vector<16xf32>
          %mul3A_1603 = arith.mulf %get3A_1602, %broadcast_in_dim3A_1468 : vector<16xf32>
          %mul3A_1604 = arith.constant 16 : i32
          %mul3A_1605 = arith.muli %scan3A_140, %mul3A_1604 : i32
          %add3A_1606 = arith.constant 9 : i32
          %add3A_1607 = arith.addi %mul3A_1605, %add3A_1606 : i32
          %swap3A_1608 = arith.index_cast %add3A_1607 : i32 to index
          %swap3A_1609 = arith.constant 112 : index
          %swap3A_1610 = tpu.vector_load %arg10[%swap3A_1608, %swap3A_1609] {strides = array<i32>} : memref<128x128xf32, #tpu.memory_space<vmem>>, vector<1x16xf32>,
          %swap3A_1611 = vector.shape_cast %swap3A_1610 : vector<1x16xf32> to vector<16xf32>
          %swap3A_1612 = vector.shape_cast %mul3A_1603 : vector<16xf32> to vector<1x16xf32>
          tpu.vector_store %arg10[%swap3A_1608, %swap3A_1609], %swap3A_1612 {strides = array<i32>} : memref<128x128xf32, #tpu.memory_space<vmem>>, vector<1x16xf32>,
          %slice3A_1613 = vector.extract_strided_slice %get3A_146 {offsets = [10], sizes = [1], strides = [1]} : vector<16xf32> to vector<1xf32>
          %squeeze3A_1614 = vector.extract %slice3A_1613[0] : f32 from vector<1xf32>
          %broadcast_in_dim3A_1615 = vector.broadcast %squeeze3A_1614 : f32 to vector<16xf32>
          %mul3A_1616 = arith.constant 16 : i32
          %mul3A_1617 = arith.muli %scan3A_140, %mul3A_1616 : i32
          %add3A_1618 = arith.constant 10 : i32
          %add3A_1619 = arith.addi %mul3A_1617, %add3A_1618 : i32
          %get3A_1620 = arith.index_cast %add3A_1619 : i32 to index
          %get3A_1621 = arith.constant 0 : index
          %get3A_1622 = tpu.vector_load %arg10[%get3A_1620, %get3A_1621] {strides = array<i32>} : memref<128x128xf32, #tpu.memory_space<vmem>>, vector<1x16xf32>,
          %get3A_1623 = vector.shape_cast %get3A_1622 : vector<1x16xf32> to vector<16xf32>
          %mul3A_1624 = arith.mulf %get3A_1623, %broadcast_in_dim3A_1615 : vector<16xf32>
          %mul3A_1625 = arith.constant 16 : i32
          %mul3A_1626 = arith.muli %scan3A_140, %mul3A_1625 : i32
          %add3A_1627 = arith.constant 10 : i32
          %add3A_1628 = arith.addi %mul3A_1626, %add3A_1627 : i32
          %swap3A_1629 = arith.index_cast %add3A_1628 : i32 to index
          %swap3A_1630 = arith.constant 0 : index
          %swap3A_1631 = tpu.vector_load %arg10[%swap3A_1629, %swap3A_1630] {strides = array<i32>} : memref<128x128xf32, #tpu.memory_space<vmem>>, vector<1x16xf32>,
          %swap3A_1632 = vector.shape_cast %swap3A_1631 : vector<1x16xf32> to vector<16xf32>
          %swap3A_1633 = vector.shape_cast %mul3A_1624 : vector<16xf32> to vector<1x16xf32>
          tpu.vector_store %arg10[%swap3A_1629, %swap3A_1630], %swap3A_1633 {strides = array<i32>} : memref<128x128xf32, #tpu.memory_space<vmem>>, vector<1x16xf32>,
          %mul3A_1634 = arith.constant 16 : i32
          %mul3A_1635 = arith.muli %scan3A_140, %mul3A_1634 : i32
          %add3A_1636 = arith.constant 10 : i32
          %add3A_1637 = arith.addi %mul3A_1635, %add3A_1636 : i32
          %get3A_1638 = arith.index_cast %add3A_1637 : i32 to index
          %get3A_1639 = arith.constant 16 : index
          %get3A_1640 = tpu.vector_load %arg10[%get3A_1638, %get3A_1639] {strides = array<i32>} : memref<128x128xf32, #tpu.memory_space<vmem>>, vector<1x16xf32>,
          %get3A_1641 = vector.shape_cast %get3A_1640 : vector<1x16xf32> to vector<16xf32>
          %mul3A_1642 = arith.mulf %get3A_1641, %broadcast_in_dim3A_1615 : vector<16xf32>
          %mul3A_1643 = arith.constant 16 : i32
          %mul3A_1644 = arith.muli %scan3A_140, %mul3A_1643 : i32
          %add3A_1645 = arith.constant 10 : i32
          %add3A_1646 = arith.addi %mul3A_1644, %add3A_1645 : i32
          %swap3A_1647 = arith.index_cast %add3A_1646 : i32 to index
          %swap3A_1648 = arith.constant 16 : index
          %swap3A_1649 = tpu.vector_load %arg10[%swap3A_1647, %swap3A_1648] {strides = array<i32>} : memref<128x128xf32, #tpu.memory_space<vmem>>, vector<1x16xf32>,
          %swap3A_1650 = vector.shape_cast %swap3A_1649 : vector<1x16xf32> to vector<16xf32>
          %swap3A_1651 = vector.shape_cast %mul3A_1642 : vector<16xf32> to vector<1x16xf32>
          tpu.vector_store %arg10[%swap3A_1647, %swap3A_1648], %swap3A_1651 {strides = array<i32>} : memref<128x128xf32, #tpu.memory_space<vmem>>, vector<1x16xf32>,
          %mul3A_1652 = arith.constant 16 : i32
          %mul3A_1653 = arith.muli %scan3A_140, %mul3A_1652 : i32
          %add3A_1654 = arith.constant 10 : i32
          %add3A_1655 = arith.addi %mul3A_1653, %add3A_1654 : i32
          %get3A_1656 = arith.index_cast %add3A_1655 : i32 to index
          %get3A_1657 = arith.constant 32 : index
          %get3A_1658 = tpu.vector_load %arg10[%get3A_1656, %get3A_1657] {strides = array<i32>} : memref<128x128xf32, #tpu.memory_space<vmem>>, vector<1x16xf32>,
          %get3A_1659 = vector.shape_cast %get3A_1658 : vector<1x16xf32> to vector<16xf32>
          %mul3A_1660 = arith.mulf %get3A_1659, %broadcast_in_dim3A_1615 : vector<16xf32>
          %mul3A_1661 = arith.constant 16 : i32
          %mul3A_1662 = arith.muli %scan3A_140, %mul3A_1661 : i32
          %add3A_1663 = arith.constant 10 : i32
          %add3A_1664 = arith.addi %mul3A_1662, %add3A_1663 : i32
          %swap3A_1665 = arith.index_cast %add3A_1664 : i32 to index
          %swap3A_1666 = arith.constant 32 : index
          %swap3A_1667 = tpu.vector_load %arg10[%swap3A_1665, %swap3A_1666] {strides = array<i32>} : memref<128x128xf32, #tpu.memory_space<vmem>>, vector<1x16xf32>,
          %swap3A_1668 = vector.shape_cast %swap3A_1667 : vector<1x16xf32> to vector<16xf32>
          %swap3A_1669 = vector.shape_cast %mul3A_1660 : vector<16xf32> to vector<1x16xf32>
          tpu.vector_store %arg10[%swap3A_1665, %swap3A_1666], %swap3A_1669 {strides = array<i32>} : memref<128x128xf32, #tpu.memory_space<vmem>>, vector<1x16xf32>,
          %mul3A_1670 = arith.constant 16 : i32
          %mul3A_1671 = arith.muli %scan3A_140, %mul3A_1670 : i32
          %add3A_1672 = arith.constant 10 : i32
          %add3A_1673 = arith.addi %mul3A_1671, %add3A_1672 : i32
          %get3A_1674 = arith.index_cast %add3A_1673 : i32 to index
          %get3A_1675 = arith.constant 48 : index
          %get3A_1676 = tpu.vector_load %arg10[%get3A_1674, %get3A_1675] {strides = array<i32>} : memref<128x128xf32, #tpu.memory_space<vmem>>, vector<1x16xf32>,
          %get3A_1677 = vector.shape_cast %get3A_1676 : vector<1x16xf32> to vector<16xf32>
          %mul3A_1678 = arith.mulf %get3A_1677, %broadcast_in_dim3A_1615 : vector<16xf32>
          %mul3A_1679 = arith.constant 16 : i32
          %mul3A_1680 = arith.muli %scan3A_140, %mul3A_1679 : i32
          %add3A_1681 = arith.constant 10 : i32
          %add3A_1682 = arith.addi %mul3A_1680, %add3A_1681 : i32
          %swap3A_1683 = arith.index_cast %add3A_1682 : i32 to index
          %swap3A_1684 = arith.constant 48 : index
          %swap3A_1685 = tpu.vector_load %arg10[%swap3A_1683, %swap3A_1684] {strides = array<i32>} : memref<128x128xf32, #tpu.memory_space<vmem>>, vector<1x16xf32>,
          %swap3A_1686 = vector.shape_cast %swap3A_1685 : vector<1x16xf32> to vector<16xf32>
          %swap3A_1687 = vector.shape_cast %mul3A_1678 : vector<16xf32> to vector<1x16xf32>
          tpu.vector_store %arg10[%swap3A_1683, %swap3A_1684], %swap3A_1687 {strides = array<i32>} : memref<128x128xf32, #tpu.memory_space<vmem>>, vector<1x16xf32>,
          %mul3A_1688 = arith.constant 16 : i32
          %mul3A_1689 = arith.muli %scan3A_140, %mul3A_1688 : i32
          %add3A_1690 = arith.constant 10 : i32
          %add3A_1691 = arith.addi %mul3A_1689, %add3A_1690 : i32
          %get3A_1692 = arith.index_cast %add3A_1691 : i32 to index
          %get3A_1693 = arith.constant 64 : index
          %get3A_1694 = tpu.vector_load %arg10[%get3A_1692, %get3A_1693] {strides = array<i32>} : memref<128x128xf32, #tpu.memory_space<vmem>>, vector<1x16xf32>,
          %get3A_1695 = vector.shape_cast %get3A_1694 : vector<1x16xf32> to vector<16xf32>
          %mul3A_1696 = arith.mulf %get3A_1695, %broadcast_in_dim3A_1615 : vector<16xf32>
          %mul3A_1697 = arith.constant 16 : i32
          %mul3A_1698 = arith.muli %scan3A_140, %mul3A_1697 : i32
          %add3A_1699 = arith.constant 10 : i32
          %add3A_1700 = arith.addi %mul3A_1698, %add3A_1699 : i32
          %swap3A_1701 = arith.index_cast %add3A_1700 : i32 to index
          %swap3A_1702 = arith.constant 64 : index
          %swap3A_1703 = tpu.vector_load %arg10[%swap3A_1701, %swap3A_1702] {strides = array<i32>} : memref<128x128xf32, #tpu.memory_space<vmem>>, vector<1x16xf32>,
          %swap3A_1704 = vector.shape_cast %swap3A_1703 : vector<1x16xf32> to vector<16xf32>
          %swap3A_1705 = vector.shape_cast %mul3A_1696 : vector<16xf32> to vector<1x16xf32>
          tpu.vector_store %arg10[%swap3A_1701, %swap3A_1702], %swap3A_1705 {strides = array<i32>} : memref<128x128xf32, #tpu.memory_space<vmem>>, vector<1x16xf32>,
          %mul3A_1706 = arith.constant 16 : i32
          %mul3A_1707 = arith.muli %scan3A_140, %mul3A_1706 : i32
          %add3A_1708 = arith.constant 10 : i32
          %add3A_1709 = arith.addi %mul3A_1707, %add3A_1708 : i32
          %get3A_1710 = arith.index_cast %add3A_1709 : i32 to index
          %get3A_1711 = arith.constant 80 : index
          %get3A_1712 = tpu.vector_load %arg10[%get3A_1710, %get3A_1711] {strides = array<i32>} : memref<128x128xf32, #tpu.memory_space<vmem>>, vector<1x16xf32>,
          %get3A_1713 = vector.shape_cast %get3A_1712 : vector<1x16xf32> to vector<16xf32>
          %mul3A_1714 = arith.mulf %get3A_1713, %broadcast_in_dim3A_1615 : vector<16xf32>
          %mul3A_1715 = arith.constant 16 : i32
          %mul3A_1716 = arith.muli %scan3A_140, %mul3A_1715 : i32
          %add3A_1717 = arith.constant 10 : i32
          %add3A_1718 = arith.addi %mul3A_1716, %add3A_1717 : i32
          %swap3A_1719 = arith.index_cast %add3A_1718 : i32 to index
          %swap3A_1720 = arith.constant 80 : index
          %swap3A_1721 = tpu.vector_load %arg10[%swap3A_1719, %swap3A_1720] {strides = array<i32>} : memref<128x128xf32, #tpu.memory_space<vmem>>, vector<1x16xf32>,
          %swap3A_1722 = vector.shape_cast %swap3A_1721 : vector<1x16xf32> to vector<16xf32>
          %swap3A_1723 = vector.shape_cast %mul3A_1714 : vector<16xf32> to vector<1x16xf32>
          tpu.vector_store %arg10[%swap3A_1719, %swap3A_1720], %swap3A_1723 {strides = array<i32>} : memref<128x128xf32, #tpu.memory_space<vmem>>, vector<1x16xf32>,
          %mul3A_1724 = arith.constant 16 : i32
          %mul3A_1725 = arith.muli %scan3A_140, %mul3A_1724 : i32
          %add3A_1726 = arith.constant 10 : i32
          %add3A_1727 = arith.addi %mul3A_1725, %add3A_1726 : i32
          %get3A_1728 = arith.index_cast %add3A_1727 : i32 to index
          %get3A_1729 = arith.constant 96 : index
          %get3A_1730 = tpu.vector_load %arg10[%get3A_1728, %get3A_1729] {strides = array<i32>} : memref<128x128xf32, #tpu.memory_space<vmem>>, vector<1x16xf32>,
          %get3A_1731 = vector.shape_cast %get3A_1730 : vector<1x16xf32> to vector<16xf32>
          %mul3A_1732 = arith.mulf %get3A_1731, %broadcast_in_dim3A_1615 : vector<16xf32>
          %mul3A_1733 = arith.constant 16 : i32
          %mul3A_1734 = arith.muli %scan3A_140, %mul3A_1733 : i32
          %add3A_1735 = arith.constant 10 : i32
          %add3A_1736 = arith.addi %mul3A_1734, %add3A_1735 : i32
          %swap3A_1737 = arith.index_cast %add3A_1736 : i32 to index
          %swap3A_1738 = arith.constant 96 : index
          %swap3A_1739 = tpu.vector_load %arg10[%swap3A_1737, %swap3A_1738] {strides = array<i32>} : memref<128x128xf32, #tpu.memory_space<vmem>>, vector<1x16xf32>,
          %swap3A_1740 = vector.shape_cast %swap3A_1739 : vector<1x16xf32> to vector<16xf32>
          %swap3A_1741 = vector.shape_cast %mul3A_1732 : vector<16xf32> to vector<1x16xf32>
          tpu.vector_store %arg10[%swap3A_1737, %swap3A_1738], %swap3A_1741 {strides = array<i32>} : memref<128x128xf32, #tpu.memory_space<vmem>>, vector<1x16xf32>,
          %mul3A_1742 = arith.constant 16 : i32
          %mul3A_1743 = arith.muli %scan3A_140, %mul3A_1742 : i32
          %add3A_1744 = arith.constant 10 : i32
          %add3A_1745 = arith.addi %mul3A_1743, %add3A_1744 : i32
          %get3A_1746 = arith.index_cast %add3A_1745 : i32 to index
          %get3A_1747 = arith.constant 112 : index
          %get3A_1748 = tpu.vector_load %arg10[%get3A_1746, %get3A_1747] {strides = array<i32>} : memref<128x128xf32, #tpu.memory_space<vmem>>, vector<1x16xf32>,
          %get3A_1749 = vector.shape_cast %get3A_1748 : vector<1x16xf32> to vector<16xf32>
          %mul3A_1750 = arith.mulf %get3A_1749, %broadcast_in_dim3A_1615 : vector<16xf32>
          %mul3A_1751 = arith.constant 16 : i32
          %mul3A_1752 = arith.muli %scan3A_140, %mul3A_1751 : i32
          %add3A_1753 = arith.constant 10 : i32
          %add3A_1754 = arith.addi %mul3A_1752, %add3A_1753 : i32
          %swap3A_1755 = arith.index_cast %add3A_1754 : i32 to index
          %swap3A_1756 = arith.constant 112 : index
          %swap3A_1757 = tpu.vector_load %arg10[%swap3A_1755, %swap3A_1756] {strides = array<i32>} : memref<128x128xf32, #tpu.memory_space<vmem>>, vector<1x16xf32>,
          %swap3A_1758 = vector.shape_cast %swap3A_1757 : vector<1x16xf32> to vector<16xf32>
          %swap3A_1759 = vector.shape_cast %mul3A_1750 : vector<16xf32> to vector<1x16xf32>
          tpu.vector_store %arg10[%swap3A_1755, %swap3A_1756], %swap3A_1759 {strides = array<i32>} : memref<128x128xf32, #tpu.memory_space<vmem>>, vector<1x16xf32>,
          %slice3A_1760 = vector.extract_strided_slice %get3A_146 {offsets = [11], sizes = [1], strides = [1]} : vector<16xf32> to vector<1xf32>
          %squeeze3A_1761 = vector.extract %slice3A_1760[0] : f32 from vector<1xf32>
          %broadcast_in_dim3A_1762 = vector.broadcast %squeeze3A_1761 : f32 to vector<16xf32>
          %mul3A_1763 = arith.constant 16 : i32
          %mul3A_1764 = arith.muli %scan3A_140, %mul3A_1763 : i32
          %add3A_1765 = arith.constant 11 : i32
          %add3A_1766 = arith.addi %mul3A_1764, %add3A_1765 : i32
          %get3A_1767 = arith.index_cast %add3A_1766 : i32 to index
          %get3A_1768 = arith.constant 0 : index
          %get3A_1769 = tpu.vector_load %arg10[%get3A_1767, %get3A_1768] {strides = array<i32>} : memref<128x128xf32, #tpu.memory_space<vmem>>, vector<1x16xf32>,
          %get3A_1770 = vector.shape_cast %get3A_1769 : vector<1x16xf32> to vector<16xf32>
          %mul3A_1771 = arith.mulf %get3A_1770, %broadcast_in_dim3A_1762 : vector<16xf32>
          %mul3A_1772 = arith.constant 16 : i32
          %mul3A_1773 = arith.muli %scan3A_140, %mul3A_1772 : i32
          %add3A_1774 = arith.constant 11 : i32
          %add3A_1775 = arith.addi %mul3A_1773, %add3A_1774 : i32
          %swap3A_1776 = arith.index_cast %add3A_1775 : i32 to index
          %swap3A_1777 = arith.constant 0 : index
          %swap3A_1778 = tpu.vector_load %arg10[%swap3A_1776, %swap3A_1777] {strides = array<i32>} : memref<128x128xf32, #tpu.memory_space<vmem>>, vector<1x16xf32>,
          %swap3A_1779 = vector.shape_cast %swap3A_1778 : vector<1x16xf32> to vector<16xf32>
          %swap3A_1780 = vector.shape_cast %mul3A_1771 : vector<16xf32> to vector<1x16xf32>
          tpu.vector_store %arg10[%swap3A_1776, %swap3A_1777], %swap3A_1780 {strides = array<i32>} : memref<128x128xf32, #tpu.memory_space<vmem>>, vector<1x16xf32>,
          %mul3A_1781 = arith.constant 16 : i32
          %mul3A_1782 = arith.muli %scan3A_140, %mul3A_1781 : i32
          %add3A_1783 = arith.constant 11 : i32
          %add3A_1784 = arith.addi %mul3A_1782, %add3A_1783 : i32
          %get3A_1785 = arith.index_cast %add3A_1784 : i32 to index
          %get3A_1786 = arith.constant 16 : index
          %get3A_1787 = tpu.vector_load %arg10[%get3A_1785, %get3A_1786] {strides = array<i32>} : memref<128x128xf32, #tpu.memory_space<vmem>>, vector<1x16xf32>,
          %get3A_1788 = vector.shape_cast %get3A_1787 : vector<1x16xf32> to vector<16xf32>
          %mul3A_1789 = arith.mulf %get3A_1788, %broadcast_in_dim3A_1762 : vector<16xf32>
          %mul3A_1790 = arith.constant 16 : i32
          %mul3A_1791 = arith.muli %scan3A_140, %mul3A_1790 : i32
          %add3A_1792 = arith.constant 11 : i32
          %add3A_1793 = arith.addi %mul3A_1791, %add3A_1792 : i32
          %swap3A_1794 = arith.index_cast %add3A_1793 : i32 to index
          %swap3A_1795 = arith.constant 16 : index
          %swap3A_1796 = tpu.vector_load %arg10[%swap3A_1794, %swap3A_1795] {strides = array<i32>} : memref<128x128xf32, #tpu.memory_space<vmem>>, vector<1x16xf32>,
          %swap3A_1797 = vector.shape_cast %swap3A_1796 : vector<1x16xf32> to vector<16xf32>
          %swap3A_1798 = vector.shape_cast %mul3A_1789 : vector<16xf32> to vector<1x16xf32>
          tpu.vector_store %arg10[%swap3A_1794, %swap3A_1795], %swap3A_1798 {strides = array<i32>} : memref<128x128xf32, #tpu.memory_space<vmem>>, vector<1x16xf32>,
          %mul3A_1799 = arith.constant 16 : i32
          %mul3A_1800 = arith.muli %scan3A_140, %mul3A_1799 : i32
          %add3A_1801 = arith.constant 11 : i32
          %add3A_1802 = arith.addi %mul3A_1800, %add3A_1801 : i32
          %get3A_1803 = arith.index_cast %add3A_1802 : i32 to index
          %get3A_1804 = arith.constant 32 : index
          %get3A_1805 = tpu.vector_load %arg10[%get3A_1803, %get3A_1804] {strides = array<i32>} : memref<128x128xf32, #tpu.memory_space<vmem>>, vector<1x16xf32>,
          %get3A_1806 = vector.shape_cast %get3A_1805 : vector<1x16xf32> to vector<16xf32>
          %mul3A_1807 = arith.mulf %get3A_1806, %broadcast_in_dim3A_1762 : vector<16xf32>
          %mul3A_1808 = arith.constant 16 : i32
          %mul3A_1809 = arith.muli %scan3A_140, %mul3A_1808 : i32
          %add3A_1810 = arith.constant 11 : i32
          %add3A_1811 = arith.addi %mul3A_1809, %add3A_1810 : i32
          %swap3A_1812 = arith.index_cast %add3A_1811 : i32 to index
          %swap3A_1813 = arith.constant 32 : index
          %swap3A_1814 = tpu.vector_load %arg10[%swap3A_1812, %swap3A_1813] {strides = array<i32>} : memref<128x128xf32, #tpu.memory_space<vmem>>, vector<1x16xf32>,
          %swap3A_1815 = vector.shape_cast %swap3A_1814 : vector<1x16xf32> to vector<16xf32>
          %swap3A_1816 = vector.shape_cast %mul3A_1807 : vector<16xf32> to vector<1x16xf32>
          tpu.vector_store %arg10[%swap3A_1812, %swap3A_1813], %swap3A_1816 {strides = array<i32>} : memref<128x128xf32, #tpu.memory_space<vmem>>, vector<1x16xf32>,
          %mul3A_1817 = arith.constant 16 : i32
          %mul3A_1818 = arith.muli %scan3A_140, %mul3A_1817 : i32
          %add3A_1819 = arith.constant 11 : i32
          %add3A_1820 = arith.addi %mul3A_1818, %add3A_1819 : i32
          %get3A_1821 = arith.index_cast %add3A_1820 : i32 to index
          %get3A_1822 = arith.constant 48 : index
          %get3A_1823 = tpu.vector_load %arg10[%get3A_1821, %get3A_1822] {strides = array<i32>} : memref<128x128xf32, #tpu.memory_space<vmem>>, vector<1x16xf32>,
          %get3A_1824 = vector.shape_cast %get3A_1823 : vector<1x16xf32> to vector<16xf32>
          %mul3A_1825 = arith.mulf %get3A_1824, %broadcast_in_dim3A_1762 : vector<16xf32>
          %mul3A_1826 = arith.constant 16 : i32
          %mul3A_1827 = arith.muli %scan3A_140, %mul3A_1826 : i32
          %add3A_1828 = arith.constant 11 : i32
          %add3A_1829 = arith.addi %mul3A_1827, %add3A_1828 : i32
          %swap3A_1830 = arith.index_cast %add3A_1829 : i32 to index
          %swap3A_1831 = arith.constant 48 : index
          %swap3A_1832 = tpu.vector_load %arg10[%swap3A_1830, %swap3A_1831] {strides = array<i32>} : memref<128x128xf32, #tpu.memory_space<vmem>>, vector<1x16xf32>,
          %swap3A_1833 = vector.shape_cast %swap3A_1832 : vector<1x16xf32> to vector<16xf32>
          %swap3A_1834 = vector.shape_cast %mul3A_1825 : vector<16xf32> to vector<1x16xf32>
          tpu.vector_store %arg10[%swap3A_1830, %swap3A_1831], %swap3A_1834 {strides = array<i32>} : memref<128x128xf32, #tpu.memory_space<vmem>>, vector<1x16xf32>,
          %mul3A_1835 = arith.constant 16 : i32
          %mul3A_1836 = arith.muli %scan3A_140, %mul3A_1835 : i32
          %add3A_1837 = arith.constant 11 : i32
          %add3A_1838 = arith.addi %mul3A_1836, %add3A_1837 : i32
          %get3A_1839 = arith.index_cast %add3A_1838 : i32 to index
          %get3A_1840 = arith.constant 64 : index
          %get3A_1841 = tpu.vector_load %arg10[%get3A_1839, %get3A_1840] {strides = array<i32>} : memref<128x128xf32, #tpu.memory_space<vmem>>, vector<1x16xf32>,
          %get3A_1842 = vector.shape_cast %get3A_1841 : vector<1x16xf32> to vector<16xf32>
          %mul3A_1843 = arith.mulf %get3A_1842, %broadcast_in_dim3A_1762 : vector<16xf32>
          %mul3A_1844 = arith.constant 16 : i32
          %mul3A_1845 = arith.muli %scan3A_140, %mul3A_1844 : i32
          %add3A_1846 = arith.constant 11 : i32
          %add3A_1847 = arith.addi %mul3A_1845, %add3A_1846 : i32
          %swap3A_1848 = arith.index_cast %add3A_1847 : i32 to index
          %swap3A_1849 = arith.constant 64 : index
          %swap3A_1850 = tpu.vector_load %arg10[%swap3A_1848, %swap3A_1849] {strides = array<i32>} : memref<128x128xf32, #tpu.memory_space<vmem>>, vector<1x16xf32>,
          %swap3A_1851 = vector.shape_cast %swap3A_1850 : vector<1x16xf32> to vector<16xf32>
          %swap3A_1852 = vector.shape_cast %mul3A_1843 : vector<16xf32> to vector<1x16xf32>
          tpu.vector_store %arg10[%swap3A_1848, %swap3A_1849], %swap3A_1852 {strides = array<i32>} : memref<128x128xf32, #tpu.memory_space<vmem>>, vector<1x16xf32>,
          %mul3A_1853 = arith.constant 16 : i32
          %mul3A_1854 = arith.muli %scan3A_140, %mul3A_1853 : i32
          %add3A_1855 = arith.constant 11 : i32
          %add3A_1856 = arith.addi %mul3A_1854, %add3A_1855 : i32
          %get3A_1857 = arith.index_cast %add3A_1856 : i32 to index
          %get3A_1858 = arith.constant 80 : index
          %get3A_1859 = tpu.vector_load %arg10[%get3A_1857, %get3A_1858] {strides = array<i32>} : memref<128x128xf32, #tpu.memory_space<vmem>>, vector<1x16xf32>,
          %get3A_1860 = vector.shape_cast %get3A_1859 : vector<1x16xf32> to vector<16xf32>
          %mul3A_1861 = arith.mulf %get3A_1860, %broadcast_in_dim3A_1762 : vector<16xf32>
          %mul3A_1862 = arith.constant 16 : i32
          %mul3A_1863 = arith.muli %scan3A_140, %mul3A_1862 : i32
          %add3A_1864 = arith.constant 11 : i32
          %add3A_1865 = arith.addi %mul3A_1863, %add3A_1864 : i32
          %swap3A_1866 = arith.index_cast %add3A_1865 : i32 to index
          %swap3A_1867 = arith.constant 80 : index
          %swap3A_1868 = tpu.vector_load %arg10[%swap3A_1866, %swap3A_1867] {strides = array<i32>} : memref<128x128xf32, #tpu.memory_space<vmem>>, vector<1x16xf32>,
          %swap3A_1869 = vector.shape_cast %swap3A_1868 : vector<1x16xf32> to vector<16xf32>
          %swap3A_1870 = vector.shape_cast %mul3A_1861 : vector<16xf32> to vector<1x16xf32>
          tpu.vector_store %arg10[%swap3A_1866, %swap3A_1867], %swap3A_1870 {strides = array<i32>} : memref<128x128xf32, #tpu.memory_space<vmem>>, vector<1x16xf32>,
          %mul3A_1871 = arith.constant 16 : i32
          %mul3A_1872 = arith.muli %scan3A_140, %mul3A_1871 : i32
          %add3A_1873 = arith.constant 11 : i32
          %add3A_1874 = arith.addi %mul3A_1872, %add3A_1873 : i32
          %get3A_1875 = arith.index_cast %add3A_1874 : i32 to index
          %get3A_1876 = arith.constant 96 : index
          %get3A_1877 = tpu.vector_load %arg10[%get3A_1875, %get3A_1876] {strides = array<i32>} : memref<128x128xf32, #tpu.memory_space<vmem>>, vector<1x16xf32>,
          %get3A_1878 = vector.shape_cast %get3A_1877 : vector<1x16xf32> to vector<16xf32>
          %mul3A_1879 = arith.mulf %get3A_1878, %broadcast_in_dim3A_1762 : vector<16xf32>
          %mul3A_1880 = arith.constant 16 : i32
          %mul3A_1881 = arith.muli %scan3A_140, %mul3A_1880 : i32
          %add3A_1882 = arith.constant 11 : i32
          %add3A_1883 = arith.addi %mul3A_1881, %add3A_1882 : i32
          %swap3A_1884 = arith.index_cast %add3A_1883 : i32 to index
          %swap3A_1885 = arith.constant 96 : index
          %swap3A_1886 = tpu.vector_load %arg10[%swap3A_1884, %swap3A_1885] {strides = array<i32>} : memref<128x128xf32, #tpu.memory_space<vmem>>, vector<1x16xf32>,
          %swap3A_1887 = vector.shape_cast %swap3A_1886 : vector<1x16xf32> to vector<16xf32>
          %swap3A_1888 = vector.shape_cast %mul3A_1879 : vector<16xf32> to vector<1x16xf32>
          tpu.vector_store %arg10[%swap3A_1884, %swap3A_1885], %swap3A_1888 {strides = array<i32>} : memref<128x128xf32, #tpu.memory_space<vmem>>, vector<1x16xf32>,
          %mul3A_1889 = arith.constant 16 : i32
          %mul3A_1890 = arith.muli %scan3A_140, %mul3A_1889 : i32
          %add3A_1891 = arith.constant 11 : i32
          %add3A_1892 = arith.addi %mul3A_1890, %add3A_1891 : i32
          %get3A_1893 = arith.index_cast %add3A_1892 : i32 to index
          %get3A_1894 = arith.constant 112 : index
          %get3A_1895 = tpu.vector_load %arg10[%get3A_1893, %get3A_1894] {strides = array<i32>} : memref<128x128xf32, #tpu.memory_space<vmem>>, vector<1x16xf32>,
          %get3A_1896 = vector.shape_cast %get3A_1895 : vector<1x16xf32> to vector<16xf32>
          %mul3A_1897 = arith.mulf %get3A_1896, %broadcast_in_dim3A_1762 : vector<16xf32>
          %mul3A_1898 = arith.constant 16 : i32
          %mul3A_1899 = arith.muli %scan3A_140, %mul3A_1898 : i32
          %add3A_1900 = arith.constant 11 : i32
          %add3A_1901 = arith.addi %mul3A_1899, %add3A_1900 : i32
          %swap3A_1902 = arith.index_cast %add3A_1901 : i32 to index
          %swap3A_1903 = arith.constant 112 : index
          %swap3A_1904 = tpu.vector_load %arg10[%swap3A_1902, %swap3A_1903] {strides = array<i32>} : memref<128x128xf32, #tpu.memory_space<vmem>>, vector<1x16xf32>,
          %swap3A_1905 = vector.shape_cast %swap3A_1904 : vector<1x16xf32> to vector<16xf32>
          %swap3A_1906 = vector.shape_cast %mul3A_1897 : vector<16xf32> to vector<1x16xf32>
          tpu.vector_store %arg10[%swap3A_1902, %swap3A_1903], %swap3A_1906 {strides = array<i32>} : memref<128x128xf32, #tpu.memory_space<vmem>>, vector<1x16xf32>,
          %slice3A_1907 = vector.extract_strided_slice %get3A_146 {offsets = [12], sizes = [1], strides = [1]} : vector<16xf32> to vector<1xf32>
          %squeeze3A_1908 = vector.extract %slice3A_1907[0] : f32 from vector<1xf32>
          %broadcast_in_dim3A_1909 = vector.broadcast %squeeze3A_1908 : f32 to vector<16xf32>
          %mul3A_1910 = arith.constant 16 : i32
          %mul3A_1911 = arith.muli %scan3A_140, %mul3A_1910 : i32
          %add3A_1912 = arith.constant 12 : i32
          %add3A_1913 = arith.addi %mul3A_1911, %add3A_1912 : i32
          %get3A_1914 = arith.index_cast %add3A_1913 : i32 to index
          %get3A_1915 = arith.constant 0 : index
          %get3A_1916 = tpu.vector_load %arg10[%get3A_1914, %get3A_1915] {strides = array<i32>} : memref<128x128xf32, #tpu.memory_space<vmem>>, vector<1x16xf32>,
          %get3A_1917 = vector.shape_cast %get3A_1916 : vector<1x16xf32> to vector<16xf32>
          %mul3A_1918 = arith.mulf %get3A_1917, %broadcast_in_dim3A_1909 : vector<16xf32>
          %mul3A_1919 = arith.constant 16 : i32
          %mul3A_1920 = arith.muli %scan3A_140, %mul3A_1919 : i32
          %add3A_1921 = arith.constant 12 : i32
          %add3A_1922 = arith.addi %mul3A_1920, %add3A_1921 : i32
          %swap3A_1923 = arith.index_cast %add3A_1922 : i32 to index
          %swap3A_1924 = arith.constant 0 : index
          %swap3A_1925 = tpu.vector_load %arg10[%swap3A_1923, %swap3A_1924] {strides = array<i32>} : memref<128x128xf32, #tpu.memory_space<vmem>>, vector<1x16xf32>,
          %swap3A_1926 = vector.shape_cast %swap3A_1925 : vector<1x16xf32> to vector<16xf32>
          %swap3A_1927 = vector.shape_cast %mul3A_1918 : vector<16xf32> to vector<1x16xf32>
          tpu.vector_store %arg10[%swap3A_1923, %swap3A_1924], %swap3A_1927 {strides = array<i32>} : memref<128x128xf32, #tpu.memory_space<vmem>>, vector<1x16xf32>,
          %mul3A_1928 = arith.constant 16 : i32
          %mul3A_1929 = arith.muli %scan3A_140, %mul3A_1928 : i32
          %add3A_1930 = arith.constant 12 : i32
          %add3A_1931 = arith.addi %mul3A_1929, %add3A_1930 : i32
          %get3A_1932 = arith.index_cast %add3A_1931 : i32 to index
          %get3A_1933 = arith.constant 16 : index
          %get3A_1934 = tpu.vector_load %arg10[%get3A_1932, %get3A_1933] {strides = array<i32>} : memref<128x128xf32, #tpu.memory_space<vmem>>, vector<1x16xf32>,
          %get3A_1935 = vector.shape_cast %get3A_1934 : vector<1x16xf32> to vector<16xf32>
          %mul3A_1936 = arith.mulf %get3A_1935, %broadcast_in_dim3A_1909 : vector<16xf32>
          %mul3A_1937 = arith.constant 16 : i32
          %mul3A_1938 = arith.muli %scan3A_140, %mul3A_1937 : i32
          %add3A_1939 = arith.constant 12 : i32
          %add3A_1940 = arith.addi %mul3A_1938, %add3A_1939 : i32
          %swap3A_1941 = arith.index_cast %add3A_1940 : i32 to index
          %swap3A_1942 = arith.constant 16 : index
          %swap3A_1943 = tpu.vector_load %arg10[%swap3A_1941, %swap3A_1942] {strides = array<i32>} : memref<128x128xf32, #tpu.memory_space<vmem>>, vector<1x16xf32>,
          %swap3A_1944 = vector.shape_cast %swap3A_1943 : vector<1x16xf32> to vector<16xf32>
          %swap3A_1945 = vector.shape_cast %mul3A_1936 : vector<16xf32> to vector<1x16xf32>
          tpu.vector_store %arg10[%swap3A_1941, %swap3A_1942], %swap3A_1945 {strides = array<i32>} : memref<128x128xf32, #tpu.memory_space<vmem>>, vector<1x16xf32>,
          %mul3A_1946 = arith.constant 16 : i32
          %mul3A_1947 = arith.muli %scan3A_140, %mul3A_1946 : i32
          %add3A_1948 = arith.constant 12 : i32
          %add3A_1949 = arith.addi %mul3A_1947, %add3A_1948 : i32
          %get3A_1950 = arith.index_cast %add3A_1949 : i32 to index
          %get3A_1951 = arith.constant 32 : index
          %get3A_1952 = tpu.vector_load %arg10[%get3A_1950, %get3A_1951] {strides = array<i32>} : memref<128x128xf32, #tpu.memory_space<vmem>>, vector<1x16xf32>,
          %get3A_1953 = vector.shape_cast %get3A_1952 : vector<1x16xf32> to vector<16xf32>
          %mul3A_1954 = arith.mulf %get3A_1953, %broadcast_in_dim3A_1909 : vector<16xf32>
          %mul3A_1955 = arith.constant 16 : i32
          %mul3A_1956 = arith.muli %scan3A_140, %mul3A_1955 : i32
          %add3A_1957 = arith.constant 12 : i32
          %add3A_1958 = arith.addi %mul3A_1956, %add3A_1957 : i32
          %swap3A_1959 = arith.index_cast %add3A_1958 : i32 to index
          %swap3A_1960 = arith.constant 32 : index
          %swap3A_1961 = tpu.vector_load %arg10[%swap3A_1959, %swap3A_1960] {strides = array<i32>} : memref<128x128xf32, #tpu.memory_space<vmem>>, vector<1x16xf32>,
          %swap3A_1962 = vector.shape_cast %swap3A_1961 : vector<1x16xf32> to vector<16xf32>
          %swap3A_1963 = vector.shape_cast %mul3A_1954 : vector<16xf32> to vector<1x16xf32>
          tpu.vector_store %arg10[%swap3A_1959, %swap3A_1960], %swap3A_1963 {strides = array<i32>} : memref<128x128xf32, #tpu.memory_space<vmem>>, vector<1x16xf32>,
          %mul3A_1964 = arith.constant 16 : i32
          %mul3A_1965 = arith.muli %scan3A_140, %mul3A_1964 : i32
          %add3A_1966 = arith.constant 12 : i32
          %add3A_1967 = arith.addi %mul3A_1965, %add3A_1966 : i32
          %get3A_1968 = arith.index_cast %add3A_1967 : i32 to index
          %get3A_1969 = arith.constant 48 : index
          %get3A_1970 = tpu.vector_load %arg10[%get3A_1968, %get3A_1969] {strides = array<i32>} : memref<128x128xf32, #tpu.memory_space<vmem>>, vector<1x16xf32>,
          %get3A_1971 = vector.shape_cast %get3A_1970 : vector<1x16xf32> to vector<16xf32>
          %mul3A_1972 = arith.mulf %get3A_1971, %broadcast_in_dim3A_1909 : vector<16xf32>
          %mul3A_1973 = arith.constant 16 : i32
          %mul3A_1974 = arith.muli %scan3A_140, %mul3A_1973 : i32
          %add3A_1975 = arith.constant 12 : i32
          %add3A_1976 = arith.addi %mul3A_1974, %add3A_1975 : i32
          %swap3A_1977 = arith.index_cast %add3A_1976 : i32 to index
          %swap3A_1978 = arith.constant 48 : index
          %swap3A_1979 = tpu.vector_load %arg10[%swap3A_1977, %swap3A_1978] {strides = array<i32>} : memref<128x128xf32, #tpu.memory_space<vmem>>, vector<1x16xf32>,
          %swap3A_1980 = vector.shape_cast %swap3A_1979 : vector<1x16xf32> to vector<16xf32>
          %swap3A_1981 = vector.shape_cast %mul3A_1972 : vector<16xf32> to vector<1x16xf32>
          tpu.vector_store %arg10[%swap3A_1977, %swap3A_1978], %swap3A_1981 {strides = array<i32>} : memref<128x128xf32, #tpu.memory_space<vmem>>, vector<1x16xf32>,
          %mul3A_1982 = arith.constant 16 : i32
          %mul3A_1983 = arith.muli %scan3A_140, %mul3A_1982 : i32
          %add3A_1984 = arith.constant 12 : i32
          %add3A_1985 = arith.addi %mul3A_1983, %add3A_1984 : i32
          %get3A_1986 = arith.index_cast %add3A_1985 : i32 to index
          %get3A_1987 = arith.constant 64 : index
          %get3A_1988 = tpu.vector_load %arg10[%get3A_1986, %get3A_1987] {strides = array<i32>} : memref<128x128xf32, #tpu.memory_space<vmem>>, vector<1x16xf32>,
          %get3A_1989 = vector.shape_cast %get3A_1988 : vector<1x16xf32> to vector<16xf32>
          %mul3A_1990 = arith.mulf %get3A_1989, %broadcast_in_dim3A_1909 : vector<16xf32>
          %mul3A_1991 = arith.constant 16 : i32
          %mul3A_1992 = arith.muli %scan3A_140, %mul3A_1991 : i32
          %add3A_1993 = arith.constant 12 : i32
          %add3A_1994 = arith.addi %mul3A_1992, %add3A_1993 : i32
          %swap3A_1995 = arith.index_cast %add3A_1994 : i32 to index
          %swap3A_1996 = arith.constant 64 : index
          %swap3A_1997 = tpu.vector_load %arg10[%swap3A_1995, %swap3A_1996] {strides = array<i32>} : memref<128x128xf32, #tpu.memory_space<vmem>>, vector<1x16xf32>,
          %swap3A_1998 = vector.shape_cast %swap3A_1997 : vector<1x16xf32> to vector<16xf32>
          %swap3A_1999 = vector.shape_cast %mul3A_1990 : vector<16xf32> to vector<1x16xf32>
          tpu.vector_store %arg10[%swap3A_1995, %swap3A_1996], %swap3A_1999 {strides = array<i32>} : memref<128x128xf32, #tpu.memory_space<vmem>>, vector<1x16xf32>,
          %mul3A_2000 = arith.constant 16 : i32
          %mul3A_2001 = arith.muli %scan3A_140, %mul3A_2000 : i32
          %add3A_2002 = arith.constant 12 : i32
          %add3A_2003 = arith.addi %mul3A_2001, %add3A_2002 : i32
          %get3A_2004 = arith.index_cast %add3A_2003 : i32 to index
          %get3A_2005 = arith.constant 80 : index
          %get3A_2006 = tpu.vector_load %arg10[%get3A_2004, %get3A_2005] {strides = array<i32>} : memref<128x128xf32, #tpu.memory_space<vmem>>, vector<1x16xf32>,
          %get3A_2007 = vector.shape_cast %get3A_2006 : vector<1x16xf32> to vector<16xf32>
          %mul3A_2008 = arith.mulf %get3A_2007, %broadcast_in_dim3A_1909 : vector<16xf32>
          %mul3A_2009 = arith.constant 16 : i32
          %mul3A_2010 = arith.muli %scan3A_140, %mul3A_2009 : i32
          %add3A_2011 = arith.constant 12 : i32
          %add3A_2012 = arith.addi %mul3A_2010, %add3A_2011 : i32
          %swap3A_2013 = arith.index_cast %add3A_2012 : i32 to index
          %swap3A_2014 = arith.constant 80 : index
          %swap3A_2015 = tpu.vector_load %arg10[%swap3A_2013, %swap3A_2014] {strides = array<i32>} : memref<128x128xf32, #tpu.memory_space<vmem>>, vector<1x16xf32>,
          %swap3A_2016 = vector.shape_cast %swap3A_2015 : vector<1x16xf32> to vector<16xf32>
          %swap3A_2017 = vector.shape_cast %mul3A_2008 : vector<16xf32> to vector<1x16xf32>
          tpu.vector_store %arg10[%swap3A_2013, %swap3A_2014], %swap3A_2017 {strides = array<i32>} : memref<128x128xf32, #tpu.memory_space<vmem>>, vector<1x16xf32>,
          %mul3A_2018 = arith.constant 16 : i32
          %mul3A_2019 = arith.muli %scan3A_140, %mul3A_2018 : i32
          %add3A_2020 = arith.constant 12 : i32
          %add3A_2021 = arith.addi %mul3A_2019, %add3A_2020 : i32
          %get3A_2022 = arith.index_cast %add3A_2021 : i32 to index
          %get3A_2023 = arith.constant 96 : index
          %get3A_2024 = tpu.vector_load %arg10[%get3A_2022, %get3A_2023] {strides = array<i32>} : memref<128x128xf32, #tpu.memory_space<vmem>>, vector<1x16xf32>,
          %get3A_2025 = vector.shape_cast %get3A_2024 : vector<1x16xf32> to vector<16xf32>
          %mul3A_2026 = arith.mulf %get3A_2025, %broadcast_in_dim3A_1909 : vector<16xf32>
          %mul3A_2027 = arith.constant 16 : i32
          %mul3A_2028 = arith.muli %scan3A_140, %mul3A_2027 : i32
          %add3A_2029 = arith.constant 12 : i32
          %add3A_2030 = arith.addi %mul3A_2028, %add3A_2029 : i32
          %swap3A_2031 = arith.index_cast %add3A_2030 : i32 to index
          %swap3A_2032 = arith.constant 96 : index
          %swap3A_2033 = tpu.vector_load %arg10[%swap3A_2031, %swap3A_2032] {strides = array<i32>} : memref<128x128xf32, #tpu.memory_space<vmem>>, vector<1x16xf32>,
          %swap3A_2034 = vector.shape_cast %swap3A_2033 : vector<1x16xf32> to vector<16xf32>
          %swap3A_2035 = vector.shape_cast %mul3A_2026 : vector<16xf32> to vector<1x16xf32>
          tpu.vector_store %arg10[%swap3A_2031, %swap3A_2032], %swap3A_2035 {strides = array<i32>} : memref<128x128xf32, #tpu.memory_space<vmem>>, vector<1x16xf32>,
          %mul3A_2036 = arith.constant 16 : i32
          %mul3A_2037 = arith.muli %scan3A_140, %mul3A_2036 : i32
          %add3A_2038 = arith.constant 12 : i32
          %add3A_2039 = arith.addi %mul3A_2037, %add3A_2038 : i32
          %get3A_2040 = arith.index_cast %add3A_2039 : i32 to index
          %get3A_2041 = arith.constant 112 : index
          %get3A_2042 = tpu.vector_load %arg10[%get3A_2040, %get3A_2041] {strides = array<i32>} : memref<128x128xf32, #tpu.memory_space<vmem>>, vector<1x16xf32>,
          %get3A_2043 = vector.shape_cast %get3A_2042 : vector<1x16xf32> to vector<16xf32>
          %mul3A_2044 = arith.mulf %get3A_2043, %broadcast_in_dim3A_1909 : vector<16xf32>
          %mul3A_2045 = arith.constant 16 : i32
          %mul3A_2046 = arith.muli %scan3A_140, %mul3A_2045 : i32
          %add3A_2047 = arith.constant 12 : i32
          %add3A_2048 = arith.addi %mul3A_2046, %add3A_2047 : i32
          %swap3A_2049 = arith.index_cast %add3A_2048 : i32 to index
          %swap3A_2050 = arith.constant 112 : index
          %swap3A_2051 = tpu.vector_load %arg10[%swap3A_2049, %swap3A_2050] {strides = array<i32>} : memref<128x128xf32, #tpu.memory_space<vmem>>, vector<1x16xf32>,
          %swap3A_2052 = vector.shape_cast %swap3A_2051 : vector<1x16xf32> to vector<16xf32>
          %swap3A_2053 = vector.shape_cast %mul3A_2044 : vector<16xf32> to vector<1x16xf32>
          tpu.vector_store %arg10[%swap3A_2049, %swap3A_2050], %swap3A_2053 {strides = array<i32>} : memref<128x128xf32, #tpu.memory_space<vmem>>, vector<1x16xf32>,
          %slice3A_2054 = vector.extract_strided_slice %get3A_146 {offsets = [13], sizes = [1], strides = [1]} : vector<16xf32> to vector<1xf32>
          %squeeze3A_2055 = vector.extract %slice3A_2054[0] : f32 from vector<1xf32>
          %broadcast_in_dim3A_2056 = vector.broadcast %squeeze3A_2055 : f32 to vector<16xf32>
          %mul3A_2057 = arith.constant 16 : i32
          %mul3A_2058 = arith.muli %scan3A_140, %mul3A_2057 : i32
          %add3A_2059 = arith.constant 13 : i32
          %add3A_2060 = arith.addi %mul3A_2058, %add3A_2059 : i32
          %get3A_2061 = arith.index_cast %add3A_2060 : i32 to index
          %get3A_2062 = arith.constant 0 : index
          %get3A_2063 = tpu.vector_load %arg10[%get3A_2061, %get3A_2062] {strides = array<i32>} : memref<128x128xf32, #tpu.memory_space<vmem>>, vector<1x16xf32>,
          %get3A_2064 = vector.shape_cast %get3A_2063 : vector<1x16xf32> to vector<16xf32>
          %mul3A_2065 = arith.mulf %get3A_2064, %broadcast_in_dim3A_2056 : vector<16xf32>
          %mul3A_2066 = arith.constant 16 : i32
          %mul3A_2067 = arith.muli %scan3A_140, %mul3A_2066 : i32
          %add3A_2068 = arith.constant 13 : i32
          %add3A_2069 = arith.addi %mul3A_2067, %add3A_2068 : i32
          %swap3A_2070 = arith.index_cast %add3A_2069 : i32 to index
          %swap3A_2071 = arith.constant 0 : index
          %swap3A_2072 = tpu.vector_load %arg10[%swap3A_2070, %swap3A_2071] {strides = array<i32>} : memref<128x128xf32, #tpu.memory_space<vmem>>, vector<1x16xf32>,
          %swap3A_2073 = vector.shape_cast %swap3A_2072 : vector<1x16xf32> to vector<16xf32>
          %swap3A_2074 = vector.shape_cast %mul3A_2065 : vector<16xf32> to vector<1x16xf32>
          tpu.vector_store %arg10[%swap3A_2070, %swap3A_2071], %swap3A_2074 {strides = array<i32>} : memref<128x128xf32, #tpu.memory_space<vmem>>, vector<1x16xf32>,
          %mul3A_2075 = arith.constant 16 : i32
          %mul3A_2076 = arith.muli %scan3A_140, %mul3A_2075 : i32
          %add3A_2077 = arith.constant 13 : i32
          %add3A_2078 = arith.addi %mul3A_2076, %add3A_2077 : i32
          %get3A_2079 = arith.index_cast %add3A_2078 : i32 to index
          %get3A_2080 = arith.constant 16 : index
          %get3A_2081 = tpu.vector_load %arg10[%get3A_2079, %get3A_2080] {strides = array<i32>} : memref<128x128xf32, #tpu.memory_space<vmem>>, vector<1x16xf32>,
          %get3A_2082 = vector.shape_cast %get3A_2081 : vector<1x16xf32> to vector<16xf32>
          %mul3A_2083 = arith.mulf %get3A_2082, %broadcast_in_dim3A_2056 : vector<16xf32>
          %mul3A_2084 = arith.constant 16 : i32
          %mul3A_2085 = arith.muli %scan3A_140, %mul3A_2084 : i32
          %add3A_2086 = arith.constant 13 : i32
          %add3A_2087 = arith.addi %mul3A_2085, %add3A_2086 : i32
          %swap3A_2088 = arith.index_cast %add3A_2087 : i32 to index
          %swap3A_2089 = arith.constant 16 : index
          %swap3A_2090 = tpu.vector_load %arg10[%swap3A_2088, %swap3A_2089] {strides = array<i32>} : memref<128x128xf32, #tpu.memory_space<vmem>>, vector<1x16xf32>,
          %swap3A_2091 = vector.shape_cast %swap3A_2090 : vector<1x16xf32> to vector<16xf32>
          %swap3A_2092 = vector.shape_cast %mul3A_2083 : vector<16xf32> to vector<1x16xf32>
          tpu.vector_store %arg10[%swap3A_2088, %swap3A_2089], %swap3A_2092 {strides = array<i32>} : memref<128x128xf32, #tpu.memory_space<vmem>>, vector<1x16xf32>,
          %mul3A_2093 = arith.constant 16 : i32
          %mul3A_2094 = arith.muli %scan3A_140, %mul3A_2093 : i32
          %add3A_2095 = arith.constant 13 : i32
          %add3A_2096 = arith.addi %mul3A_2094, %add3A_2095 : i32
          %get3A_2097 = arith.index_cast %add3A_2096 : i32 to index
          %get3A_2098 = arith.constant 32 : index
          %get3A_2099 = tpu.vector_load %arg10[%get3A_2097, %get3A_2098] {strides = array<i32>} : memref<128x128xf32, #tpu.memory_space<vmem>>, vector<1x16xf32>,
          %get3A_2100 = vector.shape_cast %get3A_2099 : vector<1x16xf32> to vector<16xf32>
          %mul3A_2101 = arith.mulf %get3A_2100, %broadcast_in_dim3A_2056 : vector<16xf32>
          %mul3A_2102 = arith.constant 16 : i32
          %mul3A_2103 = arith.muli %scan3A_140, %mul3A_2102 : i32
          %add3A_2104 = arith.constant 13 : i32
          %add3A_2105 = arith.addi %mul3A_2103, %add3A_2104 : i32
          %swap3A_2106 = arith.index_cast %add3A_2105 : i32 to index
          %swap3A_2107 = arith.constant 32 : index
          %swap3A_2108 = tpu.vector_load %arg10[%swap3A_2106, %swap3A_2107] {strides = array<i32>} : memref<128x128xf32, #tpu.memory_space<vmem>>, vector<1x16xf32>,
          %swap3A_2109 = vector.shape_cast %swap3A_2108 : vector<1x16xf32> to vector<16xf32>
          %swap3A_2110 = vector.shape_cast %mul3A_2101 : vector<16xf32> to vector<1x16xf32>
          tpu.vector_store %arg10[%swap3A_2106, %swap3A_2107], %swap3A_2110 {strides = array<i32>} : memref<128x128xf32, #tpu.memory_space<vmem>>, vector<1x16xf32>,
          %mul3A_2111 = arith.constant 16 : i32
          %mul3A_2112 = arith.muli %scan3A_140, %mul3A_2111 : i32
          %add3A_2113 = arith.constant 13 : i32
          %add3A_2114 = arith.addi %mul3A_2112, %add3A_2113 : i32
          %get3A_2115 = arith.index_cast %add3A_2114 : i32 to index
          %get3A_2116 = arith.constant 48 : index
          %get3A_2117 = tpu.vector_load %arg10[%get3A_2115, %get3A_2116] {strides = array<i32>} : memref<128x128xf32, #tpu.memory_space<vmem>>, vector<1x16xf32>,
          %get3A_2118 = vector.shape_cast %get3A_2117 : vector<1x16xf32> to vector<16xf32>
          %mul3A_2119 = arith.mulf %get3A_2118, %broadcast_in_dim3A_2056 : vector<16xf32>
          %mul3A_2120 = arith.constant 16 : i32
          %mul3A_2121 = arith.muli %scan3A_140, %mul3A_2120 : i32
          %add3A_2122 = arith.constant 13 : i32
          %add3A_2123 = arith.addi %mul3A_2121, %add3A_2122 : i32
          %swap3A_2124 = arith.index_cast %add3A_2123 : i32 to index
          %swap3A_2125 = arith.constant 48 : index
          %swap3A_2126 = tpu.vector_load %arg10[%swap3A_2124, %swap3A_2125] {strides = array<i32>} : memref<128x128xf32, #tpu.memory_space<vmem>>, vector<1x16xf32>,
          %swap3A_2127 = vector.shape_cast %swap3A_2126 : vector<1x16xf32> to vector<16xf32>
          %swap3A_2128 = vector.shape_cast %mul3A_2119 : vector<16xf32> to vector<1x16xf32>
          tpu.vector_store %arg10[%swap3A_2124, %swap3A_2125], %swap3A_2128 {strides = array<i32>} : memref<128x128xf32, #tpu.memory_space<vmem>>, vector<1x16xf32>,
          %mul3A_2129 = arith.constant 16 : i32
          %mul3A_2130 = arith.muli %scan3A_140, %mul3A_2129 : i32
          %add3A_2131 = arith.constant 13 : i32
          %add3A_2132 = arith.addi %mul3A_2130, %add3A_2131 : i32
          %get3A_2133 = arith.index_cast %add3A_2132 : i32 to index
          %get3A_2134 = arith.constant 64 : index
          %get3A_2135 = tpu.vector_load %arg10[%get3A_2133, %get3A_2134] {strides = array<i32>} : memref<128x128xf32, #tpu.memory_space<vmem>>, vector<1x16xf32>,
          %get3A_2136 = vector.shape_cast %get3A_2135 : vector<1x16xf32> to vector<16xf32>
          %mul3A_2137 = arith.mulf %get3A_2136, %broadcast_in_dim3A_2056 : vector<16xf32>
          %mul3A_2138 = arith.constant 16 : i32
          %mul3A_2139 = arith.muli %scan3A_140, %mul3A_2138 : i32
          %add3A_2140 = arith.constant 13 : i32
          %add3A_2141 = arith.addi %mul3A_2139, %add3A_2140 : i32
          %swap3A_2142 = arith.index_cast %add3A_2141 : i32 to index
          %swap3A_2143 = arith.constant 64 : index
          %swap3A_2144 = tpu.vector_load %arg10[%swap3A_2142, %swap3A_2143] {strides = array<i32>} : memref<128x128xf32, #tpu.memory_space<vmem>>, vector<1x16xf32>,
          %swap3A_2145 = vector.shape_cast %swap3A_2144 : vector<1x16xf32> to vector<16xf32>
          %swap3A_2146 = vector.shape_cast %mul3A_2137 : vector<16xf32> to vector<1x16xf32>
          tpu.vector_store %arg10[%swap3A_2142, %swap3A_2143], %swap3A_2146 {strides = array<i32>} : memref<128x128xf32, #tpu.memory_space<vmem>>, vector<1x16xf32>,
          %mul3A_2147 = arith.constant 16 : i32
          %mul3A_2148 = arith.muli %scan3A_140, %mul3A_2147 : i32
          %add3A_2149 = arith.constant 13 : i32
          %add3A_2150 = arith.addi %mul3A_2148, %add3A_2149 : i32
          %get3A_2151 = arith.index_cast %add3A_2150 : i32 to index
          %get3A_2152 = arith.constant 80 : index
          %get3A_2153 = tpu.vector_load %arg10[%get3A_2151, %get3A_2152] {strides = array<i32>} : memref<128x128xf32, #tpu.memory_space<vmem>>, vector<1x16xf32>,
          %get3A_2154 = vector.shape_cast %get3A_2153 : vector<1x16xf32> to vector<16xf32>
          %mul3A_2155 = arith.mulf %get3A_2154, %broadcast_in_dim3A_2056 : vector<16xf32>
          %mul3A_2156 = arith.constant 16 : i32
          %mul3A_2157 = arith.muli %scan3A_140, %mul3A_2156 : i32
          %add3A_2158 = arith.constant 13 : i32
          %add3A_2159 = arith.addi %mul3A_2157, %add3A_2158 : i32
          %swap3A_2160 = arith.index_cast %add3A_2159 : i32 to index
          %swap3A_2161 = arith.constant 80 : index
          %swap3A_2162 = tpu.vector_load %arg10[%swap3A_2160, %swap3A_2161] {strides = array<i32>} : memref<128x128xf32, #tpu.memory_space<vmem>>, vector<1x16xf32>,
          %swap3A_2163 = vector.shape_cast %swap3A_2162 : vector<1x16xf32> to vector<16xf32>
          %swap3A_2164 = vector.shape_cast %mul3A_2155 : vector<16xf32> to vector<1x16xf32>
          tpu.vector_store %arg10[%swap3A_2160, %swap3A_2161], %swap3A_2164 {strides = array<i32>} : memref<128x128xf32, #tpu.memory_space<vmem>>, vector<1x16xf32>,
          %mul3A_2165 = arith.constant 16 : i32
          %mul3A_2166 = arith.muli %scan3A_140, %mul3A_2165 : i32
          %add3A_2167 = arith.constant 13 : i32
          %add3A_2168 = arith.addi %mul3A_2166, %add3A_2167 : i32
          %get3A_2169 = arith.index_cast %add3A_2168 : i32 to index
          %get3A_2170 = arith.constant 96 : index
          %get3A_2171 = tpu.vector_load %arg10[%get3A_2169, %get3A_2170] {strides = array<i32>} : memref<128x128xf32, #tpu.memory_space<vmem>>, vector<1x16xf32>,
          %get3A_2172 = vector.shape_cast %get3A_2171 : vector<1x16xf32> to vector<16xf32>
          %mul3A_2173 = arith.mulf %get3A_2172, %broadcast_in_dim3A_2056 : vector<16xf32>
          %mul3A_2174 = arith.constant 16 : i32
          %mul3A_2175 = arith.muli %scan3A_140, %mul3A_2174 : i32
          %add3A_2176 = arith.constant 13 : i32
          %add3A_2177 = arith.addi %mul3A_2175, %add3A_2176 : i32
          %swap3A_2178 = arith.index_cast %add3A_2177 : i32 to index
          %swap3A_2179 = arith.constant 96 : index
          %swap3A_2180 = tpu.vector_load %arg10[%swap3A_2178, %swap3A_2179] {strides = array<i32>} : memref<128x128xf32, #tpu.memory_space<vmem>>, vector<1x16xf32>,
          %swap3A_2181 = vector.shape_cast %swap3A_2180 : vector<1x16xf32> to vector<16xf32>
          %swap3A_2182 = vector.shape_cast %mul3A_2173 : vector<16xf32> to vector<1x16xf32>
          tpu.vector_store %arg10[%swap3A_2178, %swap3A_2179], %swap3A_2182 {strides = array<i32>} : memref<128x128xf32, #tpu.memory_space<vmem>>, vector<1x16xf32>,
          %mul3A_2183 = arith.constant 16 : i32
          %mul3A_2184 = arith.muli %scan3A_140, %mul3A_2183 : i32
          %add3A_2185 = arith.constant 13 : i32
          %add3A_2186 = arith.addi %mul3A_2184, %add3A_2185 : i32
          %get3A_2187 = arith.index_cast %add3A_2186 : i32 to index
          %get3A_2188 = arith.constant 112 : index
          %get3A_2189 = tpu.vector_load %arg10[%get3A_2187, %get3A_2188] {strides = array<i32>} : memref<128x128xf32, #tpu.memory_space<vmem>>, vector<1x16xf32>,
          %get3A_2190 = vector.shape_cast %get3A_2189 : vector<1x16xf32> to vector<16xf32>
          %mul3A_2191 = arith.mulf %get3A_2190, %broadcast_in_dim3A_2056 : vector<16xf32>
          %mul3A_2192 = arith.constant 16 : i32
          %mul3A_2193 = arith.muli %scan3A_140, %mul3A_2192 : i32
          %add3A_2194 = arith.constant 13 : i32
          %add3A_2195 = arith.addi %mul3A_2193, %add3A_2194 : i32
          %swap3A_2196 = arith.index_cast %add3A_2195 : i32 to index
          %swap3A_2197 = arith.constant 112 : index
          %swap3A_2198 = tpu.vector_load %arg10[%swap3A_2196, %swap3A_2197] {strides = array<i32>} : memref<128x128xf32, #tpu.memory_space<vmem>>, vector<1x16xf32>,
          %swap3A_2199 = vector.shape_cast %swap3A_2198 : vector<1x16xf32> to vector<16xf32>
          %swap3A_2200 = vector.shape_cast %mul3A_2191 : vector<16xf32> to vector<1x16xf32>
          tpu.vector_store %arg10[%swap3A_2196, %swap3A_2197], %swap3A_2200 {strides = array<i32>} : memref<128x128xf32, #tpu.memory_space<vmem>>, vector<1x16xf32>,
          %slice3A_2201 = vector.extract_strided_slice %get3A_146 {offsets = [14], sizes = [1], strides = [1]} : vector<16xf32> to vector<1xf32>
          %squeeze3A_2202 = vector.extract %slice3A_2201[0] : f32 from vector<1xf32>
          %broadcast_in_dim3A_2203 = vector.broadcast %squeeze3A_2202 : f32 to vector<16xf32>
          %mul3A_2204 = arith.constant 16 : i32
          %mul3A_2205 = arith.muli %scan3A_140, %mul3A_2204 : i32
          %add3A_2206 = arith.constant 14 : i32
          %add3A_2207 = arith.addi %mul3A_2205, %add3A_2206 : i32
          %get3A_2208 = arith.index_cast %add3A_2207 : i32 to index
          %get3A_2209 = arith.constant 0 : index
          %get3A_2210 = tpu.vector_load %arg10[%get3A_2208, %get3A_2209] {strides = array<i32>} : memref<128x128xf32, #tpu.memory_space<vmem>>, vector<1x16xf32>,
          %get3A_2211 = vector.shape_cast %get3A_2210 : vector<1x16xf32> to vector<16xf32>
          %mul3A_2212 = arith.mulf %get3A_2211, %broadcast_in_dim3A_2203 : vector<16xf32>
          %mul3A_2213 = arith.constant 16 : i32
          %mul3A_2214 = arith.muli %scan3A_140, %mul3A_2213 : i32
          %add3A_2215 = arith.constant 14 : i32
          %add3A_2216 = arith.addi %mul3A_2214, %add3A_2215 : i32
          %swap3A_2217 = arith.index_cast %add3A_2216 : i32 to index
          %swap3A_2218 = arith.constant 0 : index
          %swap3A_2219 = tpu.vector_load %arg10[%swap3A_2217, %swap3A_2218] {strides = array<i32>} : memref<128x128xf32, #tpu.memory_space<vmem>>, vector<1x16xf32>,
          %swap3A_2220 = vector.shape_cast %swap3A_2219 : vector<1x16xf32> to vector<16xf32>
          %swap3A_2221 = vector.shape_cast %mul3A_2212 : vector<16xf32> to vector<1x16xf32>
          tpu.vector_store %arg10[%swap3A_2217, %swap3A_2218], %swap3A_2221 {strides = array<i32>} : memref<128x128xf32, #tpu.memory_space<vmem>>, vector<1x16xf32>,
          %mul3A_2222 = arith.constant 16 : i32
          %mul3A_2223 = arith.muli %scan3A_140, %mul3A_2222 : i32
          %add3A_2224 = arith.constant 14 : i32
          %add3A_2225 = arith.addi %mul3A_2223, %add3A_2224 : i32
          %get3A_2226 = arith.index_cast %add3A_2225 : i32 to index
          %get3A_2227 = arith.constant 16 : index
          %get3A_2228 = tpu.vector_load %arg10[%get3A_2226, %get3A_2227] {strides = array<i32>} : memref<128x128xf32, #tpu.memory_space<vmem>>, vector<1x16xf32>,
          %get3A_2229 = vector.shape_cast %get3A_2228 : vector<1x16xf32> to vector<16xf32>
          %mul3A_2230 = arith.mulf %get3A_2229, %broadcast_in_dim3A_2203 : vector<16xf32>
          %mul3A_2231 = arith.constant 16 : i32
          %mul3A_2232 = arith.muli %scan3A_140, %mul3A_2231 : i32
          %add3A_2233 = arith.constant 14 : i32
          %add3A_2234 = arith.addi %mul3A_2232, %add3A_2233 : i32
          %swap3A_2235 = arith.index_cast %add3A_2234 : i32 to index
          %swap3A_2236 = arith.constant 16 : index
          %swap3A_2237 = tpu.vector_load %arg10[%swap3A_2235, %swap3A_2236] {strides = array<i32>} : memref<128x128xf32, #tpu.memory_space<vmem>>, vector<1x16xf32>,
          %swap3A_2238 = vector.shape_cast %swap3A_2237 : vector<1x16xf32> to vector<16xf32>
          %swap3A_2239 = vector.shape_cast %mul3A_2230 : vector<16xf32> to vector<1x16xf32>
          tpu.vector_store %arg10[%swap3A_2235, %swap3A_2236], %swap3A_2239 {strides = array<i32>} : memref<128x128xf32, #tpu.memory_space<vmem>>, vector<1x16xf32>,
          %mul3A_2240 = arith.constant 16 : i32
          %mul3A_2241 = arith.muli %scan3A_140, %mul3A_2240 : i32
          %add3A_2242 = arith.constant 14 : i32
          %add3A_2243 = arith.addi %mul3A_2241, %add3A_2242 : i32
          %get3A_2244 = arith.index_cast %add3A_2243 : i32 to index
          %get3A_2245 = arith.constant 32 : index
          %get3A_2246 = tpu.vector_load %arg10[%get3A_2244, %get3A_2245] {strides = array<i32>} : memref<128x128xf32, #tpu.memory_space<vmem>>, vector<1x16xf32>,
          %get3A_2247 = vector.shape_cast %get3A_2246 : vector<1x16xf32> to vector<16xf32>
          %mul3A_2248 = arith.mulf %get3A_2247, %broadcast_in_dim3A_2203 : vector<16xf32>
          %mul3A_2249 = arith.constant 16 : i32
          %mul3A_2250 = arith.muli %scan3A_140, %mul3A_2249 : i32
          %add3A_2251 = arith.constant 14 : i32
          %add3A_2252 = arith.addi %mul3A_2250, %add3A_2251 : i32
          %swap3A_2253 = arith.index_cast %add3A_2252 : i32 to index
          %swap3A_2254 = arith.constant 32 : index
          %swap3A_2255 = tpu.vector_load %arg10[%swap3A_2253, %swap3A_2254] {strides = array<i32>} : memref<128x128xf32, #tpu.memory_space<vmem>>, vector<1x16xf32>,
          %swap3A_2256 = vector.shape_cast %swap3A_2255 : vector<1x16xf32> to vector<16xf32>
          %swap3A_2257 = vector.shape_cast %mul3A_2248 : vector<16xf32> to vector<1x16xf32>
          tpu.vector_store %arg10[%swap3A_2253, %swap3A_2254], %swap3A_2257 {strides = array<i32>} : memref<128x128xf32, #tpu.memory_space<vmem>>, vector<1x16xf32>,
          %mul3A_2258 = arith.constant 16 : i32
          %mul3A_2259 = arith.muli %scan3A_140, %mul3A_2258 : i32
          %add3A_2260 = arith.constant 14 : i32
          %add3A_2261 = arith.addi %mul3A_2259, %add3A_2260 : i32
          %get3A_2262 = arith.index_cast %add3A_2261 : i32 to index
          %get3A_2263 = arith.constant 48 : index
          %get3A_2264 = tpu.vector_load %arg10[%get3A_2262, %get3A_2263] {strides = array<i32>} : memref<128x128xf32, #tpu.memory_space<vmem>>, vector<1x16xf32>,
          %get3A_2265 = vector.shape_cast %get3A_2264 : vector<1x16xf32> to vector<16xf32>
          %mul3A_2266 = arith.mulf %get3A_2265, %broadcast_in_dim3A_2203 : vector<16xf32>
          %mul3A_2267 = arith.constant 16 : i32
          %mul3A_2268 = arith.muli %scan3A_140, %mul3A_2267 : i32
          %add3A_2269 = arith.constant 14 : i32
          %add3A_2270 = arith.addi %mul3A_2268, %add3A_2269 : i32
          %swap3A_2271 = arith.index_cast %add3A_2270 : i32 to index
          %swap3A_2272 = arith.constant 48 : index
          %swap3A_2273 = tpu.vector_load %arg10[%swap3A_2271, %swap3A_2272] {strides = array<i32>} : memref<128x128xf32, #tpu.memory_space<vmem>>, vector<1x16xf32>,
          %swap3A_2274 = vector.shape_cast %swap3A_2273 : vector<1x16xf32> to vector<16xf32>
          %swap3A_2275 = vector.shape_cast %mul3A_2266 : vector<16xf32> to vector<1x16xf32>
          tpu.vector_store %arg10[%swap3A_2271, %swap3A_2272], %swap3A_2275 {strides = array<i32>} : memref<128x128xf32, #tpu.memory_space<vmem>>, vector<1x16xf32>,
          %mul3A_2276 = arith.constant 16 : i32
          %mul3A_2277 = arith.muli %scan3A_140, %mul3A_2276 : i32
          %add3A_2278 = arith.constant 14 : i32
          %add3A_2279 = arith.addi %mul3A_2277, %add3A_2278 : i32
          %get3A_2280 = arith.index_cast %add3A_2279 : i32 to index
          %get3A_2281 = arith.constant 64 : index
          %get3A_2282 = tpu.vector_load %arg10[%get3A_2280, %get3A_2281] {strides = array<i32>} : memref<128x128xf32, #tpu.memory_space<vmem>>, vector<1x16xf32>,
          %get3A_2283 = vector.shape_cast %get3A_2282 : vector<1x16xf32> to vector<16xf32>
          %mul3A_2284 = arith.mulf %get3A_2283, %broadcast_in_dim3A_2203 : vector<16xf32>
          %mul3A_2285 = arith.constant 16 : i32
          %mul3A_2286 = arith.muli %scan3A_140, %mul3A_2285 : i32
          %add3A_2287 = arith.constant 14 : i32
          %add3A_2288 = arith.addi %mul3A_2286, %add3A_2287 : i32
          %swap3A_2289 = arith.index_cast %add3A_2288 : i32 to index
          %swap3A_2290 = arith.constant 64 : index
          %swap3A_2291 = tpu.vector_load %arg10[%swap3A_2289, %swap3A_2290] {strides = array<i32>} : memref<128x128xf32, #tpu.memory_space<vmem>>, vector<1x16xf32>,
          %swap3A_2292 = vector.shape_cast %swap3A_2291 : vector<1x16xf32> to vector<16xf32>
          %swap3A_2293 = vector.shape_cast %mul3A_2284 : vector<16xf32> to vector<1x16xf32>
          tpu.vector_store %arg10[%swap3A_2289, %swap3A_2290], %swap3A_2293 {strides = array<i32>} : memref<128x128xf32, #tpu.memory_space<vmem>>, vector<1x16xf32>,
          %mul3A_2294 = arith.constant 16 : i32
          %mul3A_2295 = arith.muli %scan3A_140, %mul3A_2294 : i32
          %add3A_2296 = arith.constant 14 : i32
          %add3A_2297 = arith.addi %mul3A_2295, %add3A_2296 : i32
          %get3A_2298 = arith.index_cast %add3A_2297 : i32 to index
          %get3A_2299 = arith.constant 80 : index
          %get3A_2300 = tpu.vector_load %arg10[%get3A_2298, %get3A_2299] {strides = array<i32>} : memref<128x128xf32, #tpu.memory_space<vmem>>, vector<1x16xf32>,
          %get3A_2301 = vector.shape_cast %get3A_2300 : vector<1x16xf32> to vector<16xf32>
          %mul3A_2302 = arith.mulf %get3A_2301, %broadcast_in_dim3A_2203 : vector<16xf32>
          %mul3A_2303 = arith.constant 16 : i32
          %mul3A_2304 = arith.muli %scan3A_140, %mul3A_2303 : i32
          %add3A_2305 = arith.constant 14 : i32
          %add3A_2306 = arith.addi %mul3A_2304, %add3A_2305 : i32
          %swap3A_2307 = arith.index_cast %add3A_2306 : i32 to index
          %swap3A_2308 = arith.constant 80 : index
          %swap3A_2309 = tpu.vector_load %arg10[%swap3A_2307, %swap3A_2308] {strides = array<i32>} : memref<128x128xf32, #tpu.memory_space<vmem>>, vector<1x16xf32>,
          %swap3A_2310 = vector.shape_cast %swap3A_2309 : vector<1x16xf32> to vector<16xf32>
          %swap3A_2311 = vector.shape_cast %mul3A_2302 : vector<16xf32> to vector<1x16xf32>
          tpu.vector_store %arg10[%swap3A_2307, %swap3A_2308], %swap3A_2311 {strides = array<i32>} : memref<128x128xf32, #tpu.memory_space<vmem>>, vector<1x16xf32>,
          %mul3A_2312 = arith.constant 16 : i32
          %mul3A_2313 = arith.muli %scan3A_140, %mul3A_2312 : i32
          %add3A_2314 = arith.constant 14 : i32
          %add3A_2315 = arith.addi %mul3A_2313, %add3A_2314 : i32
          %get3A_2316 = arith.index_cast %add3A_2315 : i32 to index
          %get3A_2317 = arith.constant 96 : index
          %get3A_2318 = tpu.vector_load %arg10[%get3A_2316, %get3A_2317] {strides = array<i32>} : memref<128x128xf32, #tpu.memory_space<vmem>>, vector<1x16xf32>,
          %get3A_2319 = vector.shape_cast %get3A_2318 : vector<1x16xf32> to vector<16xf32>
          %mul3A_2320 = arith.mulf %get3A_2319, %broadcast_in_dim3A_2203 : vector<16xf32>
          %mul3A_2321 = arith.constant 16 : i32
          %mul3A_2322 = arith.muli %scan3A_140, %mul3A_2321 : i32
          %add3A_2323 = arith.constant 14 : i32
          %add3A_2324 = arith.addi %mul3A_2322, %add3A_2323 : i32
          %swap3A_2325 = arith.index_cast %add3A_2324 : i32 to index
          %swap3A_2326 = arith.constant 96 : index
          %swap3A_2327 = tpu.vector_load %arg10[%swap3A_2325, %swap3A_2326] {strides = array<i32>} : memref<128x128xf32, #tpu.memory_space<vmem>>, vector<1x16xf32>,
          %swap3A_2328 = vector.shape_cast %swap3A_2327 : vector<1x16xf32> to vector<16xf32>
          %swap3A_2329 = vector.shape_cast %mul3A_2320 : vector<16xf32> to vector<1x16xf32>
          tpu.vector_store %arg10[%swap3A_2325, %swap3A_2326], %swap3A_2329 {strides = array<i32>} : memref<128x128xf32, #tpu.memory_space<vmem>>, vector<1x16xf32>,
          %mul3A_2330 = arith.constant 16 : i32
          %mul3A_2331 = arith.muli %scan3A_140, %mul3A_2330 : i32
          %add3A_2332 = arith.constant 14 : i32
          %add3A_2333 = arith.addi %mul3A_2331, %add3A_2332 : i32
          %get3A_2334 = arith.index_cast %add3A_2333 : i32 to index
          %get3A_2335 = arith.constant 112 : index
          %get3A_2336 = tpu.vector_load %arg10[%get3A_2334, %get3A_2335] {strides = array<i32>} : memref<128x128xf32, #tpu.memory_space<vmem>>, vector<1x16xf32>,
          %get3A_2337 = vector.shape_cast %get3A_2336 : vector<1x16xf32> to vector<16xf32>
          %mul3A_2338 = arith.mulf %get3A_2337, %broadcast_in_dim3A_2203 : vector<16xf32>
          %mul3A_2339 = arith.constant 16 : i32
          %mul3A_2340 = arith.muli %scan3A_140, %mul3A_2339 : i32
          %add3A_2341 = arith.constant 14 : i32
          %add3A_2342 = arith.addi %mul3A_2340, %add3A_2341 : i32
          %swap3A_2343 = arith.index_cast %add3A_2342 : i32 to index
          %swap3A_2344 = arith.constant 112 : index
          %swap3A_2345 = tpu.vector_load %arg10[%swap3A_2343, %swap3A_2344] {strides = array<i32>} : memref<128x128xf32, #tpu.memory_space<vmem>>, vector<1x16xf32>,
          %swap3A_2346 = vector.shape_cast %swap3A_2345 : vector<1x16xf32> to vector<16xf32>
          %swap3A_2347 = vector.shape_cast %mul3A_2338 : vector<16xf32> to vector<1x16xf32>
          tpu.vector_store %arg10[%swap3A_2343, %swap3A_2344], %swap3A_2347 {strides = array<i32>} : memref<128x128xf32, #tpu.memory_space<vmem>>, vector<1x16xf32>,
          %slice3A_2348 = vector.extract_strided_slice %get3A_146 {offsets = [15], sizes = [1], strides = [1]} : vector<16xf32> to vector<1xf32>
          %squeeze3A_2349 = vector.extract %slice3A_2348[0] : f32 from vector<1xf32>
          %broadcast_in_dim3A_2350 = vector.broadcast %squeeze3A_2349 : f32 to vector<16xf32>
          %mul3A_2351 = arith.constant 16 : i32
          %mul3A_2352 = arith.muli %scan3A_140, %mul3A_2351 : i32
          %add3A_2353 = arith.constant 15 : i32
          %add3A_2354 = arith.addi %mul3A_2352, %add3A_2353 : i32
          %get3A_2355 = arith.index_cast %add3A_2354 : i32 to index
          %get3A_2356 = arith.constant 0 : index
          %get3A_2357 = tpu.vector_load %arg10[%get3A_2355, %get3A_2356] {strides = array<i32>} : memref<128x128xf32, #tpu.memory_space<vmem>>, vector<1x16xf32>,
          %get3A_2358 = vector.shape_cast %get3A_2357 : vector<1x16xf32> to vector<16xf32>
          %mul3A_2359 = arith.mulf %get3A_2358, %broadcast_in_dim3A_2350 : vector<16xf32>
          %mul3A_2360 = arith.constant 16 : i32
          %mul3A_2361 = arith.muli %scan3A_140, %mul3A_2360 : i32
          %add3A_2362 = arith.constant 15 : i32
          %add3A_2363 = arith.addi %mul3A_2361, %add3A_2362 : i32
          %swap3A_2364 = arith.index_cast %add3A_2363 : i32 to index
          %swap3A_2365 = arith.constant 0 : index
          %swap3A_2366 = tpu.vector_load %arg10[%swap3A_2364, %swap3A_2365] {strides = array<i32>} : memref<128x128xf32, #tpu.memory_space<vmem>>, vector<1x16xf32>,
          %swap3A_2367 = vector.shape_cast %swap3A_2366 : vector<1x16xf32> to vector<16xf32>
          %swap3A_2368 = vector.shape_cast %mul3A_2359 : vector<16xf32> to vector<1x16xf32>
          tpu.vector_store %arg10[%swap3A_2364, %swap3A_2365], %swap3A_2368 {strides = array<i32>} : memref<128x128xf32, #tpu.memory_space<vmem>>, vector<1x16xf32>,
          %mul3A_2369 = arith.constant 16 : i32
          %mul3A_2370 = arith.muli %scan3A_140, %mul3A_2369 : i32
          %add3A_2371 = arith.constant 15 : i32
          %add3A_2372 = arith.addi %mul3A_2370, %add3A_2371 : i32
          %get3A_2373 = arith.index_cast %add3A_2372 : i32 to index
          %get3A_2374 = arith.constant 16 : index
          %get3A_2375 = tpu.vector_load %arg10[%get3A_2373, %get3A_2374] {strides = array<i32>} : memref<128x128xf32, #tpu.memory_space<vmem>>, vector<1x16xf32>,
          %get3A_2376 = vector.shape_cast %get3A_2375 : vector<1x16xf32> to vector<16xf32>
          %mul3A_2377 = arith.mulf %get3A_2376, %broadcast_in_dim3A_2350 : vector<16xf32>
          %mul3A_2378 = arith.constant 16 : i32
          %mul3A_2379 = arith.muli %scan3A_140, %mul3A_2378 : i32
          %add3A_2380 = arith.constant 15 : i32
          %add3A_2381 = arith.addi %mul3A_2379, %add3A_2380 : i32
          %swap3A_2382 = arith.index_cast %add3A_2381 : i32 to index
          %swap3A_2383 = arith.constant 16 : index
          %swap3A_2384 = tpu.vector_load %arg10[%swap3A_2382, %swap3A_2383] {strides = array<i32>} : memref<128x128xf32, #tpu.memory_space<vmem>>, vector<1x16xf32>,
          %swap3A_2385 = vector.shape_cast %swap3A_2384 : vector<1x16xf32> to vector<16xf32>
          %swap3A_2386 = vector.shape_cast %mul3A_2377 : vector<16xf32> to vector<1x16xf32>
          tpu.vector_store %arg10[%swap3A_2382, %swap3A_2383], %swap3A_2386 {strides = array<i32>} : memref<128x128xf32, #tpu.memory_space<vmem>>, vector<1x16xf32>,
          %mul3A_2387 = arith.constant 16 : i32
          %mul3A_2388 = arith.muli %scan3A_140, %mul3A_2387 : i32
          %add3A_2389 = arith.constant 15 : i32
          %add3A_2390 = arith.addi %mul3A_2388, %add3A_2389 : i32
          %get3A_2391 = arith.index_cast %add3A_2390 : i32 to index
          %get3A_2392 = arith.constant 32 : index
          %get3A_2393 = tpu.vector_load %arg10[%get3A_2391, %get3A_2392] {strides = array<i32>} : memref<128x128xf32, #tpu.memory_space<vmem>>, vector<1x16xf32>,
          %get3A_2394 = vector.shape_cast %get3A_2393 : vector<1x16xf32> to vector<16xf32>
          %mul3A_2395 = arith.mulf %get3A_2394, %broadcast_in_dim3A_2350 : vector<16xf32>
          %mul3A_2396 = arith.constant 16 : i32
          %mul3A_2397 = arith.muli %scan3A_140, %mul3A_2396 : i32
          %add3A_2398 = arith.constant 15 : i32
          %add3A_2399 = arith.addi %mul3A_2397, %add3A_2398 : i32
          %swap3A_2400 = arith.index_cast %add3A_2399 : i32 to index
          %swap3A_2401 = arith.constant 32 : index
          %swap3A_2402 = tpu.vector_load %arg10[%swap3A_2400, %swap3A_2401] {strides = array<i32>} : memref<128x128xf32, #tpu.memory_space<vmem>>, vector<1x16xf32>,
          %swap3A_2403 = vector.shape_cast %swap3A_2402 : vector<1x16xf32> to vector<16xf32>
          %swap3A_2404 = vector.shape_cast %mul3A_2395 : vector<16xf32> to vector<1x16xf32>
          tpu.vector_store %arg10[%swap3A_2400, %swap3A_2401], %swap3A_2404 {strides = array<i32>} : memref<128x128xf32, #tpu.memory_space<vmem>>, vector<1x16xf32>,
          %mul3A_2405 = arith.constant 16 : i32
          %mul3A_2406 = arith.muli %scan3A_140, %mul3A_2405 : i32
          %add3A_2407 = arith.constant 15 : i32
          %add3A_2408 = arith.addi %mul3A_2406, %add3A_2407 : i32
          %get3A_2409 = arith.index_cast %add3A_2408 : i32 to index
          %get3A_2410 = arith.constant 48 : index
          %get3A_2411 = tpu.vector_load %arg10[%get3A_2409, %get3A_2410] {strides = array<i32>} : memref<128x128xf32, #tpu.memory_space<vmem>>, vector<1x16xf32>,
          %get3A_2412 = vector.shape_cast %get3A_2411 : vector<1x16xf32> to vector<16xf32>
          %mul3A_2413 = arith.mulf %get3A_2412, %broadcast_in_dim3A_2350 : vector<16xf32>
          %mul3A_2414 = arith.constant 16 : i32
          %mul3A_2415 = arith.muli %scan3A_140, %mul3A_2414 : i32
          %add3A_2416 = arith.constant 15 : i32
          %add3A_2417 = arith.addi %mul3A_2415, %add3A_2416 : i32
          %swap3A_2418 = arith.index_cast %add3A_2417 : i32 to index
          %swap3A_2419 = arith.constant 48 : index
          %swap3A_2420 = tpu.vector_load %arg10[%swap3A_2418, %swap3A_2419] {strides = array<i32>} : memref<128x128xf32, #tpu.memory_space<vmem>>, vector<1x16xf32>,
          %swap3A_2421 = vector.shape_cast %swap3A_2420 : vector<1x16xf32> to vector<16xf32>
          %swap3A_2422 = vector.shape_cast %mul3A_2413 : vector<16xf32> to vector<1x16xf32>
          tpu.vector_store %arg10[%swap3A_2418, %swap3A_2419], %swap3A_2422 {strides = array<i32>} : memref<128x128xf32, #tpu.memory_space<vmem>>, vector<1x16xf32>,
          %mul3A_2423 = arith.constant 16 : i32
          %mul3A_2424 = arith.muli %scan3A_140, %mul3A_2423 : i32
          %add3A_2425 = arith.constant 15 : i32
          %add3A_2426 = arith.addi %mul3A_2424, %add3A_2425 : i32
          %get3A_2427 = arith.index_cast %add3A_2426 : i32 to index
          %get3A_2428 = arith.constant 64 : index
          %get3A_2429 = tpu.vector_load %arg10[%get3A_2427, %get3A_2428] {strides = array<i32>} : memref<128x128xf32, #tpu.memory_space<vmem>>, vector<1x16xf32>,
          %get3A_2430 = vector.shape_cast %get3A_2429 : vector<1x16xf32> to vector<16xf32>
          %mul3A_2431 = arith.mulf %get3A_2430, %broadcast_in_dim3A_2350 : vector<16xf32>
          %mul3A_2432 = arith.constant 16 : i32
          %mul3A_2433 = arith.muli %scan3A_140, %mul3A_2432 : i32
          %add3A_2434 = arith.constant 15 : i32
          %add3A_2435 = arith.addi %mul3A_2433, %add3A_2434 : i32
          %swap3A_2436 = arith.index_cast %add3A_2435 : i32 to index
          %swap3A_2437 = arith.constant 64 : index
          %swap3A_2438 = tpu.vector_load %arg10[%swap3A_2436, %swap3A_2437] {strides = array<i32>} : memref<128x128xf32, #tpu.memory_space<vmem>>, vector<1x16xf32>,
          %swap3A_2439 = vector.shape_cast %swap3A_2438 : vector<1x16xf32> to vector<16xf32>
          %swap3A_2440 = vector.shape_cast %mul3A_2431 : vector<16xf32> to vector<1x16xf32>
          tpu.vector_store %arg10[%swap3A_2436, %swap3A_2437], %swap3A_2440 {strides = array<i32>} : memref<128x128xf32, #tpu.memory_space<vmem>>, vector<1x16xf32>,
          %mul3A_2441 = arith.constant 16 : i32
          %mul3A_2442 = arith.muli %scan3A_140, %mul3A_2441 : i32
          %add3A_2443 = arith.constant 15 : i32
          %add3A_2444 = arith.addi %mul3A_2442, %add3A_2443 : i32
          %get3A_2445 = arith.index_cast %add3A_2444 : i32 to index
          %get3A_2446 = arith.constant 80 : index
          %get3A_2447 = tpu.vector_load %arg10[%get3A_2445, %get3A_2446] {strides = array<i32>} : memref<128x128xf32, #tpu.memory_space<vmem>>, vector<1x16xf32>,
          %get3A_2448 = vector.shape_cast %get3A_2447 : vector<1x16xf32> to vector<16xf32>
          %mul3A_2449 = arith.mulf %get3A_2448, %broadcast_in_dim3A_2350 : vector<16xf32>
          %mul3A_2450 = arith.constant 16 : i32
          %mul3A_2451 = arith.muli %scan3A_140, %mul3A_2450 : i32
          %add3A_2452 = arith.constant 15 : i32
          %add3A_2453 = arith.addi %mul3A_2451, %add3A_2452 : i32
          %swap3A_2454 = arith.index_cast %add3A_2453 : i32 to index
          %swap3A_2455 = arith.constant 80 : index
          %swap3A_2456 = tpu.vector_load %arg10[%swap3A_2454, %swap3A_2455] {strides = array<i32>} : memref<128x128xf32, #tpu.memory_space<vmem>>, vector<1x16xf32>,
          %swap3A_2457 = vector.shape_cast %swap3A_2456 : vector<1x16xf32> to vector<16xf32>
          %swap3A_2458 = vector.shape_cast %mul3A_2449 : vector<16xf32> to vector<1x16xf32>
          tpu.vector_store %arg10[%swap3A_2454, %swap3A_2455], %swap3A_2458 {strides = array<i32>} : memref<128x128xf32, #tpu.memory_space<vmem>>, vector<1x16xf32>,
          %mul3A_2459 = arith.constant 16 : i32
          %mul3A_2460 = arith.muli %scan3A_140, %mul3A_2459 : i32
          %add3A_2461 = arith.constant 15 : i32
          %add3A_2462 = arith.addi %mul3A_2460, %add3A_2461 : i32
          %get3A_2463 = arith.index_cast %add3A_2462 : i32 to index
          %get3A_2464 = arith.constant 96 : index
          %get3A_2465 = tpu.vector_load %arg10[%get3A_2463, %get3A_2464] {strides = array<i32>} : memref<128x128xf32, #tpu.memory_space<vmem>>, vector<1x16xf32>,
          %get3A_2466 = vector.shape_cast %get3A_2465 : vector<1x16xf32> to vector<16xf32>
          %mul3A_2467 = arith.mulf %get3A_2466, %broadcast_in_dim3A_2350 : vector<16xf32>
          %mul3A_2468 = arith.constant 16 : i32
          %mul3A_2469 = arith.muli %scan3A_140, %mul3A_2468 : i32
          %add3A_2470 = arith.constant 15 : i32
          %add3A_2471 = arith.addi %mul3A_2469, %add3A_2470 : i32
          %swap3A_2472 = arith.index_cast %add3A_2471 : i32 to index
          %swap3A_2473 = arith.constant 96 : index
          %swap3A_2474 = tpu.vector_load %arg10[%swap3A_2472, %swap3A_2473] {strides = array<i32>} : memref<128x128xf32, #tpu.memory_space<vmem>>, vector<1x16xf32>,
          %swap3A_2475 = vector.shape_cast %swap3A_2474 : vector<1x16xf32> to vector<16xf32>
          %swap3A_2476 = vector.shape_cast %mul3A_2467 : vector<16xf32> to vector<1x16xf32>
          tpu.vector_store %arg10[%swap3A_2472, %swap3A_2473], %swap3A_2476 {strides = array<i32>} : memref<128x128xf32, #tpu.memory_space<vmem>>, vector<1x16xf32>,
          %mul3A_2477 = arith.constant 16 : i32
          %mul3A_2478 = arith.muli %scan3A_140, %mul3A_2477 : i32
          %add3A_2479 = arith.constant 15 : i32
          %add3A_2480 = arith.addi %mul3A_2478, %add3A_2479 : i32
          %get3A_2481 = arith.index_cast %add3A_2480 : i32 to index
          %get3A_2482 = arith.constant 112 : index
          %get3A_2483 = tpu.vector_load %arg10[%get3A_2481, %get3A_2482] {strides = array<i32>} : memref<128x128xf32, #tpu.memory_space<vmem>>, vector<1x16xf32>,
          %get3A_2484 = vector.shape_cast %get3A_2483 : vector<1x16xf32> to vector<16xf32>
          %mul3A_2485 = arith.mulf %get3A_2484, %broadcast_in_dim3A_2350 : vector<16xf32>
          %mul3A_2486 = arith.constant 16 : i32
          %mul3A_2487 = arith.muli %scan3A_140, %mul3A_2486 : i32
          %add3A_2488 = arith.constant 15 : i32
          %add3A_2489 = arith.addi %mul3A_2487, %add3A_2488 : i32
          %swap3A_2490 = arith.index_cast %add3A_2489 : i32 to index
          %swap3A_2491 = arith.constant 112 : index
          %swap3A_2492 = tpu.vector_load %arg10[%swap3A_2490, %swap3A_2491] {strides = array<i32>} : memref<128x128xf32, #tpu.memory_space<vmem>>, vector<1x16xf32>,
          %swap3A_2493 = vector.shape_cast %swap3A_2492 : vector<1x16xf32> to vector<16xf32>
          %swap3A_2494 = vector.shape_cast %mul3A_2485 : vector<16xf32> to vector<1x16xf32>
          tpu.vector_store %arg10[%swap3A_2490, %swap3A_2491], %swap3A_2494 {strides = array<i32>} : memref<128x128xf32, #tpu.memory_space<vmem>>, vector<1x16xf32>,
          %scan3A_2495 = arith.constant 0 : i32
          scf.yield %scan3A_2495 : i32
        }
        %scan3A_109 = arith.constant 8 : i32
        %dma_start3A_110 = arith.constant 0 : i32
        %dma_start3A_111 = tpu.memref_slice %arg8[%add3A_96, %dma_start3A_110] : memref<16x128xi32, #tpu.memory_space<vmem>> -> memref<1x128xi32, #tpu.memory_space<vmem>>
        %dma_start3A_112 = tpu.memref_squeeze %dma_start3A_111 : memref<1x128xi32, #tpu.memory_space<vmem>> -> memref<128xi32, #tpu.memory_space<vmem>>
        %dma_start3A_113 = arith.constant 0 : i32
        %dma_start3A_114 = arith.constant 0 : i32
        %dma_start3A_115 = tpu.memref_slice %arg12[%dma_start3A_113, %dma_start3A_114] : memref<10240x128xf32, #tpu.memory_space<vmem_shared>> -> memref<10240x128xf32, #tpu.memory_space<vmem_shared>>
        tpu.enqueue_indirect_dma source(%arg10 : memref<128x128xf32, #tpu.memory_space<vmem>>) target(%dma_start3A_115 : memref<10240x128xf32, #tpu.memory_space<vmem_shared>>) offsets(%dma_start3A_112 : memref<128xi32, #tpu.memory_space<vmem>>) semaphore(%arg15 : memref<!tpu.dma_semaphore, #tpu.memory_space<semaphore_mem>>) {add = true}
        %mul3A_116 = arith.constant 2 : i32
        %mul3A_117 = arith.muli %scan3A_65, %mul3A_116 : i32
        %add3A_118 = arith.constant 1 : i32
        %add3A_119 = arith.addi %mul3A_117, %add3A_118 : i32
        %dma_wait3A_120 = arith.constant 0 : i32
        %dma_wait3A_121 = arith.constant 0 : i32
        %dma_wait3A_122 = tpu.memref_slice %arg5[%dma_wait3A_120, %dma_wait3A_121] : memref<10000x128xf32, #tpu.memory_space<hbm>> -> memref<128x128xf32, #tpu.memory_space<hbm>>
        %dma_wait3A_123 = arith.constant 0 : i32
        %dma_wait3A_124 = arith.constant 0 : i32
        %dma_wait3A_125 = tpu.memref_slice %arg5[%dma_wait3A_123, %dma_wait3A_124] : memref<10000x128xf32, #tpu.memory_space<hbm>> -> memref<128x128xf32, #tpu.memory_space<hbm>>
        tpu.wait_dma2 semaphore(%arg14 : memref<!tpu.dma_semaphore, #tpu.memory_space<semaphore_mem>>) src(%dma_wait3A_125 : memref<128x128xf32, #tpu.memory_space<hbm>>) dst(%arg11 : memref<128x128xf32, #tpu.memory_space<vmem>>)
        %scan3A_126 = arith.constant 0 : i32
        %scan3A_127 = arith.constant 0 : i32
        %scan3A_128 = arith.constant 8 : i32
        %scan3A_129 = arith.addi %scan3A_127, %scan3A_128 : i32
        %scan3A_130 = arith.constant 1 : i32
        %scan3A_131 = scf.for %scan3A_140 = %scan3A_127 to %scan3A_129 step %scan3A_130 iter_args(%scan3A_141 = %scan3A_126) -> (i32)  : i32 {
          %mul3A_142 = arith.constant 16 : i32
          %mul3A_143 = arith.muli %scan3A_140, %mul3A_142 : i32
          %get3A = arith.index_cast %add3A_119 : i32 to index
          %get3A_144 = arith.index_cast %mul3A_143 : i32 to index
          %get3A_145 = tpu.vector_load %arg9[%get3A, %get3A_144] {strides = array<i32>} : memref<16x128xf32, #tpu.memory_space<vmem>>, vector<1x16xf32>,
          %get3A_146 = vector.shape_cast %get3A_145 : vector<1x16xf32> to vector<16xf32>
          %slice3A = vector.extract_strided_slice %get3A_146 {offsets = [0], sizes = [1], strides = [1]} : vector<16xf32> to vector<1xf32>
          %squeeze3A = vector.extract %slice3A[0] : f32 from vector<1xf32>
          %broadcast_in_dim3A = vector.broadcast %squeeze3A : f32 to vector<16xf32>
          %mul3A_147 = arith.constant 16 : i32
          %mul3A_148 = arith.muli %scan3A_140, %mul3A_147 : i32
          %add3A_149 = arith.constant 0 : i32
          %add3A_150 = arith.addi %mul3A_148, %add3A_149 : i32
          %get3A_151 = arith.index_cast %add3A_150 : i32 to index
          %get3A_152 = arith.constant 0 : index
          %get3A_153 = tpu.vector_load %arg11[%get3A_151, %get3A_152] {strides = array<i32>} : memref<128x128xf32, #tpu.memory_space<vmem>>, vector<1x16xf32>,
          %get3A_154 = vector.shape_cast %get3A_153 : vector<1x16xf32> to vector<16xf32>
          %mul3A_155 = arith.mulf %get3A_154, %broadcast_in_dim3A : vector<16xf32>
          %mul3A_156 = arith.constant 16 : i32
          %mul3A_157 = arith.muli %scan3A_140, %mul3A_156 : i32
          %add3A_158 = arith.constant 0 : i32
          %add3A_159 = arith.addi %mul3A_157, %add3A_158 : i32
          %swap3A = arith.index_cast %add3A_159 : i32 to index
          %swap3A_160 = arith.constant 0 : index
          %swap3A_161 = tpu.vector_load %arg11[%swap3A, %swap3A_160] {strides = array<i32>} : memref<128x128xf32, #tpu.memory_space<vmem>>, vector<1x16xf32>,
          %swap3A_162 = vector.shape_cast %swap3A_161 : vector<1x16xf32> to vector<16xf32>
          %swap3A_163 = vector.shape_cast %mul3A_155 : vector<16xf32> to vector<1x16xf32>
          tpu.vector_store %arg11[%swap3A, %swap3A_160], %swap3A_163 {strides = array<i32>} : memref<128x128xf32, #tpu.memory_space<vmem>>, vector<1x16xf32>,
          %mul3A_164 = arith.constant 16 : i32
          %mul3A_165 = arith.muli %scan3A_140, %mul3A_164 : i32
          %add3A_166 = arith.constant 0 : i32
          %add3A_167 = arith.addi %mul3A_165, %add3A_166 : i32
          %get3A_168 = arith.index_cast %add3A_167 : i32 to index
          %get3A_169 = arith.constant 16 : index
          %get3A_170 = tpu.vector_load %arg11[%get3A_168, %get3A_169] {strides = array<i32>} : memref<128x128xf32, #tpu.memory_space<vmem>>, vector<1x16xf32>,
          %get3A_171 = vector.shape_cast %get3A_170 : vector<1x16xf32> to vector<16xf32>
          %mul3A_172 = arith.mulf %get3A_171, %broadcast_in_dim3A : vector<16xf32>
          %mul3A_173 = arith.constant 16 : i32
          %mul3A_174 = arith.muli %scan3A_140, %mul3A_173 : i32
          %add3A_175 = arith.constant 0 : i32
          %add3A_176 = arith.addi %mul3A_174, %add3A_175 : i32
          %swap3A_177 = arith.index_cast %add3A_176 : i32 to index
          %swap3A_178 = arith.constant 16 : index
          %swap3A_179 = tpu.vector_load %arg11[%swap3A_177, %swap3A_178] {strides = array<i32>} : memref<128x128xf32, #tpu.memory_space<vmem>>, vector<1x16xf32>,
          %swap3A_180 = vector.shape_cast %swap3A_179 : vector<1x16xf32> to vector<16xf32>
          %swap3A_181 = vector.shape_cast %mul3A_172 : vector<16xf32> to vector<1x16xf32>
          tpu.vector_store %arg11[%swap3A_177, %swap3A_178], %swap3A_181 {strides = array<i32>} : memref<128x128xf32, #tpu.memory_space<vmem>>, vector<1x16xf32>,
          %mul3A_182 = arith.constant 16 : i32
          %mul3A_183 = arith.muli %scan3A_140, %mul3A_182 : i32
          %add3A_184 = arith.constant 0 : i32
          %add3A_185 = arith.addi %mul3A_183, %add3A_184 : i32
          %get3A_186 = arith.index_cast %add3A_185 : i32 to index
          %get3A_187 = arith.constant 32 : index
          %get3A_188 = tpu.vector_load %arg11[%get3A_186, %get3A_187] {strides = array<i32>} : memref<128x128xf32, #tpu.memory_space<vmem>>, vector<1x16xf32>,
          %get3A_189 = vector.shape_cast %get3A_188 : vector<1x16xf32> to vector<16xf32>
          %mul3A_190 = arith.mulf %get3A_189, %broadcast_in_dim3A : vector<16xf32>
          %mul3A_191 = arith.constant 16 : i32
          %mul3A_192 = arith.muli %scan3A_140, %mul3A_191 : i32
          %add3A_193 = arith.constant 0 : i32
          %add3A_194 = arith.addi %mul3A_192, %add3A_193 : i32
          %swap3A_195 = arith.index_cast %add3A_194 : i32 to index
          %swap3A_196 = arith.constant 32 : index
          %swap3A_197 = tpu.vector_load %arg11[%swap3A_195, %swap3A_196] {strides = array<i32>} : memref<128x128xf32, #tpu.memory_space<vmem>>, vector<1x16xf32>,
          %swap3A_198 = vector.shape_cast %swap3A_197 : vector<1x16xf32> to vector<16xf32>
          %swap3A_199 = vector.shape_cast %mul3A_190 : vector<16xf32> to vector<1x16xf32>
          tpu.vector_store %arg11[%swap3A_195, %swap3A_196], %swap3A_199 {strides = array<i32>} : memref<128x128xf32, #tpu.memory_space<vmem>>, vector<1x16xf32>,
          %mul3A_200 = arith.constant 16 : i32
          %mul3A_201 = arith.muli %scan3A_140, %mul3A_200 : i32
          %add3A_202 = arith.constant 0 : i32
          %add3A_203 = arith.addi %mul3A_201, %add3A_202 : i32
          %get3A_204 = arith.index_cast %add3A_203 : i32 to index
          %get3A_205 = arith.constant 48 : index
          %get3A_206 = tpu.vector_load %arg11[%get3A_204, %get3A_205] {strides = array<i32>} : memref<128x128xf32, #tpu.memory_space<vmem>>, vector<1x16xf32>,
          %get3A_207 = vector.shape_cast %get3A_206 : vector<1x16xf32> to vector<16xf32>
          %mul3A_208 = arith.mulf %get3A_207, %broadcast_in_dim3A : vector<16xf32>
          %mul3A_209 = arith.constant 16 : i32
          %mul3A_210 = arith.muli %scan3A_140, %mul3A_209 : i32
          %add3A_211 = arith.constant 0 : i32
          %add3A_212 = arith.addi %mul3A_210, %add3A_211 : i32
          %swap3A_213 = arith.index_cast %add3A_212 : i32 to index
          %swap3A_214 = arith.constant 48 : index
          %swap3A_215 = tpu.vector_load %arg11[%swap3A_213, %swap3A_214] {strides = array<i32>} : memref<128x128xf32, #tpu.memory_space<vmem>>, vector<1x16xf32>,
          %swap3A_216 = vector.shape_cast %swap3A_215 : vector<1x16xf32> to vector<16xf32>
          %swap3A_217 = vector.shape_cast %mul3A_208 : vector<16xf32> to vector<1x16xf32>
          tpu.vector_store %arg11[%swap3A_213, %swap3A_214], %swap3A_217 {strides = array<i32>} : memref<128x128xf32, #tpu.memory_space<vmem>>, vector<1x16xf32>,
          %mul3A_218 = arith.constant 16 : i32
          %mul3A_219 = arith.muli %scan3A_140, %mul3A_218 : i32
          %add3A_220 = arith.constant 0 : i32
          %add3A_221 = arith.addi %mul3A_219, %add3A_220 : i32
          %get3A_222 = arith.index_cast %add3A_221 : i32 to index
          %get3A_223 = arith.constant 64 : index
          %get3A_224 = tpu.vector_load %arg11[%get3A_222, %get3A_223] {strides = array<i32>} : memref<128x128xf32, #tpu.memory_space<vmem>>, vector<1x16xf32>,
          %get3A_225 = vector.shape_cast %get3A_224 : vector<1x16xf32> to vector<16xf32>
          %mul3A_226 = arith.mulf %get3A_225, %broadcast_in_dim3A : vector<16xf32>
          %mul3A_227 = arith.constant 16 : i32
          %mul3A_228 = arith.muli %scan3A_140, %mul3A_227 : i32
          %add3A_229 = arith.constant 0 : i32
          %add3A_230 = arith.addi %mul3A_228, %add3A_229 : i32
          %swap3A_231 = arith.index_cast %add3A_230 : i32 to index
          %swap3A_232 = arith.constant 64 : index
          %swap3A_233 = tpu.vector_load %arg11[%swap3A_231, %swap3A_232] {strides = array<i32>} : memref<128x128xf32, #tpu.memory_space<vmem>>, vector<1x16xf32>,
          %swap3A_234 = vector.shape_cast %swap3A_233 : vector<1x16xf32> to vector<16xf32>
          %swap3A_235 = vector.shape_cast %mul3A_226 : vector<16xf32> to vector<1x16xf32>
          tpu.vector_store %arg11[%swap3A_231, %swap3A_232], %swap3A_235 {strides = array<i32>} : memref<128x128xf32, #tpu.memory_space<vmem>>, vector<1x16xf32>,
          %mul3A_236 = arith.constant 16 : i32
          %mul3A_237 = arith.muli %scan3A_140, %mul3A_236 : i32
          %add3A_238 = arith.constant 0 : i32
          %add3A_239 = arith.addi %mul3A_237, %add3A_238 : i32
          %get3A_240 = arith.index_cast %add3A_239 : i32 to index
          %get3A_241 = arith.constant 80 : index
          %get3A_242 = tpu.vector_load %arg11[%get3A_240, %get3A_241] {strides = array<i32>} : memref<128x128xf32, #tpu.memory_space<vmem>>, vector<1x16xf32>,
          %get3A_243 = vector.shape_cast %get3A_242 : vector<1x16xf32> to vector<16xf32>
          %mul3A_244 = arith.mulf %get3A_243, %broadcast_in_dim3A : vector<16xf32>
          %mul3A_245 = arith.constant 16 : i32
          %mul3A_246 = arith.muli %scan3A_140, %mul3A_245 : i32
          %add3A_247 = arith.constant 0 : i32
          %add3A_248 = arith.addi %mul3A_246, %add3A_247 : i32
          %swap3A_249 = arith.index_cast %add3A_248 : i32 to index
          %swap3A_250 = arith.constant 80 : index
          %swap3A_251 = tpu.vector_load %arg11[%swap3A_249, %swap3A_250] {strides = array<i32>} : memref<128x128xf32, #tpu.memory_space<vmem>>, vector<1x16xf32>,
          %swap3A_252 = vector.shape_cast %swap3A_251 : vector<1x16xf32> to vector<16xf32>
          %swap3A_253 = vector.shape_cast %mul3A_244 : vector<16xf32> to vector<1x16xf32>
          tpu.vector_store %arg11[%swap3A_249, %swap3A_250], %swap3A_253 {strides = array<i32>} : memref<128x128xf32, #tpu.memory_space<vmem>>, vector<1x16xf32>,
          %mul3A_254 = arith.constant 16 : i32
          %mul3A_255 = arith.muli %scan3A_140, %mul3A_254 : i32
          %add3A_256 = arith.constant 0 : i32
          %add3A_257 = arith.addi %mul3A_255, %add3A_256 : i32
          %get3A_258 = arith.index_cast %add3A_257 : i32 to index
          %get3A_259 = arith.constant 96 : index
          %get3A_260 = tpu.vector_load %arg11[%get3A_258, %get3A_259] {strides = array<i32>} : memref<128x128xf32, #tpu.memory_space<vmem>>, vector<1x16xf32>,
          %get3A_261 = vector.shape_cast %get3A_260 : vector<1x16xf32> to vector<16xf32>
          %mul3A_262 = arith.mulf %get3A_261, %broadcast_in_dim3A : vector<16xf32>
          %mul3A_263 = arith.constant 16 : i32
          %mul3A_264 = arith.muli %scan3A_140, %mul3A_263 : i32
          %add3A_265 = arith.constant 0 : i32
          %add3A_266 = arith.addi %mul3A_264, %add3A_265 : i32
          %swap3A_267 = arith.index_cast %add3A_266 : i32 to index
          %swap3A_268 = arith.constant 96 : index
          %swap3A_269 = tpu.vector_load %arg11[%swap3A_267, %swap3A_268] {strides = array<i32>} : memref<128x128xf32, #tpu.memory_space<vmem>>, vector<1x16xf32>,
          %swap3A_270 = vector.shape_cast %swap3A_269 : vector<1x16xf32> to vector<16xf32>
          %swap3A_271 = vector.shape_cast %mul3A_262 : vector<16xf32> to vector<1x16xf32>
          tpu.vector_store %arg11[%swap3A_267, %swap3A_268], %swap3A_271 {strides = array<i32>} : memref<128x128xf32, #tpu.memory_space<vmem>>, vector<1x16xf32>,
          %mul3A_272 = arith.constant 16 : i32
          %mul3A_273 = arith.muli %scan3A_140, %mul3A_272 : i32
          %add3A_274 = arith.constant 0 : i32
          %add3A_275 = arith.addi %mul3A_273, %add3A_274 : i32
          %get3A_276 = arith.index_cast %add3A_275 : i32 to index
          %get3A_277 = arith.constant 112 : index
          %get3A_278 = tpu.vector_load %arg11[%get3A_276, %get3A_277] {strides = array<i32>} : memref<128x128xf32, #tpu.memory_space<vmem>>, vector<1x16xf32>,
          %get3A_279 = vector.shape_cast %get3A_278 : vector<1x16xf32> to vector<16xf32>
          %mul3A_280 = arith.mulf %get3A_279, %broadcast_in_dim3A : vector<16xf32>
          %mul3A_281 = arith.constant 16 : i32
          %mul3A_282 = arith.muli %scan3A_140, %mul3A_281 : i32
          %add3A_283 = arith.constant 0 : i32
          %add3A_284 = arith.addi %mul3A_282, %add3A_283 : i32
          %swap3A_285 = arith.index_cast %add3A_284 : i32 to index
          %swap3A_286 = arith.constant 112 : index
          %swap3A_287 = tpu.vector_load %arg11[%swap3A_285, %swap3A_286] {strides = array<i32>} : memref<128x128xf32, #tpu.memory_space<vmem>>, vector<1x16xf32>,
          %swap3A_288 = vector.shape_cast %swap3A_287 : vector<1x16xf32> to vector<16xf32>
          %swap3A_289 = vector.shape_cast %mul3A_280 : vector<16xf32> to vector<1x16xf32>
          tpu.vector_store %arg11[%swap3A_285, %swap3A_286], %swap3A_289 {strides = array<i32>} : memref<128x128xf32, #tpu.memory_space<vmem>>, vector<1x16xf32>,
          %slice3A_290 = vector.extract_strided_slice %get3A_146 {offsets = [1], sizes = [1], strides = [1]} : vector<16xf32> to vector<1xf32>
          %squeeze3A_291 = vector.extract %slice3A_290[0] : f32 from vector<1xf32>
          %broadcast_in_dim3A_292 = vector.broadcast %squeeze3A_291 : f32 to vector<16xf32>
          %mul3A_293 = arith.constant 16 : i32
          %mul3A_294 = arith.muli %scan3A_140, %mul3A_293 : i32
          %add3A_295 = arith.constant 1 : i32
          %add3A_296 = arith.addi %mul3A_294, %add3A_295 : i32
          %get3A_297 = arith.index_cast %add3A_296 : i32 to index
          %get3A_298 = arith.constant 0 : index
          %get3A_299 = tpu.vector_load %arg11[%get3A_297, %get3A_298] {strides = array<i32>} : memref<128x128xf32, #tpu.memory_space<vmem>>, vector<1x16xf32>,
          %get3A_300 = vector.shape_cast %get3A_299 : vector<1x16xf32> to vector<16xf32>
          %mul3A_301 = arith.mulf %get3A_300, %broadcast_in_dim3A_292 : vector<16xf32>
          %mul3A_302 = arith.constant 16 : i32
          %mul3A_303 = arith.muli %scan3A_140, %mul3A_302 : i32
          %add3A_304 = arith.constant 1 : i32
          %add3A_305 = arith.addi %mul3A_303, %add3A_304 : i32
          %swap3A_306 = arith.index_cast %add3A_305 : i32 to index
          %swap3A_307 = arith.constant 0 : index
          %swap3A_308 = tpu.vector_load %arg11[%swap3A_306, %swap3A_307] {strides = array<i32>} : memref<128x128xf32, #tpu.memory_space<vmem>>, vector<1x16xf32>,
          %swap3A_309 = vector.shape_cast %swap3A_308 : vector<1x16xf32> to vector<16xf32>
          %swap3A_310 = vector.shape_cast %mul3A_301 : vector<16xf32> to vector<1x16xf32>
          tpu.vector_store %arg11[%swap3A_306, %swap3A_307], %swap3A_310 {strides = array<i32>} : memref<128x128xf32, #tpu.memory_space<vmem>>, vector<1x16xf32>,
          %mul3A_311 = arith.constant 16 : i32
          %mul3A_312 = arith.muli %scan3A_140, %mul3A_311 : i32
          %add3A_313 = arith.constant 1 : i32
          %add3A_314 = arith.addi %mul3A_312, %add3A_313 : i32
          %get3A_315 = arith.index_cast %add3A_314 : i32 to index
          %get3A_316 = arith.constant 16 : index
          %get3A_317 = tpu.vector_load %arg11[%get3A_315, %get3A_316] {strides = array<i32>} : memref<128x128xf32, #tpu.memory_space<vmem>>, vector<1x16xf32>,
          %get3A_318 = vector.shape_cast %get3A_317 : vector<1x16xf32> to vector<16xf32>
          %mul3A_319 = arith.mulf %get3A_318, %broadcast_in_dim3A_292 : vector<16xf32>
          %mul3A_320 = arith.constant 16 : i32
          %mul3A_321 = arith.muli %scan3A_140, %mul3A_320 : i32
          %add3A_322 = arith.constant 1 : i32
          %add3A_323 = arith.addi %mul3A_321, %add3A_322 : i32
          %swap3A_324 = arith.index_cast %add3A_323 : i32 to index
          %swap3A_325 = arith.constant 16 : index
          %swap3A_326 = tpu.vector_load %arg11[%swap3A_324, %swap3A_325] {strides = array<i32>} : memref<128x128xf32, #tpu.memory_space<vmem>>, vector<1x16xf32>,
          %swap3A_327 = vector.shape_cast %swap3A_326 : vector<1x16xf32> to vector<16xf32>
          %swap3A_328 = vector.shape_cast %mul3A_319 : vector<16xf32> to vector<1x16xf32>
          tpu.vector_store %arg11[%swap3A_324, %swap3A_325], %swap3A_328 {strides = array<i32>} : memref<128x128xf32, #tpu.memory_space<vmem>>, vector<1x16xf32>,
          %mul3A_329 = arith.constant 16 : i32
          %mul3A_330 = arith.muli %scan3A_140, %mul3A_329 : i32
          %add3A_331 = arith.constant 1 : i32
          %add3A_332 = arith.addi %mul3A_330, %add3A_331 : i32
          %get3A_333 = arith.index_cast %add3A_332 : i32 to index
          %get3A_334 = arith.constant 32 : index
          %get3A_335 = tpu.vector_load %arg11[%get3A_333, %get3A_334] {strides = array<i32>} : memref<128x128xf32, #tpu.memory_space<vmem>>, vector<1x16xf32>,
          %get3A_336 = vector.shape_cast %get3A_335 : vector<1x16xf32> to vector<16xf32>
          %mul3A_337 = arith.mulf %get3A_336, %broadcast_in_dim3A_292 : vector<16xf32>
          %mul3A_338 = arith.constant 16 : i32
          %mul3A_339 = arith.muli %scan3A_140, %mul3A_338 : i32
          %add3A_340 = arith.constant 1 : i32
          %add3A_341 = arith.addi %mul3A_339, %add3A_340 : i32
          %swap3A_342 = arith.index_cast %add3A_341 : i32 to index
          %swap3A_343 = arith.constant 32 : index
          %swap3A_344 = tpu.vector_load %arg11[%swap3A_342, %swap3A_343] {strides = array<i32>} : memref<128x128xf32, #tpu.memory_space<vmem>>, vector<1x16xf32>,
          %swap3A_345 = vector.shape_cast %swap3A_344 : vector<1x16xf32> to vector<16xf32>
          %swap3A_346 = vector.shape_cast %mul3A_337 : vector<16xf32> to vector<1x16xf32>
          tpu.vector_store %arg11[%swap3A_342, %swap3A_343], %swap3A_346 {strides = array<i32>} : memref<128x128xf32, #tpu.memory_space<vmem>>, vector<1x16xf32>,
          %mul3A_347 = arith.constant 16 : i32
          %mul3A_348 = arith.muli %scan3A_140, %mul3A_347 : i32
          %add3A_349 = arith.constant 1 : i32
          %add3A_350 = arith.addi %mul3A_348, %add3A_349 : i32
          %get3A_351 = arith.index_cast %add3A_350 : i32 to index
          %get3A_352 = arith.constant 48 : index
          %get3A_353 = tpu.vector_load %arg11[%get3A_351, %get3A_352] {strides = array<i32>} : memref<128x128xf32, #tpu.memory_space<vmem>>, vector<1x16xf32>,
          %get3A_354 = vector.shape_cast %get3A_353 : vector<1x16xf32> to vector<16xf32>
          %mul3A_355 = arith.mulf %get3A_354, %broadcast_in_dim3A_292 : vector<16xf32>
          %mul3A_356 = arith.constant 16 : i32
          %mul3A_357 = arith.muli %scan3A_140, %mul3A_356 : i32
          %add3A_358 = arith.constant 1 : i32
          %add3A_359 = arith.addi %mul3A_357, %add3A_358 : i32
          %swap3A_360 = arith.index_cast %add3A_359 : i32 to index
          %swap3A_361 = arith.constant 48 : index
          %swap3A_362 = tpu.vector_load %arg11[%swap3A_360, %swap3A_361] {strides = array<i32>} : memref<128x128xf32, #tpu.memory_space<vmem>>, vector<1x16xf32>,
          %swap3A_363 = vector.shape_cast %swap3A_362 : vector<1x16xf32> to vector<16xf32>
          %swap3A_364 = vector.shape_cast %mul3A_355 : vector<16xf32> to vector<1x16xf32>
          tpu.vector_store %arg11[%swap3A_360, %swap3A_361], %swap3A_364 {strides = array<i32>} : memref<128x128xf32, #tpu.memory_space<vmem>>, vector<1x16xf32>,
          %mul3A_365 = arith.constant 16 : i32
          %mul3A_366 = arith.muli %scan3A_140, %mul3A_365 : i32
          %add3A_367 = arith.constant 1 : i32
          %add3A_368 = arith.addi %mul3A_366, %add3A_367 : i32
          %get3A_369 = arith.index_cast %add3A_368 : i32 to index
          %get3A_370 = arith.constant 64 : index
          %get3A_371 = tpu.vector_load %arg11[%get3A_369, %get3A_370] {strides = array<i32>} : memref<128x128xf32, #tpu.memory_space<vmem>>, vector<1x16xf32>,
          %get3A_372 = vector.shape_cast %get3A_371 : vector<1x16xf32> to vector<16xf32>
          %mul3A_373 = arith.mulf %get3A_372, %broadcast_in_dim3A_292 : vector<16xf32>
          %mul3A_374 = arith.constant 16 : i32
          %mul3A_375 = arith.muli %scan3A_140, %mul3A_374 : i32
          %add3A_376 = arith.constant 1 : i32
          %add3A_377 = arith.addi %mul3A_375, %add3A_376 : i32
          %swap3A_378 = arith.index_cast %add3A_377 : i32 to index
          %swap3A_379 = arith.constant 64 : index
          %swap3A_380 = tpu.vector_load %arg11[%swap3A_378, %swap3A_379] {strides = array<i32>} : memref<128x128xf32, #tpu.memory_space<vmem>>, vector<1x16xf32>,
          %swap3A_381 = vector.shape_cast %swap3A_380 : vector<1x16xf32> to vector<16xf32>
          %swap3A_382 = vector.shape_cast %mul3A_373 : vector<16xf32> to vector<1x16xf32>
          tpu.vector_store %arg11[%swap3A_378, %swap3A_379], %swap3A_382 {strides = array<i32>} : memref<128x128xf32, #tpu.memory_space<vmem>>, vector<1x16xf32>,
          %mul3A_383 = arith.constant 16 : i32
          %mul3A_384 = arith.muli %scan3A_140, %mul3A_383 : i32
          %add3A_385 = arith.constant 1 : i32
          %add3A_386 = arith.addi %mul3A_384, %add3A_385 : i32
          %get3A_387 = arith.index_cast %add3A_386 : i32 to index
          %get3A_388 = arith.constant 80 : index
          %get3A_389 = tpu.vector_load %arg11[%get3A_387, %get3A_388] {strides = array<i32>} : memref<128x128xf32, #tpu.memory_space<vmem>>, vector<1x16xf32>,
          %get3A_390 = vector.shape_cast %get3A_389 : vector<1x16xf32> to vector<16xf32>
          %mul3A_391 = arith.mulf %get3A_390, %broadcast_in_dim3A_292 : vector<16xf32>
          %mul3A_392 = arith.constant 16 : i32
          %mul3A_393 = arith.muli %scan3A_140, %mul3A_392 : i32
          %add3A_394 = arith.constant 1 : i32
          %add3A_395 = arith.addi %mul3A_393, %add3A_394 : i32
          %swap3A_396 = arith.index_cast %add3A_395 : i32 to index
          %swap3A_397 = arith.constant 80 : index
          %swap3A_398 = tpu.vector_load %arg11[%swap3A_396, %swap3A_397] {strides = array<i32>} : memref<128x128xf32, #tpu.memory_space<vmem>>, vector<1x16xf32>,
          %swap3A_399 = vector.shape_cast %swap3A_398 : vector<1x16xf32> to vector<16xf32>
          %swap3A_400 = vector.shape_cast %mul3A_391 : vector<16xf32> to vector<1x16xf32>
          tpu.vector_store %arg11[%swap3A_396, %swap3A_397], %swap3A_400 {strides = array<i32>} : memref<128x128xf32, #tpu.memory_space<vmem>>, vector<1x16xf32>,
          %mul3A_401 = arith.constant 16 : i32
          %mul3A_402 = arith.muli %scan3A_140, %mul3A_401 : i32
          %add3A_403 = arith.constant 1 : i32
          %add3A_404 = arith.addi %mul3A_402, %add3A_403 : i32
          %get3A_405 = arith.index_cast %add3A_404 : i32 to index
          %get3A_406 = arith.constant 96 : index
          %get3A_407 = tpu.vector_load %arg11[%get3A_405, %get3A_406] {strides = array<i32>} : memref<128x128xf32, #tpu.memory_space<vmem>>, vector<1x16xf32>,
          %get3A_408 = vector.shape_cast %get3A_407 : vector<1x16xf32> to vector<16xf32>
          %mul3A_409 = arith.mulf %get3A_408, %broadcast_in_dim3A_292 : vector<16xf32>
          %mul3A_410 = arith.constant 16 : i32
          %mul3A_411 = arith.muli %scan3A_140, %mul3A_410 : i32
          %add3A_412 = arith.constant 1 : i32
          %add3A_413 = arith.addi %mul3A_411, %add3A_412 : i32
          %swap3A_414 = arith.index_cast %add3A_413 : i32 to index
          %swap3A_415 = arith.constant 96 : index
          %swap3A_416 = tpu.vector_load %arg11[%swap3A_414, %swap3A_415] {strides = array<i32>} : memref<128x128xf32, #tpu.memory_space<vmem>>, vector<1x16xf32>,
          %swap3A_417 = vector.shape_cast %swap3A_416 : vector<1x16xf32> to vector<16xf32>
          %swap3A_418 = vector.shape_cast %mul3A_409 : vector<16xf32> to vector<1x16xf32>
          tpu.vector_store %arg11[%swap3A_414, %swap3A_415], %swap3A_418 {strides = array<i32>} : memref<128x128xf32, #tpu.memory_space<vmem>>, vector<1x16xf32>,
          %mul3A_419 = arith.constant 16 : i32
          %mul3A_420 = arith.muli %scan3A_140, %mul3A_419 : i32
          %add3A_421 = arith.constant 1 : i32
          %add3A_422 = arith.addi %mul3A_420, %add3A_421 : i32
          %get3A_423 = arith.index_cast %add3A_422 : i32 to index
          %get3A_424 = arith.constant 112 : index
          %get3A_425 = tpu.vector_load %arg11[%get3A_423, %get3A_424] {strides = array<i32>} : memref<128x128xf32, #tpu.memory_space<vmem>>, vector<1x16xf32>,
          %get3A_426 = vector.shape_cast %get3A_425 : vector<1x16xf32> to vector<16xf32>
          %mul3A_427 = arith.mulf %get3A_426, %broadcast_in_dim3A_292 : vector<16xf32>
          %mul3A_428 = arith.constant 16 : i32
          %mul3A_429 = arith.muli %scan3A_140, %mul3A_428 : i32
          %add3A_430 = arith.constant 1 : i32
          %add3A_431 = arith.addi %mul3A_429, %add3A_430 : i32
          %swap3A_432 = arith.index_cast %add3A_431 : i32 to index
          %swap3A_433 = arith.constant 112 : index
          %swap3A_434 = tpu.vector_load %arg11[%swap3A_432, %swap3A_433] {strides = array<i32>} : memref<128x128xf32, #tpu.memory_space<vmem>>, vector<1x16xf32>,
          %swap3A_435 = vector.shape_cast %swap3A_434 : vector<1x16xf32> to vector<16xf32>
          %swap3A_436 = vector.shape_cast %mul3A_427 : vector<16xf32> to vector<1x16xf32>
          tpu.vector_store %arg11[%swap3A_432, %swap3A_433], %swap3A_436 {strides = array<i32>} : memref<128x128xf32, #tpu.memory_space<vmem>>, vector<1x16xf32>,
          %slice3A_437 = vector.extract_strided_slice %get3A_146 {offsets = [2], sizes = [1], strides = [1]} : vector<16xf32> to vector<1xf32>
          %squeeze3A_438 = vector.extract %slice3A_437[0] : f32 from vector<1xf32>
          %broadcast_in_dim3A_439 = vector.broadcast %squeeze3A_438 : f32 to vector<16xf32>
          %mul3A_440 = arith.constant 16 : i32
          %mul3A_441 = arith.muli %scan3A_140, %mul3A_440 : i32
          %add3A_442 = arith.constant 2 : i32
          %add3A_443 = arith.addi %mul3A_441, %add3A_442 : i32
          %get3A_444 = arith.index_cast %add3A_443 : i32 to index
          %get3A_445 = arith.constant 0 : index
          %get3A_446 = tpu.vector_load %arg11[%get3A_444, %get3A_445] {strides = array<i32>} : memref<128x128xf32, #tpu.memory_space<vmem>>, vector<1x16xf32>,
          %get3A_447 = vector.shape_cast %get3A_446 : vector<1x16xf32> to vector<16xf32>
          %mul3A_448 = arith.mulf %get3A_447, %broadcast_in_dim3A_439 : vector<16xf32>
          %mul3A_449 = arith.constant 16 : i32
          %mul3A_450 = arith.muli %scan3A_140, %mul3A_449 : i32
          %add3A_451 = arith.constant 2 : i32
          %add3A_452 = arith.addi %mul3A_450, %add3A_451 : i32
          %swap3A_453 = arith.index_cast %add3A_452 : i32 to index
          %swap3A_454 = arith.constant 0 : index
          %swap3A_455 = tpu.vector_load %arg11[%swap3A_453, %swap3A_454] {strides = array<i32>} : memref<128x128xf32, #tpu.memory_space<vmem>>, vector<1x16xf32>,
          %swap3A_456 = vector.shape_cast %swap3A_455 : vector<1x16xf32> to vector<16xf32>
          %swap3A_457 = vector.shape_cast %mul3A_448 : vector<16xf32> to vector<1x16xf32>
          tpu.vector_store %arg11[%swap3A_453, %swap3A_454], %swap3A_457 {strides = array<i32>} : memref<128x128xf32, #tpu.memory_space<vmem>>, vector<1x16xf32>,
          %mul3A_458 = arith.constant 16 : i32
          %mul3A_459 = arith.muli %scan3A_140, %mul3A_458 : i32
          %add3A_460 = arith.constant 2 : i32
          %add3A_461 = arith.addi %mul3A_459, %add3A_460 : i32
          %get3A_462 = arith.index_cast %add3A_461 : i32 to index
          %get3A_463 = arith.constant 16 : index
          %get3A_464 = tpu.vector_load %arg11[%get3A_462, %get3A_463] {strides = array<i32>} : memref<128x128xf32, #tpu.memory_space<vmem>>, vector<1x16xf32>,
          %get3A_465 = vector.shape_cast %get3A_464 : vector<1x16xf32> to vector<16xf32>
          %mul3A_466 = arith.mulf %get3A_465, %broadcast_in_dim3A_439 : vector<16xf32>
          %mul3A_467 = arith.constant 16 : i32
          %mul3A_468 = arith.muli %scan3A_140, %mul3A_467 : i32
          %add3A_469 = arith.constant 2 : i32
          %add3A_470 = arith.addi %mul3A_468, %add3A_469 : i32
          %swap3A_471 = arith.index_cast %add3A_470 : i32 to index
          %swap3A_472 = arith.constant 16 : index
          %swap3A_473 = tpu.vector_load %arg11[%swap3A_471, %swap3A_472] {strides = array<i32>} : memref<128x128xf32, #tpu.memory_space<vmem>>, vector<1x16xf32>,
          %swap3A_474 = vector.shape_cast %swap3A_473 : vector<1x16xf32> to vector<16xf32>
          %swap3A_475 = vector.shape_cast %mul3A_466 : vector<16xf32> to vector<1x16xf32>
          tpu.vector_store %arg11[%swap3A_471, %swap3A_472], %swap3A_475 {strides = array<i32>} : memref<128x128xf32, #tpu.memory_space<vmem>>, vector<1x16xf32>,
          %mul3A_476 = arith.constant 16 : i32
          %mul3A_477 = arith.muli %scan3A_140, %mul3A_476 : i32
          %add3A_478 = arith.constant 2 : i32
          %add3A_479 = arith.addi %mul3A_477, %add3A_478 : i32
          %get3A_480 = arith.index_cast %add3A_479 : i32 to index
          %get3A_481 = arith.constant 32 : index
          %get3A_482 = tpu.vector_load %arg11[%get3A_480, %get3A_481] {strides = array<i32>} : memref<128x128xf32, #tpu.memory_space<vmem>>, vector<1x16xf32>,
          %get3A_483 = vector.shape_cast %get3A_482 : vector<1x16xf32> to vector<16xf32>
          %mul3A_484 = arith.mulf %get3A_483, %broadcast_in_dim3A_439 : vector<16xf32>
          %mul3A_485 = arith.constant 16 : i32
          %mul3A_486 = arith.muli %scan3A_140, %mul3A_485 : i32
          %add3A_487 = arith.constant 2 : i32
          %add3A_488 = arith.addi %mul3A_486, %add3A_487 : i32
          %swap3A_489 = arith.index_cast %add3A_488 : i32 to index
          %swap3A_490 = arith.constant 32 : index
          %swap3A_491 = tpu.vector_load %arg11[%swap3A_489, %swap3A_490] {strides = array<i32>} : memref<128x128xf32, #tpu.memory_space<vmem>>, vector<1x16xf32>,
          %swap3A_492 = vector.shape_cast %swap3A_491 : vector<1x16xf32> to vector<16xf32>
          %swap3A_493 = vector.shape_cast %mul3A_484 : vector<16xf32> to vector<1x16xf32>
          tpu.vector_store %arg11[%swap3A_489, %swap3A_490], %swap3A_493 {strides = array<i32>} : memref<128x128xf32, #tpu.memory_space<vmem>>, vector<1x16xf32>,
          %mul3A_494 = arith.constant 16 : i32
          %mul3A_495 = arith.muli %scan3A_140, %mul3A_494 : i32
          %add3A_496 = arith.constant 2 : i32
          %add3A_497 = arith.addi %mul3A_495, %add3A_496 : i32
          %get3A_498 = arith.index_cast %add3A_497 : i32 to index
          %get3A_499 = arith.constant 48 : index
          %get3A_500 = tpu.vector_load %arg11[%get3A_498, %get3A_499] {strides = array<i32>} : memref<128x128xf32, #tpu.memory_space<vmem>>, vector<1x16xf32>,
          %get3A_501 = vector.shape_cast %get3A_500 : vector<1x16xf32> to vector<16xf32>
          %mul3A_502 = arith.mulf %get3A_501, %broadcast_in_dim3A_439 : vector<16xf32>
          %mul3A_503 = arith.constant 16 : i32
          %mul3A_504 = arith.muli %scan3A_140, %mul3A_503 : i32
          %add3A_505 = arith.constant 2 : i32
          %add3A_506 = arith.addi %mul3A_504, %add3A_505 : i32
          %swap3A_507 = arith.index_cast %add3A_506 : i32 to index
          %swap3A_508 = arith.constant 48 : index
          %swap3A_509 = tpu.vector_load %arg11[%swap3A_507, %swap3A_508] {strides = array<i32>} : memref<128x128xf32, #tpu.memory_space<vmem>>, vector<1x16xf32>,
          %swap3A_510 = vector.shape_cast %swap3A_509 : vector<1x16xf32> to vector<16xf32>
          %swap3A_511 = vector.shape_cast %mul3A_502 : vector<16xf32> to vector<1x16xf32>
          tpu.vector_store %arg11[%swap3A_507, %swap3A_508], %swap3A_511 {strides = array<i32>} : memref<128x128xf32, #tpu.memory_space<vmem>>, vector<1x16xf32>,
          %mul3A_512 = arith.constant 16 : i32
          %mul3A_513 = arith.muli %scan3A_140, %mul3A_512 : i32
          %add3A_514 = arith.constant 2 : i32
          %add3A_515 = arith.addi %mul3A_513, %add3A_514 : i32
          %get3A_516 = arith.index_cast %add3A_515 : i32 to index
          %get3A_517 = arith.constant 64 : index
          %get3A_518 = tpu.vector_load %arg11[%get3A_516, %get3A_517] {strides = array<i32>} : memref<128x128xf32, #tpu.memory_space<vmem>>, vector<1x16xf32>,
          %get3A_519 = vector.shape_cast %get3A_518 : vector<1x16xf32> to vector<16xf32>
          %mul3A_520 = arith.mulf %get3A_519, %broadcast_in_dim3A_439 : vector<16xf32>
          %mul3A_521 = arith.constant 16 : i32
          %mul3A_522 = arith.muli %scan3A_140, %mul3A_521 : i32
          %add3A_523 = arith.constant 2 : i32
          %add3A_524 = arith.addi %mul3A_522, %add3A_523 : i32
          %swap3A_525 = arith.index_cast %add3A_524 : i32 to index
          %swap3A_526 = arith.constant 64 : index
          %swap3A_527 = tpu.vector_load %arg11[%swap3A_525, %swap3A_526] {strides = array<i32>} : memref<128x128xf32, #tpu.memory_space<vmem>>, vector<1x16xf32>,
          %swap3A_528 = vector.shape_cast %swap3A_527 : vector<1x16xf32> to vector<16xf32>
          %swap3A_529 = vector.shape_cast %mul3A_520 : vector<16xf32> to vector<1x16xf32>
          tpu.vector_store %arg11[%swap3A_525, %swap3A_526], %swap3A_529 {strides = array<i32>} : memref<128x128xf32, #tpu.memory_space<vmem>>, vector<1x16xf32>,
          %mul3A_530 = arith.constant 16 : i32
          %mul3A_531 = arith.muli %scan3A_140, %mul3A_530 : i32
          %add3A_532 = arith.constant 2 : i32
          %add3A_533 = arith.addi %mul3A_531, %add3A_532 : i32
          %get3A_534 = arith.index_cast %add3A_533 : i32 to index
          %get3A_535 = arith.constant 80 : index
          %get3A_536 = tpu.vector_load %arg11[%get3A_534, %get3A_535] {strides = array<i32>} : memref<128x128xf32, #tpu.memory_space<vmem>>, vector<1x16xf32>,
          %get3A_537 = vector.shape_cast %get3A_536 : vector<1x16xf32> to vector<16xf32>
          %mul3A_538 = arith.mulf %get3A_537, %broadcast_in_dim3A_439 : vector<16xf32>
          %mul3A_539 = arith.constant 16 : i32
          %mul3A_540 = arith.muli %scan3A_140, %mul3A_539 : i32
          %add3A_541 = arith.constant 2 : i32
          %add3A_542 = arith.addi %mul3A_540, %add3A_541 : i32
          %swap3A_543 = arith.index_cast %add3A_542 : i32 to index
          %swap3A_544 = arith.constant 80 : index
          %swap3A_545 = tpu.vector_load %arg11[%swap3A_543, %swap3A_544] {strides = array<i32>} : memref<128x128xf32, #tpu.memory_space<vmem>>, vector<1x16xf32>,
          %swap3A_546 = vector.shape_cast %swap3A_545 : vector<1x16xf32> to vector<16xf32>
          %swap3A_547 = vector.shape_cast %mul3A_538 : vector<16xf32> to vector<1x16xf32>
          tpu.vector_store %arg11[%swap3A_543, %swap3A_544], %swap3A_547 {strides = array<i32>} : memref<128x128xf32, #tpu.memory_space<vmem>>, vector<1x16xf32>,
          %mul3A_548 = arith.constant 16 : i32
          %mul3A_549 = arith.muli %scan3A_140, %mul3A_548 : i32
          %add3A_550 = arith.constant 2 : i32
          %add3A_551 = arith.addi %mul3A_549, %add3A_550 : i32
          %get3A_552 = arith.index_cast %add3A_551 : i32 to index
          %get3A_553 = arith.constant 96 : index
          %get3A_554 = tpu.vector_load %arg11[%get3A_552, %get3A_553] {strides = array<i32>} : memref<128x128xf32, #tpu.memory_space<vmem>>, vector<1x16xf32>,
          %get3A_555 = vector.shape_cast %get3A_554 : vector<1x16xf32> to vector<16xf32>
          %mul3A_556 = arith.mulf %get3A_555, %broadcast_in_dim3A_439 : vector<16xf32>
          %mul3A_557 = arith.constant 16 : i32
          %mul3A_558 = arith.muli %scan3A_140, %mul3A_557 : i32
          %add3A_559 = arith.constant 2 : i32
          %add3A_560 = arith.addi %mul3A_558, %add3A_559 : i32
          %swap3A_561 = arith.index_cast %add3A_560 : i32 to index
          %swap3A_562 = arith.constant 96 : index
          %swap3A_563 = tpu.vector_load %arg11[%swap3A_561, %swap3A_562] {strides = array<i32>} : memref<128x128xf32, #tpu.memory_space<vmem>>, vector<1x16xf32>,
          %swap3A_564 = vector.shape_cast %swap3A_563 : vector<1x16xf32> to vector<16xf32>
          %swap3A_565 = vector.shape_cast %mul3A_556 : vector<16xf32> to vector<1x16xf32>
          tpu.vector_store %arg11[%swap3A_561, %swap3A_562], %swap3A_565 {strides = array<i32>} : memref<128x128xf32, #tpu.memory_space<vmem>>, vector<1x16xf32>,
          %mul3A_566 = arith.constant 16 : i32
          %mul3A_567 = arith.muli %scan3A_140, %mul3A_566 : i32
          %add3A_568 = arith.constant 2 : i32
          %add3A_569 = arith.addi %mul3A_567, %add3A_568 : i32
          %get3A_570 = arith.index_cast %add3A_569 : i32 to index
          %get3A_571 = arith.constant 112 : index
          %get3A_572 = tpu.vector_load %arg11[%get3A_570, %get3A_571] {strides = array<i32>} : memref<128x128xf32, #tpu.memory_space<vmem>>, vector<1x16xf32>,
          %get3A_573 = vector.shape_cast %get3A_572 : vector<1x16xf32> to vector<16xf32>
          %mul3A_574 = arith.mulf %get3A_573, %broadcast_in_dim3A_439 : vector<16xf32>
          %mul3A_575 = arith.constant 16 : i32
          %mul3A_576 = arith.muli %scan3A_140, %mul3A_575 : i32
          %add3A_577 = arith.constant 2 : i32
          %add3A_578 = arith.addi %mul3A_576, %add3A_577 : i32
          %swap3A_579 = arith.index_cast %add3A_578 : i32 to index
          %swap3A_580 = arith.constant 112 : index
          %swap3A_581 = tpu.vector_load %arg11[%swap3A_579, %swap3A_580] {strides = array<i32>} : memref<128x128xf32, #tpu.memory_space<vmem>>, vector<1x16xf32>,
          %swap3A_582 = vector.shape_cast %swap3A_581 : vector<1x16xf32> to vector<16xf32>
          %swap3A_583 = vector.shape_cast %mul3A_574 : vector<16xf32> to vector<1x16xf32>
          tpu.vector_store %arg11[%swap3A_579, %swap3A_580], %swap3A_583 {strides = array<i32>} : memref<128x128xf32, #tpu.memory_space<vmem>>, vector<1x16xf32>,
          %slice3A_584 = vector.extract_strided_slice %get3A_146 {offsets = [3], sizes = [1], strides = [1]} : vector<16xf32> to vector<1xf32>
          %squeeze3A_585 = vector.extract %slice3A_584[0] : f32 from vector<1xf32>
          %broadcast_in_dim3A_586 = vector.broadcast %squeeze3A_585 : f32 to vector<16xf32>
          %mul3A_587 = arith.constant 16 : i32
          %mul3A_588 = arith.muli %scan3A_140, %mul3A_587 : i32
          %add3A_589 = arith.constant 3 : i32
          %add3A_590 = arith.addi %mul3A_588, %add3A_589 : i32
          %get3A_591 = arith.index_cast %add3A_590 : i32 to index
          %get3A_592 = arith.constant 0 : index
          %get3A_593 = tpu.vector_load %arg11[%get3A_591, %get3A_592] {strides = array<i32>} : memref<128x128xf32, #tpu.memory_space<vmem>>, vector<1x16xf32>,
          %get3A_594 = vector.shape_cast %get3A_593 : vector<1x16xf32> to vector<16xf32>
          %mul3A_595 = arith.mulf %get3A_594, %broadcast_in_dim3A_586 : vector<16xf32>
          %mul3A_596 = arith.constant 16 : i32
          %mul3A_597 = arith.muli %scan3A_140, %mul3A_596 : i32
          %add3A_598 = arith.constant 3 : i32
          %add3A_599 = arith.addi %mul3A_597, %add3A_598 : i32
          %swap3A_600 = arith.index_cast %add3A_599 : i32 to index
          %swap3A_601 = arith.constant 0 : index
          %swap3A_602 = tpu.vector_load %arg11[%swap3A_600, %swap3A_601] {strides = array<i32>} : memref<128x128xf32, #tpu.memory_space<vmem>>, vector<1x16xf32>,
          %swap3A_603 = vector.shape_cast %swap3A_602 : vector<1x16xf32> to vector<16xf32>
          %swap3A_604 = vector.shape_cast %mul3A_595 : vector<16xf32> to vector<1x16xf32>
          tpu.vector_store %arg11[%swap3A_600, %swap3A_601], %swap3A_604 {strides = array<i32>} : memref<128x128xf32, #tpu.memory_space<vmem>>, vector<1x16xf32>,
          %mul3A_605 = arith.constant 16 : i32
          %mul3A_606 = arith.muli %scan3A_140, %mul3A_605 : i32
          %add3A_607 = arith.constant 3 : i32
          %add3A_608 = arith.addi %mul3A_606, %add3A_607 : i32
          %get3A_609 = arith.index_cast %add3A_608 : i32 to index
          %get3A_610 = arith.constant 16 : index
          %get3A_611 = tpu.vector_load %arg11[%get3A_609, %get3A_610] {strides = array<i32>} : memref<128x128xf32, #tpu.memory_space<vmem>>, vector<1x16xf32>,
          %get3A_612 = vector.shape_cast %get3A_611 : vector<1x16xf32> to vector<16xf32>
          %mul3A_613 = arith.mulf %get3A_612, %broadcast_in_dim3A_586 : vector<16xf32>
          %mul3A_614 = arith.constant 16 : i32
          %mul3A_615 = arith.muli %scan3A_140, %mul3A_614 : i32
          %add3A_616 = arith.constant 3 : i32
          %add3A_617 = arith.addi %mul3A_615, %add3A_616 : i32
          %swap3A_618 = arith.index_cast %add3A_617 : i32 to index
          %swap3A_619 = arith.constant 16 : index
          %swap3A_620 = tpu.vector_load %arg11[%swap3A_618, %swap3A_619] {strides = array<i32>} : memref<128x128xf32, #tpu.memory_space<vmem>>, vector<1x16xf32>,
          %swap3A_621 = vector.shape_cast %swap3A_620 : vector<1x16xf32> to vector<16xf32>
          %swap3A_622 = vector.shape_cast %mul3A_613 : vector<16xf32> to vector<1x16xf32>
          tpu.vector_store %arg11[%swap3A_618, %swap3A_619], %swap3A_622 {strides = array<i32>} : memref<128x128xf32, #tpu.memory_space<vmem>>, vector<1x16xf32>,
          %mul3A_623 = arith.constant 16 : i32
          %mul3A_624 = arith.muli %scan3A_140, %mul3A_623 : i32
          %add3A_625 = arith.constant 3 : i32
          %add3A_626 = arith.addi %mul3A_624, %add3A_625 : i32
          %get3A_627 = arith.index_cast %add3A_626 : i32 to index
          %get3A_628 = arith.constant 32 : index
          %get3A_629 = tpu.vector_load %arg11[%get3A_627, %get3A_628] {strides = array<i32>} : memref<128x128xf32, #tpu.memory_space<vmem>>, vector<1x16xf32>,
          %get3A_630 = vector.shape_cast %get3A_629 : vector<1x16xf32> to vector<16xf32>
          %mul3A_631 = arith.mulf %get3A_630, %broadcast_in_dim3A_586 : vector<16xf32>
          %mul3A_632 = arith.constant 16 : i32
          %mul3A_633 = arith.muli %scan3A_140, %mul3A_632 : i32
          %add3A_634 = arith.constant 3 : i32
          %add3A_635 = arith.addi %mul3A_633, %add3A_634 : i32
          %swap3A_636 = arith.index_cast %add3A_635 : i32 to index
          %swap3A_637 = arith.constant 32 : index
          %swap3A_638 = tpu.vector_load %arg11[%swap3A_636, %swap3A_637] {strides = array<i32>} : memref<128x128xf32, #tpu.memory_space<vmem>>, vector<1x16xf32>,
          %swap3A_639 = vector.shape_cast %swap3A_638 : vector<1x16xf32> to vector<16xf32>
          %swap3A_640 = vector.shape_cast %mul3A_631 : vector<16xf32> to vector<1x16xf32>
          tpu.vector_store %arg11[%swap3A_636, %swap3A_637], %swap3A_640 {strides = array<i32>} : memref<128x128xf32, #tpu.memory_space<vmem>>, vector<1x16xf32>,
          %mul3A_641 = arith.constant 16 : i32
          %mul3A_642 = arith.muli %scan3A_140, %mul3A_641 : i32
          %add3A_643 = arith.constant 3 : i32
          %add3A_644 = arith.addi %mul3A_642, %add3A_643 : i32
          %get3A_645 = arith.index_cast %add3A_644 : i32 to index
          %get3A_646 = arith.constant 48 : index
          %get3A_647 = tpu.vector_load %arg11[%get3A_645, %get3A_646] {strides = array<i32>} : memref<128x128xf32, #tpu.memory_space<vmem>>, vector<1x16xf32>,
          %get3A_648 = vector.shape_cast %get3A_647 : vector<1x16xf32> to vector<16xf32>
          %mul3A_649 = arith.mulf %get3A_648, %broadcast_in_dim3A_586 : vector<16xf32>
          %mul3A_650 = arith.constant 16 : i32
          %mul3A_651 = arith.muli %scan3A_140, %mul3A_650 : i32
          %add3A_652 = arith.constant 3 : i32
          %add3A_653 = arith.addi %mul3A_651, %add3A_652 : i32
          %swap3A_654 = arith.index_cast %add3A_653 : i32 to index
          %swap3A_655 = arith.constant 48 : index
          %swap3A_656 = tpu.vector_load %arg11[%swap3A_654, %swap3A_655] {strides = array<i32>} : memref<128x128xf32, #tpu.memory_space<vmem>>, vector<1x16xf32>,
          %swap3A_657 = vector.shape_cast %swap3A_656 : vector<1x16xf32> to vector<16xf32>
          %swap3A_658 = vector.shape_cast %mul3A_649 : vector<16xf32> to vector<1x16xf32>
          tpu.vector_store %arg11[%swap3A_654, %swap3A_655], %swap3A_658 {strides = array<i32>} : memref<128x128xf32, #tpu.memory_space<vmem>>, vector<1x16xf32>,
          %mul3A_659 = arith.constant 16 : i32
          %mul3A_660 = arith.muli %scan3A_140, %mul3A_659 : i32
          %add3A_661 = arith.constant 3 : i32
          %add3A_662 = arith.addi %mul3A_660, %add3A_661 : i32
          %get3A_663 = arith.index_cast %add3A_662 : i32 to index
          %get3A_664 = arith.constant 64 : index
          %get3A_665 = tpu.vector_load %arg11[%get3A_663, %get3A_664] {strides = array<i32>} : memref<128x128xf32, #tpu.memory_space<vmem>>, vector<1x16xf32>,
          %get3A_666 = vector.shape_cast %get3A_665 : vector<1x16xf32> to vector<16xf32>
          %mul3A_667 = arith.mulf %get3A_666, %broadcast_in_dim3A_586 : vector<16xf32>
          %mul3A_668 = arith.constant 16 : i32
          %mul3A_669 = arith.muli %scan3A_140, %mul3A_668 : i32
          %add3A_670 = arith.constant 3 : i32
          %add3A_671 = arith.addi %mul3A_669, %add3A_670 : i32
          %swap3A_672 = arith.index_cast %add3A_671 : i32 to index
          %swap3A_673 = arith.constant 64 : index
          %swap3A_674 = tpu.vector_load %arg11[%swap3A_672, %swap3A_673] {strides = array<i32>} : memref<128x128xf32, #tpu.memory_space<vmem>>, vector<1x16xf32>,
          %swap3A_675 = vector.shape_cast %swap3A_674 : vector<1x16xf32> to vector<16xf32>
          %swap3A_676 = vector.shape_cast %mul3A_667 : vector<16xf32> to vector<1x16xf32>
          tpu.vector_store %arg11[%swap3A_672, %swap3A_673], %swap3A_676 {strides = array<i32>} : memref<128x128xf32, #tpu.memory_space<vmem>>, vector<1x16xf32>,
          %mul3A_677 = arith.constant 16 : i32
          %mul3A_678 = arith.muli %scan3A_140, %mul3A_677 : i32
          %add3A_679 = arith.constant 3 : i32
          %add3A_680 = arith.addi %mul3A_678, %add3A_679 : i32
          %get3A_681 = arith.index_cast %add3A_680 : i32 to index
          %get3A_682 = arith.constant 80 : index
          %get3A_683 = tpu.vector_load %arg11[%get3A_681, %get3A_682] {strides = array<i32>} : memref<128x128xf32, #tpu.memory_space<vmem>>, vector<1x16xf32>,
          %get3A_684 = vector.shape_cast %get3A_683 : vector<1x16xf32> to vector<16xf32>
          %mul3A_685 = arith.mulf %get3A_684, %broadcast_in_dim3A_586 : vector<16xf32>
          %mul3A_686 = arith.constant 16 : i32
          %mul3A_687 = arith.muli %scan3A_140, %mul3A_686 : i32
          %add3A_688 = arith.constant 3 : i32
          %add3A_689 = arith.addi %mul3A_687, %add3A_688 : i32
          %swap3A_690 = arith.index_cast %add3A_689 : i32 to index
          %swap3A_691 = arith.constant 80 : index
          %swap3A_692 = tpu.vector_load %arg11[%swap3A_690, %swap3A_691] {strides = array<i32>} : memref<128x128xf32, #tpu.memory_space<vmem>>, vector<1x16xf32>,
          %swap3A_693 = vector.shape_cast %swap3A_692 : vector<1x16xf32> to vector<16xf32>
          %swap3A_694 = vector.shape_cast %mul3A_685 : vector<16xf32> to vector<1x16xf32>
          tpu.vector_store %arg11[%swap3A_690, %swap3A_691], %swap3A_694 {strides = array<i32>} : memref<128x128xf32, #tpu.memory_space<vmem>>, vector<1x16xf32>,
          %mul3A_695 = arith.constant 16 : i32
          %mul3A_696 = arith.muli %scan3A_140, %mul3A_695 : i32
          %add3A_697 = arith.constant 3 : i32
          %add3A_698 = arith.addi %mul3A_696, %add3A_697 : i32
          %get3A_699 = arith.index_cast %add3A_698 : i32 to index
          %get3A_700 = arith.constant 96 : index
          %get3A_701 = tpu.vector_load %arg11[%get3A_699, %get3A_700] {strides = array<i32>} : memref<128x128xf32, #tpu.memory_space<vmem>>, vector<1x16xf32>,
          %get3A_702 = vector.shape_cast %get3A_701 : vector<1x16xf32> to vector<16xf32>
          %mul3A_703 = arith.mulf %get3A_702, %broadcast_in_dim3A_586 : vector<16xf32>
          %mul3A_704 = arith.constant 16 : i32
          %mul3A_705 = arith.muli %scan3A_140, %mul3A_704 : i32
          %add3A_706 = arith.constant 3 : i32
          %add3A_707 = arith.addi %mul3A_705, %add3A_706 : i32
          %swap3A_708 = arith.index_cast %add3A_707 : i32 to index
          %swap3A_709 = arith.constant 96 : index
          %swap3A_710 = tpu.vector_load %arg11[%swap3A_708, %swap3A_709] {strides = array<i32>} : memref<128x128xf32, #tpu.memory_space<vmem>>, vector<1x16xf32>,
          %swap3A_711 = vector.shape_cast %swap3A_710 : vector<1x16xf32> to vector<16xf32>
          %swap3A_712 = vector.shape_cast %mul3A_703 : vector<16xf32> to vector<1x16xf32>
          tpu.vector_store %arg11[%swap3A_708, %swap3A_709], %swap3A_712 {strides = array<i32>} : memref<128x128xf32, #tpu.memory_space<vmem>>, vector<1x16xf32>,
          %mul3A_713 = arith.constant 16 : i32
          %mul3A_714 = arith.muli %scan3A_140, %mul3A_713 : i32
          %add3A_715 = arith.constant 3 : i32
          %add3A_716 = arith.addi %mul3A_714, %add3A_715 : i32
          %get3A_717 = arith.index_cast %add3A_716 : i32 to index
          %get3A_718 = arith.constant 112 : index
          %get3A_719 = tpu.vector_load %arg11[%get3A_717, %get3A_718] {strides = array<i32>} : memref<128x128xf32, #tpu.memory_space<vmem>>, vector<1x16xf32>,
          %get3A_720 = vector.shape_cast %get3A_719 : vector<1x16xf32> to vector<16xf32>
          %mul3A_721 = arith.mulf %get3A_720, %broadcast_in_dim3A_586 : vector<16xf32>
          %mul3A_722 = arith.constant 16 : i32
          %mul3A_723 = arith.muli %scan3A_140, %mul3A_722 : i32
          %add3A_724 = arith.constant 3 : i32
          %add3A_725 = arith.addi %mul3A_723, %add3A_724 : i32
          %swap3A_726 = arith.index_cast %add3A_725 : i32 to index
          %swap3A_727 = arith.constant 112 : index
          %swap3A_728 = tpu.vector_load %arg11[%swap3A_726, %swap3A_727] {strides = array<i32>} : memref<128x128xf32, #tpu.memory_space<vmem>>, vector<1x16xf32>,
          %swap3A_729 = vector.shape_cast %swap3A_728 : vector<1x16xf32> to vector<16xf32>
          %swap3A_730 = vector.shape_cast %mul3A_721 : vector<16xf32> to vector<1x16xf32>
          tpu.vector_store %arg11[%swap3A_726, %swap3A_727], %swap3A_730 {strides = array<i32>} : memref<128x128xf32, #tpu.memory_space<vmem>>, vector<1x16xf32>,
          %slice3A_731 = vector.extract_strided_slice %get3A_146 {offsets = [4], sizes = [1], strides = [1]} : vector<16xf32> to vector<1xf32>
          %squeeze3A_732 = vector.extract %slice3A_731[0] : f32 from vector<1xf32>
          %broadcast_in_dim3A_733 = vector.broadcast %squeeze3A_732 : f32 to vector<16xf32>
          %mul3A_734 = arith.constant 16 : i32
          %mul3A_735 = arith.muli %scan3A_140, %mul3A_734 : i32
          %add3A_736 = arith.constant 4 : i32
          %add3A_737 = arith.addi %mul3A_735, %add3A_736 : i32
          %get3A_738 = arith.index_cast %add3A_737 : i32 to index
          %get3A_739 = arith.constant 0 : index
          %get3A_740 = tpu.vector_load %arg11[%get3A_738, %get3A_739] {strides = array<i32>} : memref<128x128xf32, #tpu.memory_space<vmem>>, vector<1x16xf32>,
          %get3A_741 = vector.shape_cast %get3A_740 : vector<1x16xf32> to vector<16xf32>
          %mul3A_742 = arith.mulf %get3A_741, %broadcast_in_dim3A_733 : vector<16xf32>
          %mul3A_743 = arith.constant 16 : i32
          %mul3A_744 = arith.muli %scan3A_140, %mul3A_743 : i32
          %add3A_745 = arith.constant 4 : i32
          %add3A_746 = arith.addi %mul3A_744, %add3A_745 : i32
          %swap3A_747 = arith.index_cast %add3A_746 : i32 to index
          %swap3A_748 = arith.constant 0 : index
          %swap3A_749 = tpu.vector_load %arg11[%swap3A_747, %swap3A_748] {strides = array<i32>} : memref<128x128xf32, #tpu.memory_space<vmem>>, vector<1x16xf32>,
          %swap3A_750 = vector.shape_cast %swap3A_749 : vector<1x16xf32> to vector<16xf32>
          %swap3A_751 = vector.shape_cast %mul3A_742 : vector<16xf32> to vector<1x16xf32>
          tpu.vector_store %arg11[%swap3A_747, %swap3A_748], %swap3A_751 {strides = array<i32>} : memref<128x128xf32, #tpu.memory_space<vmem>>, vector<1x16xf32>,
          %mul3A_752 = arith.constant 16 : i32
          %mul3A_753 = arith.muli %scan3A_140, %mul3A_752 : i32
          %add3A_754 = arith.constant 4 : i32
          %add3A_755 = arith.addi %mul3A_753, %add3A_754 : i32
          %get3A_756 = arith.index_cast %add3A_755 : i32 to index
          %get3A_757 = arith.constant 16 : index
          %get3A_758 = tpu.vector_load %arg11[%get3A_756, %get3A_757] {strides = array<i32>} : memref<128x128xf32, #tpu.memory_space<vmem>>, vector<1x16xf32>,
          %get3A_759 = vector.shape_cast %get3A_758 : vector<1x16xf32> to vector<16xf32>
          %mul3A_760 = arith.mulf %get3A_759, %broadcast_in_dim3A_733 : vector<16xf32>
          %mul3A_761 = arith.constant 16 : i32
          %mul3A_762 = arith.muli %scan3A_140, %mul3A_761 : i32
          %add3A_763 = arith.constant 4 : i32
          %add3A_764 = arith.addi %mul3A_762, %add3A_763 : i32
          %swap3A_765 = arith.index_cast %add3A_764 : i32 to index
          %swap3A_766 = arith.constant 16 : index
          %swap3A_767 = tpu.vector_load %arg11[%swap3A_765, %swap3A_766] {strides = array<i32>} : memref<128x128xf32, #tpu.memory_space<vmem>>, vector<1x16xf32>,
          %swap3A_768 = vector.shape_cast %swap3A_767 : vector<1x16xf32> to vector<16xf32>
          %swap3A_769 = vector.shape_cast %mul3A_760 : vector<16xf32> to vector<1x16xf32>
          tpu.vector_store %arg11[%swap3A_765, %swap3A_766], %swap3A_769 {strides = array<i32>} : memref<128x128xf32, #tpu.memory_space<vmem>>, vector<1x16xf32>,
          %mul3A_770 = arith.constant 16 : i32
          %mul3A_771 = arith.muli %scan3A_140, %mul3A_770 : i32
          %add3A_772 = arith.constant 4 : i32
          %add3A_773 = arith.addi %mul3A_771, %add3A_772 : i32
          %get3A_774 = arith.index_cast %add3A_773 : i32 to index
          %get3A_775 = arith.constant 32 : index
          %get3A_776 = tpu.vector_load %arg11[%get3A_774, %get3A_775] {strides = array<i32>} : memref<128x128xf32, #tpu.memory_space<vmem>>, vector<1x16xf32>,
          %get3A_777 = vector.shape_cast %get3A_776 : vector<1x16xf32> to vector<16xf32>
          %mul3A_778 = arith.mulf %get3A_777, %broadcast_in_dim3A_733 : vector<16xf32>
          %mul3A_779 = arith.constant 16 : i32
          %mul3A_780 = arith.muli %scan3A_140, %mul3A_779 : i32
          %add3A_781 = arith.constant 4 : i32
          %add3A_782 = arith.addi %mul3A_780, %add3A_781 : i32
          %swap3A_783 = arith.index_cast %add3A_782 : i32 to index
          %swap3A_784 = arith.constant 32 : index
          %swap3A_785 = tpu.vector_load %arg11[%swap3A_783, %swap3A_784] {strides = array<i32>} : memref<128x128xf32, #tpu.memory_space<vmem>>, vector<1x16xf32>,
          %swap3A_786 = vector.shape_cast %swap3A_785 : vector<1x16xf32> to vector<16xf32>
          %swap3A_787 = vector.shape_cast %mul3A_778 : vector<16xf32> to vector<1x16xf32>
          tpu.vector_store %arg11[%swap3A_783, %swap3A_784], %swap3A_787 {strides = array<i32>} : memref<128x128xf32, #tpu.memory_space<vmem>>, vector<1x16xf32>,
          %mul3A_788 = arith.constant 16 : i32
          %mul3A_789 = arith.muli %scan3A_140, %mul3A_788 : i32
          %add3A_790 = arith.constant 4 : i32
          %add3A_791 = arith.addi %mul3A_789, %add3A_790 : i32
          %get3A_792 = arith.index_cast %add3A_791 : i32 to index
          %get3A_793 = arith.constant 48 : index
          %get3A_794 = tpu.vector_load %arg11[%get3A_792, %get3A_793] {strides = array<i32>} : memref<128x128xf32, #tpu.memory_space<vmem>>, vector<1x16xf32>,
          %get3A_795 = vector.shape_cast %get3A_794 : vector<1x16xf32> to vector<16xf32>
          %mul3A_796 = arith.mulf %get3A_795, %broadcast_in_dim3A_733 : vector<16xf32>
          %mul3A_797 = arith.constant 16 : i32
          %mul3A_798 = arith.muli %scan3A_140, %mul3A_797 : i32
          %add3A_799 = arith.constant 4 : i32
          %add3A_800 = arith.addi %mul3A_798, %add3A_799 : i32
          %swap3A_801 = arith.index_cast %add3A_800 : i32 to index
          %swap3A_802 = arith.constant 48 : index
          %swap3A_803 = tpu.vector_load %arg11[%swap3A_801, %swap3A_802] {strides = array<i32>} : memref<128x128xf32, #tpu.memory_space<vmem>>, vector<1x16xf32>,
          %swap3A_804 = vector.shape_cast %swap3A_803 : vector<1x16xf32> to vector<16xf32>
          %swap3A_805 = vector.shape_cast %mul3A_796 : vector<16xf32> to vector<1x16xf32>
          tpu.vector_store %arg11[%swap3A_801, %swap3A_802], %swap3A_805 {strides = array<i32>} : memref<128x128xf32, #tpu.memory_space<vmem>>, vector<1x16xf32>,
          %mul3A_806 = arith.constant 16 : i32
          %mul3A_807 = arith.muli %scan3A_140, %mul3A_806 : i32
          %add3A_808 = arith.constant 4 : i32
          %add3A_809 = arith.addi %mul3A_807, %add3A_808 : i32
          %get3A_810 = arith.index_cast %add3A_809 : i32 to index
          %get3A_811 = arith.constant 64 : index
          %get3A_812 = tpu.vector_load %arg11[%get3A_810, %get3A_811] {strides = array<i32>} : memref<128x128xf32, #tpu.memory_space<vmem>>, vector<1x16xf32>,
          %get3A_813 = vector.shape_cast %get3A_812 : vector<1x16xf32> to vector<16xf32>
          %mul3A_814 = arith.mulf %get3A_813, %broadcast_in_dim3A_733 : vector<16xf32>
          %mul3A_815 = arith.constant 16 : i32
          %mul3A_816 = arith.muli %scan3A_140, %mul3A_815 : i32
          %add3A_817 = arith.constant 4 : i32
          %add3A_818 = arith.addi %mul3A_816, %add3A_817 : i32
          %swap3A_819 = arith.index_cast %add3A_818 : i32 to index
          %swap3A_820 = arith.constant 64 : index
          %swap3A_821 = tpu.vector_load %arg11[%swap3A_819, %swap3A_820] {strides = array<i32>} : memref<128x128xf32, #tpu.memory_space<vmem>>, vector<1x16xf32>,
          %swap3A_822 = vector.shape_cast %swap3A_821 : vector<1x16xf32> to vector<16xf32>
          %swap3A_823 = vector.shape_cast %mul3A_814 : vector<16xf32> to vector<1x16xf32>
          tpu.vector_store %arg11[%swap3A_819, %swap3A_820], %swap3A_823 {strides = array<i32>} : memref<128x128xf32, #tpu.memory_space<vmem>>, vector<1x16xf32>,
          %mul3A_824 = arith.constant 16 : i32
          %mul3A_825 = arith.muli %scan3A_140, %mul3A_824 : i32
          %add3A_826 = arith.constant 4 : i32
          %add3A_827 = arith.addi %mul3A_825, %add3A_826 : i32
          %get3A_828 = arith.index_cast %add3A_827 : i32 to index
          %get3A_829 = arith.constant 80 : index
          %get3A_830 = tpu.vector_load %arg11[%get3A_828, %get3A_829] {strides = array<i32>} : memref<128x128xf32, #tpu.memory_space<vmem>>, vector<1x16xf32>,
          %get3A_831 = vector.shape_cast %get3A_830 : vector<1x16xf32> to vector<16xf32>
          %mul3A_832 = arith.mulf %get3A_831, %broadcast_in_dim3A_733 : vector<16xf32>
          %mul3A_833 = arith.constant 16 : i32
          %mul3A_834 = arith.muli %scan3A_140, %mul3A_833 : i32
          %add3A_835 = arith.constant 4 : i32
          %add3A_836 = arith.addi %mul3A_834, %add3A_835 : i32
          %swap3A_837 = arith.index_cast %add3A_836 : i32 to index
          %swap3A_838 = arith.constant 80 : index
          %swap3A_839 = tpu.vector_load %arg11[%swap3A_837, %swap3A_838] {strides = array<i32>} : memref<128x128xf32, #tpu.memory_space<vmem>>, vector<1x16xf32>,
          %swap3A_840 = vector.shape_cast %swap3A_839 : vector<1x16xf32> to vector<16xf32>
          %swap3A_841 = vector.shape_cast %mul3A_832 : vector<16xf32> to vector<1x16xf32>
          tpu.vector_store %arg11[%swap3A_837, %swap3A_838], %swap3A_841 {strides = array<i32>} : memref<128x128xf32, #tpu.memory_space<vmem>>, vector<1x16xf32>,
          %mul3A_842 = arith.constant 16 : i32
          %mul3A_843 = arith.muli %scan3A_140, %mul3A_842 : i32
          %add3A_844 = arith.constant 4 : i32
          %add3A_845 = arith.addi %mul3A_843, %add3A_844 : i32
          %get3A_846 = arith.index_cast %add3A_845 : i32 to index
          %get3A_847 = arith.constant 96 : index
          %get3A_848 = tpu.vector_load %arg11[%get3A_846, %get3A_847] {strides = array<i32>} : memref<128x128xf32, #tpu.memory_space<vmem>>, vector<1x16xf32>,
          %get3A_849 = vector.shape_cast %get3A_848 : vector<1x16xf32> to vector<16xf32>
          %mul3A_850 = arith.mulf %get3A_849, %broadcast_in_dim3A_733 : vector<16xf32>
          %mul3A_851 = arith.constant 16 : i32
          %mul3A_852 = arith.muli %scan3A_140, %mul3A_851 : i32
          %add3A_853 = arith.constant 4 : i32
          %add3A_854 = arith.addi %mul3A_852, %add3A_853 : i32
          %swap3A_855 = arith.index_cast %add3A_854 : i32 to index
          %swap3A_856 = arith.constant 96 : index
          %swap3A_857 = tpu.vector_load %arg11[%swap3A_855, %swap3A_856] {strides = array<i32>} : memref<128x128xf32, #tpu.memory_space<vmem>>, vector<1x16xf32>,
          %swap3A_858 = vector.shape_cast %swap3A_857 : vector<1x16xf32> to vector<16xf32>
          %swap3A_859 = vector.shape_cast %mul3A_850 : vector<16xf32> to vector<1x16xf32>
          tpu.vector_store %arg11[%swap3A_855, %swap3A_856], %swap3A_859 {strides = array<i32>} : memref<128x128xf32, #tpu.memory_space<vmem>>, vector<1x16xf32>,
          %mul3A_860 = arith.constant 16 : i32
          %mul3A_861 = arith.muli %scan3A_140, %mul3A_860 : i32
          %add3A_862 = arith.constant 4 : i32
          %add3A_863 = arith.addi %mul3A_861, %add3A_862 : i32
          %get3A_864 = arith.index_cast %add3A_863 : i32 to index
          %get3A_865 = arith.constant 112 : index
          %get3A_866 = tpu.vector_load %arg11[%get3A_864, %get3A_865] {strides = array<i32>} : memref<128x128xf32, #tpu.memory_space<vmem>>, vector<1x16xf32>,
          %get3A_867 = vector.shape_cast %get3A_866 : vector<1x16xf32> to vector<16xf32>
          %mul3A_868 = arith.mulf %get3A_867, %broadcast_in_dim3A_733 : vector<16xf32>
          %mul3A_869 = arith.constant 16 : i32
          %mul3A_870 = arith.muli %scan3A_140, %mul3A_869 : i32
          %add3A_871 = arith.constant 4 : i32
          %add3A_872 = arith.addi %mul3A_870, %add3A_871 : i32
          %swap3A_873 = arith.index_cast %add3A_872 : i32 to index
          %swap3A_874 = arith.constant 112 : index
          %swap3A_875 = tpu.vector_load %arg11[%swap3A_873, %swap3A_874] {strides = array<i32>} : memref<128x128xf32, #tpu.memory_space<vmem>>, vector<1x16xf32>,
          %swap3A_876 = vector.shape_cast %swap3A_875 : vector<1x16xf32> to vector<16xf32>
          %swap3A_877 = vector.shape_cast %mul3A_868 : vector<16xf32> to vector<1x16xf32>
          tpu.vector_store %arg11[%swap3A_873, %swap3A_874], %swap3A_877 {strides = array<i32>} : memref<128x128xf32, #tpu.memory_space<vmem>>, vector<1x16xf32>,
          %slice3A_878 = vector.extract_strided_slice %get3A_146 {offsets = [5], sizes = [1], strides = [1]} : vector<16xf32> to vector<1xf32>
          %squeeze3A_879 = vector.extract %slice3A_878[0] : f32 from vector<1xf32>
          %broadcast_in_dim3A_880 = vector.broadcast %squeeze3A_879 : f32 to vector<16xf32>
          %mul3A_881 = arith.constant 16 : i32
          %mul3A_882 = arith.muli %scan3A_140, %mul3A_881 : i32
          %add3A_883 = arith.constant 5 : i32
          %add3A_884 = arith.addi %mul3A_882, %add3A_883 : i32
          %get3A_885 = arith.index_cast %add3A_884 : i32 to index
          %get3A_886 = arith.constant 0 : index
          %get3A_887 = tpu.vector_load %arg11[%get3A_885, %get3A_886] {strides = array<i32>} : memref<128x128xf32, #tpu.memory_space<vmem>>, vector<1x16xf32>,
          %get3A_888 = vector.shape_cast %get3A_887 : vector<1x16xf32> to vector<16xf32>
          %mul3A_889 = arith.mulf %get3A_888, %broadcast_in_dim3A_880 : vector<16xf32>
          %mul3A_890 = arith.constant 16 : i32
          %mul3A_891 = arith.muli %scan3A_140, %mul3A_890 : i32
          %add3A_892 = arith.constant 5 : i32
          %add3A_893 = arith.addi %mul3A_891, %add3A_892 : i32
          %swap3A_894 = arith.index_cast %add3A_893 : i32 to index
          %swap3A_895 = arith.constant 0 : index
          %swap3A_896 = tpu.vector_load %arg11[%swap3A_894, %swap3A_895] {strides = array<i32>} : memref<128x128xf32, #tpu.memory_space<vmem>>, vector<1x16xf32>,
          %swap3A_897 = vector.shape_cast %swap3A_896 : vector<1x16xf32> to vector<16xf32>
          %swap3A_898 = vector.shape_cast %mul3A_889 : vector<16xf32> to vector<1x16xf32>
          tpu.vector_store %arg11[%swap3A_894, %swap3A_895], %swap3A_898 {strides = array<i32>} : memref<128x128xf32, #tpu.memory_space<vmem>>, vector<1x16xf32>,
          %mul3A_899 = arith.constant 16 : i32
          %mul3A_900 = arith.muli %scan3A_140, %mul3A_899 : i32
          %add3A_901 = arith.constant 5 : i32
          %add3A_902 = arith.addi %mul3A_900, %add3A_901 : i32
          %get3A_903 = arith.index_cast %add3A_902 : i32 to index
          %get3A_904 = arith.constant 16 : index
          %get3A_905 = tpu.vector_load %arg11[%get3A_903, %get3A_904] {strides = array<i32>} : memref<128x128xf32, #tpu.memory_space<vmem>>, vector<1x16xf32>,
          %get3A_906 = vector.shape_cast %get3A_905 : vector<1x16xf32> to vector<16xf32>
          %mul3A_907 = arith.mulf %get3A_906, %broadcast_in_dim3A_880 : vector<16xf32>
          %mul3A_908 = arith.constant 16 : i32
          %mul3A_909 = arith.muli %scan3A_140, %mul3A_908 : i32
          %add3A_910 = arith.constant 5 : i32
          %add3A_911 = arith.addi %mul3A_909, %add3A_910 : i32
          %swap3A_912 = arith.index_cast %add3A_911 : i32 to index
          %swap3A_913 = arith.constant 16 : index
          %swap3A_914 = tpu.vector_load %arg11[%swap3A_912, %swap3A_913] {strides = array<i32>} : memref<128x128xf32, #tpu.memory_space<vmem>>, vector<1x16xf32>,
          %swap3A_915 = vector.shape_cast %swap3A_914 : vector<1x16xf32> to vector<16xf32>
          %swap3A_916 = vector.shape_cast %mul3A_907 : vector<16xf32> to vector<1x16xf32>
          tpu.vector_store %arg11[%swap3A_912, %swap3A_913], %swap3A_916 {strides = array<i32>} : memref<128x128xf32, #tpu.memory_space<vmem>>, vector<1x16xf32>,
          %mul3A_917 = arith.constant 16 : i32
          %mul3A_918 = arith.muli %scan3A_140, %mul3A_917 : i32
          %add3A_919 = arith.constant 5 : i32
          %add3A_920 = arith.addi %mul3A_918, %add3A_919 : i32
          %get3A_921 = arith.index_cast %add3A_920 : i32 to index
          %get3A_922 = arith.constant 32 : index
          %get3A_923 = tpu.vector_load %arg11[%get3A_921, %get3A_922] {strides = array<i32>} : memref<128x128xf32, #tpu.memory_space<vmem>>, vector<1x16xf32>,
          %get3A_924 = vector.shape_cast %get3A_923 : vector<1x16xf32> to vector<16xf32>
          %mul3A_925 = arith.mulf %get3A_924, %broadcast_in_dim3A_880 : vector<16xf32>
          %mul3A_926 = arith.constant 16 : i32
          %mul3A_927 = arith.muli %scan3A_140, %mul3A_926 : i32
          %add3A_928 = arith.constant 5 : i32
          %add3A_929 = arith.addi %mul3A_927, %add3A_928 : i32
          %swap3A_930 = arith.index_cast %add3A_929 : i32 to index
          %swap3A_931 = arith.constant 32 : index
          %swap3A_932 = tpu.vector_load %arg11[%swap3A_930, %swap3A_931] {strides = array<i32>} : memref<128x128xf32, #tpu.memory_space<vmem>>, vector<1x16xf32>,
          %swap3A_933 = vector.shape_cast %swap3A_932 : vector<1x16xf32> to vector<16xf32>
          %swap3A_934 = vector.shape_cast %mul3A_925 : vector<16xf32> to vector<1x16xf32>
          tpu.vector_store %arg11[%swap3A_930, %swap3A_931], %swap3A_934 {strides = array<i32>} : memref<128x128xf32, #tpu.memory_space<vmem>>, vector<1x16xf32>,
          %mul3A_935 = arith.constant 16 : i32
          %mul3A_936 = arith.muli %scan3A_140, %mul3A_935 : i32
          %add3A_937 = arith.constant 5 : i32
          %add3A_938 = arith.addi %mul3A_936, %add3A_937 : i32
          %get3A_939 = arith.index_cast %add3A_938 : i32 to index
          %get3A_940 = arith.constant 48 : index
          %get3A_941 = tpu.vector_load %arg11[%get3A_939, %get3A_940] {strides = array<i32>} : memref<128x128xf32, #tpu.memory_space<vmem>>, vector<1x16xf32>,
          %get3A_942 = vector.shape_cast %get3A_941 : vector<1x16xf32> to vector<16xf32>
          %mul3A_943 = arith.mulf %get3A_942, %broadcast_in_dim3A_880 : vector<16xf32>
          %mul3A_944 = arith.constant 16 : i32
          %mul3A_945 = arith.muli %scan3A_140, %mul3A_944 : i32
          %add3A_946 = arith.constant 5 : i32
          %add3A_947 = arith.addi %mul3A_945, %add3A_946 : i32
          %swap3A_948 = arith.index_cast %add3A_947 : i32 to index
          %swap3A_949 = arith.constant 48 : index
          %swap3A_950 = tpu.vector_load %arg11[%swap3A_948, %swap3A_949] {strides = array<i32>} : memref<128x128xf32, #tpu.memory_space<vmem>>, vector<1x16xf32>,
          %swap3A_951 = vector.shape_cast %swap3A_950 : vector<1x16xf32> to vector<16xf32>
          %swap3A_952 = vector.shape_cast %mul3A_943 : vector<16xf32> to vector<1x16xf32>
          tpu.vector_store %arg11[%swap3A_948, %swap3A_949], %swap3A_952 {strides = array<i32>} : memref<128x128xf32, #tpu.memory_space<vmem>>, vector<1x16xf32>,
          %mul3A_953 = arith.constant 16 : i32
          %mul3A_954 = arith.muli %scan3A_140, %mul3A_953 : i32
          %add3A_955 = arith.constant 5 : i32
          %add3A_956 = arith.addi %mul3A_954, %add3A_955 : i32
          %get3A_957 = arith.index_cast %add3A_956 : i32 to index
          %get3A_958 = arith.constant 64 : index
          %get3A_959 = tpu.vector_load %arg11[%get3A_957, %get3A_958] {strides = array<i32>} : memref<128x128xf32, #tpu.memory_space<vmem>>, vector<1x16xf32>,
          %get3A_960 = vector.shape_cast %get3A_959 : vector<1x16xf32> to vector<16xf32>
          %mul3A_961 = arith.mulf %get3A_960, %broadcast_in_dim3A_880 : vector<16xf32>
          %mul3A_962 = arith.constant 16 : i32
          %mul3A_963 = arith.muli %scan3A_140, %mul3A_962 : i32
          %add3A_964 = arith.constant 5 : i32
          %add3A_965 = arith.addi %mul3A_963, %add3A_964 : i32
          %swap3A_966 = arith.index_cast %add3A_965 : i32 to index
          %swap3A_967 = arith.constant 64 : index
          %swap3A_968 = tpu.vector_load %arg11[%swap3A_966, %swap3A_967] {strides = array<i32>} : memref<128x128xf32, #tpu.memory_space<vmem>>, vector<1x16xf32>,
          %swap3A_969 = vector.shape_cast %swap3A_968 : vector<1x16xf32> to vector<16xf32>
          %swap3A_970 = vector.shape_cast %mul3A_961 : vector<16xf32> to vector<1x16xf32>
          tpu.vector_store %arg11[%swap3A_966, %swap3A_967], %swap3A_970 {strides = array<i32>} : memref<128x128xf32, #tpu.memory_space<vmem>>, vector<1x16xf32>,
          %mul3A_971 = arith.constant 16 : i32
          %mul3A_972 = arith.muli %scan3A_140, %mul3A_971 : i32
          %add3A_973 = arith.constant 5 : i32
          %add3A_974 = arith.addi %mul3A_972, %add3A_973 : i32
          %get3A_975 = arith.index_cast %add3A_974 : i32 to index
          %get3A_976 = arith.constant 80 : index
          %get3A_977 = tpu.vector_load %arg11[%get3A_975, %get3A_976] {strides = array<i32>} : memref<128x128xf32, #tpu.memory_space<vmem>>, vector<1x16xf32>,
          %get3A_978 = vector.shape_cast %get3A_977 : vector<1x16xf32> to vector<16xf32>
          %mul3A_979 = arith.mulf %get3A_978, %broadcast_in_dim3A_880 : vector<16xf32>
          %mul3A_980 = arith.constant 16 : i32
          %mul3A_981 = arith.muli %scan3A_140, %mul3A_980 : i32
          %add3A_982 = arith.constant 5 : i32
          %add3A_983 = arith.addi %mul3A_981, %add3A_982 : i32
          %swap3A_984 = arith.index_cast %add3A_983 : i32 to index
          %swap3A_985 = arith.constant 80 : index
          %swap3A_986 = tpu.vector_load %arg11[%swap3A_984, %swap3A_985] {strides = array<i32>} : memref<128x128xf32, #tpu.memory_space<vmem>>, vector<1x16xf32>,
          %swap3A_987 = vector.shape_cast %swap3A_986 : vector<1x16xf32> to vector<16xf32>
          %swap3A_988 = vector.shape_cast %mul3A_979 : vector<16xf32> to vector<1x16xf32>
          tpu.vector_store %arg11[%swap3A_984, %swap3A_985], %swap3A_988 {strides = array<i32>} : memref<128x128xf32, #tpu.memory_space<vmem>>, vector<1x16xf32>,
          %mul3A_989 = arith.constant 16 : i32
          %mul3A_990 = arith.muli %scan3A_140, %mul3A_989 : i32
          %add3A_991 = arith.constant 5 : i32
          %add3A_992 = arith.addi %mul3A_990, %add3A_991 : i32
          %get3A_993 = arith.index_cast %add3A_992 : i32 to index
          %get3A_994 = arith.constant 96 : index
          %get3A_995 = tpu.vector_load %arg11[%get3A_993, %get3A_994] {strides = array<i32>} : memref<128x128xf32, #tpu.memory_space<vmem>>, vector<1x16xf32>,
          %get3A_996 = vector.shape_cast %get3A_995 : vector<1x16xf32> to vector<16xf32>
          %mul3A_997 = arith.mulf %get3A_996, %broadcast_in_dim3A_880 : vector<16xf32>
          %mul3A_998 = arith.constant 16 : i32
          %mul3A_999 = arith.muli %scan3A_140, %mul3A_998 : i32
          %add3A_1000 = arith.constant 5 : i32
          %add3A_1001 = arith.addi %mul3A_999, %add3A_1000 : i32
          %swap3A_1002 = arith.index_cast %add3A_1001 : i32 to index
          %swap3A_1003 = arith.constant 96 : index
          %swap3A_1004 = tpu.vector_load %arg11[%swap3A_1002, %swap3A_1003] {strides = array<i32>} : memref<128x128xf32, #tpu.memory_space<vmem>>, vector<1x16xf32>,
          %swap3A_1005 = vector.shape_cast %swap3A_1004 : vector<1x16xf32> to vector<16xf32>
          %swap3A_1006 = vector.shape_cast %mul3A_997 : vector<16xf32> to vector<1x16xf32>
          tpu.vector_store %arg11[%swap3A_1002, %swap3A_1003], %swap3A_1006 {strides = array<i32>} : memref<128x128xf32, #tpu.memory_space<vmem>>, vector<1x16xf32>,
          %mul3A_1007 = arith.constant 16 : i32
          %mul3A_1008 = arith.muli %scan3A_140, %mul3A_1007 : i32
          %add3A_1009 = arith.constant 5 : i32
          %add3A_1010 = arith.addi %mul3A_1008, %add3A_1009 : i32
          %get3A_1011 = arith.index_cast %add3A_1010 : i32 to index
          %get3A_1012 = arith.constant 112 : index
          %get3A_1013 = tpu.vector_load %arg11[%get3A_1011, %get3A_1012] {strides = array<i32>} : memref<128x128xf32, #tpu.memory_space<vmem>>, vector<1x16xf32>,
          %get3A_1014 = vector.shape_cast %get3A_1013 : vector<1x16xf32> to vector<16xf32>
          %mul3A_1015 = arith.mulf %get3A_1014, %broadcast_in_dim3A_880 : vector<16xf32>
          %mul3A_1016 = arith.constant 16 : i32
          %mul3A_1017 = arith.muli %scan3A_140, %mul3A_1016 : i32
          %add3A_1018 = arith.constant 5 : i32
          %add3A_1019 = arith.addi %mul3A_1017, %add3A_1018 : i32
          %swap3A_1020 = arith.index_cast %add3A_1019 : i32 to index
          %swap3A_1021 = arith.constant 112 : index
          %swap3A_1022 = tpu.vector_load %arg11[%swap3A_1020, %swap3A_1021] {strides = array<i32>} : memref<128x128xf32, #tpu.memory_space<vmem>>, vector<1x16xf32>,
          %swap3A_1023 = vector.shape_cast %swap3A_1022 : vector<1x16xf32> to vector<16xf32>
          %swap3A_1024 = vector.shape_cast %mul3A_1015 : vector<16xf32> to vector<1x16xf32>
          tpu.vector_store %arg11[%swap3A_1020, %swap3A_1021], %swap3A_1024 {strides = array<i32>} : memref<128x128xf32, #tpu.memory_space<vmem>>, vector<1x16xf32>,
          %slice3A_1025 = vector.extract_strided_slice %get3A_146 {offsets = [6], sizes = [1], strides = [1]} : vector<16xf32> to vector<1xf32>
          %squeeze3A_1026 = vector.extract %slice3A_1025[0] : f32 from vector<1xf32>
          %broadcast_in_dim3A_1027 = vector.broadcast %squeeze3A_1026 : f32 to vector<16xf32>
          %mul3A_1028 = arith.constant 16 : i32
          %mul3A_1029 = arith.muli %scan3A_140, %mul3A_1028 : i32
          %add3A_1030 = arith.constant 6 : i32
          %add3A_1031 = arith.addi %mul3A_1029, %add3A_1030 : i32
          %get3A_1032 = arith.index_cast %add3A_1031 : i32 to index
          %get3A_1033 = arith.constant 0 : index
          %get3A_1034 = tpu.vector_load %arg11[%get3A_1032, %get3A_1033] {strides = array<i32>} : memref<128x128xf32, #tpu.memory_space<vmem>>, vector<1x16xf32>,
          %get3A_1035 = vector.shape_cast %get3A_1034 : vector<1x16xf32> to vector<16xf32>
          %mul3A_1036 = arith.mulf %get3A_1035, %broadcast_in_dim3A_1027 : vector<16xf32>
          %mul3A_1037 = arith.constant 16 : i32
          %mul3A_1038 = arith.muli %scan3A_140, %mul3A_1037 : i32
          %add3A_1039 = arith.constant 6 : i32
          %add3A_1040 = arith.addi %mul3A_1038, %add3A_1039 : i32
          %swap3A_1041 = arith.index_cast %add3A_1040 : i32 to index
          %swap3A_1042 = arith.constant 0 : index
          %swap3A_1043 = tpu.vector_load %arg11[%swap3A_1041, %swap3A_1042] {strides = array<i32>} : memref<128x128xf32, #tpu.memory_space<vmem>>, vector<1x16xf32>,
          %swap3A_1044 = vector.shape_cast %swap3A_1043 : vector<1x16xf32> to vector<16xf32>
          %swap3A_1045 = vector.shape_cast %mul3A_1036 : vector<16xf32> to vector<1x16xf32>
          tpu.vector_store %arg11[%swap3A_1041, %swap3A_1042], %swap3A_1045 {strides = array<i32>} : memref<128x128xf32, #tpu.memory_space<vmem>>, vector<1x16xf32>,
          %mul3A_1046 = arith.constant 16 : i32
          %mul3A_1047 = arith.muli %scan3A_140, %mul3A_1046 : i32
          %add3A_1048 = arith.constant 6 : i32
          %add3A_1049 = arith.addi %mul3A_1047, %add3A_1048 : i32
          %get3A_1050 = arith.index_cast %add3A_1049 : i32 to index
          %get3A_1051 = arith.constant 16 : index
          %get3A_1052 = tpu.vector_load %arg11[%get3A_1050, %get3A_1051] {strides = array<i32>} : memref<128x128xf32, #tpu.memory_space<vmem>>, vector<1x16xf32>,
          %get3A_1053 = vector.shape_cast %get3A_1052 : vector<1x16xf32> to vector<16xf32>
          %mul3A_1054 = arith.mulf %get3A_1053, %broadcast_in_dim3A_1027 : vector<16xf32>
          %mul3A_1055 = arith.constant 16 : i32
          %mul3A_1056 = arith.muli %scan3A_140, %mul3A_1055 : i32
          %add3A_1057 = arith.constant 6 : i32
          %add3A_1058 = arith.addi %mul3A_1056, %add3A_1057 : i32
          %swap3A_1059 = arith.index_cast %add3A_1058 : i32 to index
          %swap3A_1060 = arith.constant 16 : index
          %swap3A_1061 = tpu.vector_load %arg11[%swap3A_1059, %swap3A_1060] {strides = array<i32>} : memref<128x128xf32, #tpu.memory_space<vmem>>, vector<1x16xf32>,
          %swap3A_1062 = vector.shape_cast %swap3A_1061 : vector<1x16xf32> to vector<16xf32>
          %swap3A_1063 = vector.shape_cast %mul3A_1054 : vector<16xf32> to vector<1x16xf32>
          tpu.vector_store %arg11[%swap3A_1059, %swap3A_1060], %swap3A_1063 {strides = array<i32>} : memref<128x128xf32, #tpu.memory_space<vmem>>, vector<1x16xf32>,
          %mul3A_1064 = arith.constant 16 : i32
          %mul3A_1065 = arith.muli %scan3A_140, %mul3A_1064 : i32
          %add3A_1066 = arith.constant 6 : i32
          %add3A_1067 = arith.addi %mul3A_1065, %add3A_1066 : i32
          %get3A_1068 = arith.index_cast %add3A_1067 : i32 to index
          %get3A_1069 = arith.constant 32 : index
          %get3A_1070 = tpu.vector_load %arg11[%get3A_1068, %get3A_1069] {strides = array<i32>} : memref<128x128xf32, #tpu.memory_space<vmem>>, vector<1x16xf32>,
          %get3A_1071 = vector.shape_cast %get3A_1070 : vector<1x16xf32> to vector<16xf32>
          %mul3A_1072 = arith.mulf %get3A_1071, %broadcast_in_dim3A_1027 : vector<16xf32>
          %mul3A_1073 = arith.constant 16 : i32
          %mul3A_1074 = arith.muli %scan3A_140, %mul3A_1073 : i32
          %add3A_1075 = arith.constant 6 : i32
          %add3A_1076 = arith.addi %mul3A_1074, %add3A_1075 : i32
          %swap3A_1077 = arith.index_cast %add3A_1076 : i32 to index
          %swap3A_1078 = arith.constant 32 : index
          %swap3A_1079 = tpu.vector_load %arg11[%swap3A_1077, %swap3A_1078] {strides = array<i32>} : memref<128x128xf32, #tpu.memory_space<vmem>>, vector<1x16xf32>,
          %swap3A_1080 = vector.shape_cast %swap3A_1079 : vector<1x16xf32> to vector<16xf32>
          %swap3A_1081 = vector.shape_cast %mul3A_1072 : vector<16xf32> to vector<1x16xf32>
          tpu.vector_store %arg11[%swap3A_1077, %swap3A_1078], %swap3A_1081 {strides = array<i32>} : memref<128x128xf32, #tpu.memory_space<vmem>>, vector<1x16xf32>,
          %mul3A_1082 = arith.constant 16 : i32
          %mul3A_1083 = arith.muli %scan3A_140, %mul3A_1082 : i32
          %add3A_1084 = arith.constant 6 : i32
          %add3A_1085 = arith.addi %mul3A_1083, %add3A_1084 : i32
          %get3A_1086 = arith.index_cast %add3A_1085 : i32 to index
          %get3A_1087 = arith.constant 48 : index
          %get3A_1088 = tpu.vector_load %arg11[%get3A_1086, %get3A_1087] {strides = array<i32>} : memref<128x128xf32, #tpu.memory_space<vmem>>, vector<1x16xf32>,
          %get3A_1089 = vector.shape_cast %get3A_1088 : vector<1x16xf32> to vector<16xf32>
          %mul3A_1090 = arith.mulf %get3A_1089, %broadcast_in_dim3A_1027 : vector<16xf32>
          %mul3A_1091 = arith.constant 16 : i32
          %mul3A_1092 = arith.muli %scan3A_140, %mul3A_1091 : i32
          %add3A_1093 = arith.constant 6 : i32
          %add3A_1094 = arith.addi %mul3A_1092, %add3A_1093 : i32
          %swap3A_1095 = arith.index_cast %add3A_1094 : i32 to index
          %swap3A_1096 = arith.constant 48 : index
          %swap3A_1097 = tpu.vector_load %arg11[%swap3A_1095, %swap3A_1096] {strides = array<i32>} : memref<128x128xf32, #tpu.memory_space<vmem>>, vector<1x16xf32>,
          %swap3A_1098 = vector.shape_cast %swap3A_1097 : vector<1x16xf32> to vector<16xf32>
          %swap3A_1099 = vector.shape_cast %mul3A_1090 : vector<16xf32> to vector<1x16xf32>
          tpu.vector_store %arg11[%swap3A_1095, %swap3A_1096], %swap3A_1099 {strides = array<i32>} : memref<128x128xf32, #tpu.memory_space<vmem>>, vector<1x16xf32>,
          %mul3A_1100 = arith.constant 16 : i32
          %mul3A_1101 = arith.muli %scan3A_140, %mul3A_1100 : i32
          %add3A_1102 = arith.constant 6 : i32
          %add3A_1103 = arith.addi %mul3A_1101, %add3A_1102 : i32
          %get3A_1104 = arith.index_cast %add3A_1103 : i32 to index
          %get3A_1105 = arith.constant 64 : index
          %get3A_1106 = tpu.vector_load %arg11[%get3A_1104, %get3A_1105] {strides = array<i32>} : memref<128x128xf32, #tpu.memory_space<vmem>>, vector<1x16xf32>,
          %get3A_1107 = vector.shape_cast %get3A_1106 : vector<1x16xf32> to vector<16xf32>
          %mul3A_1108 = arith.mulf %get3A_1107, %broadcast_in_dim3A_1027 : vector<16xf32>
          %mul3A_1109 = arith.constant 16 : i32
          %mul3A_1110 = arith.muli %scan3A_140, %mul3A_1109 : i32
          %add3A_1111 = arith.constant 6 : i32
          %add3A_1112 = arith.addi %mul3A_1110, %add3A_1111 : i32
          %swap3A_1113 = arith.index_cast %add3A_1112 : i32 to index
          %swap3A_1114 = arith.constant 64 : index
          %swap3A_1115 = tpu.vector_load %arg11[%swap3A_1113, %swap3A_1114] {strides = array<i32>} : memref<128x128xf32, #tpu.memory_space<vmem>>, vector<1x16xf32>,
          %swap3A_1116 = vector.shape_cast %swap3A_1115 : vector<1x16xf32> to vector<16xf32>
          %swap3A_1117 = vector.shape_cast %mul3A_1108 : vector<16xf32> to vector<1x16xf32>
          tpu.vector_store %arg11[%swap3A_1113, %swap3A_1114], %swap3A_1117 {strides = array<i32>} : memref<128x128xf32, #tpu.memory_space<vmem>>, vector<1x16xf32>,
          %mul3A_1118 = arith.constant 16 : i32
          %mul3A_1119 = arith.muli %scan3A_140, %mul3A_1118 : i32
          %add3A_1120 = arith.constant 6 : i32
          %add3A_1121 = arith.addi %mul3A_1119, %add3A_1120 : i32
          %get3A_1122 = arith.index_cast %add3A_1121 : i32 to index
          %get3A_1123 = arith.constant 80 : index
          %get3A_1124 = tpu.vector_load %arg11[%get3A_1122, %get3A_1123] {strides = array<i32>} : memref<128x128xf32, #tpu.memory_space<vmem>>, vector<1x16xf32>,
          %get3A_1125 = vector.shape_cast %get3A_1124 : vector<1x16xf32> to vector<16xf32>
          %mul3A_1126 = arith.mulf %get3A_1125, %broadcast_in_dim3A_1027 : vector<16xf32>
          %mul3A_1127 = arith.constant 16 : i32
          %mul3A_1128 = arith.muli %scan3A_140, %mul3A_1127 : i32
          %add3A_1129 = arith.constant 6 : i32
          %add3A_1130 = arith.addi %mul3A_1128, %add3A_1129 : i32
          %swap3A_1131 = arith.index_cast %add3A_1130 : i32 to index
          %swap3A_1132 = arith.constant 80 : index
          %swap3A_1133 = tpu.vector_load %arg11[%swap3A_1131, %swap3A_1132] {strides = array<i32>} : memref<128x128xf32, #tpu.memory_space<vmem>>, vector<1x16xf32>,
          %swap3A_1134 = vector.shape_cast %swap3A_1133 : vector<1x16xf32> to vector<16xf32>
          %swap3A_1135 = vector.shape_cast %mul3A_1126 : vector<16xf32> to vector<1x16xf32>
          tpu.vector_store %arg11[%swap3A_1131, %swap3A_1132], %swap3A_1135 {strides = array<i32>} : memref<128x128xf32, #tpu.memory_space<vmem>>, vector<1x16xf32>,
          %mul3A_1136 = arith.constant 16 : i32
          %mul3A_1137 = arith.muli %scan3A_140, %mul3A_1136 : i32
          %add3A_1138 = arith.constant 6 : i32
          %add3A_1139 = arith.addi %mul3A_1137, %add3A_1138 : i32
          %get3A_1140 = arith.index_cast %add3A_1139 : i32 to index
          %get3A_1141 = arith.constant 96 : index
          %get3A_1142 = tpu.vector_load %arg11[%get3A_1140, %get3A_1141] {strides = array<i32>} : memref<128x128xf32, #tpu.memory_space<vmem>>, vector<1x16xf32>,
          %get3A_1143 = vector.shape_cast %get3A_1142 : vector<1x16xf32> to vector<16xf32>
          %mul3A_1144 = arith.mulf %get3A_1143, %broadcast_in_dim3A_1027 : vector<16xf32>
          %mul3A_1145 = arith.constant 16 : i32
          %mul3A_1146 = arith.muli %scan3A_140, %mul3A_1145 : i32
          %add3A_1147 = arith.constant 6 : i32
          %add3A_1148 = arith.addi %mul3A_1146, %add3A_1147 : i32
          %swap3A_1149 = arith.index_cast %add3A_1148 : i32 to index
          %swap3A_1150 = arith.constant 96 : index
          %swap3A_1151 = tpu.vector_load %arg11[%swap3A_1149, %swap3A_1150] {strides = array<i32>} : memref<128x128xf32, #tpu.memory_space<vmem>>, vector<1x16xf32>,
          %swap3A_1152 = vector.shape_cast %swap3A_1151 : vector<1x16xf32> to vector<16xf32>
          %swap3A_1153 = vector.shape_cast %mul3A_1144 : vector<16xf32> to vector<1x16xf32>
          tpu.vector_store %arg11[%swap3A_1149, %swap3A_1150], %swap3A_1153 {strides = array<i32>} : memref<128x128xf32, #tpu.memory_space<vmem>>, vector<1x16xf32>,
          %mul3A_1154 = arith.constant 16 : i32
          %mul3A_1155 = arith.muli %scan3A_140, %mul3A_1154 : i32
          %add3A_1156 = arith.constant 6 : i32
          %add3A_1157 = arith.addi %mul3A_1155, %add3A_1156 : i32
          %get3A_1158 = arith.index_cast %add3A_1157 : i32 to index
          %get3A_1159 = arith.constant 112 : index
          %get3A_1160 = tpu.vector_load %arg11[%get3A_1158, %get3A_1159] {strides = array<i32>} : memref<128x128xf32, #tpu.memory_space<vmem>>, vector<1x16xf32>,
          %get3A_1161 = vector.shape_cast %get3A_1160 : vector<1x16xf32> to vector<16xf32>
          %mul3A_1162 = arith.mulf %get3A_1161, %broadcast_in_dim3A_1027 : vector<16xf32>
          %mul3A_1163 = arith.constant 16 : i32
          %mul3A_1164 = arith.muli %scan3A_140, %mul3A_1163 : i32
          %add3A_1165 = arith.constant 6 : i32
          %add3A_1166 = arith.addi %mul3A_1164, %add3A_1165 : i32
          %swap3A_1167 = arith.index_cast %add3A_1166 : i32 to index
          %swap3A_1168 = arith.constant 112 : index
          %swap3A_1169 = tpu.vector_load %arg11[%swap3A_1167, %swap3A_1168] {strides = array<i32>} : memref<128x128xf32, #tpu.memory_space<vmem>>, vector<1x16xf32>,
          %swap3A_1170 = vector.shape_cast %swap3A_1169 : vector<1x16xf32> to vector<16xf32>
          %swap3A_1171 = vector.shape_cast %mul3A_1162 : vector<16xf32> to vector<1x16xf32>
          tpu.vector_store %arg11[%swap3A_1167, %swap3A_1168], %swap3A_1171 {strides = array<i32>} : memref<128x128xf32, #tpu.memory_space<vmem>>, vector<1x16xf32>,
          %slice3A_1172 = vector.extract_strided_slice %get3A_146 {offsets = [7], sizes = [1], strides = [1]} : vector<16xf32> to vector<1xf32>
          %squeeze3A_1173 = vector.extract %slice3A_1172[0] : f32 from vector<1xf32>
          %broadcast_in_dim3A_1174 = vector.broadcast %squeeze3A_1173 : f32 to vector<16xf32>
          %mul3A_1175 = arith.constant 16 : i32
          %mul3A_1176 = arith.muli %scan3A_140, %mul3A_1175 : i32
          %add3A_1177 = arith.constant 7 : i32
          %add3A_1178 = arith.addi %mul3A_1176, %add3A_1177 : i32
          %get3A_1179 = arith.index_cast %add3A_1178 : i32 to index
          %get3A_1180 = arith.constant 0 : index
          %get3A_1181 = tpu.vector_load %arg11[%get3A_1179, %get3A_1180] {strides = array<i32>} : memref<128x128xf32, #tpu.memory_space<vmem>>, vector<1x16xf32>,
          %get3A_1182 = vector.shape_cast %get3A_1181 : vector<1x16xf32> to vector<16xf32>
          %mul3A_1183 = arith.mulf %get3A_1182, %broadcast_in_dim3A_1174 : vector<16xf32>
          %mul3A_1184 = arith.constant 16 : i32
          %mul3A_1185 = arith.muli %scan3A_140, %mul3A_1184 : i32
          %add3A_1186 = arith.constant 7 : i32
          %add3A_1187 = arith.addi %mul3A_1185, %add3A_1186 : i32
          %swap3A_1188 = arith.index_cast %add3A_1187 : i32 to index
          %swap3A_1189 = arith.constant 0 : index
          %swap3A_1190 = tpu.vector_load %arg11[%swap3A_1188, %swap3A_1189] {strides = array<i32>} : memref<128x128xf32, #tpu.memory_space<vmem>>, vector<1x16xf32>,
          %swap3A_1191 = vector.shape_cast %swap3A_1190 : vector<1x16xf32> to vector<16xf32>
          %swap3A_1192 = vector.shape_cast %mul3A_1183 : vector<16xf32> to vector<1x16xf32>
          tpu.vector_store %arg11[%swap3A_1188, %swap3A_1189], %swap3A_1192 {strides = array<i32>} : memref<128x128xf32, #tpu.memory_space<vmem>>, vector<1x16xf32>,
          %mul3A_1193 = arith.constant 16 : i32
          %mul3A_1194 = arith.muli %scan3A_140, %mul3A_1193 : i32
          %add3A_1195 = arith.constant 7 : i32
          %add3A_1196 = arith.addi %mul3A_1194, %add3A_1195 : i32
          %get3A_1197 = arith.index_cast %add3A_1196 : i32 to index
          %get3A_1198 = arith.constant 16 : index
          %get3A_1199 = tpu.vector_load %arg11[%get3A_1197, %get3A_1198] {strides = array<i32>} : memref<128x128xf32, #tpu.memory_space<vmem>>, vector<1x16xf32>,
          %get3A_1200 = vector.shape_cast %get3A_1199 : vector<1x16xf32> to vector<16xf32>
          %mul3A_1201 = arith.mulf %get3A_1200, %broadcast_in_dim3A_1174 : vector<16xf32>
          %mul3A_1202 = arith.constant 16 : i32
          %mul3A_1203 = arith.muli %scan3A_140, %mul3A_1202 : i32
          %add3A_1204 = arith.constant 7 : i32
          %add3A_1205 = arith.addi %mul3A_1203, %add3A_1204 : i32
          %swap3A_1206 = arith.index_cast %add3A_1205 : i32 to index
          %swap3A_1207 = arith.constant 16 : index
          %swap3A_1208 = tpu.vector_load %arg11[%swap3A_1206, %swap3A_1207] {strides = array<i32>} : memref<128x128xf32, #tpu.memory_space<vmem>>, vector<1x16xf32>,
          %swap3A_1209 = vector.shape_cast %swap3A_1208 : vector<1x16xf32> to vector<16xf32>
          %swap3A_1210 = vector.shape_cast %mul3A_1201 : vector<16xf32> to vector<1x16xf32>
          tpu.vector_store %arg11[%swap3A_1206, %swap3A_1207], %swap3A_1210 {strides = array<i32>} : memref<128x128xf32, #tpu.memory_space<vmem>>, vector<1x16xf32>,
          %mul3A_1211 = arith.constant 16 : i32
          %mul3A_1212 = arith.muli %scan3A_140, %mul3A_1211 : i32
          %add3A_1213 = arith.constant 7 : i32
          %add3A_1214 = arith.addi %mul3A_1212, %add3A_1213 : i32
          %get3A_1215 = arith.index_cast %add3A_1214 : i32 to index
          %get3A_1216 = arith.constant 32 : index
          %get3A_1217 = tpu.vector_load %arg11[%get3A_1215, %get3A_1216] {strides = array<i32>} : memref<128x128xf32, #tpu.memory_space<vmem>>, vector<1x16xf32>,
          %get3A_1218 = vector.shape_cast %get3A_1217 : vector<1x16xf32> to vector<16xf32>
          %mul3A_1219 = arith.mulf %get3A_1218, %broadcast_in_dim3A_1174 : vector<16xf32>
          %mul3A_1220 = arith.constant 16 : i32
          %mul3A_1221 = arith.muli %scan3A_140, %mul3A_1220 : i32
          %add3A_1222 = arith.constant 7 : i32
          %add3A_1223 = arith.addi %mul3A_1221, %add3A_1222 : i32
          %swap3A_1224 = arith.index_cast %add3A_1223 : i32 to index
          %swap3A_1225 = arith.constant 32 : index
          %swap3A_1226 = tpu.vector_load %arg11[%swap3A_1224, %swap3A_1225] {strides = array<i32>} : memref<128x128xf32, #tpu.memory_space<vmem>>, vector<1x16xf32>,
          %swap3A_1227 = vector.shape_cast %swap3A_1226 : vector<1x16xf32> to vector<16xf32>
          %swap3A_1228 = vector.shape_cast %mul3A_1219 : vector<16xf32> to vector<1x16xf32>
          tpu.vector_store %arg11[%swap3A_1224, %swap3A_1225], %swap3A_1228 {strides = array<i32>} : memref<128x128xf32, #tpu.memory_space<vmem>>, vector<1x16xf32>,
          %mul3A_1229 = arith.constant 16 : i32
          %mul3A_1230 = arith.muli %scan3A_140, %mul3A_1229 : i32
          %add3A_1231 = arith.constant 7 : i32
          %add3A_1232 = arith.addi %mul3A_1230, %add3A_1231 : i32
          %get3A_1233 = arith.index_cast %add3A_1232 : i32 to index
          %get3A_1234 = arith.constant 48 : index
          %get3A_1235 = tpu.vector_load %arg11[%get3A_1233, %get3A_1234] {strides = array<i32>} : memref<128x128xf32, #tpu.memory_space<vmem>>, vector<1x16xf32>,
          %get3A_1236 = vector.shape_cast %get3A_1235 : vector<1x16xf32> to vector<16xf32>
          %mul3A_1237 = arith.mulf %get3A_1236, %broadcast_in_dim3A_1174 : vector<16xf32>
          %mul3A_1238 = arith.constant 16 : i32
          %mul3A_1239 = arith.muli %scan3A_140, %mul3A_1238 : i32
          %add3A_1240 = arith.constant 7 : i32
          %add3A_1241 = arith.addi %mul3A_1239, %add3A_1240 : i32
          %swap3A_1242 = arith.index_cast %add3A_1241 : i32 to index
          %swap3A_1243 = arith.constant 48 : index
          %swap3A_1244 = tpu.vector_load %arg11[%swap3A_1242, %swap3A_1243] {strides = array<i32>} : memref<128x128xf32, #tpu.memory_space<vmem>>, vector<1x16xf32>,
          %swap3A_1245 = vector.shape_cast %swap3A_1244 : vector<1x16xf32> to vector<16xf32>
          %swap3A_1246 = vector.shape_cast %mul3A_1237 : vector<16xf32> to vector<1x16xf32>
          tpu.vector_store %arg11[%swap3A_1242, %swap3A_1243], %swap3A_1246 {strides = array<i32>} : memref<128x128xf32, #tpu.memory_space<vmem>>, vector<1x16xf32>,
          %mul3A_1247 = arith.constant 16 : i32
          %mul3A_1248 = arith.muli %scan3A_140, %mul3A_1247 : i32
          %add3A_1249 = arith.constant 7 : i32
          %add3A_1250 = arith.addi %mul3A_1248, %add3A_1249 : i32
          %get3A_1251 = arith.index_cast %add3A_1250 : i32 to index
          %get3A_1252 = arith.constant 64 : index
          %get3A_1253 = tpu.vector_load %arg11[%get3A_1251, %get3A_1252] {strides = array<i32>} : memref<128x128xf32, #tpu.memory_space<vmem>>, vector<1x16xf32>,
          %get3A_1254 = vector.shape_cast %get3A_1253 : vector<1x16xf32> to vector<16xf32>
          %mul3A_1255 = arith.mulf %get3A_1254, %broadcast_in_dim3A_1174 : vector<16xf32>
          %mul3A_1256 = arith.constant 16 : i32
          %mul3A_1257 = arith.muli %scan3A_140, %mul3A_1256 : i32
          %add3A_1258 = arith.constant 7 : i32
          %add3A_1259 = arith.addi %mul3A_1257, %add3A_1258 : i32
          %swap3A_1260 = arith.index_cast %add3A_1259 : i32 to index
          %swap3A_1261 = arith.constant 64 : index
          %swap3A_1262 = tpu.vector_load %arg11[%swap3A_1260, %swap3A_1261] {strides = array<i32>} : memref<128x128xf32, #tpu.memory_space<vmem>>, vector<1x16xf32>,
          %swap3A_1263 = vector.shape_cast %swap3A_1262 : vector<1x16xf32> to vector<16xf32>
          %swap3A_1264 = vector.shape_cast %mul3A_1255 : vector<16xf32> to vector<1x16xf32>
          tpu.vector_store %arg11[%swap3A_1260, %swap3A_1261], %swap3A_1264 {strides = array<i32>} : memref<128x128xf32, #tpu.memory_space<vmem>>, vector<1x16xf32>,
          %mul3A_1265 = arith.constant 16 : i32
          %mul3A_1266 = arith.muli %scan3A_140, %mul3A_1265 : i32
          %add3A_1267 = arith.constant 7 : i32
          %add3A_1268 = arith.addi %mul3A_1266, %add3A_1267 : i32
          %get3A_1269 = arith.index_cast %add3A_1268 : i32 to index
          %get3A_1270 = arith.constant 80 : index
          %get3A_1271 = tpu.vector_load %arg11[%get3A_1269, %get3A_1270] {strides = array<i32>} : memref<128x128xf32, #tpu.memory_space<vmem>>, vector<1x16xf32>,
          %get3A_1272 = vector.shape_cast %get3A_1271 : vector<1x16xf32> to vector<16xf32>
          %mul3A_1273 = arith.mulf %get3A_1272, %broadcast_in_dim3A_1174 : vector<16xf32>
          %mul3A_1274 = arith.constant 16 : i32
          %mul3A_1275 = arith.muli %scan3A_140, %mul3A_1274 : i32
          %add3A_1276 = arith.constant 7 : i32
          %add3A_1277 = arith.addi %mul3A_1275, %add3A_1276 : i32
          %swap3A_1278 = arith.index_cast %add3A_1277 : i32 to index
          %swap3A_1279 = arith.constant 80 : index
          %swap3A_1280 = tpu.vector_load %arg11[%swap3A_1278, %swap3A_1279] {strides = array<i32>} : memref<128x128xf32, #tpu.memory_space<vmem>>, vector<1x16xf32>,
          %swap3A_1281 = vector.shape_cast %swap3A_1280 : vector<1x16xf32> to vector<16xf32>
          %swap3A_1282 = vector.shape_cast %mul3A_1273 : vector<16xf32> to vector<1x16xf32>
          tpu.vector_store %arg11[%swap3A_1278, %swap3A_1279], %swap3A_1282 {strides = array<i32>} : memref<128x128xf32, #tpu.memory_space<vmem>>, vector<1x16xf32>,
          %mul3A_1283 = arith.constant 16 : i32
          %mul3A_1284 = arith.muli %scan3A_140, %mul3A_1283 : i32
          %add3A_1285 = arith.constant 7 : i32
          %add3A_1286 = arith.addi %mul3A_1284, %add3A_1285 : i32
          %get3A_1287 = arith.index_cast %add3A_1286 : i32 to index
          %get3A_1288 = arith.constant 96 : index
          %get3A_1289 = tpu.vector_load %arg11[%get3A_1287, %get3A_1288] {strides = array<i32>} : memref<128x128xf32, #tpu.memory_space<vmem>>, vector<1x16xf32>,
          %get3A_1290 = vector.shape_cast %get3A_1289 : vector<1x16xf32> to vector<16xf32>
          %mul3A_1291 = arith.mulf %get3A_1290, %broadcast_in_dim3A_1174 : vector<16xf32>
          %mul3A_1292 = arith.constant 16 : i32
          %mul3A_1293 = arith.muli %scan3A_140, %mul3A_1292 : i32
          %add3A_1294 = arith.constant 7 : i32
          %add3A_1295 = arith.addi %mul3A_1293, %add3A_1294 : i32
          %swap3A_1296 = arith.index_cast %add3A_1295 : i32 to index
          %swap3A_1297 = arith.constant 96 : index
          %swap3A_1298 = tpu.vector_load %arg11[%swap3A_1296, %swap3A_1297] {strides = array<i32>} : memref<128x128xf32, #tpu.memory_space<vmem>>, vector<1x16xf32>,
          %swap3A_1299 = vector.shape_cast %swap3A_1298 : vector<1x16xf32> to vector<16xf32>
          %swap3A_1300 = vector.shape_cast %mul3A_1291 : vector<16xf32> to vector<1x16xf32>
          tpu.vector_store %arg11[%swap3A_1296, %swap3A_1297], %swap3A_1300 {strides = array<i32>} : memref<128x128xf32, #tpu.memory_space<vmem>>, vector<1x16xf32>,
          %mul3A_1301 = arith.constant 16 : i32
          %mul3A_1302 = arith.muli %scan3A_140, %mul3A_1301 : i32
          %add3A_1303 = arith.constant 7 : i32
          %add3A_1304 = arith.addi %mul3A_1302, %add3A_1303 : i32
          %get3A_1305 = arith.index_cast %add3A_1304 : i32 to index
          %get3A_1306 = arith.constant 112 : index
          %get3A_1307 = tpu.vector_load %arg11[%get3A_1305, %get3A_1306] {strides = array<i32>} : memref<128x128xf32, #tpu.memory_space<vmem>>, vector<1x16xf32>,
          %get3A_1308 = vector.shape_cast %get3A_1307 : vector<1x16xf32> to vector<16xf32>
          %mul3A_1309 = arith.mulf %get3A_1308, %broadcast_in_dim3A_1174 : vector<16xf32>
          %mul3A_1310 = arith.constant 16 : i32
          %mul3A_1311 = arith.muli %scan3A_140, %mul3A_1310 : i32
          %add3A_1312 = arith.constant 7 : i32
          %add3A_1313 = arith.addi %mul3A_1311, %add3A_1312 : i32
          %swap3A_1314 = arith.index_cast %add3A_1313 : i32 to index
          %swap3A_1315 = arith.constant 112 : index
          %swap3A_1316 = tpu.vector_load %arg11[%swap3A_1314, %swap3A_1315] {strides = array<i32>} : memref<128x128xf32, #tpu.memory_space<vmem>>, vector<1x16xf32>,
          %swap3A_1317 = vector.shape_cast %swap3A_1316 : vector<1x16xf32> to vector<16xf32>
          %swap3A_1318 = vector.shape_cast %mul3A_1309 : vector<16xf32> to vector<1x16xf32>
          tpu.vector_store %arg11[%swap3A_1314, %swap3A_1315], %swap3A_1318 {strides = array<i32>} : memref<128x128xf32, #tpu.memory_space<vmem>>, vector<1x16xf32>,
          %slice3A_1319 = vector.extract_strided_slice %get3A_146 {offsets = [8], sizes = [1], strides = [1]} : vector<16xf32> to vector<1xf32>
          %squeeze3A_1320 = vector.extract %slice3A_1319[0] : f32 from vector<1xf32>
          %broadcast_in_dim3A_1321 = vector.broadcast %squeeze3A_1320 : f32 to vector<16xf32>
          %mul3A_1322 = arith.constant 16 : i32
          %mul3A_1323 = arith.muli %scan3A_140, %mul3A_1322 : i32
          %add3A_1324 = arith.constant 8 : i32
          %add3A_1325 = arith.addi %mul3A_1323, %add3A_1324 : i32
          %get3A_1326 = arith.index_cast %add3A_1325 : i32 to index
          %get3A_1327 = arith.constant 0 : index
          %get3A_1328 = tpu.vector_load %arg11[%get3A_1326, %get3A_1327] {strides = array<i32>} : memref<128x128xf32, #tpu.memory_space<vmem>>, vector<1x16xf32>,
          %get3A_1329 = vector.shape_cast %get3A_1328 : vector<1x16xf32> to vector<16xf32>
          %mul3A_1330 = arith.mulf %get3A_1329, %broadcast_in_dim3A_1321 : vector<16xf32>
          %mul3A_1331 = arith.constant 16 : i32
          %mul3A_1332 = arith.muli %scan3A_140, %mul3A_1331 : i32
          %add3A_1333 = arith.constant 8 : i32
          %add3A_1334 = arith.addi %mul3A_1332, %add3A_1333 : i32
          %swap3A_1335 = arith.index_cast %add3A_1334 : i32 to index
          %swap3A_1336 = arith.constant 0 : index
          %swap3A_1337 = tpu.vector_load %arg11[%swap3A_1335, %swap3A_1336] {strides = array<i32>} : memref<128x128xf32, #tpu.memory_space<vmem>>, vector<1x16xf32>,
          %swap3A_1338 = vector.shape_cast %swap3A_1337 : vector<1x16xf32> to vector<16xf32>
          %swap3A_1339 = vector.shape_cast %mul3A_1330 : vector<16xf32> to vector<1x16xf32>
          tpu.vector_store %arg11[%swap3A_1335, %swap3A_1336], %swap3A_1339 {strides = array<i32>} : memref<128x128xf32, #tpu.memory_space<vmem>>, vector<1x16xf32>,
          %mul3A_1340 = arith.constant 16 : i32
          %mul3A_1341 = arith.muli %scan3A_140, %mul3A_1340 : i32
          %add3A_1342 = arith.constant 8 : i32
          %add3A_1343 = arith.addi %mul3A_1341, %add3A_1342 : i32
          %get3A_1344 = arith.index_cast %add3A_1343 : i32 to index
          %get3A_1345 = arith.constant 16 : index
          %get3A_1346 = tpu.vector_load %arg11[%get3A_1344, %get3A_1345] {strides = array<i32>} : memref<128x128xf32, #tpu.memory_space<vmem>>, vector<1x16xf32>,
          %get3A_1347 = vector.shape_cast %get3A_1346 : vector<1x16xf32> to vector<16xf32>
          %mul3A_1348 = arith.mulf %get3A_1347, %broadcast_in_dim3A_1321 : vector<16xf32>
          %mul3A_1349 = arith.constant 16 : i32
          %mul3A_1350 = arith.muli %scan3A_140, %mul3A_1349 : i32
          %add3A_1351 = arith.constant 8 : i32
          %add3A_1352 = arith.addi %mul3A_1350, %add3A_1351 : i32
          %swap3A_1353 = arith.index_cast %add3A_1352 : i32 to index
          %swap3A_1354 = arith.constant 16 : index
          %swap3A_1355 = tpu.vector_load %arg11[%swap3A_1353, %swap3A_1354] {strides = array<i32>} : memref<128x128xf32, #tpu.memory_space<vmem>>, vector<1x16xf32>,
          %swap3A_1356 = vector.shape_cast %swap3A_1355 : vector<1x16xf32> to vector<16xf32>
          %swap3A_1357 = vector.shape_cast %mul3A_1348 : vector<16xf32> to vector<1x16xf32>
          tpu.vector_store %arg11[%swap3A_1353, %swap3A_1354], %swap3A_1357 {strides = array<i32>} : memref<128x128xf32, #tpu.memory_space<vmem>>, vector<1x16xf32>,
          %mul3A_1358 = arith.constant 16 : i32
          %mul3A_1359 = arith.muli %scan3A_140, %mul3A_1358 : i32
          %add3A_1360 = arith.constant 8 : i32
          %add3A_1361 = arith.addi %mul3A_1359, %add3A_1360 : i32
          %get3A_1362 = arith.index_cast %add3A_1361 : i32 to index
          %get3A_1363 = arith.constant 32 : index
          %get3A_1364 = tpu.vector_load %arg11[%get3A_1362, %get3A_1363] {strides = array<i32>} : memref<128x128xf32, #tpu.memory_space<vmem>>, vector<1x16xf32>,
          %get3A_1365 = vector.shape_cast %get3A_1364 : vector<1x16xf32> to vector<16xf32>
          %mul3A_1366 = arith.mulf %get3A_1365, %broadcast_in_dim3A_1321 : vector<16xf32>
          %mul3A_1367 = arith.constant 16 : i32
          %mul3A_1368 = arith.muli %scan3A_140, %mul3A_1367 : i32
          %add3A_1369 = arith.constant 8 : i32
          %add3A_1370 = arith.addi %mul3A_1368, %add3A_1369 : i32
          %swap3A_1371 = arith.index_cast %add3A_1370 : i32 to index
          %swap3A_1372 = arith.constant 32 : index
          %swap3A_1373 = tpu.vector_load %arg11[%swap3A_1371, %swap3A_1372] {strides = array<i32>} : memref<128x128xf32, #tpu.memory_space<vmem>>, vector<1x16xf32>,
          %swap3A_1374 = vector.shape_cast %swap3A_1373 : vector<1x16xf32> to vector<16xf32>
          %swap3A_1375 = vector.shape_cast %mul3A_1366 : vector<16xf32> to vector<1x16xf32>
          tpu.vector_store %arg11[%swap3A_1371, %swap3A_1372], %swap3A_1375 {strides = array<i32>} : memref<128x128xf32, #tpu.memory_space<vmem>>, vector<1x16xf32>,
          %mul3A_1376 = arith.constant 16 : i32
          %mul3A_1377 = arith.muli %scan3A_140, %mul3A_1376 : i32
          %add3A_1378 = arith.constant 8 : i32
          %add3A_1379 = arith.addi %mul3A_1377, %add3A_1378 : i32
          %get3A_1380 = arith.index_cast %add3A_1379 : i32 to index
          %get3A_1381 = arith.constant 48 : index
          %get3A_1382 = tpu.vector_load %arg11[%get3A_1380, %get3A_1381] {strides = array<i32>} : memref<128x128xf32, #tpu.memory_space<vmem>>, vector<1x16xf32>,
          %get3A_1383 = vector.shape_cast %get3A_1382 : vector<1x16xf32> to vector<16xf32>
          %mul3A_1384 = arith.mulf %get3A_1383, %broadcast_in_dim3A_1321 : vector<16xf32>
          %mul3A_1385 = arith.constant 16 : i32
          %mul3A_1386 = arith.muli %scan3A_140, %mul3A_1385 : i32
          %add3A_1387 = arith.constant 8 : i32
          %add3A_1388 = arith.addi %mul3A_1386, %add3A_1387 : i32
          %swap3A_1389 = arith.index_cast %add3A_1388 : i32 to index
          %swap3A_1390 = arith.constant 48 : index
          %swap3A_1391 = tpu.vector_load %arg11[%swap3A_1389, %swap3A_1390] {strides = array<i32>} : memref<128x128xf32, #tpu.memory_space<vmem>>, vector<1x16xf32>,
          %swap3A_1392 = vector.shape_cast %swap3A_1391 : vector<1x16xf32> to vector<16xf32>
          %swap3A_1393 = vector.shape_cast %mul3A_1384 : vector<16xf32> to vector<1x16xf32>
          tpu.vector_store %arg11[%swap3A_1389, %swap3A_1390], %swap3A_1393 {strides = array<i32>} : memref<128x128xf32, #tpu.memory_space<vmem>>, vector<1x16xf32>,
          %mul3A_1394 = arith.constant 16 : i32
          %mul3A_1395 = arith.muli %scan3A_140, %mul3A_1394 : i32
          %add3A_1396 = arith.constant 8 : i32
          %add3A_1397 = arith.addi %mul3A_1395, %add3A_1396 : i32
          %get3A_1398 = arith.index_cast %add3A_1397 : i32 to index
          %get3A_1399 = arith.constant 64 : index
          %get3A_1400 = tpu.vector_load %arg11[%get3A_1398, %get3A_1399] {strides = array<i32>} : memref<128x128xf32, #tpu.memory_space<vmem>>, vector<1x16xf32>,
          %get3A_1401 = vector.shape_cast %get3A_1400 : vector<1x16xf32> to vector<16xf32>
          %mul3A_1402 = arith.mulf %get3A_1401, %broadcast_in_dim3A_1321 : vector<16xf32>
          %mul3A_1403 = arith.constant 16 : i32
          %mul3A_1404 = arith.muli %scan3A_140, %mul3A_1403 : i32
          %add3A_1405 = arith.constant 8 : i32
          %add3A_1406 = arith.addi %mul3A_1404, %add3A_1405 : i32
          %swap3A_1407 = arith.index_cast %add3A_1406 : i32 to index
          %swap3A_1408 = arith.constant 64 : index
          %swap3A_1409 = tpu.vector_load %arg11[%swap3A_1407, %swap3A_1408] {strides = array<i32>} : memref<128x128xf32, #tpu.memory_space<vmem>>, vector<1x16xf32>,
          %swap3A_1410 = vector.shape_cast %swap3A_1409 : vector<1x16xf32> to vector<16xf32>
          %swap3A_1411 = vector.shape_cast %mul3A_1402 : vector<16xf32> to vector<1x16xf32>
          tpu.vector_store %arg11[%swap3A_1407, %swap3A_1408], %swap3A_1411 {strides = array<i32>} : memref<128x128xf32, #tpu.memory_space<vmem>>, vector<1x16xf32>,
          %mul3A_1412 = arith.constant 16 : i32
          %mul3A_1413 = arith.muli %scan3A_140, %mul3A_1412 : i32
          %add3A_1414 = arith.constant 8 : i32
          %add3A_1415 = arith.addi %mul3A_1413, %add3A_1414 : i32
          %get3A_1416 = arith.index_cast %add3A_1415 : i32 to index
          %get3A_1417 = arith.constant 80 : index
          %get3A_1418 = tpu.vector_load %arg11[%get3A_1416, %get3A_1417] {strides = array<i32>} : memref<128x128xf32, #tpu.memory_space<vmem>>, vector<1x16xf32>,
          %get3A_1419 = vector.shape_cast %get3A_1418 : vector<1x16xf32> to vector<16xf32>
          %mul3A_1420 = arith.mulf %get3A_1419, %broadcast_in_dim3A_1321 : vector<16xf32>
          %mul3A_1421 = arith.constant 16 : i32
          %mul3A_1422 = arith.muli %scan3A_140, %mul3A_1421 : i32
          %add3A_1423 = arith.constant 8 : i32
          %add3A_1424 = arith.addi %mul3A_1422, %add3A_1423 : i32
          %swap3A_1425 = arith.index_cast %add3A_1424 : i32 to index
          %swap3A_1426 = arith.constant 80 : index
          %swap3A_1427 = tpu.vector_load %arg11[%swap3A_1425, %swap3A_1426] {strides = array<i32>} : memref<128x128xf32, #tpu.memory_space<vmem>>, vector<1x16xf32>,
          %swap3A_1428 = vector.shape_cast %swap3A_1427 : vector<1x16xf32> to vector<16xf32>
          %swap3A_1429 = vector.shape_cast %mul3A_1420 : vector<16xf32> to vector<1x16xf32>
          tpu.vector_store %arg11[%swap3A_1425, %swap3A_1426], %swap3A_1429 {strides = array<i32>} : memref<128x128xf32, #tpu.memory_space<vmem>>, vector<1x16xf32>,
          %mul3A_1430 = arith.constant 16 : i32
          %mul3A_1431 = arith.muli %scan3A_140, %mul3A_1430 : i32
          %add3A_1432 = arith.constant 8 : i32
          %add3A_1433 = arith.addi %mul3A_1431, %add3A_1432 : i32
          %get3A_1434 = arith.index_cast %add3A_1433 : i32 to index
          %get3A_1435 = arith.constant 96 : index
          %get3A_1436 = tpu.vector_load %arg11[%get3A_1434, %get3A_1435] {strides = array<i32>} : memref<128x128xf32, #tpu.memory_space<vmem>>, vector<1x16xf32>,
          %get3A_1437 = vector.shape_cast %get3A_1436 : vector<1x16xf32> to vector<16xf32>
          %mul3A_1438 = arith.mulf %get3A_1437, %broadcast_in_dim3A_1321 : vector<16xf32>
          %mul3A_1439 = arith.constant 16 : i32
          %mul3A_1440 = arith.muli %scan3A_140, %mul3A_1439 : i32
          %add3A_1441 = arith.constant 8 : i32
          %add3A_1442 = arith.addi %mul3A_1440, %add3A_1441 : i32
          %swap3A_1443 = arith.index_cast %add3A_1442 : i32 to index
          %swap3A_1444 = arith.constant 96 : index
          %swap3A_1445 = tpu.vector_load %arg11[%swap3A_1443, %swap3A_1444] {strides = array<i32>} : memref<128x128xf32, #tpu.memory_space<vmem>>, vector<1x16xf32>,
          %swap3A_1446 = vector.shape_cast %swap3A_1445 : vector<1x16xf32> to vector<16xf32>
          %swap3A_1447 = vector.shape_cast %mul3A_1438 : vector<16xf32> to vector<1x16xf32>
          tpu.vector_store %arg11[%swap3A_1443, %swap3A_1444], %swap3A_1447 {strides = array<i32>} : memref<128x128xf32, #tpu.memory_space<vmem>>, vector<1x16xf32>,
          %mul3A_1448 = arith.constant 16 : i32
          %mul3A_1449 = arith.muli %scan3A_140, %mul3A_1448 : i32
          %add3A_1450 = arith.constant 8 : i32
          %add3A_1451 = arith.addi %mul3A_1449, %add3A_1450 : i32
          %get3A_1452 = arith.index_cast %add3A_1451 : i32 to index
          %get3A_1453 = arith.constant 112 : index
          %get3A_1454 = tpu.vector_load %arg11[%get3A_1452, %get3A_1453] {strides = array<i32>} : memref<128x128xf32, #tpu.memory_space<vmem>>, vector<1x16xf32>,
          %get3A_1455 = vector.shape_cast %get3A_1454 : vector<1x16xf32> to vector<16xf32>
          %mul3A_1456 = arith.mulf %get3A_1455, %broadcast_in_dim3A_1321 : vector<16xf32>
          %mul3A_1457 = arith.constant 16 : i32
          %mul3A_1458 = arith.muli %scan3A_140, %mul3A_1457 : i32
          %add3A_1459 = arith.constant 8 : i32
          %add3A_1460 = arith.addi %mul3A_1458, %add3A_1459 : i32
          %swap3A_1461 = arith.index_cast %add3A_1460 : i32 to index
          %swap3A_1462 = arith.constant 112 : index
          %swap3A_1463 = tpu.vector_load %arg11[%swap3A_1461, %swap3A_1462] {strides = array<i32>} : memref<128x128xf32, #tpu.memory_space<vmem>>, vector<1x16xf32>,
          %swap3A_1464 = vector.shape_cast %swap3A_1463 : vector<1x16xf32> to vector<16xf32>
          %swap3A_1465 = vector.shape_cast %mul3A_1456 : vector<16xf32> to vector<1x16xf32>
          tpu.vector_store %arg11[%swap3A_1461, %swap3A_1462], %swap3A_1465 {strides = array<i32>} : memref<128x128xf32, #tpu.memory_space<vmem>>, vector<1x16xf32>,
          %slice3A_1466 = vector.extract_strided_slice %get3A_146 {offsets = [9], sizes = [1], strides = [1]} : vector<16xf32> to vector<1xf32>
          %squeeze3A_1467 = vector.extract %slice3A_1466[0] : f32 from vector<1xf32>
          %broadcast_in_dim3A_1468 = vector.broadcast %squeeze3A_1467 : f32 to vector<16xf32>
          %mul3A_1469 = arith.constant 16 : i32
          %mul3A_1470 = arith.muli %scan3A_140, %mul3A_1469 : i32
          %add3A_1471 = arith.constant 9 : i32
          %add3A_1472 = arith.addi %mul3A_1470, %add3A_1471 : i32
          %get3A_1473 = arith.index_cast %add3A_1472 : i32 to index
          %get3A_1474 = arith.constant 0 : index
          %get3A_1475 = tpu.vector_load %arg11[%get3A_1473, %get3A_1474] {strides = array<i32>} : memref<128x128xf32, #tpu.memory_space<vmem>>, vector<1x16xf32>,
          %get3A_1476 = vector.shape_cast %get3A_1475 : vector<1x16xf32> to vector<16xf32>
          %mul3A_1477 = arith.mulf %get3A_1476, %broadcast_in_dim3A_1468 : vector<16xf32>
          %mul3A_1478 = arith.constant 16 : i32
          %mul3A_1479 = arith.muli %scan3A_140, %mul3A_1478 : i32
          %add3A_1480 = arith.constant 9 : i32
          %add3A_1481 = arith.addi %mul3A_1479, %add3A_1480 : i32
          %swap3A_1482 = arith.index_cast %add3A_1481 : i32 to index
          %swap3A_1483 = arith.constant 0 : index
          %swap3A_1484 = tpu.vector_load %arg11[%swap3A_1482, %swap3A_1483] {strides = array<i32>} : memref<128x128xf32, #tpu.memory_space<vmem>>, vector<1x16xf32>,
          %swap3A_1485 = vector.shape_cast %swap3A_1484 : vector<1x16xf32> to vector<16xf32>
          %swap3A_1486 = vector.shape_cast %mul3A_1477 : vector<16xf32> to vector<1x16xf32>
          tpu.vector_store %arg11[%swap3A_1482, %swap3A_1483], %swap3A_1486 {strides = array<i32>} : memref<128x128xf32, #tpu.memory_space<vmem>>, vector<1x16xf32>,
          %mul3A_1487 = arith.constant 16 : i32
          %mul3A_1488 = arith.muli %scan3A_140, %mul3A_1487 : i32
          %add3A_1489 = arith.constant 9 : i32
          %add3A_1490 = arith.addi %mul3A_1488, %add3A_1489 : i32
          %get3A_1491 = arith.index_cast %add3A_1490 : i32 to index
          %get3A_1492 = arith.constant 16 : index
          %get3A_1493 = tpu.vector_load %arg11[%get3A_1491, %get3A_1492] {strides = array<i32>} : memref<128x128xf32, #tpu.memory_space<vmem>>, vector<1x16xf32>,
          %get3A_1494 = vector.shape_cast %get3A_1493 : vector<1x16xf32> to vector<16xf32>
          %mul3A_1495 = arith.mulf %get3A_1494, %broadcast_in_dim3A_1468 : vector<16xf32>
          %mul3A_1496 = arith.constant 16 : i32
          %mul3A_1497 = arith.muli %scan3A_140, %mul3A_1496 : i32
          %add3A_1498 = arith.constant 9 : i32
          %add3A_1499 = arith.addi %mul3A_1497, %add3A_1498 : i32
          %swap3A_1500 = arith.index_cast %add3A_1499 : i32 to index
          %swap3A_1501 = arith.constant 16 : index
          %swap3A_1502 = tpu.vector_load %arg11[%swap3A_1500, %swap3A_1501] {strides = array<i32>} : memref<128x128xf32, #tpu.memory_space<vmem>>, vector<1x16xf32>,
          %swap3A_1503 = vector.shape_cast %swap3A_1502 : vector<1x16xf32> to vector<16xf32>
          %swap3A_1504 = vector.shape_cast %mul3A_1495 : vector<16xf32> to vector<1x16xf32>
          tpu.vector_store %arg11[%swap3A_1500, %swap3A_1501], %swap3A_1504 {strides = array<i32>} : memref<128x128xf32, #tpu.memory_space<vmem>>, vector<1x16xf32>,
          %mul3A_1505 = arith.constant 16 : i32
          %mul3A_1506 = arith.muli %scan3A_140, %mul3A_1505 : i32
          %add3A_1507 = arith.constant 9 : i32
          %add3A_1508 = arith.addi %mul3A_1506, %add3A_1507 : i32
          %get3A_1509 = arith.index_cast %add3A_1508 : i32 to index
          %get3A_1510 = arith.constant 32 : index
          %get3A_1511 = tpu.vector_load %arg11[%get3A_1509, %get3A_1510] {strides = array<i32>} : memref<128x128xf32, #tpu.memory_space<vmem>>, vector<1x16xf32>,
          %get3A_1512 = vector.shape_cast %get3A_1511 : vector<1x16xf32> to vector<16xf32>
          %mul3A_1513 = arith.mulf %get3A_1512, %broadcast_in_dim3A_1468 : vector<16xf32>
          %mul3A_1514 = arith.constant 16 : i32
          %mul3A_1515 = arith.muli %scan3A_140, %mul3A_1514 : i32
          %add3A_1516 = arith.constant 9 : i32
          %add3A_1517 = arith.addi %mul3A_1515, %add3A_1516 : i32
          %swap3A_1518 = arith.index_cast %add3A_1517 : i32 to index
          %swap3A_1519 = arith.constant 32 : index
          %swap3A_1520 = tpu.vector_load %arg11[%swap3A_1518, %swap3A_1519] {strides = array<i32>} : memref<128x128xf32, #tpu.memory_space<vmem>>, vector<1x16xf32>,
          %swap3A_1521 = vector.shape_cast %swap3A_1520 : vector<1x16xf32> to vector<16xf32>
          %swap3A_1522 = vector.shape_cast %mul3A_1513 : vector<16xf32> to vector<1x16xf32>
          tpu.vector_store %arg11[%swap3A_1518, %swap3A_1519], %swap3A_1522 {strides = array<i32>} : memref<128x128xf32, #tpu.memory_space<vmem>>, vector<1x16xf32>,
          %mul3A_1523 = arith.constant 16 : i32
          %mul3A_1524 = arith.muli %scan3A_140, %mul3A_1523 : i32
          %add3A_1525 = arith.constant 9 : i32
          %add3A_1526 = arith.addi %mul3A_1524, %add3A_1525 : i32
          %get3A_1527 = arith.index_cast %add3A_1526 : i32 to index
          %get3A_1528 = arith.constant 48 : index
          %get3A_1529 = tpu.vector_load %arg11[%get3A_1527, %get3A_1528] {strides = array<i32>} : memref<128x128xf32, #tpu.memory_space<vmem>>, vector<1x16xf32>,
          %get3A_1530 = vector.shape_cast %get3A_1529 : vector<1x16xf32> to vector<16xf32>
          %mul3A_1531 = arith.mulf %get3A_1530, %broadcast_in_dim3A_1468 : vector<16xf32>
          %mul3A_1532 = arith.constant 16 : i32
          %mul3A_1533 = arith.muli %scan3A_140, %mul3A_1532 : i32
          %add3A_1534 = arith.constant 9 : i32
          %add3A_1535 = arith.addi %mul3A_1533, %add3A_1534 : i32
          %swap3A_1536 = arith.index_cast %add3A_1535 : i32 to index
          %swap3A_1537 = arith.constant 48 : index
          %swap3A_1538 = tpu.vector_load %arg11[%swap3A_1536, %swap3A_1537] {strides = array<i32>} : memref<128x128xf32, #tpu.memory_space<vmem>>, vector<1x16xf32>,
          %swap3A_1539 = vector.shape_cast %swap3A_1538 : vector<1x16xf32> to vector<16xf32>
          %swap3A_1540 = vector.shape_cast %mul3A_1531 : vector<16xf32> to vector<1x16xf32>
          tpu.vector_store %arg11[%swap3A_1536, %swap3A_1537], %swap3A_1540 {strides = array<i32>} : memref<128x128xf32, #tpu.memory_space<vmem>>, vector<1x16xf32>,
          %mul3A_1541 = arith.constant 16 : i32
          %mul3A_1542 = arith.muli %scan3A_140, %mul3A_1541 : i32
          %add3A_1543 = arith.constant 9 : i32
          %add3A_1544 = arith.addi %mul3A_1542, %add3A_1543 : i32
          %get3A_1545 = arith.index_cast %add3A_1544 : i32 to index
          %get3A_1546 = arith.constant 64 : index
          %get3A_1547 = tpu.vector_load %arg11[%get3A_1545, %get3A_1546] {strides = array<i32>} : memref<128x128xf32, #tpu.memory_space<vmem>>, vector<1x16xf32>,
          %get3A_1548 = vector.shape_cast %get3A_1547 : vector<1x16xf32> to vector<16xf32>
          %mul3A_1549 = arith.mulf %get3A_1548, %broadcast_in_dim3A_1468 : vector<16xf32>
          %mul3A_1550 = arith.constant 16 : i32
          %mul3A_1551 = arith.muli %scan3A_140, %mul3A_1550 : i32
          %add3A_1552 = arith.constant 9 : i32
          %add3A_1553 = arith.addi %mul3A_1551, %add3A_1552 : i32
          %swap3A_1554 = arith.index_cast %add3A_1553 : i32 to index
          %swap3A_1555 = arith.constant 64 : index
          %swap3A_1556 = tpu.vector_load %arg11[%swap3A_1554, %swap3A_1555] {strides = array<i32>} : memref<128x128xf32, #tpu.memory_space<vmem>>, vector<1x16xf32>,
          %swap3A_1557 = vector.shape_cast %swap3A_1556 : vector<1x16xf32> to vector<16xf32>
          %swap3A_1558 = vector.shape_cast %mul3A_1549 : vector<16xf32> to vector<1x16xf32>
          tpu.vector_store %arg11[%swap3A_1554, %swap3A_1555], %swap3A_1558 {strides = array<i32>} : memref<128x128xf32, #tpu.memory_space<vmem>>, vector<1x16xf32>,
          %mul3A_1559 = arith.constant 16 : i32
          %mul3A_1560 = arith.muli %scan3A_140, %mul3A_1559 : i32
          %add3A_1561 = arith.constant 9 : i32
          %add3A_1562 = arith.addi %mul3A_1560, %add3A_1561 : i32
          %get3A_1563 = arith.index_cast %add3A_1562 : i32 to index
          %get3A_1564 = arith.constant 80 : index
          %get3A_1565 = tpu.vector_load %arg11[%get3A_1563, %get3A_1564] {strides = array<i32>} : memref<128x128xf32, #tpu.memory_space<vmem>>, vector<1x16xf32>,
          %get3A_1566 = vector.shape_cast %get3A_1565 : vector<1x16xf32> to vector<16xf32>
          %mul3A_1567 = arith.mulf %get3A_1566, %broadcast_in_dim3A_1468 : vector<16xf32>
          %mul3A_1568 = arith.constant 16 : i32
          %mul3A_1569 = arith.muli %scan3A_140, %mul3A_1568 : i32
          %add3A_1570 = arith.constant 9 : i32
          %add3A_1571 = arith.addi %mul3A_1569, %add3A_1570 : i32
          %swap3A_1572 = arith.index_cast %add3A_1571 : i32 to index
          %swap3A_1573 = arith.constant 80 : index
          %swap3A_1574 = tpu.vector_load %arg11[%swap3A_1572, %swap3A_1573] {strides = array<i32>} : memref<128x128xf32, #tpu.memory_space<vmem>>, vector<1x16xf32>,
          %swap3A_1575 = vector.shape_cast %swap3A_1574 : vector<1x16xf32> to vector<16xf32>
          %swap3A_1576 = vector.shape_cast %mul3A_1567 : vector<16xf32> to vector<1x16xf32>
          tpu.vector_store %arg11[%swap3A_1572, %swap3A_1573], %swap3A_1576 {strides = array<i32>} : memref<128x128xf32, #tpu.memory_space<vmem>>, vector<1x16xf32>,
          %mul3A_1577 = arith.constant 16 : i32
          %mul3A_1578 = arith.muli %scan3A_140, %mul3A_1577 : i32
          %add3A_1579 = arith.constant 9 : i32
          %add3A_1580 = arith.addi %mul3A_1578, %add3A_1579 : i32
          %get3A_1581 = arith.index_cast %add3A_1580 : i32 to index
          %get3A_1582 = arith.constant 96 : index
          %get3A_1583 = tpu.vector_load %arg11[%get3A_1581, %get3A_1582] {strides = array<i32>} : memref<128x128xf32, #tpu.memory_space<vmem>>, vector<1x16xf32>,
          %get3A_1584 = vector.shape_cast %get3A_1583 : vector<1x16xf32> to vector<16xf32>
          %mul3A_1585 = arith.mulf %get3A_1584, %broadcast_in_dim3A_1468 : vector<16xf32>
          %mul3A_1586 = arith.constant 16 : i32
          %mul3A_1587 = arith.muli %scan3A_140, %mul3A_1586 : i32
          %add3A_1588 = arith.constant 9 : i32
          %add3A_1589 = arith.addi %mul3A_1587, %add3A_1588 : i32
          %swap3A_1590 = arith.index_cast %add3A_1589 : i32 to index
          %swap3A_1591 = arith.constant 96 : index
          %swap3A_1592 = tpu.vector_load %arg11[%swap3A_1590, %swap3A_1591] {strides = array<i32>} : memref<128x128xf32, #tpu.memory_space<vmem>>, vector<1x16xf32>,
          %swap3A_1593 = vector.shape_cast %swap3A_1592 : vector<1x16xf32> to vector<16xf32>
          %swap3A_1594 = vector.shape_cast %mul3A_1585 : vector<16xf32> to vector<1x16xf32>
          tpu.vector_store %arg11[%swap3A_1590, %swap3A_1591], %swap3A_1594 {strides = array<i32>} : memref<128x128xf32, #tpu.memory_space<vmem>>, vector<1x16xf32>,
          %mul3A_1595 = arith.constant 16 : i32
          %mul3A_1596 = arith.muli %scan3A_140, %mul3A_1595 : i32
          %add3A_1597 = arith.constant 9 : i32
          %add3A_1598 = arith.addi %mul3A_1596, %add3A_1597 : i32
          %get3A_1599 = arith.index_cast %add3A_1598 : i32 to index
          %get3A_1600 = arith.constant 112 : index
          %get3A_1601 = tpu.vector_load %arg11[%get3A_1599, %get3A_1600] {strides = array<i32>} : memref<128x128xf32, #tpu.memory_space<vmem>>, vector<1x16xf32>,
          %get3A_1602 = vector.shape_cast %get3A_1601 : vector<1x16xf32> to vector<16xf32>
          %mul3A_1603 = arith.mulf %get3A_1602, %broadcast_in_dim3A_1468 : vector<16xf32>
          %mul3A_1604 = arith.constant 16 : i32
          %mul3A_1605 = arith.muli %scan3A_140, %mul3A_1604 : i32
          %add3A_1606 = arith.constant 9 : i32
          %add3A_1607 = arith.addi %mul3A_1605, %add3A_1606 : i32
          %swap3A_1608 = arith.index_cast %add3A_1607 : i32 to index
          %swap3A_1609 = arith.constant 112 : index
          %swap3A_1610 = tpu.vector_load %arg11[%swap3A_1608, %swap3A_1609] {strides = array<i32>} : memref<128x128xf32, #tpu.memory_space<vmem>>, vector<1x16xf32>,
          %swap3A_1611 = vector.shape_cast %swap3A_1610 : vector<1x16xf32> to vector<16xf32>
          %swap3A_1612 = vector.shape_cast %mul3A_1603 : vector<16xf32> to vector<1x16xf32>
          tpu.vector_store %arg11[%swap3A_1608, %swap3A_1609], %swap3A_1612 {strides = array<i32>} : memref<128x128xf32, #tpu.memory_space<vmem>>, vector<1x16xf32>,
          %slice3A_1613 = vector.extract_strided_slice %get3A_146 {offsets = [10], sizes = [1], strides = [1]} : vector<16xf32> to vector<1xf32>
          %squeeze3A_1614 = vector.extract %slice3A_1613[0] : f32 from vector<1xf32>
          %broadcast_in_dim3A_1615 = vector.broadcast %squeeze3A_1614 : f32 to vector<16xf32>
          %mul3A_1616 = arith.constant 16 : i32
          %mul3A_1617 = arith.muli %scan3A_140, %mul3A_1616 : i32
          %add3A_1618 = arith.constant 10 : i32
          %add3A_1619 = arith.addi %mul3A_1617, %add3A_1618 : i32
          %get3A_1620 = arith.index_cast %add3A_1619 : i32 to index
          %get3A_1621 = arith.constant 0 : index
          %get3A_1622 = tpu.vector_load %arg11[%get3A_1620, %get3A_1621] {strides = array<i32>} : memref<128x128xf32, #tpu.memory_space<vmem>>, vector<1x16xf32>,
          %get3A_1623 = vector.shape_cast %get3A_1622 : vector<1x16xf32> to vector<16xf32>
          %mul3A_1624 = arith.mulf %get3A_1623, %broadcast_in_dim3A_1615 : vector<16xf32>
          %mul3A_1625 = arith.constant 16 : i32
          %mul3A_1626 = arith.muli %scan3A_140, %mul3A_1625 : i32
          %add3A_1627 = arith.constant 10 : i32
          %add3A_1628 = arith.addi %mul3A_1626, %add3A_1627 : i32
          %swap3A_1629 = arith.index_cast %add3A_1628 : i32 to index
          %swap3A_1630 = arith.constant 0 : index
          %swap3A_1631 = tpu.vector_load %arg11[%swap3A_1629, %swap3A_1630] {strides = array<i32>} : memref<128x128xf32, #tpu.memory_space<vmem>>, vector<1x16xf32>,
          %swap3A_1632 = vector.shape_cast %swap3A_1631 : vector<1x16xf32> to vector<16xf32>
          %swap3A_1633 = vector.shape_cast %mul3A_1624 : vector<16xf32> to vector<1x16xf32>
          tpu.vector_store %arg11[%swap3A_1629, %swap3A_1630], %swap3A_1633 {strides = array<i32>} : memref<128x128xf32, #tpu.memory_space<vmem>>, vector<1x16xf32>,
          %mul3A_1634 = arith.constant 16 : i32
          %mul3A_1635 = arith.muli %scan3A_140, %mul3A_1634 : i32
          %add3A_1636 = arith.constant 10 : i32
          %add3A_1637 = arith.addi %mul3A_1635, %add3A_1636 : i32
          %get3A_1638 = arith.index_cast %add3A_1637 : i32 to index
          %get3A_1639 = arith.constant 16 : index
          %get3A_1640 = tpu.vector_load %arg11[%get3A_1638, %get3A_1639] {strides = array<i32>} : memref<128x128xf32, #tpu.memory_space<vmem>>, vector<1x16xf32>,
          %get3A_1641 = vector.shape_cast %get3A_1640 : vector<1x16xf32> to vector<16xf32>
          %mul3A_1642 = arith.mulf %get3A_1641, %broadcast_in_dim3A_1615 : vector<16xf32>
          %mul3A_1643 = arith.constant 16 : i32
          %mul3A_1644 = arith.muli %scan3A_140, %mul3A_1643 : i32
          %add3A_1645 = arith.constant 10 : i32
          %add3A_1646 = arith.addi %mul3A_1644, %add3A_1645 : i32
          %swap3A_1647 = arith.index_cast %add3A_1646 : i32 to index
          %swap3A_1648 = arith.constant 16 : index
          %swap3A_1649 = tpu.vector_load %arg11[%swap3A_1647, %swap3A_1648] {strides = array<i32>} : memref<128x128xf32, #tpu.memory_space<vmem>>, vector<1x16xf32>,
          %swap3A_1650 = vector.shape_cast %swap3A_1649 : vector<1x16xf32> to vector<16xf32>
          %swap3A_1651 = vector.shape_cast %mul3A_1642 : vector<16xf32> to vector<1x16xf32>
          tpu.vector_store %arg11[%swap3A_1647, %swap3A_1648], %swap3A_1651 {strides = array<i32>} : memref<128x128xf32, #tpu.memory_space<vmem>>, vector<1x16xf32>,
          %mul3A_1652 = arith.constant 16 : i32
          %mul3A_1653 = arith.muli %scan3A_140, %mul3A_1652 : i32
          %add3A_1654 = arith.constant 10 : i32
          %add3A_1655 = arith.addi %mul3A_1653, %add3A_1654 : i32
          %get3A_1656 = arith.index_cast %add3A_1655 : i32 to index
          %get3A_1657 = arith.constant 32 : index
          %get3A_1658 = tpu.vector_load %arg11[%get3A_1656, %get3A_1657] {strides = array<i32>} : memref<128x128xf32, #tpu.memory_space<vmem>>, vector<1x16xf32>,
          %get3A_1659 = vector.shape_cast %get3A_1658 : vector<1x16xf32> to vector<16xf32>
          %mul3A_1660 = arith.mulf %get3A_1659, %broadcast_in_dim3A_1615 : vector<16xf32>
          %mul3A_1661 = arith.constant 16 : i32
          %mul3A_1662 = arith.muli %scan3A_140, %mul3A_1661 : i32
          %add3A_1663 = arith.constant 10 : i32
          %add3A_1664 = arith.addi %mul3A_1662, %add3A_1663 : i32
          %swap3A_1665 = arith.index_cast %add3A_1664 : i32 to index
          %swap3A_1666 = arith.constant 32 : index
          %swap3A_1667 = tpu.vector_load %arg11[%swap3A_1665, %swap3A_1666] {strides = array<i32>} : memref<128x128xf32, #tpu.memory_space<vmem>>, vector<1x16xf32>,
          %swap3A_1668 = vector.shape_cast %swap3A_1667 : vector<1x16xf32> to vector<16xf32>
          %swap3A_1669 = vector.shape_cast %mul3A_1660 : vector<16xf32> to vector<1x16xf32>
          tpu.vector_store %arg11[%swap3A_1665, %swap3A_1666], %swap3A_1669 {strides = array<i32>} : memref<128x128xf32, #tpu.memory_space<vmem>>, vector<1x16xf32>,
          %mul3A_1670 = arith.constant 16 : i32
          %mul3A_1671 = arith.muli %scan3A_140, %mul3A_1670 : i32
          %add3A_1672 = arith.constant 10 : i32
          %add3A_1673 = arith.addi %mul3A_1671, %add3A_1672 : i32
          %get3A_1674 = arith.index_cast %add3A_1673 : i32 to index
          %get3A_1675 = arith.constant 48 : index
          %get3A_1676 = tpu.vector_load %arg11[%get3A_1674, %get3A_1675] {strides = array<i32>} : memref<128x128xf32, #tpu.memory_space<vmem>>, vector<1x16xf32>,
          %get3A_1677 = vector.shape_cast %get3A_1676 : vector<1x16xf32> to vector<16xf32>
          %mul3A_1678 = arith.mulf %get3A_1677, %broadcast_in_dim3A_1615 : vector<16xf32>
          %mul3A_1679 = arith.constant 16 : i32
          %mul3A_1680 = arith.muli %scan3A_140, %mul3A_1679 : i32
          %add3A_1681 = arith.constant 10 : i32
          %add3A_1682 = arith.addi %mul3A_1680, %add3A_1681 : i32
          %swap3A_1683 = arith.index_cast %add3A_1682 : i32 to index
          %swap3A_1684 = arith.constant 48 : index
          %swap3A_1685 = tpu.vector_load %arg11[%swap3A_1683, %swap3A_1684] {strides = array<i32>} : memref<128x128xf32, #tpu.memory_space<vmem>>, vector<1x16xf32>,
          %swap3A_1686 = vector.shape_cast %swap3A_1685 : vector<1x16xf32> to vector<16xf32>
          %swap3A_1687 = vector.shape_cast %mul3A_1678 : vector<16xf32> to vector<1x16xf32>
          tpu.vector_store %arg11[%swap3A_1683, %swap3A_1684], %swap3A_1687 {strides = array<i32>} : memref<128x128xf32, #tpu.memory_space<vmem>>, vector<1x16xf32>,
          %mul3A_1688 = arith.constant 16 : i32
          %mul3A_1689 = arith.muli %scan3A_140, %mul3A_1688 : i32
          %add3A_1690 = arith.constant 10 : i32
          %add3A_1691 = arith.addi %mul3A_1689, %add3A_1690 : i32
          %get3A_1692 = arith.index_cast %add3A_1691 : i32 to index
          %get3A_1693 = arith.constant 64 : index
          %get3A_1694 = tpu.vector_load %arg11[%get3A_1692, %get3A_1693] {strides = array<i32>} : memref<128x128xf32, #tpu.memory_space<vmem>>, vector<1x16xf32>,
          %get3A_1695 = vector.shape_cast %get3A_1694 : vector<1x16xf32> to vector<16xf32>
          %mul3A_1696 = arith.mulf %get3A_1695, %broadcast_in_dim3A_1615 : vector<16xf32>
          %mul3A_1697 = arith.constant 16 : i32
          %mul3A_1698 = arith.muli %scan3A_140, %mul3A_1697 : i32
          %add3A_1699 = arith.constant 10 : i32
          %add3A_1700 = arith.addi %mul3A_1698, %add3A_1699 : i32
          %swap3A_1701 = arith.index_cast %add3A_1700 : i32 to index
          %swap3A_1702 = arith.constant 64 : index
          %swap3A_1703 = tpu.vector_load %arg11[%swap3A_1701, %swap3A_1702] {strides = array<i32>} : memref<128x128xf32, #tpu.memory_space<vmem>>, vector<1x16xf32>,
          %swap3A_1704 = vector.shape_cast %swap3A_1703 : vector<1x16xf32> to vector<16xf32>
          %swap3A_1705 = vector.shape_cast %mul3A_1696 : vector<16xf32> to vector<1x16xf32>
          tpu.vector_store %arg11[%swap3A_1701, %swap3A_1702], %swap3A_1705 {strides = array<i32>} : memref<128x128xf32, #tpu.memory_space<vmem>>, vector<1x16xf32>,
          %mul3A_1706 = arith.constant 16 : i32
          %mul3A_1707 = arith.muli %scan3A_140, %mul3A_1706 : i32
          %add3A_1708 = arith.constant 10 : i32
          %add3A_1709 = arith.addi %mul3A_1707, %add3A_1708 : i32
          %get3A_1710 = arith.index_cast %add3A_1709 : i32 to index
          %get3A_1711 = arith.constant 80 : index
          %get3A_1712 = tpu.vector_load %arg11[%get3A_1710, %get3A_1711] {strides = array<i32>} : memref<128x128xf32, #tpu.memory_space<vmem>>, vector<1x16xf32>,
          %get3A_1713 = vector.shape_cast %get3A_1712 : vector<1x16xf32> to vector<16xf32>
          %mul3A_1714 = arith.mulf %get3A_1713, %broadcast_in_dim3A_1615 : vector<16xf32>
          %mul3A_1715 = arith.constant 16 : i32
          %mul3A_1716 = arith.muli %scan3A_140, %mul3A_1715 : i32
          %add3A_1717 = arith.constant 10 : i32
          %add3A_1718 = arith.addi %mul3A_1716, %add3A_1717 : i32
          %swap3A_1719 = arith.index_cast %add3A_1718 : i32 to index
          %swap3A_1720 = arith.constant 80 : index
          %swap3A_1721 = tpu.vector_load %arg11[%swap3A_1719, %swap3A_1720] {strides = array<i32>} : memref<128x128xf32, #tpu.memory_space<vmem>>, vector<1x16xf32>,
          %swap3A_1722 = vector.shape_cast %swap3A_1721 : vector<1x16xf32> to vector<16xf32>
          %swap3A_1723 = vector.shape_cast %mul3A_1714 : vector<16xf32> to vector<1x16xf32>
          tpu.vector_store %arg11[%swap3A_1719, %swap3A_1720], %swap3A_1723 {strides = array<i32>} : memref<128x128xf32, #tpu.memory_space<vmem>>, vector<1x16xf32>,
          %mul3A_1724 = arith.constant 16 : i32
          %mul3A_1725 = arith.muli %scan3A_140, %mul3A_1724 : i32
          %add3A_1726 = arith.constant 10 : i32
          %add3A_1727 = arith.addi %mul3A_1725, %add3A_1726 : i32
          %get3A_1728 = arith.index_cast %add3A_1727 : i32 to index
          %get3A_1729 = arith.constant 96 : index
          %get3A_1730 = tpu.vector_load %arg11[%get3A_1728, %get3A_1729] {strides = array<i32>} : memref<128x128xf32, #tpu.memory_space<vmem>>, vector<1x16xf32>,
          %get3A_1731 = vector.shape_cast %get3A_1730 : vector<1x16xf32> to vector<16xf32>
          %mul3A_1732 = arith.mulf %get3A_1731, %broadcast_in_dim3A_1615 : vector<16xf32>
          %mul3A_1733 = arith.constant 16 : i32
          %mul3A_1734 = arith.muli %scan3A_140, %mul3A_1733 : i32
          %add3A_1735 = arith.constant 10 : i32
          %add3A_1736 = arith.addi %mul3A_1734, %add3A_1735 : i32
          %swap3A_1737 = arith.index_cast %add3A_1736 : i32 to index
          %swap3A_1738 = arith.constant 96 : index
          %swap3A_1739 = tpu.vector_load %arg11[%swap3A_1737, %swap3A_1738] {strides = array<i32>} : memref<128x128xf32, #tpu.memory_space<vmem>>, vector<1x16xf32>,
          %swap3A_1740 = vector.shape_cast %swap3A_1739 : vector<1x16xf32> to vector<16xf32>
          %swap3A_1741 = vector.shape_cast %mul3A_1732 : vector<16xf32> to vector<1x16xf32>
          tpu.vector_store %arg11[%swap3A_1737, %swap3A_1738], %swap3A_1741 {strides = array<i32>} : memref<128x128xf32, #tpu.memory_space<vmem>>, vector<1x16xf32>,
          %mul3A_1742 = arith.constant 16 : i32
          %mul3A_1743 = arith.muli %scan3A_140, %mul3A_1742 : i32
          %add3A_1744 = arith.constant 10 : i32
          %add3A_1745 = arith.addi %mul3A_1743, %add3A_1744 : i32
          %get3A_1746 = arith.index_cast %add3A_1745 : i32 to index
          %get3A_1747 = arith.constant 112 : index
          %get3A_1748 = tpu.vector_load %arg11[%get3A_1746, %get3A_1747] {strides = array<i32>} : memref<128x128xf32, #tpu.memory_space<vmem>>, vector<1x16xf32>,
          %get3A_1749 = vector.shape_cast %get3A_1748 : vector<1x16xf32> to vector<16xf32>
          %mul3A_1750 = arith.mulf %get3A_1749, %broadcast_in_dim3A_1615 : vector<16xf32>
          %mul3A_1751 = arith.constant 16 : i32
          %mul3A_1752 = arith.muli %scan3A_140, %mul3A_1751 : i32
          %add3A_1753 = arith.constant 10 : i32
          %add3A_1754 = arith.addi %mul3A_1752, %add3A_1753 : i32
          %swap3A_1755 = arith.index_cast %add3A_1754 : i32 to index
          %swap3A_1756 = arith.constant 112 : index
          %swap3A_1757 = tpu.vector_load %arg11[%swap3A_1755, %swap3A_1756] {strides = array<i32>} : memref<128x128xf32, #tpu.memory_space<vmem>>, vector<1x16xf32>,
          %swap3A_1758 = vector.shape_cast %swap3A_1757 : vector<1x16xf32> to vector<16xf32>
          %swap3A_1759 = vector.shape_cast %mul3A_1750 : vector<16xf32> to vector<1x16xf32>
          tpu.vector_store %arg11[%swap3A_1755, %swap3A_1756], %swap3A_1759 {strides = array<i32>} : memref<128x128xf32, #tpu.memory_space<vmem>>, vector<1x16xf32>,
          %slice3A_1760 = vector.extract_strided_slice %get3A_146 {offsets = [11], sizes = [1], strides = [1]} : vector<16xf32> to vector<1xf32>
          %squeeze3A_1761 = vector.extract %slice3A_1760[0] : f32 from vector<1xf32>
          %broadcast_in_dim3A_1762 = vector.broadcast %squeeze3A_1761 : f32 to vector<16xf32>
          %mul3A_1763 = arith.constant 16 : i32
          %mul3A_1764 = arith.muli %scan3A_140, %mul3A_1763 : i32
          %add3A_1765 = arith.constant 11 : i32
          %add3A_1766 = arith.addi %mul3A_1764, %add3A_1765 : i32
          %get3A_1767 = arith.index_cast %add3A_1766 : i32 to index
          %get3A_1768 = arith.constant 0 : index
          %get3A_1769 = tpu.vector_load %arg11[%get3A_1767, %get3A_1768] {strides = array<i32>} : memref<128x128xf32, #tpu.memory_space<vmem>>, vector<1x16xf32>,
          %get3A_1770 = vector.shape_cast %get3A_1769 : vector<1x16xf32> to vector<16xf32>
          %mul3A_1771 = arith.mulf %get3A_1770, %broadcast_in_dim3A_1762 : vector<16xf32>
          %mul3A_1772 = arith.constant 16 : i32
          %mul3A_1773 = arith.muli %scan3A_140, %mul3A_1772 : i32
          %add3A_1774 = arith.constant 11 : i32
          %add3A_1775 = arith.addi %mul3A_1773, %add3A_1774 : i32
          %swap3A_1776 = arith.index_cast %add3A_1775 : i32 to index
          %swap3A_1777 = arith.constant 0 : index
          %swap3A_1778 = tpu.vector_load %arg11[%swap3A_1776, %swap3A_1777] {strides = array<i32>} : memref<128x128xf32, #tpu.memory_space<vmem>>, vector<1x16xf32>,
          %swap3A_1779 = vector.shape_cast %swap3A_1778 : vector<1x16xf32> to vector<16xf32>
          %swap3A_1780 = vector.shape_cast %mul3A_1771 : vector<16xf32> to vector<1x16xf32>
          tpu.vector_store %arg11[%swap3A_1776, %swap3A_1777], %swap3A_1780 {strides = array<i32>} : memref<128x128xf32, #tpu.memory_space<vmem>>, vector<1x16xf32>,
          %mul3A_1781 = arith.constant 16 : i32
          %mul3A_1782 = arith.muli %scan3A_140, %mul3A_1781 : i32
          %add3A_1783 = arith.constant 11 : i32
          %add3A_1784 = arith.addi %mul3A_1782, %add3A_1783 : i32
          %get3A_1785 = arith.index_cast %add3A_1784 : i32 to index
          %get3A_1786 = arith.constant 16 : index
          %get3A_1787 = tpu.vector_load %arg11[%get3A_1785, %get3A_1786] {strides = array<i32>} : memref<128x128xf32, #tpu.memory_space<vmem>>, vector<1x16xf32>,
          %get3A_1788 = vector.shape_cast %get3A_1787 : vector<1x16xf32> to vector<16xf32>
          %mul3A_1789 = arith.mulf %get3A_1788, %broadcast_in_dim3A_1762 : vector<16xf32>
          %mul3A_1790 = arith.constant 16 : i32
          %mul3A_1791 = arith.muli %scan3A_140, %mul3A_1790 : i32
          %add3A_1792 = arith.constant 11 : i32
          %add3A_1793 = arith.addi %mul3A_1791, %add3A_1792 : i32
          %swap3A_1794 = arith.index_cast %add3A_1793 : i32 to index
          %swap3A_1795 = arith.constant 16 : index
          %swap3A_1796 = tpu.vector_load %arg11[%swap3A_1794, %swap3A_1795] {strides = array<i32>} : memref<128x128xf32, #tpu.memory_space<vmem>>, vector<1x16xf32>,
          %swap3A_1797 = vector.shape_cast %swap3A_1796 : vector<1x16xf32> to vector<16xf32>
          %swap3A_1798 = vector.shape_cast %mul3A_1789 : vector<16xf32> to vector<1x16xf32>
          tpu.vector_store %arg11[%swap3A_1794, %swap3A_1795], %swap3A_1798 {strides = array<i32>} : memref<128x128xf32, #tpu.memory_space<vmem>>, vector<1x16xf32>,
          %mul3A_1799 = arith.constant 16 : i32
          %mul3A_1800 = arith.muli %scan3A_140, %mul3A_1799 : i32
          %add3A_1801 = arith.constant 11 : i32
          %add3A_1802 = arith.addi %mul3A_1800, %add3A_1801 : i32
          %get3A_1803 = arith.index_cast %add3A_1802 : i32 to index
          %get3A_1804 = arith.constant 32 : index
          %get3A_1805 = tpu.vector_load %arg11[%get3A_1803, %get3A_1804] {strides = array<i32>} : memref<128x128xf32, #tpu.memory_space<vmem>>, vector<1x16xf32>,
          %get3A_1806 = vector.shape_cast %get3A_1805 : vector<1x16xf32> to vector<16xf32>
          %mul3A_1807 = arith.mulf %get3A_1806, %broadcast_in_dim3A_1762 : vector<16xf32>
          %mul3A_1808 = arith.constant 16 : i32
          %mul3A_1809 = arith.muli %scan3A_140, %mul3A_1808 : i32
          %add3A_1810 = arith.constant 11 : i32
          %add3A_1811 = arith.addi %mul3A_1809, %add3A_1810 : i32
          %swap3A_1812 = arith.index_cast %add3A_1811 : i32 to index
          %swap3A_1813 = arith.constant 32 : index
          %swap3A_1814 = tpu.vector_load %arg11[%swap3A_1812, %swap3A_1813] {strides = array<i32>} : memref<128x128xf32, #tpu.memory_space<vmem>>, vector<1x16xf32>,
          %swap3A_1815 = vector.shape_cast %swap3A_1814 : vector<1x16xf32> to vector<16xf32>
          %swap3A_1816 = vector.shape_cast %mul3A_1807 : vector<16xf32> to vector<1x16xf32>
          tpu.vector_store %arg11[%swap3A_1812, %swap3A_1813], %swap3A_1816 {strides = array<i32>} : memref<128x128xf32, #tpu.memory_space<vmem>>, vector<1x16xf32>,
          %mul3A_1817 = arith.constant 16 : i32
          %mul3A_1818 = arith.muli %scan3A_140, %mul3A_1817 : i32
          %add3A_1819 = arith.constant 11 : i32
          %add3A_1820 = arith.addi %mul3A_1818, %add3A_1819 : i32
          %get3A_1821 = arith.index_cast %add3A_1820 : i32 to index
          %get3A_1822 = arith.constant 48 : index
          %get3A_1823 = tpu.vector_load %arg11[%get3A_1821, %get3A_1822] {strides = array<i32>} : memref<128x128xf32, #tpu.memory_space<vmem>>, vector<1x16xf32>,
          %get3A_1824 = vector.shape_cast %get3A_1823 : vector<1x16xf32> to vector<16xf32>
          %mul3A_1825 = arith.mulf %get3A_1824, %broadcast_in_dim3A_1762 : vector<16xf32>
          %mul3A_1826 = arith.constant 16 : i32
          %mul3A_1827 = arith.muli %scan3A_140, %mul3A_1826 : i32
          %add3A_1828 = arith.constant 11 : i32
          %add3A_1829 = arith.addi %mul3A_1827, %add3A_1828 : i32
          %swap3A_1830 = arith.index_cast %add3A_1829 : i32 to index
          %swap3A_1831 = arith.constant 48 : index
          %swap3A_1832 = tpu.vector_load %arg11[%swap3A_1830, %swap3A_1831] {strides = array<i32>} : memref<128x128xf32, #tpu.memory_space<vmem>>, vector<1x16xf32>,
          %swap3A_1833 = vector.shape_cast %swap3A_1832 : vector<1x16xf32> to vector<16xf32>
          %swap3A_1834 = vector.shape_cast %mul3A_1825 : vector<16xf32> to vector<1x16xf32>
          tpu.vector_store %arg11[%swap3A_1830, %swap3A_1831], %swap3A_1834 {strides = array<i32>} : memref<128x128xf32, #tpu.memory_space<vmem>>, vector<1x16xf32>,
          %mul3A_1835 = arith.constant 16 : i32
          %mul3A_1836 = arith.muli %scan3A_140, %mul3A_1835 : i32
          %add3A_1837 = arith.constant 11 : i32
          %add3A_1838 = arith.addi %mul3A_1836, %add3A_1837 : i32
          %get3A_1839 = arith.index_cast %add3A_1838 : i32 to index
          %get3A_1840 = arith.constant 64 : index
          %get3A_1841 = tpu.vector_load %arg11[%get3A_1839, %get3A_1840] {strides = array<i32>} : memref<128x128xf32, #tpu.memory_space<vmem>>, vector<1x16xf32>,
          %get3A_1842 = vector.shape_cast %get3A_1841 : vector<1x16xf32> to vector<16xf32>
          %mul3A_1843 = arith.mulf %get3A_1842, %broadcast_in_dim3A_1762 : vector<16xf32>
          %mul3A_1844 = arith.constant 16 : i32
          %mul3A_1845 = arith.muli %scan3A_140, %mul3A_1844 : i32
          %add3A_1846 = arith.constant 11 : i32
          %add3A_1847 = arith.addi %mul3A_1845, %add3A_1846 : i32
          %swap3A_1848 = arith.index_cast %add3A_1847 : i32 to index
          %swap3A_1849 = arith.constant 64 : index
          %swap3A_1850 = tpu.vector_load %arg11[%swap3A_1848, %swap3A_1849] {strides = array<i32>} : memref<128x128xf32, #tpu.memory_space<vmem>>, vector<1x16xf32>,
          %swap3A_1851 = vector.shape_cast %swap3A_1850 : vector<1x16xf32> to vector<16xf32>
          %swap3A_1852 = vector.shape_cast %mul3A_1843 : vector<16xf32> to vector<1x16xf32>
          tpu.vector_store %arg11[%swap3A_1848, %swap3A_1849], %swap3A_1852 {strides = array<i32>} : memref<128x128xf32, #tpu.memory_space<vmem>>, vector<1x16xf32>,
          %mul3A_1853 = arith.constant 16 : i32
          %mul3A_1854 = arith.muli %scan3A_140, %mul3A_1853 : i32
          %add3A_1855 = arith.constant 11 : i32
          %add3A_1856 = arith.addi %mul3A_1854, %add3A_1855 : i32
          %get3A_1857 = arith.index_cast %add3A_1856 : i32 to index
          %get3A_1858 = arith.constant 80 : index
          %get3A_1859 = tpu.vector_load %arg11[%get3A_1857, %get3A_1858] {strides = array<i32>} : memref<128x128xf32, #tpu.memory_space<vmem>>, vector<1x16xf32>,
          %get3A_1860 = vector.shape_cast %get3A_1859 : vector<1x16xf32> to vector<16xf32>
          %mul3A_1861 = arith.mulf %get3A_1860, %broadcast_in_dim3A_1762 : vector<16xf32>
          %mul3A_1862 = arith.constant 16 : i32
          %mul3A_1863 = arith.muli %scan3A_140, %mul3A_1862 : i32
          %add3A_1864 = arith.constant 11 : i32
          %add3A_1865 = arith.addi %mul3A_1863, %add3A_1864 : i32
          %swap3A_1866 = arith.index_cast %add3A_1865 : i32 to index
          %swap3A_1867 = arith.constant 80 : index
          %swap3A_1868 = tpu.vector_load %arg11[%swap3A_1866, %swap3A_1867] {strides = array<i32>} : memref<128x128xf32, #tpu.memory_space<vmem>>, vector<1x16xf32>,
          %swap3A_1869 = vector.shape_cast %swap3A_1868 : vector<1x16xf32> to vector<16xf32>
          %swap3A_1870 = vector.shape_cast %mul3A_1861 : vector<16xf32> to vector<1x16xf32>
          tpu.vector_store %arg11[%swap3A_1866, %swap3A_1867], %swap3A_1870 {strides = array<i32>} : memref<128x128xf32, #tpu.memory_space<vmem>>, vector<1x16xf32>,
          %mul3A_1871 = arith.constant 16 : i32
          %mul3A_1872 = arith.muli %scan3A_140, %mul3A_1871 : i32
          %add3A_1873 = arith.constant 11 : i32
          %add3A_1874 = arith.addi %mul3A_1872, %add3A_1873 : i32
          %get3A_1875 = arith.index_cast %add3A_1874 : i32 to index
          %get3A_1876 = arith.constant 96 : index
          %get3A_1877 = tpu.vector_load %arg11[%get3A_1875, %get3A_1876] {strides = array<i32>} : memref<128x128xf32, #tpu.memory_space<vmem>>, vector<1x16xf32>,
          %get3A_1878 = vector.shape_cast %get3A_1877 : vector<1x16xf32> to vector<16xf32>
          %mul3A_1879 = arith.mulf %get3A_1878, %broadcast_in_dim3A_1762 : vector<16xf32>
          %mul3A_1880 = arith.constant 16 : i32
          %mul3A_1881 = arith.muli %scan3A_140, %mul3A_1880 : i32
          %add3A_1882 = arith.constant 11 : i32
          %add3A_1883 = arith.addi %mul3A_1881, %add3A_1882 : i32
          %swap3A_1884 = arith.index_cast %add3A_1883 : i32 to index
          %swap3A_1885 = arith.constant 96 : index
          %swap3A_1886 = tpu.vector_load %arg11[%swap3A_1884, %swap3A_1885] {strides = array<i32>} : memref<128x128xf32, #tpu.memory_space<vmem>>, vector<1x16xf32>,
          %swap3A_1887 = vector.shape_cast %swap3A_1886 : vector<1x16xf32> to vector<16xf32>
          %swap3A_1888 = vector.shape_cast %mul3A_1879 : vector<16xf32> to vector<1x16xf32>
          tpu.vector_store %arg11[%swap3A_1884, %swap3A_1885], %swap3A_1888 {strides = array<i32>} : memref<128x128xf32, #tpu.memory_space<vmem>>, vector<1x16xf32>,
          %mul3A_1889 = arith.constant 16 : i32
          %mul3A_1890 = arith.muli %scan3A_140, %mul3A_1889 : i32
          %add3A_1891 = arith.constant 11 : i32
          %add3A_1892 = arith.addi %mul3A_1890, %add3A_1891 : i32
          %get3A_1893 = arith.index_cast %add3A_1892 : i32 to index
          %get3A_1894 = arith.constant 112 : index
          %get3A_1895 = tpu.vector_load %arg11[%get3A_1893, %get3A_1894] {strides = array<i32>} : memref<128x128xf32, #tpu.memory_space<vmem>>, vector<1x16xf32>,
          %get3A_1896 = vector.shape_cast %get3A_1895 : vector<1x16xf32> to vector<16xf32>
          %mul3A_1897 = arith.mulf %get3A_1896, %broadcast_in_dim3A_1762 : vector<16xf32>
          %mul3A_1898 = arith.constant 16 : i32
          %mul3A_1899 = arith.muli %scan3A_140, %mul3A_1898 : i32
          %add3A_1900 = arith.constant 11 : i32
          %add3A_1901 = arith.addi %mul3A_1899, %add3A_1900 : i32
          %swap3A_1902 = arith.index_cast %add3A_1901 : i32 to index
          %swap3A_1903 = arith.constant 112 : index
          %swap3A_1904 = tpu.vector_load %arg11[%swap3A_1902, %swap3A_1903] {strides = array<i32>} : memref<128x128xf32, #tpu.memory_space<vmem>>, vector<1x16xf32>,
          %swap3A_1905 = vector.shape_cast %swap3A_1904 : vector<1x16xf32> to vector<16xf32>
          %swap3A_1906 = vector.shape_cast %mul3A_1897 : vector<16xf32> to vector<1x16xf32>
          tpu.vector_store %arg11[%swap3A_1902, %swap3A_1903], %swap3A_1906 {strides = array<i32>} : memref<128x128xf32, #tpu.memory_space<vmem>>, vector<1x16xf32>,
          %slice3A_1907 = vector.extract_strided_slice %get3A_146 {offsets = [12], sizes = [1], strides = [1]} : vector<16xf32> to vector<1xf32>
          %squeeze3A_1908 = vector.extract %slice3A_1907[0] : f32 from vector<1xf32>
          %broadcast_in_dim3A_1909 = vector.broadcast %squeeze3A_1908 : f32 to vector<16xf32>
          %mul3A_1910 = arith.constant 16 : i32
          %mul3A_1911 = arith.muli %scan3A_140, %mul3A_1910 : i32
          %add3A_1912 = arith.constant 12 : i32
          %add3A_1913 = arith.addi %mul3A_1911, %add3A_1912 : i32
          %get3A_1914 = arith.index_cast %add3A_1913 : i32 to index
          %get3A_1915 = arith.constant 0 : index
          %get3A_1916 = tpu.vector_load %arg11[%get3A_1914, %get3A_1915] {strides = array<i32>} : memref<128x128xf32, #tpu.memory_space<vmem>>, vector<1x16xf32>,
          %get3A_1917 = vector.shape_cast %get3A_1916 : vector<1x16xf32> to vector<16xf32>
          %mul3A_1918 = arith.mulf %get3A_1917, %broadcast_in_dim3A_1909 : vector<16xf32>
          %mul3A_1919 = arith.constant 16 : i32
          %mul3A_1920 = arith.muli %scan3A_140, %mul3A_1919 : i32
          %add3A_1921 = arith.constant 12 : i32
          %add3A_1922 = arith.addi %mul3A_1920, %add3A_1921 : i32
          %swap3A_1923 = arith.index_cast %add3A_1922 : i32 to index
          %swap3A_1924 = arith.constant 0 : index
          %swap3A_1925 = tpu.vector_load %arg11[%swap3A_1923, %swap3A_1924] {strides = array<i32>} : memref<128x128xf32, #tpu.memory_space<vmem>>, vector<1x16xf32>,
          %swap3A_1926 = vector.shape_cast %swap3A_1925 : vector<1x16xf32> to vector<16xf32>
          %swap3A_1927 = vector.shape_cast %mul3A_1918 : vector<16xf32> to vector<1x16xf32>
          tpu.vector_store %arg11[%swap3A_1923, %swap3A_1924], %swap3A_1927 {strides = array<i32>} : memref<128x128xf32, #tpu.memory_space<vmem>>, vector<1x16xf32>,
          %mul3A_1928 = arith.constant 16 : i32
          %mul3A_1929 = arith.muli %scan3A_140, %mul3A_1928 : i32
          %add3A_1930 = arith.constant 12 : i32
          %add3A_1931 = arith.addi %mul3A_1929, %add3A_1930 : i32
          %get3A_1932 = arith.index_cast %add3A_1931 : i32 to index
          %get3A_1933 = arith.constant 16 : index
          %get3A_1934 = tpu.vector_load %arg11[%get3A_1932, %get3A_1933] {strides = array<i32>} : memref<128x128xf32, #tpu.memory_space<vmem>>, vector<1x16xf32>,
          %get3A_1935 = vector.shape_cast %get3A_1934 : vector<1x16xf32> to vector<16xf32>
          %mul3A_1936 = arith.mulf %get3A_1935, %broadcast_in_dim3A_1909 : vector<16xf32>
          %mul3A_1937 = arith.constant 16 : i32
          %mul3A_1938 = arith.muli %scan3A_140, %mul3A_1937 : i32
          %add3A_1939 = arith.constant 12 : i32
          %add3A_1940 = arith.addi %mul3A_1938, %add3A_1939 : i32
          %swap3A_1941 = arith.index_cast %add3A_1940 : i32 to index
          %swap3A_1942 = arith.constant 16 : index
          %swap3A_1943 = tpu.vector_load %arg11[%swap3A_1941, %swap3A_1942] {strides = array<i32>} : memref<128x128xf32, #tpu.memory_space<vmem>>, vector<1x16xf32>,
          %swap3A_1944 = vector.shape_cast %swap3A_1943 : vector<1x16xf32> to vector<16xf32>
          %swap3A_1945 = vector.shape_cast %mul3A_1936 : vector<16xf32> to vector<1x16xf32>
          tpu.vector_store %arg11[%swap3A_1941, %swap3A_1942], %swap3A_1945 {strides = array<i32>} : memref<128x128xf32, #tpu.memory_space<vmem>>, vector<1x16xf32>,
          %mul3A_1946 = arith.constant 16 : i32
          %mul3A_1947 = arith.muli %scan3A_140, %mul3A_1946 : i32
          %add3A_1948 = arith.constant 12 : i32
          %add3A_1949 = arith.addi %mul3A_1947, %add3A_1948 : i32
          %get3A_1950 = arith.index_cast %add3A_1949 : i32 to index
          %get3A_1951 = arith.constant 32 : index
          %get3A_1952 = tpu.vector_load %arg11[%get3A_1950, %get3A_1951] {strides = array<i32>} : memref<128x128xf32, #tpu.memory_space<vmem>>, vector<1x16xf32>,
          %get3A_1953 = vector.shape_cast %get3A_1952 : vector<1x16xf32> to vector<16xf32>
          %mul3A_1954 = arith.mulf %get3A_1953, %broadcast_in_dim3A_1909 : vector<16xf32>
          %mul3A_1955 = arith.constant 16 : i32
          %mul3A_1956 = arith.muli %scan3A_140, %mul3A_1955 : i32
          %add3A_1957 = arith.constant 12 : i32
          %add3A_1958 = arith.addi %mul3A_1956, %add3A_1957 : i32
          %swap3A_1959 = arith.index_cast %add3A_1958 : i32 to index
          %swap3A_1960 = arith.constant 32 : index
          %swap3A_1961 = tpu.vector_load %arg11[%swap3A_1959, %swap3A_1960] {strides = array<i32>} : memref<128x128xf32, #tpu.memory_space<vmem>>, vector<1x16xf32>,
          %swap3A_1962 = vector.shape_cast %swap3A_1961 : vector<1x16xf32> to vector<16xf32>
          %swap3A_1963 = vector.shape_cast %mul3A_1954 : vector<16xf32> to vector<1x16xf32>
          tpu.vector_store %arg11[%swap3A_1959, %swap3A_1960], %swap3A_1963 {strides = array<i32>} : memref<128x128xf32, #tpu.memory_space<vmem>>, vector<1x16xf32>,
          %mul3A_1964 = arith.constant 16 : i32
          %mul3A_1965 = arith.muli %scan3A_140, %mul3A_1964 : i32
          %add3A_1966 = arith.constant 12 : i32
          %add3A_1967 = arith.addi %mul3A_1965, %add3A_1966 : i32
          %get3A_1968 = arith.index_cast %add3A_1967 : i32 to index
          %get3A_1969 = arith.constant 48 : index
          %get3A_1970 = tpu.vector_load %arg11[%get3A_1968, %get3A_1969] {strides = array<i32>} : memref<128x128xf32, #tpu.memory_space<vmem>>, vector<1x16xf32>,
          %get3A_1971 = vector.shape_cast %get3A_1970 : vector<1x16xf32> to vector<16xf32>
          %mul3A_1972 = arith.mulf %get3A_1971, %broadcast_in_dim3A_1909 : vector<16xf32>
          %mul3A_1973 = arith.constant 16 : i32
          %mul3A_1974 = arith.muli %scan3A_140, %mul3A_1973 : i32
          %add3A_1975 = arith.constant 12 : i32
          %add3A_1976 = arith.addi %mul3A_1974, %add3A_1975 : i32
          %swap3A_1977 = arith.index_cast %add3A_1976 : i32 to index
          %swap3A_1978 = arith.constant 48 : index
          %swap3A_1979 = tpu.vector_load %arg11[%swap3A_1977, %swap3A_1978] {strides = array<i32>} : memref<128x128xf32, #tpu.memory_space<vmem>>, vector<1x16xf32>,
          %swap3A_1980 = vector.shape_cast %swap3A_1979 : vector<1x16xf32> to vector<16xf32>
          %swap3A_1981 = vector.shape_cast %mul3A_1972 : vector<16xf32> to vector<1x16xf32>
          tpu.vector_store %arg11[%swap3A_1977, %swap3A_1978], %swap3A_1981 {strides = array<i32>} : memref<128x128xf32, #tpu.memory_space<vmem>>, vector<1x16xf32>,
          %mul3A_1982 = arith.constant 16 : i32
          %mul3A_1983 = arith.muli %scan3A_140, %mul3A_1982 : i32
          %add3A_1984 = arith.constant 12 : i32
          %add3A_1985 = arith.addi %mul3A_1983, %add3A_1984 : i32
          %get3A_1986 = arith.index_cast %add3A_1985 : i32 to index
          %get3A_1987 = arith.constant 64 : index
          %get3A_1988 = tpu.vector_load %arg11[%get3A_1986, %get3A_1987] {strides = array<i32>} : memref<128x128xf32, #tpu.memory_space<vmem>>, vector<1x16xf32>,
          %get3A_1989 = vector.shape_cast %get3A_1988 : vector<1x16xf32> to vector<16xf32>
          %mul3A_1990 = arith.mulf %get3A_1989, %broadcast_in_dim3A_1909 : vector<16xf32>
          %mul3A_1991 = arith.constant 16 : i32
          %mul3A_1992 = arith.muli %scan3A_140, %mul3A_1991 : i32
          %add3A_1993 = arith.constant 12 : i32
          %add3A_1994 = arith.addi %mul3A_1992, %add3A_1993 : i32
          %swap3A_1995 = arith.index_cast %add3A_1994 : i32 to index
          %swap3A_1996 = arith.constant 64 : index
          %swap3A_1997 = tpu.vector_load %arg11[%swap3A_1995, %swap3A_1996] {strides = array<i32>} : memref<128x128xf32, #tpu.memory_space<vmem>>, vector<1x16xf32>,
          %swap3A_1998 = vector.shape_cast %swap3A_1997 : vector<1x16xf32> to vector<16xf32>
          %swap3A_1999 = vector.shape_cast %mul3A_1990 : vector<16xf32> to vector<1x16xf32>
          tpu.vector_store %arg11[%swap3A_1995, %swap3A_1996], %swap3A_1999 {strides = array<i32>} : memref<128x128xf32, #tpu.memory_space<vmem>>, vector<1x16xf32>,
          %mul3A_2000 = arith.constant 16 : i32
          %mul3A_2001 = arith.muli %scan3A_140, %mul3A_2000 : i32
          %add3A_2002 = arith.constant 12 : i32
          %add3A_2003 = arith.addi %mul3A_2001, %add3A_2002 : i32
          %get3A_2004 = arith.index_cast %add3A_2003 : i32 to index
          %get3A_2005 = arith.constant 80 : index
          %get3A_2006 = tpu.vector_load %arg11[%get3A_2004, %get3A_2005] {strides = array<i32>} : memref<128x128xf32, #tpu.memory_space<vmem>>, vector<1x16xf32>,
          %get3A_2007 = vector.shape_cast %get3A_2006 : vector<1x16xf32> to vector<16xf32>
          %mul3A_2008 = arith.mulf %get3A_2007, %broadcast_in_dim3A_1909 : vector<16xf32>
          %mul3A_2009 = arith.constant 16 : i32
          %mul3A_2010 = arith.muli %scan3A_140, %mul3A_2009 : i32
          %add3A_2011 = arith.constant 12 : i32
          %add3A_2012 = arith.addi %mul3A_2010, %add3A_2011 : i32
          %swap3A_2013 = arith.index_cast %add3A_2012 : i32 to index
          %swap3A_2014 = arith.constant 80 : index
          %swap3A_2015 = tpu.vector_load %arg11[%swap3A_2013, %swap3A_2014] {strides = array<i32>} : memref<128x128xf32, #tpu.memory_space<vmem>>, vector<1x16xf32>,
          %swap3A_2016 = vector.shape_cast %swap3A_2015 : vector<1x16xf32> to vector<16xf32>
          %swap3A_2017 = vector.shape_cast %mul3A_2008 : vector<16xf32> to vector<1x16xf32>
          tpu.vector_store %arg11[%swap3A_2013, %swap3A_2014], %swap3A_2017 {strides = array<i32>} : memref<128x128xf32, #tpu.memory_space<vmem>>, vector<1x16xf32>,
          %mul3A_2018 = arith.constant 16 : i32
          %mul3A_2019 = arith.muli %scan3A_140, %mul3A_2018 : i32
          %add3A_2020 = arith.constant 12 : i32
          %add3A_2021 = arith.addi %mul3A_2019, %add3A_2020 : i32
          %get3A_2022 = arith.index_cast %add3A_2021 : i32 to index
          %get3A_2023 = arith.constant 96 : index
          %get3A_2024 = tpu.vector_load %arg11[%get3A_2022, %get3A_2023] {strides = array<i32>} : memref<128x128xf32, #tpu.memory_space<vmem>>, vector<1x16xf32>,
          %get3A_2025 = vector.shape_cast %get3A_2024 : vector<1x16xf32> to vector<16xf32>
          %mul3A_2026 = arith.mulf %get3A_2025, %broadcast_in_dim3A_1909 : vector<16xf32>
          %mul3A_2027 = arith.constant 16 : i32
          %mul3A_2028 = arith.muli %scan3A_140, %mul3A_2027 : i32
          %add3A_2029 = arith.constant 12 : i32
          %add3A_2030 = arith.addi %mul3A_2028, %add3A_2029 : i32
          %swap3A_2031 = arith.index_cast %add3A_2030 : i32 to index
          %swap3A_2032 = arith.constant 96 : index
          %swap3A_2033 = tpu.vector_load %arg11[%swap3A_2031, %swap3A_2032] {strides = array<i32>} : memref<128x128xf32, #tpu.memory_space<vmem>>, vector<1x16xf32>,
          %swap3A_2034 = vector.shape_cast %swap3A_2033 : vector<1x16xf32> to vector<16xf32>
          %swap3A_2035 = vector.shape_cast %mul3A_2026 : vector<16xf32> to vector<1x16xf32>
          tpu.vector_store %arg11[%swap3A_2031, %swap3A_2032], %swap3A_2035 {strides = array<i32>} : memref<128x128xf32, #tpu.memory_space<vmem>>, vector<1x16xf32>,
          %mul3A_2036 = arith.constant 16 : i32
          %mul3A_2037 = arith.muli %scan3A_140, %mul3A_2036 : i32
          %add3A_2038 = arith.constant 12 : i32
          %add3A_2039 = arith.addi %mul3A_2037, %add3A_2038 : i32
          %get3A_2040 = arith.index_cast %add3A_2039 : i32 to index
          %get3A_2041 = arith.constant 112 : index
          %get3A_2042 = tpu.vector_load %arg11[%get3A_2040, %get3A_2041] {strides = array<i32>} : memref<128x128xf32, #tpu.memory_space<vmem>>, vector<1x16xf32>,
          %get3A_2043 = vector.shape_cast %get3A_2042 : vector<1x16xf32> to vector<16xf32>
          %mul3A_2044 = arith.mulf %get3A_2043, %broadcast_in_dim3A_1909 : vector<16xf32>
          %mul3A_2045 = arith.constant 16 : i32
          %mul3A_2046 = arith.muli %scan3A_140, %mul3A_2045 : i32
          %add3A_2047 = arith.constant 12 : i32
          %add3A_2048 = arith.addi %mul3A_2046, %add3A_2047 : i32
          %swap3A_2049 = arith.index_cast %add3A_2048 : i32 to index
          %swap3A_2050 = arith.constant 112 : index
          %swap3A_2051 = tpu.vector_load %arg11[%swap3A_2049, %swap3A_2050] {strides = array<i32>} : memref<128x128xf32, #tpu.memory_space<vmem>>, vector<1x16xf32>,
          %swap3A_2052 = vector.shape_cast %swap3A_2051 : vector<1x16xf32> to vector<16xf32>
          %swap3A_2053 = vector.shape_cast %mul3A_2044 : vector<16xf32> to vector<1x16xf32>
          tpu.vector_store %arg11[%swap3A_2049, %swap3A_2050], %swap3A_2053 {strides = array<i32>} : memref<128x128xf32, #tpu.memory_space<vmem>>, vector<1x16xf32>,
          %slice3A_2054 = vector.extract_strided_slice %get3A_146 {offsets = [13], sizes = [1], strides = [1]} : vector<16xf32> to vector<1xf32>
          %squeeze3A_2055 = vector.extract %slice3A_2054[0] : f32 from vector<1xf32>
          %broadcast_in_dim3A_2056 = vector.broadcast %squeeze3A_2055 : f32 to vector<16xf32>
          %mul3A_2057 = arith.constant 16 : i32
          %mul3A_2058 = arith.muli %scan3A_140, %mul3A_2057 : i32
          %add3A_2059 = arith.constant 13 : i32
          %add3A_2060 = arith.addi %mul3A_2058, %add3A_2059 : i32
          %get3A_2061 = arith.index_cast %add3A_2060 : i32 to index
          %get3A_2062 = arith.constant 0 : index
          %get3A_2063 = tpu.vector_load %arg11[%get3A_2061, %get3A_2062] {strides = array<i32>} : memref<128x128xf32, #tpu.memory_space<vmem>>, vector<1x16xf32>,
          %get3A_2064 = vector.shape_cast %get3A_2063 : vector<1x16xf32> to vector<16xf32>
          %mul3A_2065 = arith.mulf %get3A_2064, %broadcast_in_dim3A_2056 : vector<16xf32>
          %mul3A_2066 = arith.constant 16 : i32
          %mul3A_2067 = arith.muli %scan3A_140, %mul3A_2066 : i32
          %add3A_2068 = arith.constant 13 : i32
          %add3A_2069 = arith.addi %mul3A_2067, %add3A_2068 : i32
          %swap3A_2070 = arith.index_cast %add3A_2069 : i32 to index
          %swap3A_2071 = arith.constant 0 : index
          %swap3A_2072 = tpu.vector_load %arg11[%swap3A_2070, %swap3A_2071] {strides = array<i32>} : memref<128x128xf32, #tpu.memory_space<vmem>>, vector<1x16xf32>,
          %swap3A_2073 = vector.shape_cast %swap3A_2072 : vector<1x16xf32> to vector<16xf32>
          %swap3A_2074 = vector.shape_cast %mul3A_2065 : vector<16xf32> to vector<1x16xf32>
          tpu.vector_store %arg11[%swap3A_2070, %swap3A_2071], %swap3A_2074 {strides = array<i32>} : memref<128x128xf32, #tpu.memory_space<vmem>>, vector<1x16xf32>,
          %mul3A_2075 = arith.constant 16 : i32
          %mul3A_2076 = arith.muli %scan3A_140, %mul3A_2075 : i32
          %add3A_2077 = arith.constant 13 : i32
          %add3A_2078 = arith.addi %mul3A_2076, %add3A_2077 : i32
          %get3A_2079 = arith.index_cast %add3A_2078 : i32 to index
          %get3A_2080 = arith.constant 16 : index
          %get3A_2081 = tpu.vector_load %arg11[%get3A_2079, %get3A_2080] {strides = array<i32>} : memref<128x128xf32, #tpu.memory_space<vmem>>, vector<1x16xf32>,
          %get3A_2082 = vector.shape_cast %get3A_2081 : vector<1x16xf32> to vector<16xf32>
          %mul3A_2083 = arith.mulf %get3A_2082, %broadcast_in_dim3A_2056 : vector<16xf32>
          %mul3A_2084 = arith.constant 16 : i32
          %mul3A_2085 = arith.muli %scan3A_140, %mul3A_2084 : i32
          %add3A_2086 = arith.constant 13 : i32
          %add3A_2087 = arith.addi %mul3A_2085, %add3A_2086 : i32
          %swap3A_2088 = arith.index_cast %add3A_2087 : i32 to index
          %swap3A_2089 = arith.constant 16 : index
          %swap3A_2090 = tpu.vector_load %arg11[%swap3A_2088, %swap3A_2089] {strides = array<i32>} : memref<128x128xf32, #tpu.memory_space<vmem>>, vector<1x16xf32>,
          %swap3A_2091 = vector.shape_cast %swap3A_2090 : vector<1x16xf32> to vector<16xf32>
          %swap3A_2092 = vector.shape_cast %mul3A_2083 : vector<16xf32> to vector<1x16xf32>
          tpu.vector_store %arg11[%swap3A_2088, %swap3A_2089], %swap3A_2092 {strides = array<i32>} : memref<128x128xf32, #tpu.memory_space<vmem>>, vector<1x16xf32>,
          %mul3A_2093 = arith.constant 16 : i32
          %mul3A_2094 = arith.muli %scan3A_140, %mul3A_2093 : i32
          %add3A_2095 = arith.constant 13 : i32
          %add3A_2096 = arith.addi %mul3A_2094, %add3A_2095 : i32
          %get3A_2097 = arith.index_cast %add3A_2096 : i32 to index
          %get3A_2098 = arith.constant 32 : index
          %get3A_2099 = tpu.vector_load %arg11[%get3A_2097, %get3A_2098] {strides = array<i32>} : memref<128x128xf32, #tpu.memory_space<vmem>>, vector<1x16xf32>,
          %get3A_2100 = vector.shape_cast %get3A_2099 : vector<1x16xf32> to vector<16xf32>
          %mul3A_2101 = arith.mulf %get3A_2100, %broadcast_in_dim3A_2056 : vector<16xf32>
          %mul3A_2102 = arith.constant 16 : i32
          %mul3A_2103 = arith.muli %scan3A_140, %mul3A_2102 : i32
          %add3A_2104 = arith.constant 13 : i32
          %add3A_2105 = arith.addi %mul3A_2103, %add3A_2104 : i32
          %swap3A_2106 = arith.index_cast %add3A_2105 : i32 to index
          %swap3A_2107 = arith.constant 32 : index
          %swap3A_2108 = tpu.vector_load %arg11[%swap3A_2106, %swap3A_2107] {strides = array<i32>} : memref<128x128xf32, #tpu.memory_space<vmem>>, vector<1x16xf32>,
          %swap3A_2109 = vector.shape_cast %swap3A_2108 : vector<1x16xf32> to vector<16xf32>
          %swap3A_2110 = vector.shape_cast %mul3A_2101 : vector<16xf32> to vector<1x16xf32>
          tpu.vector_store %arg11[%swap3A_2106, %swap3A_2107], %swap3A_2110 {strides = array<i32>} : memref<128x128xf32, #tpu.memory_space<vmem>>, vector<1x16xf32>,
          %mul3A_2111 = arith.constant 16 : i32
          %mul3A_2112 = arith.muli %scan3A_140, %mul3A_2111 : i32
          %add3A_2113 = arith.constant 13 : i32
          %add3A_2114 = arith.addi %mul3A_2112, %add3A_2113 : i32
          %get3A_2115 = arith.index_cast %add3A_2114 : i32 to index
          %get3A_2116 = arith.constant 48 : index
          %get3A_2117 = tpu.vector_load %arg11[%get3A_2115, %get3A_2116] {strides = array<i32>} : memref<128x128xf32, #tpu.memory_space<vmem>>, vector<1x16xf32>,
          %get3A_2118 = vector.shape_cast %get3A_2117 : vector<1x16xf32> to vector<16xf32>
          %mul3A_2119 = arith.mulf %get3A_2118, %broadcast_in_dim3A_2056 : vector<16xf32>
          %mul3A_2120 = arith.constant 16 : i32
          %mul3A_2121 = arith.muli %scan3A_140, %mul3A_2120 : i32
          %add3A_2122 = arith.constant 13 : i32
          %add3A_2123 = arith.addi %mul3A_2121, %add3A_2122 : i32
          %swap3A_2124 = arith.index_cast %add3A_2123 : i32 to index
          %swap3A_2125 = arith.constant 48 : index
          %swap3A_2126 = tpu.vector_load %arg11[%swap3A_2124, %swap3A_2125] {strides = array<i32>} : memref<128x128xf32, #tpu.memory_space<vmem>>, vector<1x16xf32>,
          %swap3A_2127 = vector.shape_cast %swap3A_2126 : vector<1x16xf32> to vector<16xf32>
          %swap3A_2128 = vector.shape_cast %mul3A_2119 : vector<16xf32> to vector<1x16xf32>
          tpu.vector_store %arg11[%swap3A_2124, %swap3A_2125], %swap3A_2128 {strides = array<i32>} : memref<128x128xf32, #tpu.memory_space<vmem>>, vector<1x16xf32>,
          %mul3A_2129 = arith.constant 16 : i32
          %mul3A_2130 = arith.muli %scan3A_140, %mul3A_2129 : i32
          %add3A_2131 = arith.constant 13 : i32
          %add3A_2132 = arith.addi %mul3A_2130, %add3A_2131 : i32
          %get3A_2133 = arith.index_cast %add3A_2132 : i32 to index
          %get3A_2134 = arith.constant 64 : index
          %get3A_2135 = tpu.vector_load %arg11[%get3A_2133, %get3A_2134] {strides = array<i32>} : memref<128x128xf32, #tpu.memory_space<vmem>>, vector<1x16xf32>,
          %get3A_2136 = vector.shape_cast %get3A_2135 : vector<1x16xf32> to vector<16xf32>
          %mul3A_2137 = arith.mulf %get3A_2136, %broadcast_in_dim3A_2056 : vector<16xf32>
          %mul3A_2138 = arith.constant 16 : i32
          %mul3A_2139 = arith.muli %scan3A_140, %mul3A_2138 : i32
          %add3A_2140 = arith.constant 13 : i32
          %add3A_2141 = arith.addi %mul3A_2139, %add3A_2140 : i32
          %swap3A_2142 = arith.index_cast %add3A_2141 : i32 to index
          %swap3A_2143 = arith.constant 64 : index
          %swap3A_2144 = tpu.vector_load %arg11[%swap3A_2142, %swap3A_2143] {strides = array<i32>} : memref<128x128xf32, #tpu.memory_space<vmem>>, vector<1x16xf32>,
          %swap3A_2145 = vector.shape_cast %swap3A_2144 : vector<1x16xf32> to vector<16xf32>
          %swap3A_2146 = vector.shape_cast %mul3A_2137 : vector<16xf32> to vector<1x16xf32>
          tpu.vector_store %arg11[%swap3A_2142, %swap3A_2143], %swap3A_2146 {strides = array<i32>} : memref<128x128xf32, #tpu.memory_space<vmem>>, vector<1x16xf32>,
          %mul3A_2147 = arith.constant 16 : i32
          %mul3A_2148 = arith.muli %scan3A_140, %mul3A_2147 : i32
          %add3A_2149 = arith.constant 13 : i32
          %add3A_2150 = arith.addi %mul3A_2148, %add3A_2149 : i32
          %get3A_2151 = arith.index_cast %add3A_2150 : i32 to index
          %get3A_2152 = arith.constant 80 : index
          %get3A_2153 = tpu.vector_load %arg11[%get3A_2151, %get3A_2152] {strides = array<i32>} : memref<128x128xf32, #tpu.memory_space<vmem>>, vector<1x16xf32>,
          %get3A_2154 = vector.shape_cast %get3A_2153 : vector<1x16xf32> to vector<16xf32>
          %mul3A_2155 = arith.mulf %get3A_2154, %broadcast_in_dim3A_2056 : vector<16xf32>
          %mul3A_2156 = arith.constant 16 : i32
          %mul3A_2157 = arith.muli %scan3A_140, %mul3A_2156 : i32
          %add3A_2158 = arith.constant 13 : i32
          %add3A_2159 = arith.addi %mul3A_2157, %add3A_2158 : i32
          %swap3A_2160 = arith.index_cast %add3A_2159 : i32 to index
          %swap3A_2161 = arith.constant 80 : index
          %swap3A_2162 = tpu.vector_load %arg11[%swap3A_2160, %swap3A_2161] {strides = array<i32>} : memref<128x128xf32, #tpu.memory_space<vmem>>, vector<1x16xf32>,
          %swap3A_2163 = vector.shape_cast %swap3A_2162 : vector<1x16xf32> to vector<16xf32>
          %swap3A_2164 = vector.shape_cast %mul3A_2155 : vector<16xf32> to vector<1x16xf32>
          tpu.vector_store %arg11[%swap3A_2160, %swap3A_2161], %swap3A_2164 {strides = array<i32>} : memref<128x128xf32, #tpu.memory_space<vmem>>, vector<1x16xf32>,
          %mul3A_2165 = arith.constant 16 : i32
          %mul3A_2166 = arith.muli %scan3A_140, %mul3A_2165 : i32
          %add3A_2167 = arith.constant 13 : i32
          %add3A_2168 = arith.addi %mul3A_2166, %add3A_2167 : i32
          %get3A_2169 = arith.index_cast %add3A_2168 : i32 to index
          %get3A_2170 = arith.constant 96 : index
          %get3A_2171 = tpu.vector_load %arg11[%get3A_2169, %get3A_2170] {strides = array<i32>} : memref<128x128xf32, #tpu.memory_space<vmem>>, vector<1x16xf32>,
          %get3A_2172 = vector.shape_cast %get3A_2171 : vector<1x16xf32> to vector<16xf32>
          %mul3A_2173 = arith.mulf %get3A_2172, %broadcast_in_dim3A_2056 : vector<16xf32>
          %mul3A_2174 = arith.constant 16 : i32
          %mul3A_2175 = arith.muli %scan3A_140, %mul3A_2174 : i32
          %add3A_2176 = arith.constant 13 : i32
          %add3A_2177 = arith.addi %mul3A_2175, %add3A_2176 : i32
          %swap3A_2178 = arith.index_cast %add3A_2177 : i32 to index
          %swap3A_2179 = arith.constant 96 : index
          %swap3A_2180 = tpu.vector_load %arg11[%swap3A_2178, %swap3A_2179] {strides = array<i32>} : memref<128x128xf32, #tpu.memory_space<vmem>>, vector<1x16xf32>,
          %swap3A_2181 = vector.shape_cast %swap3A_2180 : vector<1x16xf32> to vector<16xf32>
          %swap3A_2182 = vector.shape_cast %mul3A_2173 : vector<16xf32> to vector<1x16xf32>
          tpu.vector_store %arg11[%swap3A_2178, %swap3A_2179], %swap3A_2182 {strides = array<i32>} : memref<128x128xf32, #tpu.memory_space<vmem>>, vector<1x16xf32>,
          %mul3A_2183 = arith.constant 16 : i32
          %mul3A_2184 = arith.muli %scan3A_140, %mul3A_2183 : i32
          %add3A_2185 = arith.constant 13 : i32
          %add3A_2186 = arith.addi %mul3A_2184, %add3A_2185 : i32
          %get3A_2187 = arith.index_cast %add3A_2186 : i32 to index
          %get3A_2188 = arith.constant 112 : index
          %get3A_2189 = tpu.vector_load %arg11[%get3A_2187, %get3A_2188] {strides = array<i32>} : memref<128x128xf32, #tpu.memory_space<vmem>>, vector<1x16xf32>,
          %get3A_2190 = vector.shape_cast %get3A_2189 : vector<1x16xf32> to vector<16xf32>
          %mul3A_2191 = arith.mulf %get3A_2190, %broadcast_in_dim3A_2056 : vector<16xf32>
          %mul3A_2192 = arith.constant 16 : i32
          %mul3A_2193 = arith.muli %scan3A_140, %mul3A_2192 : i32
          %add3A_2194 = arith.constant 13 : i32
          %add3A_2195 = arith.addi %mul3A_2193, %add3A_2194 : i32
          %swap3A_2196 = arith.index_cast %add3A_2195 : i32 to index
          %swap3A_2197 = arith.constant 112 : index
          %swap3A_2198 = tpu.vector_load %arg11[%swap3A_2196, %swap3A_2197] {strides = array<i32>} : memref<128x128xf32, #tpu.memory_space<vmem>>, vector<1x16xf32>,
          %swap3A_2199 = vector.shape_cast %swap3A_2198 : vector<1x16xf32> to vector<16xf32>
          %swap3A_2200 = vector.shape_cast %mul3A_2191 : vector<16xf32> to vector<1x16xf32>
          tpu.vector_store %arg11[%swap3A_2196, %swap3A_2197], %swap3A_2200 {strides = array<i32>} : memref<128x128xf32, #tpu.memory_space<vmem>>, vector<1x16xf32>,
          %slice3A_2201 = vector.extract_strided_slice %get3A_146 {offsets = [14], sizes = [1], strides = [1]} : vector<16xf32> to vector<1xf32>
          %squeeze3A_2202 = vector.extract %slice3A_2201[0] : f32 from vector<1xf32>
          %broadcast_in_dim3A_2203 = vector.broadcast %squeeze3A_2202 : f32 to vector<16xf32>
          %mul3A_2204 = arith.constant 16 : i32
          %mul3A_2205 = arith.muli %scan3A_140, %mul3A_2204 : i32
          %add3A_2206 = arith.constant 14 : i32
          %add3A_2207 = arith.addi %mul3A_2205, %add3A_2206 : i32
          %get3A_2208 = arith.index_cast %add3A_2207 : i32 to index
          %get3A_2209 = arith.constant 0 : index
          %get3A_2210 = tpu.vector_load %arg11[%get3A_2208, %get3A_2209] {strides = array<i32>} : memref<128x128xf32, #tpu.memory_space<vmem>>, vector<1x16xf32>,
          %get3A_2211 = vector.shape_cast %get3A_2210 : vector<1x16xf32> to vector<16xf32>
          %mul3A_2212 = arith.mulf %get3A_2211, %broadcast_in_dim3A_2203 : vector<16xf32>
          %mul3A_2213 = arith.constant 16 : i32
          %mul3A_2214 = arith.muli %scan3A_140, %mul3A_2213 : i32
          %add3A_2215 = arith.constant 14 : i32
          %add3A_2216 = arith.addi %mul3A_2214, %add3A_2215 : i32
          %swap3A_2217 = arith.index_cast %add3A_2216 : i32 to index
          %swap3A_2218 = arith.constant 0 : index
          %swap3A_2219 = tpu.vector_load %arg11[%swap3A_2217, %swap3A_2218] {strides = array<i32>} : memref<128x128xf32, #tpu.memory_space<vmem>>, vector<1x16xf32>,
          %swap3A_2220 = vector.shape_cast %swap3A_2219 : vector<1x16xf32> to vector<16xf32>
          %swap3A_2221 = vector.shape_cast %mul3A_2212 : vector<16xf32> to vector<1x16xf32>
          tpu.vector_store %arg11[%swap3A_2217, %swap3A_2218], %swap3A_2221 {strides = array<i32>} : memref<128x128xf32, #tpu.memory_space<vmem>>, vector<1x16xf32>,
          %mul3A_2222 = arith.constant 16 : i32
          %mul3A_2223 = arith.muli %scan3A_140, %mul3A_2222 : i32
          %add3A_2224 = arith.constant 14 : i32
          %add3A_2225 = arith.addi %mul3A_2223, %add3A_2224 : i32
          %get3A_2226 = arith.index_cast %add3A_2225 : i32 to index
          %get3A_2227 = arith.constant 16 : index
          %get3A_2228 = tpu.vector_load %arg11[%get3A_2226, %get3A_2227] {strides = array<i32>} : memref<128x128xf32, #tpu.memory_space<vmem>>, vector<1x16xf32>,
          %get3A_2229 = vector.shape_cast %get3A_2228 : vector<1x16xf32> to vector<16xf32>
          %mul3A_2230 = arith.mulf %get3A_2229, %broadcast_in_dim3A_2203 : vector<16xf32>
          %mul3A_2231 = arith.constant 16 : i32
          %mul3A_2232 = arith.muli %scan3A_140, %mul3A_2231 : i32
          %add3A_2233 = arith.constant 14 : i32
          %add3A_2234 = arith.addi %mul3A_2232, %add3A_2233 : i32
          %swap3A_2235 = arith.index_cast %add3A_2234 : i32 to index
          %swap3A_2236 = arith.constant 16 : index
          %swap3A_2237 = tpu.vector_load %arg11[%swap3A_2235, %swap3A_2236] {strides = array<i32>} : memref<128x128xf32, #tpu.memory_space<vmem>>, vector<1x16xf32>,
          %swap3A_2238 = vector.shape_cast %swap3A_2237 : vector<1x16xf32> to vector<16xf32>
          %swap3A_2239 = vector.shape_cast %mul3A_2230 : vector<16xf32> to vector<1x16xf32>
          tpu.vector_store %arg11[%swap3A_2235, %swap3A_2236], %swap3A_2239 {strides = array<i32>} : memref<128x128xf32, #tpu.memory_space<vmem>>, vector<1x16xf32>,
          %mul3A_2240 = arith.constant 16 : i32
          %mul3A_2241 = arith.muli %scan3A_140, %mul3A_2240 : i32
          %add3A_2242 = arith.constant 14 : i32
          %add3A_2243 = arith.addi %mul3A_2241, %add3A_2242 : i32
          %get3A_2244 = arith.index_cast %add3A_2243 : i32 to index
          %get3A_2245 = arith.constant 32 : index
          %get3A_2246 = tpu.vector_load %arg11[%get3A_2244, %get3A_2245] {strides = array<i32>} : memref<128x128xf32, #tpu.memory_space<vmem>>, vector<1x16xf32>,
          %get3A_2247 = vector.shape_cast %get3A_2246 : vector<1x16xf32> to vector<16xf32>
          %mul3A_2248 = arith.mulf %get3A_2247, %broadcast_in_dim3A_2203 : vector<16xf32>
          %mul3A_2249 = arith.constant 16 : i32
          %mul3A_2250 = arith.muli %scan3A_140, %mul3A_2249 : i32
          %add3A_2251 = arith.constant 14 : i32
          %add3A_2252 = arith.addi %mul3A_2250, %add3A_2251 : i32
          %swap3A_2253 = arith.index_cast %add3A_2252 : i32 to index
          %swap3A_2254 = arith.constant 32 : index
          %swap3A_2255 = tpu.vector_load %arg11[%swap3A_2253, %swap3A_2254] {strides = array<i32>} : memref<128x128xf32, #tpu.memory_space<vmem>>, vector<1x16xf32>,
          %swap3A_2256 = vector.shape_cast %swap3A_2255 : vector<1x16xf32> to vector<16xf32>
          %swap3A_2257 = vector.shape_cast %mul3A_2248 : vector<16xf32> to vector<1x16xf32>
          tpu.vector_store %arg11[%swap3A_2253, %swap3A_2254], %swap3A_2257 {strides = array<i32>} : memref<128x128xf32, #tpu.memory_space<vmem>>, vector<1x16xf32>,
          %mul3A_2258 = arith.constant 16 : i32
          %mul3A_2259 = arith.muli %scan3A_140, %mul3A_2258 : i32
          %add3A_2260 = arith.constant 14 : i32
          %add3A_2261 = arith.addi %mul3A_2259, %add3A_2260 : i32
          %get3A_2262 = arith.index_cast %add3A_2261 : i32 to index
          %get3A_2263 = arith.constant 48 : index
          %get3A_2264 = tpu.vector_load %arg11[%get3A_2262, %get3A_2263] {strides = array<i32>} : memref<128x128xf32, #tpu.memory_space<vmem>>, vector<1x16xf32>,
          %get3A_2265 = vector.shape_cast %get3A_2264 : vector<1x16xf32> to vector<16xf32>
          %mul3A_2266 = arith.mulf %get3A_2265, %broadcast_in_dim3A_2203 : vector<16xf32>
          %mul3A_2267 = arith.constant 16 : i32
          %mul3A_2268 = arith.muli %scan3A_140, %mul3A_2267 : i32
          %add3A_2269 = arith.constant 14 : i32
          %add3A_2270 = arith.addi %mul3A_2268, %add3A_2269 : i32
          %swap3A_2271 = arith.index_cast %add3A_2270 : i32 to index
          %swap3A_2272 = arith.constant 48 : index
          %swap3A_2273 = tpu.vector_load %arg11[%swap3A_2271, %swap3A_2272] {strides = array<i32>} : memref<128x128xf32, #tpu.memory_space<vmem>>, vector<1x16xf32>,
          %swap3A_2274 = vector.shape_cast %swap3A_2273 : vector<1x16xf32> to vector<16xf32>
          %swap3A_2275 = vector.shape_cast %mul3A_2266 : vector<16xf32> to vector<1x16xf32>
          tpu.vector_store %arg11[%swap3A_2271, %swap3A_2272], %swap3A_2275 {strides = array<i32>} : memref<128x128xf32, #tpu.memory_space<vmem>>, vector<1x16xf32>,
          %mul3A_2276 = arith.constant 16 : i32
          %mul3A_2277 = arith.muli %scan3A_140, %mul3A_2276 : i32
          %add3A_2278 = arith.constant 14 : i32
          %add3A_2279 = arith.addi %mul3A_2277, %add3A_2278 : i32
          %get3A_2280 = arith.index_cast %add3A_2279 : i32 to index
          %get3A_2281 = arith.constant 64 : index
          %get3A_2282 = tpu.vector_load %arg11[%get3A_2280, %get3A_2281] {strides = array<i32>} : memref<128x128xf32, #tpu.memory_space<vmem>>, vector<1x16xf32>,
          %get3A_2283 = vector.shape_cast %get3A_2282 : vector<1x16xf32> to vector<16xf32>
          %mul3A_2284 = arith.mulf %get3A_2283, %broadcast_in_dim3A_2203 : vector<16xf32>
          %mul3A_2285 = arith.constant 16 : i32
          %mul3A_2286 = arith.muli %scan3A_140, %mul3A_2285 : i32
          %add3A_2287 = arith.constant 14 : i32
          %add3A_2288 = arith.addi %mul3A_2286, %add3A_2287 : i32
          %swap3A_2289 = arith.index_cast %add3A_2288 : i32 to index
          %swap3A_2290 = arith.constant 64 : index
          %swap3A_2291 = tpu.vector_load %arg11[%swap3A_2289, %swap3A_2290] {strides = array<i32>} : memref<128x128xf32, #tpu.memory_space<vmem>>, vector<1x16xf32>,
          %swap3A_2292 = vector.shape_cast %swap3A_2291 : vector<1x16xf32> to vector<16xf32>
          %swap3A_2293 = vector.shape_cast %mul3A_2284 : vector<16xf32> to vector<1x16xf32>
          tpu.vector_store %arg11[%swap3A_2289, %swap3A_2290], %swap3A_2293 {strides = array<i32>} : memref<128x128xf32, #tpu.memory_space<vmem>>, vector<1x16xf32>,
          %mul3A_2294 = arith.constant 16 : i32
          %mul3A_2295 = arith.muli %scan3A_140, %mul3A_2294 : i32
          %add3A_2296 = arith.constant 14 : i32
          %add3A_2297 = arith.addi %mul3A_2295, %add3A_2296 : i32
          %get3A_2298 = arith.index_cast %add3A_2297 : i32 to index
          %get3A_2299 = arith.constant 80 : index
          %get3A_2300 = tpu.vector_load %arg11[%get3A_2298, %get3A_2299] {strides = array<i32>} : memref<128x128xf32, #tpu.memory_space<vmem>>, vector<1x16xf32>,
          %get3A_2301 = vector.shape_cast %get3A_2300 : vector<1x16xf32> to vector<16xf32>
          %mul3A_2302 = arith.mulf %get3A_2301, %broadcast_in_dim3A_2203 : vector<16xf32>
          %mul3A_2303 = arith.constant 16 : i32
          %mul3A_2304 = arith.muli %scan3A_140, %mul3A_2303 : i32
          %add3A_2305 = arith.constant 14 : i32
          %add3A_2306 = arith.addi %mul3A_2304, %add3A_2305 : i32
          %swap3A_2307 = arith.index_cast %add3A_2306 : i32 to index
          %swap3A_2308 = arith.constant 80 : index
          %swap3A_2309 = tpu.vector_load %arg11[%swap3A_2307, %swap3A_2308] {strides = array<i32>} : memref<128x128xf32, #tpu.memory_space<vmem>>, vector<1x16xf32>,
          %swap3A_2310 = vector.shape_cast %swap3A_2309 : vector<1x16xf32> to vector<16xf32>
          %swap3A_2311 = vector.shape_cast %mul3A_2302 : vector<16xf32> to vector<1x16xf32>
          tpu.vector_store %arg11[%swap3A_2307, %swap3A_2308], %swap3A_2311 {strides = array<i32>} : memref<128x128xf32, #tpu.memory_space<vmem>>, vector<1x16xf32>,
          %mul3A_2312 = arith.constant 16 : i32
          %mul3A_2313 = arith.muli %scan3A_140, %mul3A_2312 : i32
          %add3A_2314 = arith.constant 14 : i32
          %add3A_2315 = arith.addi %mul3A_2313, %add3A_2314 : i32
          %get3A_2316 = arith.index_cast %add3A_2315 : i32 to index
          %get3A_2317 = arith.constant 96 : index
          %get3A_2318 = tpu.vector_load %arg11[%get3A_2316, %get3A_2317] {strides = array<i32>} : memref<128x128xf32, #tpu.memory_space<vmem>>, vector<1x16xf32>,
          %get3A_2319 = vector.shape_cast %get3A_2318 : vector<1x16xf32> to vector<16xf32>
          %mul3A_2320 = arith.mulf %get3A_2319, %broadcast_in_dim3A_2203 : vector<16xf32>
          %mul3A_2321 = arith.constant 16 : i32
          %mul3A_2322 = arith.muli %scan3A_140, %mul3A_2321 : i32
          %add3A_2323 = arith.constant 14 : i32
          %add3A_2324 = arith.addi %mul3A_2322, %add3A_2323 : i32
          %swap3A_2325 = arith.index_cast %add3A_2324 : i32 to index
          %swap3A_2326 = arith.constant 96 : index
          %swap3A_2327 = tpu.vector_load %arg11[%swap3A_2325, %swap3A_2326] {strides = array<i32>} : memref<128x128xf32, #tpu.memory_space<vmem>>, vector<1x16xf32>,
          %swap3A_2328 = vector.shape_cast %swap3A_2327 : vector<1x16xf32> to vector<16xf32>
          %swap3A_2329 = vector.shape_cast %mul3A_2320 : vector<16xf32> to vector<1x16xf32>
          tpu.vector_store %arg11[%swap3A_2325, %swap3A_2326], %swap3A_2329 {strides = array<i32>} : memref<128x128xf32, #tpu.memory_space<vmem>>, vector<1x16xf32>,
          %mul3A_2330 = arith.constant 16 : i32
          %mul3A_2331 = arith.muli %scan3A_140, %mul3A_2330 : i32
          %add3A_2332 = arith.constant 14 : i32
          %add3A_2333 = arith.addi %mul3A_2331, %add3A_2332 : i32
          %get3A_2334 = arith.index_cast %add3A_2333 : i32 to index
          %get3A_2335 = arith.constant 112 : index
          %get3A_2336 = tpu.vector_load %arg11[%get3A_2334, %get3A_2335] {strides = array<i32>} : memref<128x128xf32, #tpu.memory_space<vmem>>, vector<1x16xf32>,
          %get3A_2337 = vector.shape_cast %get3A_2336 : vector<1x16xf32> to vector<16xf32>
          %mul3A_2338 = arith.mulf %get3A_2337, %broadcast_in_dim3A_2203 : vector<16xf32>
          %mul3A_2339 = arith.constant 16 : i32
          %mul3A_2340 = arith.muli %scan3A_140, %mul3A_2339 : i32
          %add3A_2341 = arith.constant 14 : i32
          %add3A_2342 = arith.addi %mul3A_2340, %add3A_2341 : i32
          %swap3A_2343 = arith.index_cast %add3A_2342 : i32 to index
          %swap3A_2344 = arith.constant 112 : index
          %swap3A_2345 = tpu.vector_load %arg11[%swap3A_2343, %swap3A_2344] {strides = array<i32>} : memref<128x128xf32, #tpu.memory_space<vmem>>, vector<1x16xf32>,
          %swap3A_2346 = vector.shape_cast %swap3A_2345 : vector<1x16xf32> to vector<16xf32>
          %swap3A_2347 = vector.shape_cast %mul3A_2338 : vector<16xf32> to vector<1x16xf32>
          tpu.vector_store %arg11[%swap3A_2343, %swap3A_2344], %swap3A_2347 {strides = array<i32>} : memref<128x128xf32, #tpu.memory_space<vmem>>, vector<1x16xf32>,
          %slice3A_2348 = vector.extract_strided_slice %get3A_146 {offsets = [15], sizes = [1], strides = [1]} : vector<16xf32> to vector<1xf32>
          %squeeze3A_2349 = vector.extract %slice3A_2348[0] : f32 from vector<1xf32>
          %broadcast_in_dim3A_2350 = vector.broadcast %squeeze3A_2349 : f32 to vector<16xf32>
          %mul3A_2351 = arith.constant 16 : i32
          %mul3A_2352 = arith.muli %scan3A_140, %mul3A_2351 : i32
          %add3A_2353 = arith.constant 15 : i32
          %add3A_2354 = arith.addi %mul3A_2352, %add3A_2353 : i32
          %get3A_2355 = arith.index_cast %add3A_2354 : i32 to index
          %get3A_2356 = arith.constant 0 : index
          %get3A_2357 = tpu.vector_load %arg11[%get3A_2355, %get3A_2356] {strides = array<i32>} : memref<128x128xf32, #tpu.memory_space<vmem>>, vector<1x16xf32>,
          %get3A_2358 = vector.shape_cast %get3A_2357 : vector<1x16xf32> to vector<16xf32>
          %mul3A_2359 = arith.mulf %get3A_2358, %broadcast_in_dim3A_2350 : vector<16xf32>
          %mul3A_2360 = arith.constant 16 : i32
          %mul3A_2361 = arith.muli %scan3A_140, %mul3A_2360 : i32
          %add3A_2362 = arith.constant 15 : i32
          %add3A_2363 = arith.addi %mul3A_2361, %add3A_2362 : i32
          %swap3A_2364 = arith.index_cast %add3A_2363 : i32 to index
          %swap3A_2365 = arith.constant 0 : index
          %swap3A_2366 = tpu.vector_load %arg11[%swap3A_2364, %swap3A_2365] {strides = array<i32>} : memref<128x128xf32, #tpu.memory_space<vmem>>, vector<1x16xf32>,
          %swap3A_2367 = vector.shape_cast %swap3A_2366 : vector<1x16xf32> to vector<16xf32>
          %swap3A_2368 = vector.shape_cast %mul3A_2359 : vector<16xf32> to vector<1x16xf32>
          tpu.vector_store %arg11[%swap3A_2364, %swap3A_2365], %swap3A_2368 {strides = array<i32>} : memref<128x128xf32, #tpu.memory_space<vmem>>, vector<1x16xf32>,
          %mul3A_2369 = arith.constant 16 : i32
          %mul3A_2370 = arith.muli %scan3A_140, %mul3A_2369 : i32
          %add3A_2371 = arith.constant 15 : i32
          %add3A_2372 = arith.addi %mul3A_2370, %add3A_2371 : i32
          %get3A_2373 = arith.index_cast %add3A_2372 : i32 to index
          %get3A_2374 = arith.constant 16 : index
          %get3A_2375 = tpu.vector_load %arg11[%get3A_2373, %get3A_2374] {strides = array<i32>} : memref<128x128xf32, #tpu.memory_space<vmem>>, vector<1x16xf32>,
          %get3A_2376 = vector.shape_cast %get3A_2375 : vector<1x16xf32> to vector<16xf32>
          %mul3A_2377 = arith.mulf %get3A_2376, %broadcast_in_dim3A_2350 : vector<16xf32>
          %mul3A_2378 = arith.constant 16 : i32
          %mul3A_2379 = arith.muli %scan3A_140, %mul3A_2378 : i32
          %add3A_2380 = arith.constant 15 : i32
          %add3A_2381 = arith.addi %mul3A_2379, %add3A_2380 : i32
          %swap3A_2382 = arith.index_cast %add3A_2381 : i32 to index
          %swap3A_2383 = arith.constant 16 : index
          %swap3A_2384 = tpu.vector_load %arg11[%swap3A_2382, %swap3A_2383] {strides = array<i32>} : memref<128x128xf32, #tpu.memory_space<vmem>>, vector<1x16xf32>,
          %swap3A_2385 = vector.shape_cast %swap3A_2384 : vector<1x16xf32> to vector<16xf32>
          %swap3A_2386 = vector.shape_cast %mul3A_2377 : vector<16xf32> to vector<1x16xf32>
          tpu.vector_store %arg11[%swap3A_2382, %swap3A_2383], %swap3A_2386 {strides = array<i32>} : memref<128x128xf32, #tpu.memory_space<vmem>>, vector<1x16xf32>,
          %mul3A_2387 = arith.constant 16 : i32
          %mul3A_2388 = arith.muli %scan3A_140, %mul3A_2387 : i32
          %add3A_2389 = arith.constant 15 : i32
          %add3A_2390 = arith.addi %mul3A_2388, %add3A_2389 : i32
          %get3A_2391 = arith.index_cast %add3A_2390 : i32 to index
          %get3A_2392 = arith.constant 32 : index
          %get3A_2393 = tpu.vector_load %arg11[%get3A_2391, %get3A_2392] {strides = array<i32>} : memref<128x128xf32, #tpu.memory_space<vmem>>, vector<1x16xf32>,
          %get3A_2394 = vector.shape_cast %get3A_2393 : vector<1x16xf32> to vector<16xf32>
          %mul3A_2395 = arith.mulf %get3A_2394, %broadcast_in_dim3A_2350 : vector<16xf32>
          %mul3A_2396 = arith.constant 16 : i32
          %mul3A_2397 = arith.muli %scan3A_140, %mul3A_2396 : i32
          %add3A_2398 = arith.constant 15 : i32
          %add3A_2399 = arith.addi %mul3A_2397, %add3A_2398 : i32
          %swap3A_2400 = arith.index_cast %add3A_2399 : i32 to index
          %swap3A_2401 = arith.constant 32 : index
          %swap3A_2402 = tpu.vector_load %arg11[%swap3A_2400, %swap3A_2401] {strides = array<i32>} : memref<128x128xf32, #tpu.memory_space<vmem>>, vector<1x16xf32>,
          %swap3A_2403 = vector.shape_cast %swap3A_2402 : vector<1x16xf32> to vector<16xf32>
          %swap3A_2404 = vector.shape_cast %mul3A_2395 : vector<16xf32> to vector<1x16xf32>
          tpu.vector_store %arg11[%swap3A_2400, %swap3A_2401], %swap3A_2404 {strides = array<i32>} : memref<128x128xf32, #tpu.memory_space<vmem>>, vector<1x16xf32>,
          %mul3A_2405 = arith.constant 16 : i32
          %mul3A_2406 = arith.muli %scan3A_140, %mul3A_2405 : i32
          %add3A_2407 = arith.constant 15 : i32
          %add3A_2408 = arith.addi %mul3A_2406, %add3A_2407 : i32
          %get3A_2409 = arith.index_cast %add3A_2408 : i32 to index
          %get3A_2410 = arith.constant 48 : index
          %get3A_2411 = tpu.vector_load %arg11[%get3A_2409, %get3A_2410] {strides = array<i32>} : memref<128x128xf32, #tpu.memory_space<vmem>>, vector<1x16xf32>,
          %get3A_2412 = vector.shape_cast %get3A_2411 : vector<1x16xf32> to vector<16xf32>
          %mul3A_2413 = arith.mulf %get3A_2412, %broadcast_in_dim3A_2350 : vector<16xf32>
          %mul3A_2414 = arith.constant 16 : i32
          %mul3A_2415 = arith.muli %scan3A_140, %mul3A_2414 : i32
          %add3A_2416 = arith.constant 15 : i32
          %add3A_2417 = arith.addi %mul3A_2415, %add3A_2416 : i32
          %swap3A_2418 = arith.index_cast %add3A_2417 : i32 to index
          %swap3A_2419 = arith.constant 48 : index
          %swap3A_2420 = tpu.vector_load %arg11[%swap3A_2418, %swap3A_2419] {strides = array<i32>} : memref<128x128xf32, #tpu.memory_space<vmem>>, vector<1x16xf32>,
          %swap3A_2421 = vector.shape_cast %swap3A_2420 : vector<1x16xf32> to vector<16xf32>
          %swap3A_2422 = vector.shape_cast %mul3A_2413 : vector<16xf32> to vector<1x16xf32>
          tpu.vector_store %arg11[%swap3A_2418, %swap3A_2419], %swap3A_2422 {strides = array<i32>} : memref<128x128xf32, #tpu.memory_space<vmem>>, vector<1x16xf32>,
          %mul3A_2423 = arith.constant 16 : i32
          %mul3A_2424 = arith.muli %scan3A_140, %mul3A_2423 : i32
          %add3A_2425 = arith.constant 15 : i32
          %add3A_2426 = arith.addi %mul3A_2424, %add3A_2425 : i32
          %get3A_2427 = arith.index_cast %add3A_2426 : i32 to index
          %get3A_2428 = arith.constant 64 : index
          %get3A_2429 = tpu.vector_load %arg11[%get3A_2427, %get3A_2428] {strides = array<i32>} : memref<128x128xf32, #tpu.memory_space<vmem>>, vector<1x16xf32>,
          %get3A_2430 = vector.shape_cast %get3A_2429 : vector<1x16xf32> to vector<16xf32>
          %mul3A_2431 = arith.mulf %get3A_2430, %broadcast_in_dim3A_2350 : vector<16xf32>
          %mul3A_2432 = arith.constant 16 : i32
          %mul3A_2433 = arith.muli %scan3A_140, %mul3A_2432 : i32
          %add3A_2434 = arith.constant 15 : i32
          %add3A_2435 = arith.addi %mul3A_2433, %add3A_2434 : i32
          %swap3A_2436 = arith.index_cast %add3A_2435 : i32 to index
          %swap3A_2437 = arith.constant 64 : index
          %swap3A_2438 = tpu.vector_load %arg11[%swap3A_2436, %swap3A_2437] {strides = array<i32>} : memref<128x128xf32, #tpu.memory_space<vmem>>, vector<1x16xf32>,
          %swap3A_2439 = vector.shape_cast %swap3A_2438 : vector<1x16xf32> to vector<16xf32>
          %swap3A_2440 = vector.shape_cast %mul3A_2431 : vector<16xf32> to vector<1x16xf32>
          tpu.vector_store %arg11[%swap3A_2436, %swap3A_2437], %swap3A_2440 {strides = array<i32>} : memref<128x128xf32, #tpu.memory_space<vmem>>, vector<1x16xf32>,
          %mul3A_2441 = arith.constant 16 : i32
          %mul3A_2442 = arith.muli %scan3A_140, %mul3A_2441 : i32
          %add3A_2443 = arith.constant 15 : i32
          %add3A_2444 = arith.addi %mul3A_2442, %add3A_2443 : i32
          %get3A_2445 = arith.index_cast %add3A_2444 : i32 to index
          %get3A_2446 = arith.constant 80 : index
          %get3A_2447 = tpu.vector_load %arg11[%get3A_2445, %get3A_2446] {strides = array<i32>} : memref<128x128xf32, #tpu.memory_space<vmem>>, vector<1x16xf32>,
          %get3A_2448 = vector.shape_cast %get3A_2447 : vector<1x16xf32> to vector<16xf32>
          %mul3A_2449 = arith.mulf %get3A_2448, %broadcast_in_dim3A_2350 : vector<16xf32>
          %mul3A_2450 = arith.constant 16 : i32
          %mul3A_2451 = arith.muli %scan3A_140, %mul3A_2450 : i32
          %add3A_2452 = arith.constant 15 : i32
          %add3A_2453 = arith.addi %mul3A_2451, %add3A_2452 : i32
          %swap3A_2454 = arith.index_cast %add3A_2453 : i32 to index
          %swap3A_2455 = arith.constant 80 : index
          %swap3A_2456 = tpu.vector_load %arg11[%swap3A_2454, %swap3A_2455] {strides = array<i32>} : memref<128x128xf32, #tpu.memory_space<vmem>>, vector<1x16xf32>,
          %swap3A_2457 = vector.shape_cast %swap3A_2456 : vector<1x16xf32> to vector<16xf32>
          %swap3A_2458 = vector.shape_cast %mul3A_2449 : vector<16xf32> to vector<1x16xf32>
          tpu.vector_store %arg11[%swap3A_2454, %swap3A_2455], %swap3A_2458 {strides = array<i32>} : memref<128x128xf32, #tpu.memory_space<vmem>>, vector<1x16xf32>,
          %mul3A_2459 = arith.constant 16 : i32
          %mul3A_2460 = arith.muli %scan3A_140, %mul3A_2459 : i32
          %add3A_2461 = arith.constant 15 : i32
          %add3A_2462 = arith.addi %mul3A_2460, %add3A_2461 : i32
          %get3A_2463 = arith.index_cast %add3A_2462 : i32 to index
          %get3A_2464 = arith.constant 96 : index
          %get3A_2465 = tpu.vector_load %arg11[%get3A_2463, %get3A_2464] {strides = array<i32>} : memref<128x128xf32, #tpu.memory_space<vmem>>, vector<1x16xf32>,
          %get3A_2466 = vector.shape_cast %get3A_2465 : vector<1x16xf32> to vector<16xf32>
          %mul3A_2467 = arith.mulf %get3A_2466, %broadcast_in_dim3A_2350 : vector<16xf32>
          %mul3A_2468 = arith.constant 16 : i32
          %mul3A_2469 = arith.muli %scan3A_140, %mul3A_2468 : i32
          %add3A_2470 = arith.constant 15 : i32
          %add3A_2471 = arith.addi %mul3A_2469, %add3A_2470 : i32
          %swap3A_2472 = arith.index_cast %add3A_2471 : i32 to index
          %swap3A_2473 = arith.constant 96 : index
          %swap3A_2474 = tpu.vector_load %arg11[%swap3A_2472, %swap3A_2473] {strides = array<i32>} : memref<128x128xf32, #tpu.memory_space<vmem>>, vector<1x16xf32>,
          %swap3A_2475 = vector.shape_cast %swap3A_2474 : vector<1x16xf32> to vector<16xf32>
          %swap3A_2476 = vector.shape_cast %mul3A_2467 : vector<16xf32> to vector<1x16xf32>
          tpu.vector_store %arg11[%swap3A_2472, %swap3A_2473], %swap3A_2476 {strides = array<i32>} : memref<128x128xf32, #tpu.memory_space<vmem>>, vector<1x16xf32>,
          %mul3A_2477 = arith.constant 16 : i32
          %mul3A_2478 = arith.muli %scan3A_140, %mul3A_2477 : i32
          %add3A_2479 = arith.constant 15 : i32
          %add3A_2480 = arith.addi %mul3A_2478, %add3A_2479 : i32
          %get3A_2481 = arith.index_cast %add3A_2480 : i32 to index
          %get3A_2482 = arith.constant 112 : index
          %get3A_2483 = tpu.vector_load %arg11[%get3A_2481, %get3A_2482] {strides = array<i32>} : memref<128x128xf32, #tpu.memory_space<vmem>>, vector<1x16xf32>,
          %get3A_2484 = vector.shape_cast %get3A_2483 : vector<1x16xf32> to vector<16xf32>
          %mul3A_2485 = arith.mulf %get3A_2484, %broadcast_in_dim3A_2350 : vector<16xf32>
          %mul3A_2486 = arith.constant 16 : i32
          %mul3A_2487 = arith.muli %scan3A_140, %mul3A_2486 : i32
          %add3A_2488 = arith.constant 15 : i32
          %add3A_2489 = arith.addi %mul3A_2487, %add3A_2488 : i32
          %swap3A_2490 = arith.index_cast %add3A_2489 : i32 to index
          %swap3A_2491 = arith.constant 112 : index
          %swap3A_2492 = tpu.vector_load %arg11[%swap3A_2490, %swap3A_2491] {strides = array<i32>} : memref<128x128xf32, #tpu.memory_space<vmem>>, vector<1x16xf32>,
          %swap3A_2493 = vector.shape_cast %swap3A_2492 : vector<1x16xf32> to vector<16xf32>
          %swap3A_2494 = vector.shape_cast %mul3A_2485 : vector<16xf32> to vector<1x16xf32>
          tpu.vector_store %arg11[%swap3A_2490, %swap3A_2491], %swap3A_2494 {strides = array<i32>} : memref<128x128xf32, #tpu.memory_space<vmem>>, vector<1x16xf32>,
          %scan3A_2495 = arith.constant 0 : i32
          scf.yield %scan3A_2495 : i32
        }
        %scan3A_132 = arith.constant 8 : i32
        %dma_start3A_133 = arith.constant 0 : i32
        %dma_start3A_134 = tpu.memref_slice %arg8[%add3A_119, %dma_start3A_133] : memref<16x128xi32, #tpu.memory_space<vmem>> -> memref<1x128xi32, #tpu.memory_space<vmem>>
        %dma_start3A_135 = tpu.memref_squeeze %dma_start3A_134 : memref<1x128xi32, #tpu.memory_space<vmem>> -> memref<128xi32, #tpu.memory_space<vmem>>
        %dma_start3A_136 = arith.constant 0 : i32
        %dma_start3A_137 = arith.constant 0 : i32
        %dma_start3A_138 = tpu.memref_slice %arg12[%dma_start3A_136, %dma_start3A_137] : memref<10240x128xf32, #tpu.memory_space<vmem_shared>> -> memref<10240x128xf32, #tpu.memory_space<vmem_shared>>
        tpu.enqueue_indirect_dma source(%arg11 : memref<128x128xf32, #tpu.memory_space<vmem>>) target(%dma_start3A_138 : memref<10240x128xf32, #tpu.memory_space<vmem_shared>>) offsets(%dma_start3A_135 : memref<128xi32, #tpu.memory_space<vmem>>) semaphore(%arg16 : memref<!tpu.dma_semaphore, #tpu.memory_space<semaphore_mem>>) {add = true}
        %scan3A_139 = arith.constant 0 : i32
        scf.yield %scan3A_139 : i32
      }
      %scan3A_52 = arith.constant 8 : i32
      %dma_wait3A = arith.constant 0 : i32
      %dma_wait3A_53 = arith.constant 0 : i32
      %dma_wait3A_54 = tpu.memref_slice %arg5[%dma_wait3A, %dma_wait3A_53] : memref<10000x128xf32, #tpu.memory_space<hbm>> -> memref<128x128xf32, #tpu.memory_space<hbm>>
      %dma_wait3A_55 = arith.constant 0 : i32
      %dma_wait3A_56 = arith.constant 0 : i32
      %dma_wait3A_57 = tpu.memref_slice %arg5[%dma_wait3A_55, %dma_wait3A_56] : memref<10000x128xf32, #tpu.memory_space<hbm>> -> memref<128x128xf32, #tpu.memory_space<hbm>>
      tpu.wait_dma2 semaphore(%arg15 : memref<!tpu.dma_semaphore, #tpu.memory_space<semaphore_mem>>) src(%dma_wait3A_57 : memref<128x128xf32, #tpu.memory_space<hbm>>) dst(%arg10 : memref<128x128xf32, #tpu.memory_space<vmem>>)
      %dma_wait3A_58 = arith.constant 0 : i32
      %dma_wait3A_59 = arith.constant 0 : i32
      %dma_wait3A_60 = tpu.memref_slice %arg5[%dma_wait3A_58, %dma_wait3A_59] : memref<10000x128xf32, #tpu.memory_space<hbm>> -> memref<128x128xf32, #tpu.memory_space<hbm>>
      %dma_wait3A_61 = arith.constant 0 : i32
      %dma_wait3A_62 = arith.constant 0 : i32
      %dma_wait3A_63 = tpu.memref_slice %arg5[%dma_wait3A_61, %dma_wait3A_62] : memref<10000x128xf32, #tpu.memory_space<hbm>> -> memref<128x128xf32, #tpu.memory_space<hbm>>
      tpu.wait_dma2 semaphore(%arg16 : memref<!tpu.dma_semaphore, #tpu.memory_space<semaphore_mem>>) src(%dma_wait3A_63 : memref<128x128xf32, #tpu.memory_space<hbm>>) dst(%arg11 : memref<128x128xf32, #tpu.memory_space<vmem>>)
      %scan3A_64 = arith.constant 0 : i32
      scf.yield %scan3A_64 : i32
    }
    %scan3A_35 = arith.constant 5 : i32
    %barrier3A_36 = arith.constant 0 : index
    tpu.barrier barrier_id(%barrier3A_36)
    %mul3A_37 = arith.constant 640 : i32
    %mul3A_38 = arith.muli %arg1, %mul3A_37 : i32
    %mul3A_39 = arith.constant 640 : i32
    %mul3A_40 = arith.muli %arg1, %mul3A_39 : i32
    "tpu.region"() ({
      %run_scoped3A = tpu.sem_alloc : memref<!tpu.dma_semaphore, #tpu.memory_space<semaphore_mem>>
      %dma_start3A = arith.constant 0 : i32
      %dma_start3A_41 = tpu.memref_slice %arg6[%arg0, %mul3A_40, %dma_start3A] : memref<2x10240x128xf32, #tpu.memory_space<hbm>> -> memref<1x640x128xf32, #tpu.memory_space<hbm>>
      %dma_start3A_42 = tpu.memref_squeeze %dma_start3A_41 : memref<1x640x128xf32, #tpu.memory_space<hbm>> -> memref<640x128xf32, #tpu.memory_space<hbm>>
      %dma_start3A_43 = arith.constant 0 : i32
      %dma_start3A_44 = tpu.memref_slice %arg12[%mul3A_38, %dma_start3A_43] : memref<10240x128xf32, #tpu.memory_space<vmem_shared>> -> memref<640x128xf32, #tpu.memory_space<vmem_shared>>
      tpu.enqueue_dma source(%dma_start3A_44 : memref<640x128xf32, #tpu.memory_space<vmem_shared>>) target(%dma_start3A_42 : memref<640x128xf32, #tpu.memory_space<hbm>>) target_semaphore(%run_scoped3A : memref<!tpu.dma_semaphore, #tpu.memory_space<semaphore_mem>>)
      %dma_wait3A = arith.constant 0 : i32
      %dma_wait3A_45 = tpu.memref_slice %arg6[%arg0, %mul3A_40, %dma_wait3A] : memref<2x10240x128xf32, #tpu.memory_space<hbm>> -> memref<1x640x128xf32, #tpu.memory_space<hbm>>
      %dma_wait3A_46 = tpu.memref_squeeze %dma_wait3A_45 : memref<1x640x128xf32, #tpu.memory_space<hbm>> -> memref<640x128xf32, #tpu.memory_space<hbm>>
      %dma_wait3A_47 = arith.constant 0 : i32
      %dma_wait3A_48 = tpu.memref_slice %arg12[%mul3A_38, %dma_wait3A_47] : memref<10240x128xf32, #tpu.memory_space<vmem_shared>> -> memref<640x128xf32, #tpu.memory_space<vmem_shared>>
      tpu.wait_dma2 semaphore(%run_scoped3A : memref<!tpu.dma_semaphore, #tpu.memory_space<semaphore_mem>>) src(%dma_wait3A_48 : memref<640x128xf32, #tpu.memory_space<vmem_shared>>) dst(%dma_wait3A_46 : memref<640x128xf32, #tpu.memory_space<hbm>>)
      tpu.yield
    }) : () -> ()
    return
  }
}

module attributes {stable_mosaic.version = 14 : i64} {
  func.func @body(%arg0: i32, %arg1: memref<1000x128xf32, #tpu.memory_space<vmem>>, %arg2: memref<128x128xf32, #tpu.memory_space<vmem>>, %arg3: memref<2x1000x1xf32, #tpu.memory_space<vmem>>, %arg4: memref<1000x128xf32, #tpu.memory_space<vmem>>, %arg5: memref<1000x1xf32, #tpu.memory_space<vmem>>) attributes {dimension_semantics = [#tpu.dimension_semantics<arbitrary>], iteration_bounds = array<i64: 10>, scalar_prefetch = 0 : i64, scratch_operands = 0 : i64, tpu.core_type = #tpu.core_type<tc>, window_params = [{transform_indices = @transform_0, window_bounds = array<i64: 1000, 128>}, {pipeline_mode = #tpu.pipeline_mode<synchronous>, transform_indices = @transform_1, window_bounds = array<i64: 128, 128>}, {transform_indices = @transform_2, window_bounds = array<i64: 2, 1000, 1>}, {transform_indices = @transform_3, window_bounds = array<i64: 1000, 128>}, {transform_indices = @transform_4, window_bounds = array<i64: 1000, 1>}]} {
    %get3A = arith.constant 0 : index
    %get3A_0 = arith.constant 0 : index
    %get3A_1 = vector.load %arg1[%get3A, %get3A_0] : memref<1000x128xf32, #tpu.memory_space<vmem>>, vector<1000x128xf32>
    %get3A_2 = arith.constant 0 : index
    %get3A_3 = arith.constant 0 : index
    %get3A_4 = vector.load %arg2[%get3A_2, %get3A_3] : memref<128x128xf32, #tpu.memory_space<vmem>>, vector<128x128xf32>
    %dot_general3A = arith.constant dense<0.000000e+00> : vector<1000x128xf32>
    %dot_general3A_5 = tpu.matmul %get3A_1, %get3A_4, %dot_general3A {dimension_numbers = #tpu.dot_dimension_numbers<[1], [0], [0], [1], [0, 0, 1, 1], [], []>, transpose_lhs_hint = false} : vector<1000x128xf32>, vector<128x128xf32>, vector<1000x128xf32> -> vector<1000x128xf32>
    %get3A_6 = arith.constant 0 : index
    %get3A_7 = arith.constant 0 : index
    %get3A_8 = arith.constant 0 : index
    %get3A_9 = vector.load %arg3[%get3A_6, %get3A_7, %get3A_8] : memref<2x1000x1xf32, #tpu.memory_space<vmem>>, vector<1x1000x1xf32>
    %get3A_10 = vector.shape_cast %get3A_9 : vector<1x1000x1xf32> to vector<1000x1xf32>
    %get3A_11 = arith.constant 1 : index
    %get3A_12 = arith.constant 0 : index
    %get3A_13 = arith.constant 0 : index
    %get3A_14 = vector.load %arg3[%get3A_11, %get3A_12, %get3A_13] : memref<2x1000x1xf32, #tpu.memory_space<vmem>>, vector<1x1000x1xf32>
    %get3A_15 = vector.shape_cast %get3A_14 : vector<1x1000x1xf32> to vector<1000x1xf32>
    %add3A = arith.addf %get3A_10, %get3A_15 : vector<1000x1xf32>
    %add3A_16 = arith.constant 2.000000e+00 : f32
    %add3A_17 = vector.broadcast %add3A_16 : f32 to vector<1000x1xf32>
    %add3A_18 = arith.addf %add3A, %add3A_17 : vector<1000x1xf32>
    %gt3A = arith.constant 0.000000e+00 : f32
    %gt3A_19 = vector.broadcast %gt3A : f32 to vector<1000x1xf32>
    %gt3A_20 = arith.cmpf ogt, %add3A_18, %gt3A_19 : vector<1000x1xf32>
    %gt3A_21 = arith.constant 0.000000e+00 : f32
    %gt3A_22 = vector.broadcast %gt3A_21 : f32 to vector<1000x1xf32>
    %gt3A_23 = arith.cmpf ogt, %add3A_18, %gt3A_22 : vector<1000x1xf32>
    %jit3A = arith.constant 1.000000e+00 : f32
    %broadcast_in_dim3A = vector.broadcast %jit3A : f32 to vector<1000x1xf32>
    %select_n3A = arith.select %gt3A_23, %add3A_18, %broadcast_in_dim3A : vector<1000x1xi1>, vector<1000x1xf32>
    %rsqrt3A = math.rsqrt %select_n3A : vector<1000x1xf32>
    %jit3A_24 = arith.constant 0.000000e+00 : f32
    %broadcast_in_dim3A_25 = vector.broadcast %jit3A_24 : f32 to vector<1000x1xf32>
    %select_n3A_26 = arith.select %gt3A_20, %rsqrt3A, %broadcast_in_dim3A_25 : vector<1000x1xi1>, vector<1000x1xf32>
    %mul3A = vector.broadcast %select_n3A_26 : vector<1000x1xf32> to vector<1000x128xf32>
    %mul3A_27 = arith.mulf %dot_general3A_5, %mul3A : vector<1000x128xf32>
    %swap3A = arith.constant 0 : index
    %swap3A_28 = arith.constant 0 : index
    %swap3A_29 = vector.load %arg4[%swap3A, %swap3A_28] : memref<1000x128xf32, #tpu.memory_space<vmem>>, vector<1000x128xf32>
    tpu.vector_store %arg4[%swap3A, %swap3A_28], %mul3A_27 {strides = array<i32>} : memref<1000x128xf32, #tpu.memory_space<vmem>>, vector<1000x128xf32>,
    %swap3A_30 = arith.constant 0 : index
    %swap3A_31 = arith.constant 0 : index
    %swap3A_32 = vector.load %arg5[%swap3A_30, %swap3A_31] : memref<1000x1xf32, #tpu.memory_space<vmem>>, vector<1000x1xf32>
    tpu.vector_store %arg5[%swap3A_30, %swap3A_31], %select_n3A_26 {strides = array<i32>} : memref<1000x1xf32, #tpu.memory_space<vmem>>, vector<1000x1xf32>,
    return
  }
  func.func @transform_0(%arg0: i32) -> (i32, i32) {
    %c0_i32 = arith.constant 0 : i32
    %c0_i32_0 = arith.constant 0 : i32
    return %arg0, %c0_i32 : i32, i32
  }
  func.func @transform_1(%arg0: i32) -> (i32, i32) {
    %c0_i32 = arith.constant 0 : i32
    %c0_i32_0 = arith.constant 0 : i32
    %c0_i32_1 = arith.constant 0 : i32
    return %c0_i32, %c0_i32_0 : i32, i32
  }
  func.func @transform_2(%arg0: i32) -> (i32, i32, i32) {
    %c0_i32 = arith.constant 0 : i32
    %c0_i32_0 = arith.constant 0 : i32
    %c0_i32_1 = arith.constant 0 : i32
    return %c0_i32, %arg0, %c0_i32_0 : i32, i32, i32
  }
  func.func @transform_3(%arg0: i32) -> (i32, i32) {
    %c0_i32 = arith.constant 0 : i32
    %c0_i32_0 = arith.constant 0 : i32
    return %arg0, %c0_i32 : i32, i32
  }
  func.func @transform_4(%arg0: i32) -> (i32, i32) {
    %c0_i32 = arith.constant 0 : i32
    %c0_i32_0 = arith.constant 0 : i32
    return %arg0, %c0_i32 : i32, i32
  }
}

module attributes {stable_mosaic.version = 14 : i64} {
  func.func @body(%arg0: i32, %arg1: memref<2x1000x128xf32, #tpu.memory_space<vmem>>, %arg2: memref<1000x128xf32, #tpu.memory_space<vmem>>, %arg3: memref<1000x1xf32, #tpu.memory_space<vmem>>, %arg4: memref<1x128xf32, #tpu.memory_space<vmem>>, %arg5: memref<1000x128xf32, #tpu.memory_space<vmem>>) attributes {dimension_semantics = [#tpu.dimension_semantics<arbitrary>], iteration_bounds = array<i64: 10>, scalar_prefetch = 0 : i64, scratch_operands = 0 : i64, tpu.core_type = #tpu.core_type<tc>, window_params = [{transform_indices = @transform_0, window_bounds = array<i64: 2, 1000, 128>}, {transform_indices = @transform_1, window_bounds = array<i64: 1000, 128>}, {transform_indices = @transform_2, window_bounds = array<i64: 1000, 1>}, {pipeline_mode = #tpu.pipeline_mode<synchronous>, transform_indices = @transform_3, window_bounds = array<i64: 1, 128>}, {transform_indices = @transform_4, window_bounds = array<i64: 1000, 128>}]} {
    %get3A = arith.constant 0 : index
    %get3A_0 = arith.constant 0 : index
    %get3A_1 = arith.constant 0 : index
    %get3A_2 = vector.load %arg1[%get3A, %get3A_0, %get3A_1] : memref<2x1000x128xf32, #tpu.memory_space<vmem>>, vector<1x1000x128xf32>
    %get3A_3 = vector.shape_cast %get3A_2 : vector<1x1000x128xf32> to vector<1000x128xf32>
    %get3A_4 = arith.constant 1 : index
    %get3A_5 = arith.constant 0 : index
    %get3A_6 = arith.constant 0 : index
    %get3A_7 = vector.load %arg1[%get3A_4, %get3A_5, %get3A_6] : memref<2x1000x128xf32, #tpu.memory_space<vmem>>, vector<1x1000x128xf32>
    %get3A_8 = vector.shape_cast %get3A_7 : vector<1x1000x128xf32> to vector<1000x128xf32>
    %add3A = arith.addf %get3A_3, %get3A_8 : vector<1000x128xf32>
    %get3A_9 = arith.constant 0 : index
    %get3A_10 = arith.constant 0 : index
    %get3A_11 = vector.load %arg2[%get3A_9, %get3A_10] : memref<1000x128xf32, #tpu.memory_space<vmem>>, vector<1000x128xf32>
    %mul3A = arith.constant 2.000000e+00 : f32
    %mul3A_12 = vector.broadcast %mul3A : f32 to vector<1000x128xf32>
    %mul3A_13 = arith.mulf %mul3A_12, %get3A_11 : vector<1000x128xf32>
    %add3A_14 = arith.addf %add3A, %mul3A_13 : vector<1000x128xf32>
    %get3A_15 = arith.constant 0 : index
    %get3A_16 = arith.constant 0 : index
    %get3A_17 = vector.load %arg3[%get3A_15, %get3A_16] : memref<1000x1xf32, #tpu.memory_space<vmem>>, vector<1000x1xf32>
    %mul3A_18 = vector.broadcast %get3A_17 : vector<1000x1xf32> to vector<1000x128xf32>
    %mul3A_19 = arith.mulf %add3A_14, %mul3A_18 : vector<1000x128xf32>
    %get3A_20 = arith.constant 0 : index
    %get3A_21 = arith.constant 0 : index
    %get3A_22 = vector.load %arg4[%get3A_20, %get3A_21] : memref<1x128xf32, #tpu.memory_space<vmem>>, vector<1x128xf32>
    %add3A_23 = vector.broadcast %get3A_22 : vector<1x128xf32> to vector<1000x128xf32>
    %add3A_24 = arith.addf %mul3A_19, %add3A_23 : vector<1000x128xf32>
    %swap3A = arith.constant 0 : index
    %swap3A_25 = arith.constant 0 : index
    %swap3A_26 = vector.load %arg5[%swap3A, %swap3A_25] : memref<1000x128xf32, #tpu.memory_space<vmem>>, vector<1000x128xf32>
    tpu.vector_store %arg5[%swap3A, %swap3A_25], %add3A_24 {strides = array<i32>} : memref<1000x128xf32, #tpu.memory_space<vmem>>, vector<1000x128xf32>,
    return
  }
  func.func @transform_0(%arg0: i32) -> (i32, i32, i32) {
    %c0_i32 = arith.constant 0 : i32
    %c0_i32_0 = arith.constant 0 : i32
    %c0_i32_1 = arith.constant 0 : i32
    return %c0_i32, %arg0, %c0_i32_0 : i32, i32, i32
  }
  func.func @transform_1(%arg0: i32) -> (i32, i32) {
    %c0_i32 = arith.constant 0 : i32
    %c0_i32_0 = arith.constant 0 : i32
    return %arg0, %c0_i32 : i32, i32
  }
  func.func @transform_2(%arg0: i32) -> (i32, i32) {
    %c0_i32 = arith.constant 0 : i32
    %c0_i32_0 = arith.constant 0 : i32
    return %arg0, %c0_i32 : i32, i32
  }
  func.func @transform_3(%arg0: i32) -> (i32, i32) {
    %c0_i32 = arith.constant 0 : i32
    %c0_i32_0 = arith.constant 0 : i32
    %c0_i32_1 = arith.constant 0 : i32
    return %c0_i32, %c0_i32_0 : i32, i32
  }
  func.func @transform_4(%arg0: i32) -> (i32, i32) {
    %c0_i32 = arith.constant 0 : i32
    %c0_i32_0 = arith.constant 0 : i32
    return %arg0, %c0_i32 : i32, i32
  }
}

</mosaic_0001>

<sc_bundles>
// kernel: kernel.6.cloned.1.call-start
scs
__scs_entry_jumppad:
0x0: {  	(pc) =	sbr.rel $0x88, $3  }
0x1: {  	(tag) =	ssettag $0x0;
	lr =	simm.s32 $0x1  }
0x2: {  	[smem:$0x3F9C] =	sst lr;
	_ =	strace $0xD0000000  }
0x3: {  	_ = 	snop  }
0x4: {  	_ = 	snop  }
0x5: {  	_ = 	snop  }
0x6: {  	_ = 	snop  }
0x7: {  	_ = 	snop  }
__scs_overlays_trampoline_lowered:
0x8: {  	[smem:$0x3FAB] =	sst s0  }
0x9: {  	[smem:$0x3FAC] =	sst s1  }
0xa: {  	[smem:$0x3FAD] =	sst s2  }
0xb: {  	[smem:$0x3FAE] =	sst s3  }
0xc: {  	[smem:$0x3FAF] =	sst s4  }
0xd: {  	[smem:$0x3FB0] =	sst s5  }
0xe: {  	[smem:$0x3FB1] =	sst s6  }
0xf: {  	[smem:$0x3FB2] =	sst s7  }
0x10: {  	[smem:$0x3FB3] =	sst s8  }
0x11: {  	[smem:$0x3FB4] =	sst s9;
	s0 =	simm.s32 @!p0 $0x0  }
0x12: {  	s1 =	sld [smem:$0x3F9A];
	s0 =	simm.s32 @p0 $0x1  }
0x13: {  	[smem:$0x3FB5] =	sst s0;
	s0 =	simm.s32 @!p1 $0x0  }
0x14: {  	s2 =	sld [smem:$0x3F99];
	s0 =	simm.s32 @p1 $0x1  }
0x15: {  	[smem:$0x3FB6] =	sst s0;
	s0 =	simm.s32 @!p2 $0x0  }
0x16: {  	s3 =	sld [smem:$0x3FDB];
	s0 =	simm.s32 @p2 $0x1  }
0x17: {  	s4 =	simm.s32 $0x1BF5;
	[smem:$0x3FB8] =	sst s0  }
0x18: {  	s0 =	sld [smem:$0x3F9B];
	_ =	swait.ge [sflag:s4], $0x0  }
0x19: {  	s7 =	sld [smem:$0x3F9C]  }
0x1a: {  	s8 =	sadd.s32 $0xFFFFE003, lr  }
0x1b: {  	s9 =	sadd.s32 $0xFFFFFEF7, lr;
	s5 =	simm.s32 $0xFFFFFFFF;
	p2 =	slt.u32 s8, $0xFFFFF086  }
0x1c: {  	p1 =	slt.u32 s9, $0xF7A;
	s5 =	simm.s32 @!p2 $0x0  }
0x1d: {  	s5 =	simm.s32 @p1 $0x1;
	p0 =	seq.s32 s7, s2  }
0x1e: {  	s7 =	smul.u32 @!p0 $0xF7A, s2;
	p2 =	seq.s32 @!p0 s5, $0x0  }
0x1f: {  	s9 =	smul.u32 $0xF7A, s1;
	s8 =	simm.s32 @!p0 $0x1BF5;
	p2 =	por !p2, p0  }
0x20: {  	[sflag:s8] =	ssyncset.s32 @!p0 $0xFFFFF086;
	s6 =	sadd.s32 @!p0 s3, s7;
	s7 =	simm.s32 @!p0 $0x108  }
0x21: {  	s3 =	sadd.s32 s3, s9;
	s6 =	sadd.s32 @!p0 $0x88, s6;
	s7 =	simm.s32 @p2 $0x1082  }
0x22: {  	[simem:s7], [sflag:s8] =	dma.local @!p0 [hbm:s6], $0xF7A  }
0x23: {  	s9 =	sor.u32 $0xD0000000, s2;
	s6 =	simm.s32 $0x108;
	_ =	swait.ge @!p0 [sflag:s8], $0x0  }
0x24: {  	s3 =	sadd.s32 $0x88, s3;
	s6 =	simm.s32 @!p1 $0x1082;
	[sflag:s4] =	ssyncset.s32 $0xFFFFF086  }
0x25: {  	[simem:s6], [sflag:s4] =	dma.local [hbm:s3], $0xF7A  }
0x26: {  	[smem:$0x3F9C] =	sst s1;
	(tag) =	ssettag s2;
	_ =	strace s9  }
0x27: {  	s1 =	sld [smem:$0x3FAC]  }
0x28: {  	s2 =	sld [smem:$0x3FAD]  }
0x29: {  	s4 =	sld [smem:$0x3FAF]  }
0x2a: {  	p0 =	seq.s32 s5, $0x0;
	s5 =	sld [smem:$0x3FB0]  }
0x2b: {  	s6 =	sld [smem:$0x3FB1]  }
0x2c: {  	s7 =	sld [smem:$0x3FB2]  }
0x2d: {  	s3 =	simm.s32 $0x108;
	s8 =	sld [smem:$0x3FB3]  }
0x2e: {  	s3 =	simm.s32 @!p0 $0x1082;
	s9 =	sld [smem:$0x3FB4]  }
0x2f: {  	lr =	sadd.s32 s0, s3;
	s0 =	sld [smem:$0x3FAB]  }
0x30: {  	s3 =	sld [smem:$0x3FAE]  }
0x31: {  	[smem:$0x3FB7] =	sst s10  }
0x32: {  	s10 =	sld [smem:$0x3FB5];
	_ =	sdelay $0x3  }
0x33: {  	p0 =	seq.s32 s10, $0x1;
	s10 =	sld [smem:$0x3FB7];
	_ =	sdelay $0x3  }
0x34: {  	[smem:$0x3FB7] =	sst s10  }
0x35: {  	s10 =	sld [smem:$0x3FB6];
	_ =	sdelay $0x3  }
0x36: {  	p1 =	seq.s32 s10, $0x1;
	s10 =	sld [smem:$0x3FB7];
	_ =	sdelay $0x3  }
0x37: {  	[smem:$0x3FB7] =	sst s10  }
0x38: {  	s10 =	sld [smem:$0x3FB8]  }
0x39: {  	_ = 	snop;
	(pc) =	sbr.ind lr, $3  }
0x3a: {  	_ = 	snop  }
0x3b: {  	_ = 	snop  }
0x3c: {  	p2 =	seq.s32 s10, $0x1;
	s10 =	sld [smem:$0x3FB7]  }
0x3d: {  	_ =	shalt  }
0x3e: {  	_ =	shalt  }
0x3f: {  	_ =	shalt  }
0x40: {  	_ =	shalt  }
0x41: {  	_ =	shalt  }
0x42: {  	_ =	shalt  }
0x43: {  	_ =	shalt  }
0x44: {  	_ =	shalt  }
0x45: {  	_ =	shalt  }
0x46: {  	_ =	shalt  }
0x47: {  	_ =	shalt  }
0x48: {  	_ =	shalt  }
0x49: {  	_ =	shalt  }
0x4a: {  	_ =	shalt  }
0x4b: {  	_ =	shalt  }
0x4c: {  	_ =	shalt  }
0x4d: {  	_ =	shalt  }
0x4e: {  	_ =	shalt  }
0x4f: {  	_ =	shalt  }
0x50: {  	_ =	shalt  }
0x51: {  	_ =	shalt  }
0x52: {  	_ =	shalt  }
0x53: {  	_ =	shalt  }
0x54: {  	_ =	shalt  }
0x55: {  	_ =	shalt  }
0x56: {  	_ =	shalt  }
0x57: {  	_ =	shalt  }
0x58: {  	_ =	shalt  }
0x59: {  	_ =	shalt  }
0x5a: {  	_ =	shalt  }
0x5b: {  	_ =	shalt  }
0x5c: {  	_ =	shalt  }
0x5d: {  	_ =	shalt  }
0x5e: {  	_ =	shalt  }
0x5f: {  	_ =	shalt  }
0x60: {  	_ =	shalt  }
0x61: {  	_ =	shalt  }
0x62: {  	_ =	shalt  }
0x63: {  	_ =	shalt  }
0x64: {  	_ =	shalt  }
0x65: {  	_ =	shalt  }
0x66: {  	_ =	shalt  }
0x67: {  	_ =	shalt  }
0x68: {  	_ =	shalt  }
0x69: {  	_ =	shalt  }
0x6a: {  	_ =	shalt  }
0x6b: {  	_ =	shalt  }
0x6c: {  	_ =	shalt  }
0x6d: {  	_ =	shalt  }
0x6e: {  	_ =	shalt  }
0x6f: {  	_ =	shalt  }
0x70: {  	_ =	shalt  }
0x71: {  	_ =	shalt  }
0x72: {  	_ =	shalt  }
0x73: {  	_ =	shalt  }
0x74: {  	_ =	shalt  }
0x75: {  	_ =	shalt  }
0x76: {  	_ =	shalt  }
0x77: {  	_ =	shalt  }
0x78: {  	_ =	shalt  }
0x79: {  	_ =	shalt  }
0x7a: {  	_ =	shalt  }
0x7b: {  	_ =	shalt  }
0x7c: {  	_ =	shalt  }
0x7d: {  	_ =	shalt  }
0x7e: {  	_ =	shalt  }
0x7f: {  	_ =	shalt  }
0x80: {  	_ =	shalt  }
0x81: {  	_ =	shalt  }
0x82: {  	_ =	shalt  }
0x83: {  	_ =	shalt  }
0x84: {  	_ =	shalt  }
0x85: {  	_ =	shalt  }
0x86: {  	_ =	shalt  }
0x87: {  	_ =	shalt  }
.Lfunc_end0:
.L_simem_size_0:
called_computation_lowered:
.L_overlay_start_0:
0x88: {  	s2 =	sld [smem:$0x3FD9]  }
0x89: {  	s3 =	sld [smem:$0x3FFE];
	_ =	sdelay $0x1  }
0x8a: {  	s1 =	srdreg.scid  }
0x8b: {  	s0 =	sand.u32 $0x1, s1  }
0x8c: {  	s17 =	sshll.u32 s0, $0xA;
	s2 =	sadd.s32 s3, s2  }
0x8d: {  	s2 =	sadd.s32 s2, s17  }
0x8e: {  	[smem:$0x3FC3] =	sst s2  }
0x8f: {  	_ = 	snop  }
0x90: {  	s2 =	sld [smem:$0x3FD0];
	(tm) =	ssettm $0x1  }
0x91: {  	s18 =	sld [smem:$0x3FFB];
	_ =	sdelay $0x3  }
0x92: {  	_ =	strace s18  }
0x93: {  	s3 =	sld [smem:$0x3FFC];
	_ =	sdelay $0x3  }
0x94: {  	_ =	strace s3  }
0x95: {  	s3 =	sld [smem:$0x3FFD];
	_ =	sdelay $0x3  }
0x96: {  	_ =	strace s3  }
0x97: {  	_ =	strace $0x8FFFFFFF  }
0x98: {  	s19 =	sld [smem:$0x3FDB];
	_ =	sdelay $0x1  }
0x99: {  	s4 =	simm.s32 $_scs_section_size  }
0x9a: {  	s5 =	simm.s32 $_size__tile_overlayer_lowered;
	s6 =	simm.s32 $_tile_overlayer_lowered  }
0x9b: {  	s22 =	simm.s32 $0x1BFF;
	s21 =	sshll.u32 s6, $0x1;
	s3 =	sadd.s32 s4, s19  }
0x9c: {  	s7 =	simm.s32 $0x0;
	s20 =	sshll.u32 s5, $0x1;
	s5 =	sadd.s32 s21, s3  }
0x9d: {  	[timem:s7], [sflag:s22] =	dma.local [hbm:s5], s20  }
0x9e: {  	_ =	swait.ge [sflag:s22], s20  }
0x9f: {  	s4 =	ssub.s32 $0x0, s20;
	[sflag:s22] =	ssyncset.done $0x0  }
0xa0: {  	[sflag:s22] =	ssyncadd.s32 s4;
	_ =	sdelay $0x1  }
0xa1: {  	s23 =	simm.s32 $0x1B8B  }
0xa2: {  	_ =	swait.ge [sflag:s23], $0x1  }
0xa3: {  	[sflag:s23] =	ssyncset.done $0x0  }
0xa4: {  	s25 =	simm.s32 $0x1B8E;
	s24 =	sld [smem:$0x3FFE];
	[sflag:s23] =	ssyncadd.s32 $0xFFFFFFFF  }
0xa5: {  	s26 =	simm.s32 $execute0_lowered;
	[smem:$0x3FD2] =	sst s25  }
0xa6: {  	s5 =	sshll.u32 s26, $0x1;
	_ =	strace $0x80000046;
	[dreg:$0x1] =	wrdreg $0xFFFFFFFF  }
0xa7: {  	s28 =	simm.s32 $_size_execute0_lowered;
	s3 =	sadd.s32 s3, s5;
	[dreg:$0x0] =	wrdreg $0x0  }
0xa8: {  	s5 =	sshll.u32 s28, $0x1;
	[dreg:$0x2] =	wrdreg s3  }
0xa9: {  	[dreg:$0x3] =	wrdreg s5  }
0xaa: {  	[dreg:$0x4] =	wrdreg $0xC0  }
0xab: {  	_ =	task [dreg:s7], $0x5FFFF  }
0xac: {  	[dreg:$0x1] =	wrdreg $0xFFFFFFFF  }
0xad: {  	[dreg:$0x0] =	wrdreg $0x60  }
0xae: {  	[dreg:$0x2] =	wrdreg s24  }
0xaf: {  	[dreg:$0x3] =	wrdreg s2  }
0xb0: {  	[dreg:$0x4] =	wrdreg $0x52800  }
0xb1: {  	[dreg:$0x5] =	wrdreg $0x9  }
0xb2: {  	_ =	task.clear_ibuf [dreg:s7], $0x6FFFF;
	_ =	strace $0x90000046  }
0xb3: {  	s29 =	simm.s32 $0x9;
	_ =	strace $0x80000048  }
0xb4: {  	_ =	swait.ge [sflag:s29], $0x1  }
0xb5: {  	[sflag:s29] =	ssyncadd.s32 $0xFFFFFFFF  }
0xb6: {  	_ =	strace $0x90000048  }
0xb7: {  	_ =	sfence  }
0xb8: {  	s30 =	sld [smem:$0x0];
	_ =	sdelay $0x2  }
0xb9: {  	s31 =	sshll.u32 s1, $0xD;
	s1 =	sshrl.u32 s1, $0x2  }
0xba: {  	s3 =	sand.u32 $0x4000, s31;
	s1 =	sadd.s32 s1, s30  }
0xbb: {  	s0 =	sor.u32 s3, s0;
	s1 =	sshll.u32 s1, $0x11  }
0xbc: {  	s0 =	sor.u32 s1, s0  }
0xbd: {  	s0 =	sadd.s32 $0x8F2B, s0  }
0xbe: {  	[sflag:s0] =	ssyncadd.remote.s32 $0x1  }
0xbf: {  	_ =	sfence.sel $0xFFFF  }
0xc0: {  	[dreg:$0x0] =	wrdreg $0xFFFFFFFF;
	(pc) =	sbr.abs _section_cstart, $3  }
0xc1: {  	[dreg:$0x1] =	wrdreg $0xFFFFFFFF  }
0xc2: {  	_ =	task.clear_ibuf [dreg:s7], $0x2FFFF;
	_ =	strace $0x9FFFFFFF  }
0xc3: {  	(tm) =	ssettm $0x7FFFFFFF  }
tec
execute0_lowered:
.L_overlay_start_1:
0x0: {  	(tag) =	ssettag $0x1  }
0x1: {  	s4 =	rddreg [dreg:$0x0]  }
0x2: {  	s7 =	rddreg [dreg:$0x1];
	s1 =	srdreg.scid  }
0x3: {  	s0 =	stileid.u32;
	s2 =	rddreg [dreg:$0x2]  }
0x4: {  	s3 =	simm.s32 $0x0;
	s11 =	simm.s32 $0x2800;
	s12 =	simm.s32 $0x80  }
0x5: {  	s15 =	simm.s32 $0x20;
	s16 =	simm.s32 $0x10;
	s17 =	simm.s32 $0x0  }
0x6: {  	s5 =	sand.u32 $0x1, s1;
	s1 =	rddreg [dreg:$0x3];
	s8 =	smul.u32 $0xA00, s0  }
0x7: {  	s6 =	sshll.u32 s0, $0x1;
	[smem:$0x7FF] =	sst s3;
	s9 =	smul.u32 $0x500, s0  }
0x8: {  	s13 =	sshll.u32 s0, $0x6;
	s6 =	sor.u32 s5, s6;
	_ =	strace $0x80000047  }
0x9: {  	s30 =	ssub.s32 $0x2, s5;
	s5 =	sshll.u32 s5, $0x7;
	s13 =	sor.u32 $0x1C01, s13  }
0xa: {  	s6 =	smul.u32 $0x500, s6;
	s10 =	sshrl.u32 s30, $0x1;
	s8 =	sshrl.u32 s8, $0x2  }
0xb: {  	s31 =	sor.u32 s5, s9;
	s9 =	simm.s32 $0x5000;
	s10 =	ssub.s32 s30, s10  }
0xc: {  	s6 =	sadd.s32 s6, s4;
	s4 =	sadd.s32 s8, s2;
	s8 =	sshrl.u32 s31, $0x3  }
0xd: {  	s5 =	sadd.s32 $0xBE00, s6;
	s6 =	sadd.s32 $0x1E00, s6;
	s7 =	sadd.s32 s7, s8  }
0xe: {  	v0 =	vimm.f32 $0.0e+00;
	s8 =	smax.u32 s10, $0x1;
	s10 =	simm.s32 $0x1;
	s14 =	sshrl.u32 s4, $0x3  }
.LBB2_1:
0xf: {  	[tilespmem:$0x5000] =	vst v0  }
0x10: {  	[tilespmem:$0x5010] =	vst v0  }
0x11: {  	[tilespmem:$0x5020] =	vst v0  }
0x12: {  	[tilespmem:$0x5030] =	vst v0  }
0x13: {  	[tilespmem:$0x5040] =	vst v0  }
0x14: {  	[tilespmem:$0x5050] =	vst v0  }
0x15: {  	[tilespmem:$0x5060] =	vst v0  }
0x16: {  	[tilespmem:$0x5070] =	vst v0  }
0x17: {  	[tilespmem:$0x5080] =	vst v0  }
0x18: {  	[tilespmem:$0x5090] =	vst v0  }
0x19: {  	[tilespmem:$0x50A0] =	vst v0  }
0x1a: {  	[tilespmem:$0x50B0] =	vst v0  }
0x1b: {  	[tilespmem:$0x50C0] =	vst v0  }
0x1c: {  	[tilespmem:$0x50D0] =	vst v0  }
0x1d: {  	[tilespmem:$0x50E0] =	vst v0  }
0x1e: {  	[tilespmem:$0x50F0] =	vst v0  }
0x1f: {  	[tilespmem:$0x5100] =	vst v0  }
0x20: {  	[tilespmem:$0x5110] =	vst v0  }
0x21: {  	[tilespmem:$0x5120] =	vst v0  }
0x22: {  	[tilespmem:$0x5130] =	vst v0  }
0x23: {  	[tilespmem:$0x5140] =	vst v0  }
0x24: {  	[tilespmem:$0x5150] =	vst v0  }
0x25: {  	[tilespmem:$0x5160] =	vst v0  }
0x26: {  	[tilespmem:$0x5170] =	vst v0  }
0x27: {  	[tilespmem:$0x5180] =	vst v0  }
0x28: {  	[tilespmem:$0x5190] =	vst v0  }
0x29: {  	[tilespmem:$0x51A0] =	vst v0  }
0x2a: {  	[tilespmem:$0x51B0] =	vst v0  }
0x2b: {  	[tilespmem:$0x51C0] =	vst v0  }
0x2c: {  	[tilespmem:$0x51D0] =	vst v0  }
0x2d: {  	[tilespmem:$0x51E0] =	vst v0  }
0x2e: {  	[tilespmem:$0x51F0] =	vst v0  }
0x2f: {  	[tilespmem:$0x5200] =	vst v0  }
0x30: {  	[tilespmem:$0x5210] =	vst v0  }
0x31: {  	[tilespmem:$0x5220] =	vst v0  }
0x32: {  	[tilespmem:$0x5230] =	vst v0  }
0x33: {  	[tilespmem:$0x5240] =	vst v0  }
0x34: {  	[tilespmem:$0x5250] =	vst v0  }
0x35: {  	[tilespmem:$0x5260] =	vst v0  }
0x36: {  	[tilespmem:$0x5270] =	vst v0  }
0x37: {  	[spmem:s4] =	stream.linear.scatter [tilespmem:s9], [sflag:$0x1], $0x280, $0x38;
	[tilespmem:$0x5500] =	vst v63  }
0x38: {  	_ =	swait.ge [sflag:s10], $0x280  }
0x39: {  	[sflag:s10] =	ssyncset.done $0x0  }
0x3a: {  	[sflag:s10] =	ssyncadd.s32 $0xFFFFFD80  }
0x3b: {  	[bflag:$0x0] =	sbarrier.arrive $0xFFFF  }
0x3c: {  	[tilespmem:s3], [sflag:$0x1] =	stream.linear.gather [hbm4b:s5+s3], $0x2800, $0x38;
	[tilespmem:$0x5500] =	vst v63  }
0x3d: {  	_ =	swait.ge [sflag:s10], $0x2800  }
0x3e: {  	[sflag:s10] =	ssyncset.done $0x0  }
0x3f: {  	[sflag:s10] =	ssyncadd.s32 $0xFFFFD800  }
0x40: {  	[tilespmem:s11], [sflag:$0x1] =	stream.linear.gather [hbm4b:s6+s3], $0x2800, $0x38;
	[tilespmem:$0x5500] =	vst v63  }
0x41: {  	_ =	swait.ge [sflag:s10], $0x2800  }
0x42: {  	[sflag:s10] =	ssyncset.done $0x0  }
0x43: {  	s18 =	simm.s32 $0x0;
	s19 =	simm.s32 $0x2800;
	[sflag:s10] =	ssyncadd.s32 $0xFFFFD800  }
0x44: {  	[spmem:s2] =	stream.indirect.scatter.add.f32 [tilespmem:s19], [sflag:$0x1], $0x1, s18, s12, $0xb8;
	[tilespmem:$0x5500] =	vst v63  }
0x45: {  	s18 =	simm.s32 $0x200;
	_ =	swait.ge [sflag:s10], $0x80  }
.LBB2_2:
0x46: {  	s19 =	sshra.s32 s18, $0x2;
	[sflag:s10] =	ssyncset.done $0x0;
	p0 =	sne.s32 s18, $0x9E00  }
.Ltmp0:
0x47: {  	s20 =	sadd.s32 $0x2800, s19;
	[sflag:s10] =	ssyncadd.s32 $0xFFFFFF80;
	(pc) =	sbr.rel @p0 .LBB2_2-.Ltmp0, $3  }
0x48: {  	[spmem:s2] =	stream.indirect.scatter.add.f32 [tilespmem:s20], [sflag:$0x1], $0x1, s19, s12, $0xb8;
	[tilespmem:$0x5500] =	vst v63  }
0x49: {  	s18 =	sadd.s32 $0x200, s18;
	_ =	sdelay $0x1  }
0x4a: {  	_ =	swait.ge [sflag:s10], $0x80  }
0x4b: {  	[sflag:s10] =	ssyncset.done $0x0;
	s17 =	sadd.s32 $0x1, s17  }
0x4c: {  	[sflag:s10] =	ssyncadd.s32 $0xFFFFFF80;
	p0 =	sne.s32 s17, s8  }
.Ltmp1:
0x4d: {  	[bflag:$0x0] =	sbarrier.arrive $0xFFFF;
	(pc) =	sbr.rel @p0 .LBB2_1-.Ltmp1, $4  }
0x4e: {  	[hbm:s7@s15], [sflag:s13] =	dma.strided [spmem:s14@s16], $0x50, s10, $0x10   }
0x4f: {  	_ =	swait.ge [sflag:s10], $0x50  }
0x50: {  	[sflag:s10] =	ssyncset.done $0x0  }
0x51: {  	[sflag:s10] =	ssyncadd.s32 $0xFFFFFFB0  }
0x52: {  	_ =	sfence.sel $0x180000  }
0x53: {  	[bflag:$0x0] =	sbarrier.arrive $0xFFFF  }
0x54: {  	p0 =	sne.s32 s0, $0x0;
	_ =	strace $0x90000047  }
0x55: {  	s0 =	sadd.s32 @!p0 $0x100000, s1;
	[bflag:$0x2] =	sbarrier.arrive $0xFFFF  }
0x56: {  	[sflag:s0] =	ssyncadd.tile.s32 @!p0 $0x1;
	_ =	shalt  }
.Lfunc_end2:
_tile_overlayer_lowered:
.L_overlay_start_2:
0x57: {  	(tag) =	ssettag $0x2  }
0x58: {  	s0 =	rddreg [dreg:$0x0];
	s2 =	stileid.u32  }
0x59: {  	s1 =	rddreg [dreg:$0x1];
	p0 =	sne.s32 s2, $0x0  }
0x5a: {  	s3 =	rddreg [dreg:$0x2];
	[bflag:$0x3] =	sbarrier.arrive $0xFFFF;
	s2 =	simm.s32 @!p0 $0x1C01  }
0x5b: {  	[timem:s3], [sflag:s2] =	dma.local @!p0 [hbm:s0], s1  }
0x5c: {  	s0 =	simm.s32 @!p0 $0x1  }
0x5d: {  	_ =	swait.ge @!p0 [sflag:s0], s1  }
0x5e: {  	s1 =	ssub.s32 @!p0 $0x0, s1;
	[sflag:s0] =	ssyncset.done @!p0 $0x0  }
0x5f: {  	[sflag:s0] =	ssyncadd.s32 @!p0 s1  }
0x60: {  	[bflag:$0x3] =	sbarrier.arrive $0xFFFF  }
0x61: {  	_ =	shalt  }

// kernel: kernel.9.cloned.1.call-start
scs
__scs_entry_jumppad:
0x0: {  	(pc) =	sbr.rel $0x88, $3  }
0x1: {  	(tag) =	ssettag $0x0;
	lr =	simm.s32 $0x1  }
0x2: {  	[smem:$0x3F9C] =	sst lr;
	_ =	strace $0xD0000000  }
0x3: {  	_ = 	snop  }
0x4: {  	_ = 	snop  }
0x5: {  	_ = 	snop  }
0x6: {  	_ = 	snop  }
0x7: {  	_ = 	snop  }
__scs_overlays_trampoline_lowered:
0x8: {  	[smem:$0x3FAB] =	sst s0  }
0x9: {  	[smem:$0x3FAC] =	sst s1  }
0xa: {  	[smem:$0x3FAD] =	sst s2  }
0xb: {  	[smem:$0x3FAE] =	sst s3  }
0xc: {  	[smem:$0x3FAF] =	sst s4  }
0xd: {  	[smem:$0x3FB0] =	sst s5  }
0xe: {  	[smem:$0x3FB1] =	sst s6  }
0xf: {  	[smem:$0x3FB2] =	sst s7  }
0x10: {  	[smem:$0x3FB3] =	sst s8  }
0x11: {  	[smem:$0x3FB4] =	sst s9;
	s0 =	simm.s32 @!p0 $0x0  }
0x12: {  	s1 =	sld [smem:$0x3F9A];
	s0 =	simm.s32 @p0 $0x1  }
0x13: {  	[smem:$0x3FB5] =	sst s0;
	s0 =	simm.s32 @!p1 $0x0  }
0x14: {  	s2 =	sld [smem:$0x3F99];
	s0 =	simm.s32 @p1 $0x1  }
0x15: {  	[smem:$0x3FB6] =	sst s0;
	s0 =	simm.s32 @!p2 $0x0  }
0x16: {  	s3 =	sld [smem:$0x3FDB];
	s0 =	simm.s32 @p2 $0x1  }
0x17: {  	s4 =	simm.s32 $0x1BF5;
	[smem:$0x3FB8] =	sst s0  }
0x18: {  	s0 =	sld [smem:$0x3F9B];
	_ =	swait.ge [sflag:s4], $0x0  }
0x19: {  	s7 =	sld [smem:$0x3F9C]  }
0x1a: {  	s8 =	sadd.s32 $0xFFFFE003, lr  }
0x1b: {  	s9 =	sadd.s32 $0xFFFFFEF7, lr;
	s5 =	simm.s32 $0xFFFFFFFF;
	p2 =	slt.u32 s8, $0xFFFFF086  }
0x1c: {  	p1 =	slt.u32 s9, $0xF7A;
	s5 =	simm.s32 @!p2 $0x0  }
0x1d: {  	s5 =	simm.s32 @p1 $0x1;
	p0 =	seq.s32 s7, s2  }
0x1e: {  	s7 =	smul.u32 @!p0 $0xF7A, s2;
	p2 =	seq.s32 @!p0 s5, $0x0  }
0x1f: {  	s9 =	smul.u32 $0xF7A, s1;
	s8 =	simm.s32 @!p0 $0x1BF5;
	p2 =	por !p2, p0  }
0x20: {  	[sflag:s8] =	ssyncset.s32 @!p0 $0xFFFFF086;
	s6 =	sadd.s32 @!p0 s3, s7;
	s7 =	simm.s32 @!p0 $0x108  }
0x21: {  	s3 =	sadd.s32 s3, s9;
	s6 =	sadd.s32 @!p0 $0x88, s6;
	s7 =	simm.s32 @p2 $0x1082  }
0x22: {  	[simem:s7], [sflag:s8] =	dma.local @!p0 [hbm:s6], $0xF7A  }
0x23: {  	s9 =	sor.u32 $0xD0000000, s2;
	s6 =	simm.s32 $0x108;
	_ =	swait.ge @!p0 [sflag:s8], $0x0  }
0x24: {  	s3 =	sadd.s32 $0x88, s3;
	s6 =	simm.s32 @!p1 $0x1082;
	[sflag:s4] =	ssyncset.s32 $0xFFFFF086  }
0x25: {  	[simem:s6], [sflag:s4] =	dma.local [hbm:s3], $0xF7A  }
0x26: {  	[smem:$0x3F9C] =	sst s1;
	(tag) =	ssettag s2;
	_ =	strace s9  }
0x27: {  	s1 =	sld [smem:$0x3FAC]  }
0x28: {  	s2 =	sld [smem:$0x3FAD]  }
0x29: {  	s4 =	sld [smem:$0x3FAF]  }
0x2a: {  	p0 =	seq.s32 s5, $0x0;
	s5 =	sld [smem:$0x3FB0]  }
0x2b: {  	s6 =	sld [smem:$0x3FB1]  }
0x2c: {  	s7 =	sld [smem:$0x3FB2]  }
0x2d: {  	s3 =	simm.s32 $0x108;
	s8 =	sld [smem:$0x3FB3]  }
0x2e: {  	s3 =	simm.s32 @!p0 $0x1082;
	s9 =	sld [smem:$0x3FB4]  }
0x2f: {  	lr =	sadd.s32 s0, s3;
	s0 =	sld [smem:$0x3FAB]  }
0x30: {  	s3 =	sld [smem:$0x3FAE]  }
0x31: {  	[smem:$0x3FB7] =	sst s10  }
0x32: {  	s10 =	sld [smem:$0x3FB5];
	_ =	sdelay $0x3  }
0x33: {  	p0 =	seq.s32 s10, $0x1;
	s10 =	sld [smem:$0x3FB7];
	_ =	sdelay $0x3  }
0x34: {  	[smem:$0x3FB7] =	sst s10  }
0x35: {  	s10 =	sld [smem:$0x3FB6];
	_ =	sdelay $0x3  }
0x36: {  	p1 =	seq.s32 s10, $0x1;
	s10 =	sld [smem:$0x3FB7];
	_ =	sdelay $0x3  }
0x37: {  	[smem:$0x3FB7] =	sst s10  }
0x38: {  	s10 =	sld [smem:$0x3FB8]  }
0x39: {  	_ = 	snop;
	(pc) =	sbr.ind lr, $3  }
0x3a: {  	_ = 	snop  }
0x3b: {  	_ = 	snop  }
0x3c: {  	p2 =	seq.s32 s10, $0x1;
	s10 =	sld [smem:$0x3FB7]  }
0x3d: {  	_ =	shalt  }
0x3e: {  	_ =	shalt  }
0x3f: {  	_ =	shalt  }
0x40: {  	_ =	shalt  }
0x41: {  	_ =	shalt  }
0x42: {  	_ =	shalt  }
0x43: {  	_ =	shalt  }
0x44: {  	_ =	shalt  }
0x45: {  	_ =	shalt  }
0x46: {  	_ =	shalt  }
0x47: {  	_ =	shalt  }
0x48: {  	_ =	shalt  }
0x49: {  	_ =	shalt  }
0x4a: {  	_ =	shalt  }
0x4b: {  	_ =	shalt  }
0x4c: {  	_ =	shalt  }
0x4d: {  	_ =	shalt  }
0x4e: {  	_ =	shalt  }
0x4f: {  	_ =	shalt  }
0x50: {  	_ =	shalt  }
0x51: {  	_ =	shalt  }
0x52: {  	_ =	shalt  }
0x53: {  	_ =	shalt  }
0x54: {  	_ =	shalt  }
0x55: {  	_ =	shalt  }
0x56: {  	_ =	shalt  }
0x57: {  	_ =	shalt  }
0x58: {  	_ =	shalt  }
0x59: {  	_ =	shalt  }
0x5a: {  	_ =	shalt  }
0x5b: {  	_ =	shalt  }
0x5c: {  	_ =	shalt  }
0x5d: {  	_ =	shalt  }
0x5e: {  	_ =	shalt  }
0x5f: {  	_ =	shalt  }
0x60: {  	_ =	shalt  }
0x61: {  	_ =	shalt  }
0x62: {  	_ =	shalt  }
0x63: {  	_ =	shalt  }
0x64: {  	_ =	shalt  }
0x65: {  	_ =	shalt  }
0x66: {  	_ =	shalt  }
0x67: {  	_ =	shalt  }
0x68: {  	_ =	shalt  }
0x69: {  	_ =	shalt  }
0x6a: {  	_ =	shalt  }
0x6b: {  	_ =	shalt  }
0x6c: {  	_ =	shalt  }
0x6d: {  	_ =	shalt  }
0x6e: {  	_ =	shalt  }
0x6f: {  	_ =	shalt  }
0x70: {  	_ =	shalt  }
0x71: {  	_ =	shalt  }
0x72: {  	_ =	shalt  }
0x73: {  	_ =	shalt  }
0x74: {  	_ =	shalt  }
0x75: {  	_ =	shalt  }
0x76: {  	_ =	shalt  }
0x77: {  	_ =	shalt  }
0x78: {  	_ =	shalt  }
0x79: {  	_ =	shalt  }
0x7a: {  	_ =	shalt  }
0x7b: {  	_ =	shalt  }
0x7c: {  	_ =	shalt  }
0x7d: {  	_ =	shalt  }
0x7e: {  	_ =	shalt  }
0x7f: {  	_ =	shalt  }
0x80: {  	_ =	shalt  }
0x81: {  	_ =	shalt  }
0x82: {  	_ =	shalt  }
0x83: {  	_ =	shalt  }
0x84: {  	_ =	shalt  }
0x85: {  	_ =	shalt  }
0x86: {  	_ =	shalt  }
0x87: {  	_ =	shalt  }
.Lfunc_end0:
.L_simem_size_0:
called_computation.1_lowered:
.L_overlay_start_0:
0x88: {  	s2 =	sld [smem:$0x3FD9]  }
0x89: {  	s3 =	sld [smem:$0x3FFE];
	_ =	sdelay $0x1  }
0x8a: {  	s1 =	srdreg.scid  }
0x8b: {  	s0 =	sand.u32 $0x1, s1  }
0x8c: {  	s17 =	sshll.u32 s0, $0xA;
	s2 =	sadd.s32 s3, s2  }
0x8d: {  	s2 =	sadd.s32 s2, s17  }
0x8e: {  	[smem:$0x3FC3] =	sst s2  }
0x8f: {  	_ = 	snop  }
0x90: {  	s2 =	sld [smem:$0x3FD0];
	(tm) =	ssettm $0x1  }
0x91: {  	s18 =	sld [smem:$0x3FFB];
	_ =	sdelay $0x3  }
0x92: {  	_ =	strace s18  }
0x93: {  	s3 =	sld [smem:$0x3FFC];
	_ =	sdelay $0x3  }
0x94: {  	_ =	strace s3  }
0x95: {  	s3 =	sld [smem:$0x3FFD];
	_ =	sdelay $0x3  }
0x96: {  	_ =	strace s3  }
0x97: {  	_ =	strace $0x8FFFFFFF  }
0x98: {  	s19 =	sld [smem:$0x3FDB];
	_ =	sdelay $0x1  }
0x99: {  	s4 =	simm.s32 $_scs_section_size  }
0x9a: {  	s5 =	simm.s32 $_size__tile_overlayer_lowered;
	s6 =	simm.s32 $_tile_overlayer_lowered  }
0x9b: {  	s22 =	simm.s32 $0x1BFF;
	s21 =	sshll.u32 s6, $0x1;
	s3 =	sadd.s32 s4, s19  }
0x9c: {  	s7 =	simm.s32 $0x0;
	s20 =	sshll.u32 s5, $0x1;
	s5 =	sadd.s32 s21, s3  }
0x9d: {  	[timem:s7], [sflag:s22] =	dma.local [hbm:s5], s20  }
0x9e: {  	_ =	swait.ge [sflag:s22], s20  }
0x9f: {  	s4 =	ssub.s32 $0x0, s20;
	[sflag:s22] =	ssyncset.done $0x0  }
0xa0: {  	[sflag:s22] =	ssyncadd.s32 s4;
	_ =	sdelay $0x1  }
0xa1: {  	s23 =	simm.s32 $0x1B8B  }
0xa2: {  	_ =	swait.ge [sflag:s23], $0x1  }
0xa3: {  	[sflag:s23] =	ssyncset.done $0x0  }
0xa4: {  	s25 =	simm.s32 $0x1B8E;
	s24 =	sld [smem:$0x3FFE];
	[sflag:s23] =	ssyncadd.s32 $0xFFFFFFFF  }
0xa5: {  	s26 =	simm.s32 $execute0_lowered;
	[smem:$0x3FD2] =	sst s25  }
0xa6: {  	s5 =	sshll.u32 s26, $0x1;
	_ =	strace $0x80000049;
	[dreg:$0x1] =	wrdreg $0xFFFFFFFF  }
0xa7: {  	s28 =	simm.s32 $_size_execute0_lowered;
	s3 =	sadd.s32 s3, s5;
	[dreg:$0x0] =	wrdreg $0x0  }
0xa8: {  	s5 =	sshll.u32 s28, $0x1;
	[dreg:$0x2] =	wrdreg s3  }
0xa9: {  	[dreg:$0x3] =	wrdreg s5  }
0xaa: {  	[dreg:$0x4] =	wrdreg $0xC0  }
0xab: {  	_ =	task [dreg:s7], $0x5FFFF  }
0xac: {  	[dreg:$0x1] =	wrdreg $0xFFFFFFFF  }
0xad: {  	[dreg:$0x0] =	wrdreg $0x60  }
0xae: {  	[dreg:$0x2] =	wrdreg s24  }
0xaf: {  	[dreg:$0x3] =	wrdreg s2  }
0xb0: {  	[dreg:$0x4] =	wrdreg $0x98000  }
0xb1: {  	[dreg:$0x5] =	wrdreg $0x9  }
0xb2: {  	_ =	task.clear_ibuf [dreg:s7], $0x6FFFF;
	_ =	strace $0x90000049  }
0xb3: {  	s29 =	simm.s32 $0x9;
	_ =	strace $0x8000004B  }
0xb4: {  	_ =	swait.ge [sflag:s29], $0x1  }
0xb5: {  	[sflag:s29] =	ssyncadd.s32 $0xFFFFFFFF  }
0xb6: {  	_ =	strace $0x9000004B  }
0xb7: {  	_ =	sfence  }
0xb8: {  	s30 =	sld [smem:$0x0];
	_ =	sdelay $0x2  }
0xb9: {  	s31 =	sshll.u32 s1, $0xD;
	s1 =	sshrl.u32 s1, $0x2  }
0xba: {  	s3 =	sand.u32 $0x4000, s31;
	s1 =	sadd.s32 s1, s30  }
0xbb: {  	s0 =	sor.u32 s3, s0;
	s1 =	sshll.u32 s1, $0x11  }
0xbc: {  	s0 =	sor.u32 s1, s0  }
0xbd: {  	s0 =	sadd.s32 $0x8F2B, s0  }
0xbe: {  	[sflag:s0] =	ssyncadd.remote.s32 $0x1  }
0xbf: {  	_ =	sfence.sel $0xFFFF  }
0xc0: {  	[dreg:$0x0] =	wrdreg $0xFFFFFFFF;
	(pc) =	sbr.abs _section_cstart, $3  }
0xc1: {  	[dreg:$0x1] =	wrdreg $0xFFFFFFFF  }
0xc2: {  	_ =	task.clear_ibuf [dreg:s7], $0x2FFFF;
	_ =	strace $0x9FFFFFFF  }
0xc3: {  	(tm) =	ssettm $0x7FFFFFFF  }
tec
execute0_lowered:
.L_overlay_start_1:
0x0: {  	(tag) =	ssettag $0x1  }
0x1: {  	s0 =	rddreg [dreg:$0x0]  }
0x2: {  	s2 =	rddreg [dreg:$0x1]  }
0x3: {  	s1 =	srdreg.scid;
	s3 =	rddreg [dreg:$0x2]  }
0x4: {  	s10 =	stileid.u32;
	s5 =	simm.s32 $0x0;
	s16 =	simm.s32 $0x1800  }
0x5: {  	s17 =	simm.s32 $0x5;
	s18 =	simm.s32 $0x800;
	s19 =	simm.s32 $0x1000  }
0x6: {  	s20 =	simm.s32 $0x80;
	s21 =	simm.s32 $0x5800;
	s22 =	simm.s32 $0x1  }
0x7: {  	s23 =	simm.s32 $0x2;
	s24 =	simm.s32 $0x3;
	s25 =	simm.s32 $0x4  }
0x8: {  	s26 =	simm.s32 $0x0;
	s1 =	sand.u32 $0x1, s1;
	s6 =	smul.u32 $0x14000, s10  }
0x9: {  	[smem:$0x7FF] =	sst s5;
	s5 =	sadd.s32 $0x15E00, s0;
	s8 =	smul.u32 $0x50000, s10  }
0xa: {  	s7 =	sadd.s32 $0x1E00, s0;
	s10 =	sshll.u32 s10, $0x1;
	s4 =	smul.u32 $0x140000, s1  }
0xb: {  	_ =	strace $0x8000004A;
	s31 =	ssub.s32 $0x2, s1;
	s1 =	sor.u32 s1, s10  }
0xc: {  	s9 =	sshrl.u32 s31, $0x1;
	s8 =	sshrl.u32 s8, $0x2;
	s13 =	smul.u32 $0x2800, s1  }
0xd: {  	s4 =	sadd.s32 s6, s4;
	s6 =	sadd.s32 $0xBE00, s0;
	s8 =	sadd.s32 s8, s3  }
0xe: {  	s4 =	sshrl.u32 s4, $0x3;
	s10 =	sadd.s32 $0x8000, s8;
	s11 =	sadd.s32 $0xC000, s8  }
0xf: {  	s12 =	sadd.s32 $0x10000, s8;
	s0 =	sadd.s32 s4, s0;
	s4 =	ssub.s32 s31, s9  }
0x10: {  	v0 =	vimm.f32 $0.0e+00;
	s9 =	sadd.s32 $0x4000, s8;
	s14 =	sadd.s32 $0x1FE00, s0;
	s15 =	smax.u32 s4, $0x1  }
.LBB2_1:
0x11: {  	s1 =	simm.s32 $0x0  }
0x12: {  	s0 =	sand.u32 $0xFE00, s1  }
0x13: {  	s1 =	sand.u32 $0x70, s1;
	s4 =	sshrl.u32 s0, $0x2  }
0x14: {  	s0 =	simm.s32 $0x40;
	s4 =	sor.u32 s1, s4;
	s1 =	simm.s32 $0x0  }
.LBB2_2:
0x15: {  	p0 =	sne.s32 s0, $0xFFC0  }
0x16: {  	[tilespmem:s4+$0x1800] =	vst v0;
	s1 =	sadd.s32 $0x10, s1;
	s4 =	smov.u32 s0;
	s0 =	sadd.s32 $0x40, s0  }
.Ltmp0:
0x17: {  	(pc) =	sbr.rel @p0 .LBB2_2-.Ltmp0, $4  }
0x18: {  	_ = 	snop  }
0x19: {  	s4 =	sand.u32 $0xFE00, s4  }
0x1a: {  	s28 =	sand.u32 $0x70, s1;
	s4 =	sshrl.u32 s4, $0x2  }
0x1b: {  	s4 =	sor.u32 s28, s4  }
0x1c: {  	[tilespmem:s4+$0x1800] =	vst v0  }
0x1d: {  	[spmem:s8] =	stream.linear.scatter [tilespmem:s16], [sflag:$0x5], $0x4000, $0x38;
	[tilespmem:$0x1D800] =	vst v63  }
0x1e: {  	_ =	swait.ge [sflag:s17], $0x4000  }
0x1f: {  	[sflag:s17] =	ssyncset.done $0x0  }
0x20: {  	[sflag:s17] =	ssyncadd.s32 $0xFFFFC000  }
0x21: {  	[spmem:s9] =	stream.linear.scatter [tilespmem:s16], [sflag:$0x5], $0x4000, $0x38;
	[tilespmem:$0x1D800] =	vst v63  }
0x22: {  	_ =	swait.ge [sflag:s17], $0x4000  }
0x23: {  	[sflag:s17] =	ssyncset.done $0x0  }
0x24: {  	[sflag:s17] =	ssyncadd.s32 $0xFFFFC000  }
0x25: {  	[spmem:s10] =	stream.linear.scatter [tilespmem:s16], [sflag:$0x5], $0x4000, $0x38;
	[tilespmem:$0x1D800] =	vst v63  }
0x26: {  	_ =	swait.ge [sflag:s17], $0x4000  }
0x27: {  	[sflag:s17] =	ssyncset.done $0x0  }
0x28: {  	[sflag:s17] =	ssyncadd.s32 $0xFFFFC000  }
0x29: {  	[spmem:s11] =	stream.linear.scatter [tilespmem:s16], [sflag:$0x5], $0x4000, $0x38;
	[tilespmem:$0x1D800] =	vst v63  }
0x2a: {  	_ =	swait.ge [sflag:s17], $0x4000  }
0x2b: {  	[sflag:s17] =	ssyncset.done $0x0  }
0x2c: {  	[sflag:s17] =	ssyncadd.s32 $0xFFFFC000  }
0x2d: {  	[spmem:s12] =	stream.linear.scatter [tilespmem:s16], [sflag:$0x5], $0x4000, $0x38;
	[tilespmem:$0x1D800] =	vst v63  }
0x2e: {  	_ =	swait.ge [sflag:s17], $0x4000  }
0x2f: {  	[sflag:s17] =	ssyncset.done $0x0  }
0x30: {  	[sflag:s17] =	ssyncadd.s32 $0xFFFFC000  }
0x31: {  	s28 =	simm.s32 $0x0;
	s29 =	simm.s32 $0x0;
	[bflag:$0x0] =	sbarrier.arrive $0xFFFF  }
.LBB2_4:
0x32: {  	s0 =	sshll.u32 s29, $0xB  }
0x33: {  	s0 =	sadd.s32 s13, s0  }
0x34: {  	s0 =	sshrl.u32 s0, $0x3  }
0x35: {  	s1 =	sadd.s32 s5, s0  }
0x36: {  	[tilespmem:s28], [sflag:$0x5] =	stream.linear.gather [hbm4b:s1+s28], $0x800, $0x38;
	[tilespmem:$0x1D800] =	vst v63  }
0x37: {  	_ =	swait.ge [sflag:s17], $0x800  }
0x38: {  	[sflag:s17] =	ssyncset.done $0x0  }
0x39: {  	s31 =	sadd.s32 s6, s0;
	[sflag:s17] =	ssyncadd.s32 $0xFFFFF800  }
0x3a: {  	[tilespmem:s18], [sflag:$0x5] =	stream.linear.gather [hbm4b:s31+s28], $0x800, $0x38;
	[tilespmem:$0x1D800] =	vst v63  }
0x3b: {  	_ =	swait.ge [sflag:s17], $0x800  }
0x3c: {  	[sflag:s17] =	ssyncset.done $0x0  }
0x3d: {  	s0 =	sadd.s32 s7, s0;
	[sflag:s17] =	ssyncadd.s32 $0xFFFFF800  }
0x3e: {  	[tilespmem:s19], [sflag:$0x5] =	stream.linear.gather [hbm4b:s0+s28], $0x800, $0x38;
	[tilespmem:$0x1D800] =	vst v63  }
0x3f: {  	_ =	swait.ge [sflag:s17], $0x800  }
0x40: {  	[sflag:s17] =	ssyncset.done $0x0  }
0x41: {  	s30 =	simm.s32 $0x0;
	[sflag:s17] =	ssyncadd.s32 $0xFFFFF800  }
.LBB2_5:
0x42: {  	p0 =	sne.s32 s30, $0x0  }
0x43: {  	s1 =	simm.s32 @p0 $0x3  }
0x44: {  	_ =	swait.ge @p0 [sflag:s1], $0x4000  }
0x45: {  	s0 =	sshll.u32 s30, $0x8;
	[sflag:s1] =	ssyncset.done @p0 $0x0  }
0x46: {  	s4 =	simm.s32 @p0 $0x1800;
	[sflag:s1] =	ssyncadd.s32 @p0 $0xFFFFC000;
	s1 =	simm.s32 @p0 $0x80  }
0x47: {  	[tilespmem:s4], [sflag:$0x1] =	stream.indirect.gather @p0 [hbm4b:s2+s1], $0x80, s0, s1, $0xb8;
	[tilespmem:$0x1D800] =	vst v63  }
0x48: {  	s1 =	simm.s32 @p0 $0x4  }
0x49: {  	_ =	swait.ge @p0 [sflag:s1], $0x4000  }
0x4a: {  	s31 =	sor.u32 @p0 $0x80, s0;
	[sflag:s1] =	ssyncset.done @p0 $0x0  }
0x4b: {  	s4 =	simm.s32 @!p0 $0x1800;
	[sflag:s1] =	ssyncadd.s32 @p0 $0xFFFFC000;
	s1 =	simm.s32 @!p0 $0x80  }
0x4c: {  	[tilespmem:s4], [sflag:$0x1] =	stream.indirect.gather @!p0 [hbm4b:s2+s1], $0x80, s0, s1, $0xb8;
	[tilespmem:$0x1D800] =	vst v63  }
0x4d: {  	s31 =	simm.s32 @!p0 $0x80;
	s4 =	sadd.s32 $0x1000, s0  }
0x4e: {  	[tilespmem:s21], [sflag:$0x2] =	stream.indirect.gather [hbm4b:s2+s20], $0x80, s31, s20, $0xb8;
	[tilespmem:$0x1D800] =	vst v63  }
0x4f: {  	v1 =	vmov s4;
	_ =	swait.ge [sflag:s22], $0x4000  }
0x50: {  	[sflag:s22] =	ssyncset.done $0x0  }
0x51: {  	s1 =	simm.s32 $0x0;
	[sflag:s22] =	ssyncadd.s32 $0xFFFFC000  }
.LBB2_6:
0x52: {  	s4 =	sshll.u32 s1, $0x4  }
0x53: {  	s4 =	sand.u32 $0x3FFFFFF0, s4  }
0x54: {  	v2 =	vld.idx.msk [tilespmem:v1+s4+$0x0 ss:$0x1], $0xffff;
	s4 =	sshll.u32 s1, $0xB  }
0x55: {  	s4 =	sand.u32 $0x3FFFF800, s4  }
0x56: {  	v3 =	vld [tilespmem:s4+$0x1800]  }
0x57: {  	v4 =	vld [tilespmem:s4+$0x1810]  }
0x58: {  	v5 =	vld [tilespmem:s4+$0x1820]  }
0x59: {  	v7 =	vld [tilespmem:s4+$0x1830];
	v6 =	vbroadcast v2, $0x0  }
0x5a: {  	v8 =	vld [tilespmem:s4+$0x1840]  }
0x5b: {  	v9 =	vld [tilespmem:s4+$0x1850];
	v3 =	vmul.f32 v6, v3  }
0x5c: {  	v10 =	vld [tilespmem:s4+$0x1860];
	v4 =	vmul.f32 v4, v6  }
0x5d: {  	v24 =	vld [tilespmem:s4+$0x1870];
	[tilespmem:s4+$0x1800] =	vst v3;
	v3 =	vmul.f32 v5, v6  }
0x5e: {  	v26 =	vld [tilespmem:s4+$0x1880];
	v25 =	vmul.f32 v7, v6;
	[tilespmem:s4+$0x1810] =	vst v4  }
0x5f: {  	v27 =	vld [tilespmem:s4+$0x1890];
	[tilespmem:s4+$0x1820] =	vst v3;
	v3 =	vmul.f32 v8, v6  }
0x60: {  	v29 =	vld [tilespmem:s4+$0x18A0];
	v28 =	vmul.f32 v9, v6;
	[tilespmem:s4+$0x1830] =	vst v25  }
0x61: {  	v11 =	vld [tilespmem:s4+$0x18B0];
	v30 =	vbroadcast v2, $0x1;
	[tilespmem:s4+$0x1840] =	vst v3;
	v3 =	vmul.f32 v10, v6  }
0x62: {  	v32 =	vld [tilespmem:s4+$0x18C0];
	v31 =	vmul.f32 v24, v6;
	[tilespmem:s4+$0x1850] =	vst v28  }
0x63: {  	v33 =	vld [tilespmem:s4+$0x18D0];
	[tilespmem:s4+$0x1860] =	vst v3;
	v3 =	vmul.f32 v26, v30  }
0x64: {  	v35 =	vld [tilespmem:s4+$0x18E0];
	v34 =	vmul.f32 v27, v30;
	[tilespmem:s4+$0x1870] =	vst v31  }
0x65: {  	v36 =	vld [tilespmem:s4+$0x18F0];
	[tilespmem:s4+$0x1880] =	vst v3;
	v3 =	vmul.f32 v29, v30  }
0x66: {  	v38 =	vld [tilespmem:s4+$0x1900];
	v37 =	vmul.f32 v11, v30;
	[tilespmem:s4+$0x1890] =	vst v34  }
0x67: {  	v39 =	vld [tilespmem:s4+$0x1910];
	[tilespmem:s4+$0x18A0] =	vst v3;
	v3 =	vmul.f32 v32, v30  }
0x68: {  	v41 =	vld [tilespmem:s4+$0x1920];
	v40 =	vmul.f32 v33, v30;
	[tilespmem:s4+$0x18B0] =	vst v37  }
0x69: {  	v43 =	vld [tilespmem:s4+$0x1930];
	v42 =	vbroadcast v2, $0x2;
	[tilespmem:s4+$0x18C0] =	vst v3;
	v3 =	vmul.f32 v35, v30  }
0x6a: {  	v45 =	vld [tilespmem:s4+$0x1940];
	v44 =	vmul.f32 v36, v30;
	[tilespmem:s4+$0x18D0] =	vst v40  }
0x6b: {  	v46 =	vld [tilespmem:s4+$0x1950];
	[tilespmem:s4+$0x18E0] =	vst v3;
	v3 =	vmul.f32 v38, v42  }
0x6c: {  	v48 =	vld [tilespmem:s4+$0x1960];
	v47 =	vmul.f32 v39, v42;
	[tilespmem:s4+$0x18F0] =	vst v44  }
0x6d: {  	v49 =	vld [tilespmem:s4+$0x1970];
	[tilespmem:s4+$0x1900] =	vst v3;
	v3 =	vmul.f32 v41, v42  }
0x6e: {  	v51 =	vld [tilespmem:s4+$0x1980];
	v50 =	vmul.f32 v43, v42;
	[tilespmem:s4+$0x1910] =	vst v47  }
0x6f: {  	v52 =	vld [tilespmem:s4+$0x1990];
	[tilespmem:s4+$0x1920] =	vst v3;
	v3 =	vmul.f32 v45, v42  }
0x70: {  	v54 =	vld [tilespmem:s4+$0x19A0];
	v53 =	vmul.f32 v46, v42;
	[tilespmem:s4+$0x1930] =	vst v50  }
0x71: {  	v56 =	vld [tilespmem:s4+$0x19B0];
	v55 =	vbroadcast v2, $0x3;
	[tilespmem:s4+$0x1940] =	vst v3;
	v3 =	vmul.f32 v48, v42  }
0x72: {  	v58 =	vld [tilespmem:s4+$0x19C0];
	v57 =	vmul.f32 v49, v42;
	[tilespmem:s4+$0x1950] =	vst v53  }
0x73: {  	v59 =	vld [tilespmem:s4+$0x19D0];
	[tilespmem:s4+$0x1960] =	vst v3;
	v3 =	vmul.f32 v51, v55  }
0x74: {  	v61 =	vld [tilespmem:s4+$0x19E0];
	v60 =	vmul.f32 v52, v55;
	[tilespmem:s4+$0x1970] =	vst v57  }
0x75: {  	v62 =	vld [tilespmem:s4+$0x19F0];
	[tilespmem:s4+$0x1980] =	vst v3;
	v3 =	vmul.f32 v54, v55  }
0x76: {  	v12 =	vld [tilespmem:s4+$0x1A00];
	v63 =	vmul.f32 v56, v55;
	[tilespmem:s4+$0x1990] =	vst v60  }
0x77: {  	v13 =	vld [tilespmem:s4+$0x1A10];
	[tilespmem:s4+$0x19A0] =	vst v3;
	v3 =	vmul.f32 v58, v55  }
0x78: {  	v15 =	vld [tilespmem:s4+$0x1A20];
	v14 =	vmul.f32 v59, v55;
	[tilespmem:s4+$0x19B0] =	vst v63  }
0x79: {  	v17 =	vld [tilespmem:s4+$0x1A30];
	v16 =	vbroadcast v2, $0x4;
	[tilespmem:s4+$0x19C0] =	vst v3;
	v3 =	vmul.f32 v61, v55  }
0x7a: {  	v19 =	vld [tilespmem:s4+$0x1A40];
	v18 =	vmul.f32 v62, v55;
	[tilespmem:s4+$0x19D0] =	vst v14  }
0x7b: {  	v20 =	vld [tilespmem:s4+$0x1A50];
	[tilespmem:s4+$0x19E0] =	vst v3;
	v3 =	vmul.f32 v12, v16  }
0x7c: {  	v22 =	vld [tilespmem:s4+$0x1A60];
	v21 =	vmul.f32 v13, v16;
	[tilespmem:s4+$0x19F0] =	vst v18  }
0x7d: {  	v23 =	vld [tilespmem:s4+$0x1A70];
	[tilespmem:s4+$0x1A00] =	vst v3;
	v3 =	vmul.f32 v15, v16  }
0x7e: {  	v24 =	vmul.f32 v17, v16;
	[tilespmem:s4+$0x1A10] =	vst v21;
	v25 =	vld [tilespmem:s4+$0x1A80]  }
0x7f: {  	v33 =	vld [tilespmem:s4+$0x1AD0];
	[tilespmem:s4+$0x1A20] =	vst v3;
	v3 =	vmul.f32 v19, v16  }
0x80: {  	v27 =	vmul.f32 v20, v16;
	[tilespmem:s4+$0x1A30] =	vst v24;
	v28 =	vld [tilespmem:s4+$0x1AA0]  }
0x81: {  	v36 =	vld [tilespmem:s4+$0x1AF0];
	v29 =	vbroadcast v2, $0x5;
	[tilespmem:s4+$0x1A40] =	vst v3;
	v3 =	vmul.f32 v22, v16  }
0x82: {  	[tilespmem:s4+$0x1A50] =	vst v27;
	v31 =	vmul.f32 v23, v16;
	v32 =	vld [tilespmem:s4+$0x1AC0]  }
0x83: {  	v26 =	vld [tilespmem:s4+$0x1A90];
	[tilespmem:s4+$0x1A60] =	vst v3;
	v3 =	vmul.f32 v25, v29  }
0x84: {  	[tilespmem:s4+$0x1A70] =	vst v31;
	v40 =	vmul.f32 v33, v29;
	v35 =	vld [tilespmem:s4+$0x1AE0]  }
0x85: {  	v30 =	vld [tilespmem:s4+$0x1AB0];
	[tilespmem:s4+$0x1A80] =	vst v3;
	v3 =	vmul.f32 v28, v29  }
0x86: {  	v44 =	vmul.f32 v36, v29;
	[tilespmem:s4+$0x1AD0] =	vst v40;
	v38 =	vld [tilespmem:s4+$0x1B00]  }
0x87: {  	v39 =	vld [tilespmem:s4+$0x1B10];
	[tilespmem:s4+$0x1AA0] =	vst v3;
	v3 =	vmul.f32 v32, v29  }
0x88: {  	v34 =	vmul.f32 v26, v29;
	[tilespmem:s4+$0x1AF0] =	vst v44;
	v41 =	vld [tilespmem:s4+$0x1B20]  }
0x89: {  	v43 =	vld [tilespmem:s4+$0x1B30];
	v42 =	vbroadcast v2, $0x6;
	[tilespmem:s4+$0x1AC0] =	vst v3;
	v3 =	vmul.f32 v35, v29  }
0x8a: {  	[tilespmem:s4+$0x1A90] =	vst v34;
	v37 =	vmul.f32 v30, v29;
	v45 =	vld [tilespmem:s4+$0x1B40]  }
0x8b: {  	v46 =	vld [tilespmem:s4+$0x1B50];
	[tilespmem:s4+$0x1AE0] =	vst v3;
	v3 =	vmul.f32 v38, v42  }
0x8c: {  	[tilespmem:s4+$0x1AB0] =	vst v37;
	v48 =	vld [tilespmem:s4+$0x1B60];
	v47 =	vmul.f32 v39, v42  }
0x8d: {  	v49 =	vld [tilespmem:s4+$0x1B70];
	[tilespmem:s4+$0x1B00] =	vst v3;
	v3 =	vmul.f32 v41, v42  }
0x8e: {  	v50 =	vmul.f32 v43, v42;
	v51 =	vld [tilespmem:s4+$0x1B80];
	[tilespmem:s4+$0x1B10] =	vst v47  }
0x8f: {  	v52 =	vld [tilespmem:s4+$0x1B90];
	[tilespmem:s4+$0x1B20] =	vst v3;
	v3 =	vmul.f32 v45, v42  }
0x90: {  	v53 =	vmul.f32 v46, v42;
	[tilespmem:s4+$0x1B30] =	vst v50;
	v54 =	vld [tilespmem:s4+$0x1BA0]  }
0x91: {  	v56 =	vld [tilespmem:s4+$0x1BB0];
	v55 =	vbroadcast v2, $0x7;
	[tilespmem:s4+$0x1B40] =	vst v3;
	v3 =	vmul.f32 v48, v42  }
0x92: {  	v57 =	vmul.f32 v49, v42;
	[tilespmem:s4+$0x1B50] =	vst v53;
	v58 =	vld [tilespmem:s4+$0x1BC0]  }
0x93: {  	v59 =	vld [tilespmem:s4+$0x1BD0];
	[tilespmem:s4+$0x1B60] =	vst v3;
	v3 =	vmul.f32 v51, v55  }
0x94: {  	[tilespmem:s4+$0x1B70] =	vst v57;
	v61 =	vld [tilespmem:s4+$0x1BE0];
	v60 =	vmul.f32 v52, v55  }
0x95: {  	v62 =	vld [tilespmem:s4+$0x1BF0];
	[tilespmem:s4+$0x1B80] =	vst v3;
	v3 =	vmul.f32 v54, v55  }
0x96: {  	v63 =	vmul.f32 v56, v55;
	v12 =	vld [tilespmem:s4+$0x1C00];
	[tilespmem:s4+$0x1B90] =	vst v60  }
0x97: {  	v13 =	vld [tilespmem:s4+$0x1C10];
	[tilespmem:s4+$0x1BA0] =	vst v3;
	v3 =	vmul.f32 v58, v55  }
0x98: {  	v14 =	vmul.f32 v59, v55;
	[tilespmem:s4+$0x1BB0] =	vst v63;
	v15 =	vld [tilespmem:s4+$0x1C20]  }
0x99: {  	v17 =	vld [tilespmem:s4+$0x1C30];
	v16 =	vbroadcast v2, $0x8;
	[tilespmem:s4+$0x1BC0] =	vst v3;
	v3 =	vmul.f32 v61, v55  }
0x9a: {  	v18 =	vmul.f32 v62, v55;
	[tilespmem:s4+$0x1BD0] =	vst v14;
	v19 =	vld [tilespmem:s4+$0x1C40]  }
0x9b: {  	v20 =	vld [tilespmem:s4+$0x1C50];
	[tilespmem:s4+$0x1BE0] =	vst v3;
	v3 =	vmul.f32 v12, v16  }
0x9c: {  	[tilespmem:s4+$0x1BF0] =	vst v18;
	v22 =	vld [tilespmem:s4+$0x1C60];
	v21 =	vmul.f32 v13, v16  }
0x9d: {  	v23 =	vld [tilespmem:s4+$0x1C70];
	[tilespmem:s4+$0x1C00] =	vst v3;
	v3 =	vmul.f32 v15, v16  }
0x9e: {  	v24 =	vmul.f32 v17, v16;
	v25 =	vld [tilespmem:s4+$0x1C80];
	[tilespmem:s4+$0x1C10] =	vst v21  }
0x9f: {  	v26 =	vld [tilespmem:s4+$0x1C90];
	[tilespmem:s4+$0x1C20] =	vst v3;
	v3 =	vmul.f32 v19, v16  }
0xa0: {  	v27 =	vmul.f32 v20, v16;
	[tilespmem:s4+$0x1C30] =	vst v24;
	v28 =	vld [tilespmem:s4+$0x1CA0]  }
0xa1: {  	v30 =	vld [tilespmem:s4+$0x1CB0];
	v29 =	vbroadcast v2, $0x9;
	[tilespmem:s4+$0x1C40] =	vst v3;
	v3 =	vmul.f32 v22, v16  }
0xa2: {  	v31 =	vmul.f32 v23, v16;
	[tilespmem:s4+$0x1C50] =	vst v27;
	v32 =	vld [tilespmem:s4+$0x1CC0]  }
0xa3: {  	v33 =	vld [tilespmem:s4+$0x1CD0];
	[tilespmem:s4+$0x1C60] =	vst v3;
	v3 =	vmul.f32 v25, v29  }
0xa4: {  	[tilespmem:s4+$0x1C70] =	vst v31;
	v35 =	vld [tilespmem:s4+$0x1CE0];
	v34 =	vmul.f32 v26, v29  }
0xa5: {  	v36 =	vld [tilespmem:s4+$0x1CF0];
	[tilespmem:s4+$0x1C80] =	vst v3;
	v3 =	vmul.f32 v28, v29  }
0xa6: {  	v37 =	vmul.f32 v30, v29;
	v38 =	vld [tilespmem:s4+$0x1D00];
	[tilespmem:s4+$0x1C90] =	vst v34  }
0xa7: {  	v39 =	vld [tilespmem:s4+$0x1D10];
	[tilespmem:s4+$0x1CA0] =	vst v3;
	v3 =	vmul.f32 v32, v29  }
0xa8: {  	v40 =	vmul.f32 v33, v29;
	[tilespmem:s4+$0x1CB0] =	vst v37;
	v41 =	vld [tilespmem:s4+$0x1D20]  }
0xa9: {  	v43 =	vld [tilespmem:s4+$0x1D30];
	v42 =	vbroadcast v2, $0xA;
	[tilespmem:s4+$0x1CC0] =	vst v3;
	v3 =	vmul.f32 v35, v29  }
0xaa: {  	v44 =	vmul.f32 v36, v29;
	[tilespmem:s4+$0x1CD0] =	vst v40;
	v45 =	vld [tilespmem:s4+$0x1D40]  }
0xab: {  	v46 =	vld [tilespmem:s4+$0x1D50];
	[tilespmem:s4+$0x1CE0] =	vst v3;
	v3 =	vmul.f32 v38, v42  }
0xac: {  	[tilespmem:s4+$0x1CF0] =	vst v44;
	v48 =	vld [tilespmem:s4+$0x1D60];
	v47 =	vmul.f32 v39, v42  }
0xad: {  	v49 =	vld [tilespmem:s4+$0x1D70];
	[tilespmem:s4+$0x1D00] =	vst v3;
	v3 =	vmul.f32 v41, v42  }
0xae: {  	v50 =	vmul.f32 v43, v42;
	v51 =	vld [tilespmem:s4+$0x1D80];
	[tilespmem:s4+$0x1D10] =	vst v47  }
0xaf: {  	v52 =	vld [tilespmem:s4+$0x1D90];
	[tilespmem:s4+$0x1D20] =	vst v3;
	v3 =	vmul.f32 v45, v42  }
0xb0: {  	v53 =	vmul.f32 v46, v42;
	[tilespmem:s4+$0x1D30] =	vst v50;
	v54 =	vld [tilespmem:s4+$0x1DA0]  }
0xb1: {  	v56 =	vld [tilespmem:s4+$0x1DB0];
	v55 =	vbroadcast v2, $0xB;
	[tilespmem:s4+$0x1D40] =	vst v3;
	v3 =	vmul.f32 v48, v42  }
0xb2: {  	v57 =	vmul.f32 v49, v42;
	[tilespmem:s4+$0x1D50] =	vst v53;
	v58 =	vld [tilespmem:s4+$0x1DC0]  }
0xb3: {  	v59 =	vld [tilespmem:s4+$0x1DD0];
	[tilespmem:s4+$0x1D60] =	vst v3;
	v3 =	vmul.f32 v51, v55  }
0xb4: {  	[tilespmem:s4+$0x1D70] =	vst v57;
	v61 =	vld [tilespmem:s4+$0x1DE0];
	v60 =	vmul.f32 v52, v55  }
0xb5: {  	v62 =	vld [tilespmem:s4+$0x1DF0];
	[tilespmem:s4+$0x1D80] =	vst v3;
	v3 =	vmul.f32 v54, v55  }
0xb6: {  	v63 =	vmul.f32 v56, v55;
	v12 =	vld [tilespmem:s4+$0x1E00];
	[tilespmem:s4+$0x1D90] =	vst v60  }
0xb7: {  	v13 =	vld [tilespmem:s4+$0x1E10];
	[tilespmem:s4+$0x1DA0] =	vst v3;
	v3 =	vmul.f32 v58, v55  }
0xb8: {  	v14 =	vmul.f32 v59, v55;
	[tilespmem:s4+$0x1DB0] =	vst v63;
	v15 =	vld [tilespmem:s4+$0x1E20]  }
0xb9: {  	v17 =	vld [tilespmem:s4+$0x1E30];
	v16 =	vbroadcast v2, $0xC;
	[tilespmem:s4+$0x1DC0] =	vst v3;
	v3 =	vmul.f32 v61, v55  }
0xba: {  	v18 =	vmul.f32 v62, v55;
	[tilespmem:s4+$0x1DD0] =	vst v14;
	v19 =	vld [tilespmem:s4+$0x1E40]  }
0xbb: {  	v20 =	vld [tilespmem:s4+$0x1E50];
	[tilespmem:s4+$0x1DE0] =	vst v3;
	v3 =	vmul.f32 v12, v16  }
0xbc: {  	[tilespmem:s4+$0x1DF0] =	vst v18;
	v22 =	vld [tilespmem:s4+$0x1E60];
	v21 =	vmul.f32 v13, v16  }
0xbd: {  	v23 =	vld [tilespmem:s4+$0x1E70];
	[tilespmem:s4+$0x1E00] =	vst v3;
	v3 =	vmul.f32 v15, v16  }
0xbe: {  	v24 =	vmul.f32 v17, v16;
	v25 =	vld [tilespmem:s4+$0x1E80];
	[tilespmem:s4+$0x1E10] =	vst v21  }
0xbf: {  	v26 =	vld [tilespmem:s4+$0x1E90];
	[tilespmem:s4+$0x1E20] =	vst v3;
	v3 =	vmul.f32 v19, v16  }
0xc0: {  	v27 =	vmul.f32 v20, v16;
	[tilespmem:s4+$0x1E30] =	vst v24;
	v28 =	vld [tilespmem:s4+$0x1EA0]  }
0xc1: {  	v30 =	vld [tilespmem:s4+$0x1EB0];
	v29 =	vbroadcast v2, $0xD;
	[tilespmem:s4+$0x1E40] =	vst v3;
	v3 =	vmul.f32 v22, v16  }
0xc2: {  	v31 =	vmul.f32 v23, v16;
	[tilespmem:s4+$0x1E50] =	vst v27;
	v32 =	vld [tilespmem:s4+$0x1EC0]  }
0xc3: {  	v33 =	vld [tilespmem:s4+$0x1ED0];
	[tilespmem:s4+$0x1E60] =	vst v3;
	v3 =	vmul.f32 v25, v29  }
0xc4: {  	[tilespmem:s4+$0x1E70] =	vst v31;
	v35 =	vld [tilespmem:s4+$0x1EE0];
	v34 =	vmul.f32 v26, v29  }
0xc5: {  	v36 =	vld [tilespmem:s4+$0x1EF0];
	[tilespmem:s4+$0x1E80] =	vst v3;
	v3 =	vmul.f32 v28, v29  }
0xc6: {  	v37 =	vmul.f32 v30, v29;
	v38 =	vld [tilespmem:s4+$0x1F00];
	[tilespmem:s4+$0x1E90] =	vst v34  }
0xc7: {  	v39 =	vld [tilespmem:s4+$0x1F10];
	[tilespmem:s4+$0x1EA0] =	vst v3;
	v3 =	vmul.f32 v32, v29  }
0xc8: {  	v40 =	vmul.f32 v33, v29;
	[tilespmem:s4+$0x1EB0] =	vst v37;
	v41 =	vld [tilespmem:s4+$0x1F20]  }
0xc9: {  	v43 =	vld [tilespmem:s4+$0x1F30];
	v42 =	vbroadcast v2, $0xE;
	[tilespmem:s4+$0x1EC0] =	vst v3;
	v3 =	vmul.f32 v35, v29  }
0xca: {  	v44 =	vmul.f32 v36, v29;
	[tilespmem:s4+$0x1ED0] =	vst v40;
	v45 =	vld [tilespmem:s4+$0x1F40]  }
0xcb: {  	v46 =	vld [tilespmem:s4+$0x1F50];
	[tilespmem:s4+$0x1EE0] =	vst v3;
	v3 =	vmul.f32 v38, v42  }
0xcc: {  	[tilespmem:s4+$0x1EF0] =	vst v44;
	v48 =	vld [tilespmem:s4+$0x1F60];
	v47 =	vmul.f32 v39, v42  }
0xcd: {  	v49 =	vld [tilespmem:s4+$0x1F70];
	[tilespmem:s4+$0x1F00] =	vst v3;
	v3 =	vmul.f32 v41, v42  }
0xce: {  	v50 =	vmul.f32 v43, v42;
	v51 =	vld [tilespmem:s4+$0x1F80];
	[tilespmem:s4+$0x1F10] =	vst v47  }
0xcf: {  	v52 =	vld [tilespmem:s4+$0x1F90];
	[tilespmem:s4+$0x1F20] =	vst v3;
	v3 =	vmul.f32 v45, v42  }
0xd0: {  	v53 =	vmul.f32 v46, v42;
	[tilespmem:s4+$0x1F30] =	vst v50;
	v54 =	vld [tilespmem:s4+$0x1FA0]  }
0xd1: {  	v2 =	vbroadcast v2, $0xF;
	v58 =	vld [tilespmem:s4+$0x1FD0];
	[tilespmem:s4+$0x1F40] =	vst v3;
	v3 =	vmul.f32 v48, v42  }
0xd2: {  	v57 =	vld [tilespmem:s4+$0x1FC0];
	v56 =	vmul.f32 v49, v42;
	[tilespmem:s4+$0x1F50] =	vst v53  }
0xd3: {  	v55 =	vld [tilespmem:s4+$0x1FB0];
	[tilespmem:s4+$0x1F60] =	vst v3;
	v3 =	vmul.f32 v51, v2  }
0xd4: {  	v60 =	vld [tilespmem:s4+$0x1FE0];
	v59 =	vmul.f32 v52, v2;
	[tilespmem:s4+$0x1F70] =	vst v56  }
0xd5: {  	v61 =	vld [tilespmem:s4+$0x1FF0];
	[tilespmem:s4+$0x1F80] =	vst v3;
	v3 =	vmul.f32 v54, v2  }
0xd6: {  	[tilespmem:s4+$0x1F90] =	vst v59;
	v63 =	vmul.f32 v58, v2  }
0xd7: {  	p0 =	sne.s32 s1, $0x7;
	[tilespmem:s4+$0x1FA0] =	vst v3;
	v3 =	vmul.f32 v57, v2  }
.Ltmp1:
0xd8: {  	v62 =	vmul.f32 v55, v2;
	[tilespmem:s4+$0x1FD0] =	vst v63;
	(pc) =	sbr.rel @p0 .LBB2_6-.Ltmp1, $4  }
0xd9: {  	[tilespmem:s4+$0x1FC0] =	vst v3;
	v3 =	vmul.f32 v60, v2  }
0xda: {  	[tilespmem:s4+$0x1FB0] =	vst v62;
	v2 =	vmul.f32 v61, v2  }
0xdb: {  	[tilespmem:s4+$0x1FE0] =	vst v3  }
0xdc: {  	s1 =	sadd.s32 $0x1, s1;
	[tilespmem:s4+$0x1FF0] =	vst v2  }
0xdd: {  	s0 =	sadd.s32 $0x800, s0;
	s1 =	sadd.s32 $0x1000, s31  }
0xde: {  	[spmem:s3] =	stream.indirect.scatter.add.f32 [tilespmem:s16], [sflag:$0x3], $0x80, s0, s20, $0xb8;
	[tilespmem:$0x1D800] =	vst v63  }
0xdf: {  	v1 =	vmov s1;
	_ =	swait.ge [sflag:s23], $0x4000  }
0xe0: {  	[sflag:s23] =	ssyncset.done $0x0  }
0xe1: {  	s0 =	simm.s32 $0x0;
	[sflag:s23] =	ssyncadd.s32 $0xFFFFC000  }
.LBB2_8:
0xe2: {  	s1 =	sshll.u32 s0, $0x4  }
0xe3: {  	s1 =	sand.u32 $0x3FFFFFF0, s1  }
0xe4: {  	s4 =	sshll.u32 s0, $0xB;
	v2 =	vld.idx.msk [tilespmem:v1+s1+$0x0 ss:$0x1], $0xffff  }
0xe5: {  	s1 =	sand.u32 $0x3FFFF800, s4  }
0xe6: {  	v3 =	vld [tilespmem:s1+$0x5800]  }
0xe7: {  	v4 =	vld [tilespmem:s1+$0x5810]  }
0xe8: {  	v5 =	vld [tilespmem:s1+$0x5820]  }
0xe9: {  	v7 =	vld [tilespmem:s1+$0x5830];
	v6 =	vbroadcast v2, $0x0  }
0xea: {  	v8 =	vld [tilespmem:s1+$0x5840]  }
0xeb: {  	v9 =	vld [tilespmem:s1+$0x5850];
	v3 =	vmul.f32 v6, v3  }
0xec: {  	v10 =	vld [tilespmem:s1+$0x5860];
	v4 =	vmul.f32 v4, v6  }
0xed: {  	v24 =	vld [tilespmem:s1+$0x5870];
	[tilespmem:s1+$0x5800] =	vst v3;
	v3 =	vmul.f32 v5, v6  }
0xee: {  	v26 =	vld [tilespmem:s1+$0x5880];
	v25 =	vmul.f32 v7, v6;
	[tilespmem:s1+$0x5810] =	vst v4  }
0xef: {  	v27 =	vld [tilespmem:s1+$0x5890];
	[tilespmem:s1+$0x5820] =	vst v3;
	v3 =	vmul.f32 v8, v6  }
0xf0: {  	v29 =	vld [tilespmem:s1+$0x58A0];
	v28 =	vmul.f32 v9, v6;
	[tilespmem:s1+$0x5830] =	vst v25  }
0xf1: {  	v11 =	vld [tilespmem:s1+$0x58B0];
	v30 =	vbroadcast v2, $0x1;
	[tilespmem:s1+$0x5840] =	vst v3;
	v3 =	vmul.f32 v10, v6  }
0xf2: {  	v32 =	vld [tilespmem:s1+$0x58C0];
	v31 =	vmul.f32 v24, v6;
	[tilespmem:s1+$0x5850] =	vst v28  }
0xf3: {  	v33 =	vld [tilespmem:s1+$0x58D0];
	[tilespmem:s1+$0x5860] =	vst v3;
	v3 =	vmul.f32 v26, v30  }
0xf4: {  	v35 =	vld [tilespmem:s1+$0x58E0];
	v34 =	vmul.f32 v27, v30;
	[tilespmem:s1+$0x5870] =	vst v31  }
0xf5: {  	v36 =	vld [tilespmem:s1+$0x58F0];
	[tilespmem:s1+$0x5880] =	vst v3;
	v3 =	vmul.f32 v29, v30  }
0xf6: {  	v38 =	vld [tilespmem:s1+$0x5900];
	v37 =	vmul.f32 v11, v30;
	[tilespmem:s1+$0x5890] =	vst v34  }
0xf7: {  	v39 =	vld [tilespmem:s1+$0x5910];
	[tilespmem:s1+$0x58A0] =	vst v3;
	v3 =	vmul.f32 v32, v30  }
0xf8: {  	v41 =	vld [tilespmem:s1+$0x5920];
	v40 =	vmul.f32 v33, v30;
	[tilespmem:s1+$0x58B0] =	vst v37  }
0xf9: {  	v43 =	vld [tilespmem:s1+$0x5930];
	v42 =	vbroadcast v2, $0x2;
	[tilespmem:s1+$0x58C0] =	vst v3;
	v3 =	vmul.f32 v35, v30  }
0xfa: {  	v45 =	vld [tilespmem:s1+$0x5940];
	v44 =	vmul.f32 v36, v30;
	[tilespmem:s1+$0x58D0] =	vst v40  }
0xfb: {  	v46 =	vld [tilespmem:s1+$0x5950];
	[tilespmem:s1+$0x58E0] =	vst v3;
	v3 =	vmul.f32 v38, v42  }
0xfc: {  	v48 =	vld [tilespmem:s1+$0x5960];
	v47 =	vmul.f32 v39, v42;
	[tilespmem:s1+$0x58F0] =	vst v44  }
0xfd: {  	v49 =	vld [tilespmem:s1+$0x5970];
	[tilespmem:s1+$0x5900] =	vst v3;
	v3 =	vmul.f32 v41, v42  }
0xfe: {  	v51 =	vld [tilespmem:s1+$0x5980];
	v50 =	vmul.f32 v43, v42;
	[tilespmem:s1+$0x5910] =	vst v47  }
0xff: {  	v52 =	vld [tilespmem:s1+$0x5990];
	[tilespmem:s1+$0x5920] =	vst v3;
	v3 =	vmul.f32 v45, v42  }
0x100: {  	v54 =	vld [tilespmem:s1+$0x59A0];
	v53 =	vmul.f32 v46, v42;
	[tilespmem:s1+$0x5930] =	vst v50  }
0x101: {  	v56 =	vld [tilespmem:s1+$0x59B0];
	v55 =	vbroadcast v2, $0x3;
	[tilespmem:s1+$0x5940] =	vst v3;
	v3 =	vmul.f32 v48, v42  }
0x102: {  	v58 =	vld [tilespmem:s1+$0x59C0];
	v57 =	vmul.f32 v49, v42;
	[tilespmem:s1+$0x5950] =	vst v53  }
0x103: {  	v59 =	vld [tilespmem:s1+$0x59D0];
	[tilespmem:s1+$0x5960] =	vst v3;
	v3 =	vmul.f32 v51, v55  }
0x104: {  	v61 =	vld [tilespmem:s1+$0x59E0];
	v60 =	vmul.f32 v52, v55;
	[tilespmem:s1+$0x5970] =	vst v57  }
0x105: {  	v62 =	vld [tilespmem:s1+$0x59F0];
	[tilespmem:s1+$0x5980] =	vst v3;
	v3 =	vmul.f32 v54, v55  }
0x106: {  	v12 =	vld [tilespmem:s1+$0x5A00];
	v63 =	vmul.f32 v56, v55;
	[tilespmem:s1+$0x5990] =	vst v60  }
0x107: {  	v13 =	vld [tilespmem:s1+$0x5A10];
	[tilespmem:s1+$0x59A0] =	vst v3;
	v3 =	vmul.f32 v58, v55  }
0x108: {  	v15 =	vld [tilespmem:s1+$0x5A20];
	v14 =	vmul.f32 v59, v55;
	[tilespmem:s1+$0x59B0] =	vst v63  }
0x109: {  	v17 =	vld [tilespmem:s1+$0x5A30];
	v16 =	vbroadcast v2, $0x4;
	[tilespmem:s1+$0x59C0] =	vst v3;
	v3 =	vmul.f32 v61, v55  }
0x10a: {  	v19 =	vld [tilespmem:s1+$0x5A40];
	v18 =	vmul.f32 v62, v55;
	[tilespmem:s1+$0x59D0] =	vst v14  }
0x10b: {  	v20 =	vld [tilespmem:s1+$0x5A50];
	[tilespmem:s1+$0x59E0] =	vst v3;
	v3 =	vmul.f32 v12, v16  }
0x10c: {  	v22 =	vld [tilespmem:s1+$0x5A60];
	v21 =	vmul.f32 v13, v16;
	[tilespmem:s1+$0x59F0] =	vst v18  }
0x10d: {  	v23 =	vld [tilespmem:s1+$0x5A70];
	[tilespmem:s1+$0x5A00] =	vst v3;
	v3 =	vmul.f32 v15, v16  }
0x10e: {  	v24 =	vmul.f32 v17, v16;
	[tilespmem:s1+$0x5A10] =	vst v21;
	v25 =	vld [tilespmem:s1+$0x5A80]  }
0x10f: {  	v33 =	vld [tilespmem:s1+$0x5AD0];
	[tilespmem:s1+$0x5A20] =	vst v3;
	v3 =	vmul.f32 v19, v16  }
0x110: {  	v27 =	vmul.f32 v20, v16;
	[tilespmem:s1+$0x5A30] =	vst v24;
	v28 =	vld [tilespmem:s1+$0x5AA0]  }
0x111: {  	v36 =	vld [tilespmem:s1+$0x5AF0];
	v29 =	vbroadcast v2, $0x5;
	[tilespmem:s1+$0x5A40] =	vst v3;
	v3 =	vmul.f32 v22, v16  }
0x112: {  	[tilespmem:s1+$0x5A50] =	vst v27;
	v31 =	vmul.f32 v23, v16;
	v32 =	vld [tilespmem:s1+$0x5AC0]  }
0x113: {  	v26 =	vld [tilespmem:s1+$0x5A90];
	[tilespmem:s1+$0x5A60] =	vst v3;
	v3 =	vmul.f32 v25, v29  }
0x114: {  	[tilespmem:s1+$0x5A70] =	vst v31;
	v40 =	vmul.f32 v33, v29;
	v35 =	vld [tilespmem:s1+$0x5AE0]  }
0x115: {  	v30 =	vld [tilespmem:s1+$0x5AB0];
	[tilespmem:s1+$0x5A80] =	vst v3;
	v3 =	vmul.f32 v28, v29  }
0x116: {  	v44 =	vmul.f32 v36, v29;
	[tilespmem:s1+$0x5AD0] =	vst v40;
	v38 =	vld [tilespmem:s1+$0x5B00]  }
0x117: {  	v39 =	vld [tilespmem:s1+$0x5B10];
	[tilespmem:s1+$0x5AA0] =	vst v3;
	v3 =	vmul.f32 v32, v29  }
0x118: {  	v34 =	vmul.f32 v26, v29;
	[tilespmem:s1+$0x5AF0] =	vst v44;
	v41 =	vld [tilespmem:s1+$0x5B20]  }
0x119: {  	v43 =	vld [tilespmem:s1+$0x5B30];
	v42 =	vbroadcast v2, $0x6;
	[tilespmem:s1+$0x5AC0] =	vst v3;
	v3 =	vmul.f32 v35, v29  }
0x11a: {  	[tilespmem:s1+$0x5A90] =	vst v34;
	v37 =	vmul.f32 v30, v29;
	v45 =	vld [tilespmem:s1+$0x5B40]  }
0x11b: {  	v46 =	vld [tilespmem:s1+$0x5B50];
	[tilespmem:s1+$0x5AE0] =	vst v3;
	v3 =	vmul.f32 v38, v42  }
0x11c: {  	[tilespmem:s1+$0x5AB0] =	vst v37;
	v48 =	vld [tilespmem:s1+$0x5B60];
	v47 =	vmul.f32 v39, v42  }
0x11d: {  	v49 =	vld [tilespmem:s1+$0x5B70];
	[tilespmem:s1+$0x5B00] =	vst v3;
	v3 =	vmul.f32 v41, v42  }
0x11e: {  	v50 =	vmul.f32 v43, v42;
	v51 =	vld [tilespmem:s1+$0x5B80];
	[tilespmem:s1+$0x5B10] =	vst v47  }
0x11f: {  	v52 =	vld [tilespmem:s1+$0x5B90];
	[tilespmem:s1+$0x5B20] =	vst v3;
	v3 =	vmul.f32 v45, v42  }
0x120: {  	v53 =	vmul.f32 v46, v42;
	[tilespmem:s1+$0x5B30] =	vst v50;
	v54 =	vld [tilespmem:s1+$0x5BA0]  }
0x121: {  	v56 =	vld [tilespmem:s1+$0x5BB0];
	v55 =	vbroadcast v2, $0x7;
	[tilespmem:s1+$0x5B40] =	vst v3;
	v3 =	vmul.f32 v48, v42  }
0x122: {  	v57 =	vmul.f32 v49, v42;
	[tilespmem:s1+$0x5B50] =	vst v53;
	v58 =	vld [tilespmem:s1+$0x5BC0]  }
0x123: {  	v59 =	vld [tilespmem:s1+$0x5BD0];
	[tilespmem:s1+$0x5B60] =	vst v3;
	v3 =	vmul.f32 v51, v55  }
0x124: {  	[tilespmem:s1+$0x5B70] =	vst v57;
	v61 =	vld [tilespmem:s1+$0x5BE0];
	v60 =	vmul.f32 v52, v55  }
0x125: {  	v62 =	vld [tilespmem:s1+$0x5BF0];
	[tilespmem:s1+$0x5B80] =	vst v3;
	v3 =	vmul.f32 v54, v55  }
0x126: {  	v63 =	vmul.f32 v56, v55;
	v12 =	vld [tilespmem:s1+$0x5C00];
	[tilespmem:s1+$0x5B90] =	vst v60  }
0x127: {  	v13 =	vld [tilespmem:s1+$0x5C10];
	[tilespmem:s1+$0x5BA0] =	vst v3;
	v3 =	vmul.f32 v58, v55  }
0x128: {  	v14 =	vmul.f32 v59, v55;
	[tilespmem:s1+$0x5BB0] =	vst v63;
	v15 =	vld [tilespmem:s1+$0x5C20]  }
0x129: {  	v17 =	vld [tilespmem:s1+$0x5C30];
	v16 =	vbroadcast v2, $0x8;
	[tilespmem:s1+$0x5BC0] =	vst v3;
	v3 =	vmul.f32 v61, v55  }
0x12a: {  	v18 =	vmul.f32 v62, v55;
	[tilespmem:s1+$0x5BD0] =	vst v14;
	v19 =	vld [tilespmem:s1+$0x5C40]  }
0x12b: {  	v20 =	vld [tilespmem:s1+$0x5C50];
	[tilespmem:s1+$0x5BE0] =	vst v3;
	v3 =	vmul.f32 v12, v16  }
0x12c: {  	[tilespmem:s1+$0x5BF0] =	vst v18;
	v22 =	vld [tilespmem:s1+$0x5C60];
	v21 =	vmul.f32 v13, v16  }
0x12d: {  	v23 =	vld [tilespmem:s1+$0x5C70];
	[tilespmem:s1+$0x5C00] =	vst v3;
	v3 =	vmul.f32 v15, v16  }
0x12e: {  	v24 =	vmul.f32 v17, v16;
	v25 =	vld [tilespmem:s1+$0x5C80];
	[tilespmem:s1+$0x5C10] =	vst v21  }
0x12f: {  	v26 =	vld [tilespmem:s1+$0x5C90];
	[tilespmem:s1+$0x5C20] =	vst v3;
	v3 =	vmul.f32 v19, v16  }
0x130: {  	v27 =	vmul.f32 v20, v16;
	[tilespmem:s1+$0x5C30] =	vst v24;
	v28 =	vld [tilespmem:s1+$0x5CA0]  }
0x131: {  	v30 =	vld [tilespmem:s1+$0x5CB0];
	v29 =	vbroadcast v2, $0x9;
	[tilespmem:s1+$0x5C40] =	vst v3;
	v3 =	vmul.f32 v22, v16  }
0x132: {  	v31 =	vmul.f32 v23, v16;
	[tilespmem:s1+$0x5C50] =	vst v27;
	v32 =	vld [tilespmem:s1+$0x5CC0]  }
0x133: {  	v33 =	vld [tilespmem:s1+$0x5CD0];
	[tilespmem:s1+$0x5C60] =	vst v3;
	v3 =	vmul.f32 v25, v29  }
0x134: {  	[tilespmem:s1+$0x5C70] =	vst v31;
	v35 =	vld [tilespmem:s1+$0x5CE0];
	v34 =	vmul.f32 v26, v29  }
0x135: {  	v36 =	vld [tilespmem:s1+$0x5CF0];
	[tilespmem:s1+$0x5C80] =	vst v3;
	v3 =	vmul.f32 v28, v29  }
0x136: {  	v37 =	vmul.f32 v30, v29;
	v38 =	vld [tilespmem:s1+$0x5D00];
	[tilespmem:s1+$0x5C90] =	vst v34  }
0x137: {  	v39 =	vld [tilespmem:s1+$0x5D10];
	[tilespmem:s1+$0x5CA0] =	vst v3;
	v3 =	vmul.f32 v32, v29  }
0x138: {  	v40 =	vmul.f32 v33, v29;
	[tilespmem:s1+$0x5CB0] =	vst v37;
	v41 =	vld [tilespmem:s1+$0x5D20]  }
0x139: {  	v43 =	vld [tilespmem:s1+$0x5D30];
	v42 =	vbroadcast v2, $0xA;
	[tilespmem:s1+$0x5CC0] =	vst v3;
	v3 =	vmul.f32 v35, v29  }
0x13a: {  	v44 =	vmul.f32 v36, v29;
	[tilespmem:s1+$0x5CD0] =	vst v40;
	v45 =	vld [tilespmem:s1+$0x5D40]  }
0x13b: {  	v46 =	vld [tilespmem:s1+$0x5D50];
	[tilespmem:s1+$0x5CE0] =	vst v3;
	v3 =	vmul.f32 v38, v42  }
0x13c: {  	[tilespmem:s1+$0x5CF0] =	vst v44;
	v48 =	vld [tilespmem:s1+$0x5D60];
	v47 =	vmul.f32 v39, v42  }
0x13d: {  	v49 =	vld [tilespmem:s1+$0x5D70];
	[tilespmem:s1+$0x5D00] =	vst v3;
	v3 =	vmul.f32 v41, v42  }
0x13e: {  	v50 =	vmul.f32 v43, v42;
	v51 =	vld [tilespmem:s1+$0x5D80];
	[tilespmem:s1+$0x5D10] =	vst v47  }
0x13f: {  	v52 =	vld [tilespmem:s1+$0x5D90];
	[tilespmem:s1+$0x5D20] =	vst v3;
	v3 =	vmul.f32 v45, v42  }
0x140: {  	v53 =	vmul.f32 v46, v42;
	[tilespmem:s1+$0x5D30] =	vst v50;
	v54 =	vld [tilespmem:s1+$0x5DA0]  }
0x141: {  	v56 =	vld [tilespmem:s1+$0x5DB0];
	v55 =	vbroadcast v2, $0xB;
	[tilespmem:s1+$0x5D40] =	vst v3;
	v3 =	vmul.f32 v48, v42  }
0x142: {  	v57 =	vmul.f32 v49, v42;
	[tilespmem:s1+$0x5D50] =	vst v53;
	v58 =	vld [tilespmem:s1+$0x5DC0]  }
0x143: {  	v59 =	vld [tilespmem:s1+$0x5DD0];
	[tilespmem:s1+$0x5D60] =	vst v3;
	v3 =	vmul.f32 v51, v55  }
0x144: {  	[tilespmem:s1+$0x5D70] =	vst v57;
	v61 =	vld [tilespmem:s1+$0x5DE0];
	v60 =	vmul.f32 v52, v55  }
0x145: {  	v62 =	vld [tilespmem:s1+$0x5DF0];
	[tilespmem:s1+$0x5D80] =	vst v3;
	v3 =	vmul.f32 v54, v55  }
0x146: {  	v63 =	vmul.f32 v56, v55;
	v12 =	vld [tilespmem:s1+$0x5E00];
	[tilespmem:s1+$0x5D90] =	vst v60  }
0x147: {  	v13 =	vld [tilespmem:s1+$0x5E10];
	[tilespmem:s1+$0x5DA0] =	vst v3;
	v3 =	vmul.f32 v58, v55  }
0x148: {  	v14 =	vmul.f32 v59, v55;
	[tilespmem:s1+$0x5DB0] =	vst v63;
	v15 =	vld [tilespmem:s1+$0x5E20]  }
0x149: {  	v17 =	vld [tilespmem:s1+$0x5E30];
	v16 =	vbroadcast v2, $0xC;
	[tilespmem:s1+$0x5DC0] =	vst v3;
	v3 =	vmul.f32 v61, v55  }
0x14a: {  	v18 =	vmul.f32 v62, v55;
	[tilespmem:s1+$0x5DD0] =	vst v14;
	v19 =	vld [tilespmem:s1+$0x5E40]  }
0x14b: {  	v20 =	vld [tilespmem:s1+$0x5E50];
	[tilespmem:s1+$0x5DE0] =	vst v3;
	v3 =	vmul.f32 v12, v16  }
0x14c: {  	[tilespmem:s1+$0x5DF0] =	vst v18;
	v22 =	vld [tilespmem:s1+$0x5E60];
	v21 =	vmul.f32 v13, v16  }
0x14d: {  	v23 =	vld [tilespmem:s1+$0x5E70];
	[tilespmem:s1+$0x5E00] =	vst v3;
	v3 =	vmul.f32 v15, v16  }
0x14e: {  	v24 =	vmul.f32 v17, v16;
	v25 =	vld [tilespmem:s1+$0x5E80];
	[tilespmem:s1+$0x5E10] =	vst v21  }
0x14f: {  	v26 =	vld [tilespmem:s1+$0x5E90];
	[tilespmem:s1+$0x5E20] =	vst v3;
	v3 =	vmul.f32 v19, v16  }
0x150: {  	v27 =	vmul.f32 v20, v16;
	[tilespmem:s1+$0x5E30] =	vst v24;
	v28 =	vld [tilespmem:s1+$0x5EA0]  }
0x151: {  	v30 =	vld [tilespmem:s1+$0x5EB0];
	v29 =	vbroadcast v2, $0xD;
	[tilespmem:s1+$0x5E40] =	vst v3;
	v3 =	vmul.f32 v22, v16  }
0x152: {  	v31 =	vmul.f32 v23, v16;
	[tilespmem:s1+$0x5E50] =	vst v27;
	v32 =	vld [tilespmem:s1+$0x5EC0]  }
0x153: {  	v33 =	vld [tilespmem:s1+$0x5ED0];
	[tilespmem:s1+$0x5E60] =	vst v3;
	v3 =	vmul.f32 v25, v29  }
0x154: {  	[tilespmem:s1+$0x5E70] =	vst v31;
	v35 =	vld [tilespmem:s1+$0x5EE0];
	v34 =	vmul.f32 v26, v29  }
0x155: {  	v36 =	vld [tilespmem:s1+$0x5EF0];
	[tilespmem:s1+$0x5E80] =	vst v3;
	v3 =	vmul.f32 v28, v29  }
0x156: {  	v37 =	vmul.f32 v30, v29;
	v38 =	vld [tilespmem:s1+$0x5F00];
	[tilespmem:s1+$0x5E90] =	vst v34  }
0x157: {  	v39 =	vld [tilespmem:s1+$0x5F10];
	[tilespmem:s1+$0x5EA0] =	vst v3;
	v3 =	vmul.f32 v32, v29  }
0x158: {  	v40 =	vmul.f32 v33, v29;
	[tilespmem:s1+$0x5EB0] =	vst v37;
	v41 =	vld [tilespmem:s1+$0x5F20]  }
0x159: {  	v43 =	vld [tilespmem:s1+$0x5F30];
	v42 =	vbroadcast v2, $0xE;
	[tilespmem:s1+$0x5EC0] =	vst v3;
	v3 =	vmul.f32 v35, v29  }
0x15a: {  	v44 =	vmul.f32 v36, v29;
	[tilespmem:s1+$0x5ED0] =	vst v40;
	v45 =	vld [tilespmem:s1+$0x5F40]  }
0x15b: {  	v46 =	vld [tilespmem:s1+$0x5F50];
	[tilespmem:s1+$0x5EE0] =	vst v3;
	v3 =	vmul.f32 v38, v42  }
0x15c: {  	[tilespmem:s1+$0x5EF0] =	vst v44;
	v48 =	vld [tilespmem:s1+$0x5F60];
	v47 =	vmul.f32 v39, v42  }
0x15d: {  	v49 =	vld [tilespmem:s1+$0x5F70];
	[tilespmem:s1+$0x5F00] =	vst v3;
	v3 =	vmul.f32 v41, v42  }
0x15e: {  	v50 =	vmul.f32 v43, v42;
	v51 =	vld [tilespmem:s1+$0x5F80];
	[tilespmem:s1+$0x5F10] =	vst v47  }
0x15f: {  	v52 =	vld [tilespmem:s1+$0x5F90];
	[tilespmem:s1+$0x5F20] =	vst v3;
	v3 =	vmul.f32 v45, v42  }
0x160: {  	v53 =	vmul.f32 v46, v42;
	[tilespmem:s1+$0x5F30] =	vst v50;
	v54 =	vld [tilespmem:s1+$0x5FA0]  }
0x161: {  	v2 =	vbroadcast v2, $0xF;
	v58 =	vld [tilespmem:s1+$0x5FD0];
	[tilespmem:s1+$0x5F40] =	vst v3;
	v3 =	vmul.f32 v48, v42  }
0x162: {  	v57 =	vld [tilespmem:s1+$0x5FC0];
	v56 =	vmul.f32 v49, v42;
	[tilespmem:s1+$0x5F50] =	vst v53  }
0x163: {  	v55 =	vld [tilespmem:s1+$0x5FB0];
	[tilespmem:s1+$0x5F60] =	vst v3;
	v3 =	vmul.f32 v51, v2  }
0x164: {  	v60 =	vld [tilespmem:s1+$0x5FE0];
	v59 =	vmul.f32 v52, v2;
	[tilespmem:s1+$0x5F70] =	vst v56  }
0x165: {  	v61 =	vld [tilespmem:s1+$0x5FF0];
	[tilespmem:s1+$0x5F80] =	vst v3;
	v3 =	vmul.f32 v54, v2  }
0x166: {  	[tilespmem:s1+$0x5F90] =	vst v59;
	v63 =	vmul.f32 v58, v2  }
0x167: {  	p0 =	sne.s32 s0, $0x7;
	[tilespmem:s1+$0x5FA0] =	vst v3;
	v3 =	vmul.f32 v57, v2  }
.Ltmp2:
0x168: {  	v62 =	vmul.f32 v55, v2;
	[tilespmem:s1+$0x5FD0] =	vst v63;
	(pc) =	sbr.rel @p0 .LBB2_8-.Ltmp2, $4  }
0x169: {  	[tilespmem:s1+$0x5FC0] =	vst v3;
	v3 =	vmul.f32 v60, v2  }
0x16a: {  	[tilespmem:s1+$0x5FB0] =	vst v62;
	v2 =	vmul.f32 v61, v2  }
0x16b: {  	[tilespmem:s1+$0x5FE0] =	vst v3  }
0x16c: {  	s0 =	sadd.s32 $0x1, s0;
	[tilespmem:s1+$0x5FF0] =	vst v2  }
0x16d: {  	s30 =	sadd.s32 $0x1, s30  }
0x16e: {  	p0 =	sne.s32 s30, $0x8  }
.Ltmp3:
0x16f: {  	_ = 	snop;
	(pc) =	sbr.rel @p0 .LBB2_5-.Ltmp3, $3  }
0x170: {  	_ =	sdelay $0x1  }
0x171: {  	s0 =	sadd.s32 $0x800, s31  }
0x172: {  	[spmem:s3] =	stream.indirect.scatter.add.f32 [tilespmem:s21], [sflag:$0x4], $0x80, s0, s20, $0xb8;
	[tilespmem:$0x1D800] =	vst v63  }
0x173: {  	s29 =	sadd.s32 $0x1, s29  }
0x174: {  	_ =	swait.ge [sflag:s24], $0x4000;
	p0 =	sne.s32 s29, $0x5  }
.Ltmp4:
0x175: {  	[sflag:s24] =	ssyncset.done $0x0;
	(pc) =	sbr.rel @p0 .LBB2_4-.Ltmp4, $4  }
0x176: {  	[sflag:s24] =	ssyncadd.s32 $0xFFFFC000  }
0x177: {  	_ =	swait.ge [sflag:s25], $0x4000  }
0x178: {  	[sflag:s25] =	ssyncset.done $0x0  }
0x179: {  	[sflag:s25] =	ssyncadd.s32 $0xFFFFC000  }
0x17a: {  	s0 =	stileid.u32;
	s26 =	sadd.s32 $0x1, s26  }
0x17b: {  	[bflag:$0x0] =	sbarrier.arrive $0xFFFF;
	s0 =	sshll.u32 s0, $0x6;
	p0 =	sne.s32 s26, s15  }
.Ltmp5:
0x17c: {  	s1 =	sshrl.u32 s8, $0x3;
	s0 =	sor.u32 $0x1C05, s0;
	(pc) =	sbr.rel @p0 .LBB2_1-.Ltmp5, $4  }
0x17d: {  	[hbm:s14], [sflag:s0] =	dma.local [spmem:s1], $0x2800  }
0x17e: {  	_ =	swait.ge [sflag:s17], $0x2800  }
0x17f: {  	[sflag:s17] =	ssyncset.done $0x0  }
0x180: {  	[sflag:s17] =	ssyncadd.s32 $0xFFFFD800  }
0x181: {  	_ =	sfence.sel $0x180000  }
0x182: {  	[bflag:$0x0] =	sbarrier.arrive $0xFFFF  }
0x183: {  	_ =	strace $0x9000004A  }
0x184: {  	s0 =	stileid.u32;
	[bflag:$0x2] =	sbarrier.arrive $0xFFFF  }
0x185: {  	p0 =	sne.s32 s0, $0x0;
	s0 =	rddreg [dreg:$0x3]  }
0x186: {  	s0 =	sadd.s32 @!p0 $0x100000, s0  }
0x187: {  	[sflag:s0] =	ssyncadd.tile.s32 @!p0 $0x1;
	_ =	shalt  }
.Lfunc_end2:
_tile_overlayer_lowered:
.L_overlay_start_2:
0x188: {  	(tag) =	ssettag $0x2  }
0x189: {  	s0 =	rddreg [dreg:$0x0];
	s2 =	stileid.u32  }
0x18a: {  	s1 =	rddreg [dreg:$0x1];
	p0 =	sne.s32 s2, $0x0  }
0x18b: {  	s3 =	rddreg [dreg:$0x2];
	[bflag:$0x3] =	sbarrier.arrive $0xFFFF;
	s2 =	simm.s32 @!p0 $0x1C05  }
0x18c: {  	[timem:s3], [sflag:s2] =	dma.local @!p0 [hbm:s0], s1  }
0x18d: {  	s0 =	simm.s32 @!p0 $0x5  }
0x18e: {  	_ =	swait.ge @!p0 [sflag:s0], s1  }
0x18f: {  	s1 =	ssub.s32 @!p0 $0x0, s1;
	[sflag:s0] =	ssyncset.done @!p0 $0x0  }
0x190: {  	[sflag:s0] =	ssyncadd.s32 @!p0 s1  }
0x191: {  	[bflag:$0x3] =	sbarrier.arrive $0xFFFF  }
0x192: {  	_ =	shalt  }

</sc_bundles>
